<compile_context>
chip_gen: v7x
topology: tpu7x:2x2x1
jax: 0.10.2.dev20260603
libtpu: 0.0.44.dev20260713+nightly
codegen_flags: <defaults>
</compile_context>

<pallas_src>
import functools

import jax
import jax.numpy as jnp
from jax import lax
from jax.experimental import pallas as pl
from jax.experimental.pallas import tpu as pltpu
from jax.experimental.pallas import tpu_sc as plsc

B = 4096
INPUT_DIM = 2048
NUM_LATENTS = 64
EMBED_DIM = 64
NUM_EMB = 1024
CC = 0.25
HID = 64
N_FLAT = B * NUM_LATENTS

BB = 512
GRID = B // BB
FB = 4096
FGRID = N_FLAT // FB

SC_NC = 2
SC_NS = 16
SC_NW = SC_NC * SC_NS
SC_PER_W = N_FLAT // SC_NW
SC_CH = 512


def _enc_body(x_ref, w1_ref, b1_ref, w2_ref, b2_ref, zf_ref):
    h = jnp.dot(x_ref[...], w1_ref[...], preferred_element_type=jnp.float32)
    h = jnp.maximum(h + b1_ref[...], 0.0)
    ze = jnp.dot(h, w2_ref[...], preferred_element_type=jnp.float32)
    zf_ref[...] = ze + b2_ref[...]


def _run_enc(x, enc_w1, enc_b1, enc_w2, enc_b2):
    return pl.pallas_call(
        _enc_body,
        grid=(GRID,),
        in_specs=[
            pl.BlockSpec((BB, INPUT_DIM), lambda b: (b, 0)),
            pl.BlockSpec((INPUT_DIM, HID), lambda b: (0, 0)),
            pl.BlockSpec((1, HID), lambda b: (0, 0)),
            pl.BlockSpec((HID, NUM_LATENTS * EMBED_DIM), lambda b: (0, 0)),
            pl.BlockSpec((1, NUM_LATENTS * EMBED_DIM), lambda b: (0, 0)),
        ],
        out_specs=pl.BlockSpec((BB, NUM_LATENTS * EMBED_DIM), lambda b: (b, 0)),
        out_shape=jax.ShapeDtypeStruct((B, NUM_LATENTS * EMBED_DIM),
                                       jnp.float32),
    )(x, enc_w1, enc_b1, enc_w2, enc_b2)


RC = 256


def _score_body(zf_ref, f2_ref, cbt2_ref, c2_ref, lane_ref,
                idx_ref, loss_ref):
    cbt2 = cbt2_ref[...]
    c2 = c2_ref[...]
    lane = lane_ref[...]
    total = jnp.float32(0.0)
    for r in range(FB // RC):
        sl = pl.ds(r * RC, RC)
        mm2 = jnp.dot(zf_ref[sl, :], cbt2, preferred_element_type=jnp.float32)
        d = (f2_ref[sl, :] + c2) - mm2
        m = jnp.min(d, axis=1, keepdims=True)
        ai = jnp.min(jnp.where(d == m, lane, jnp.float32(NUM_EMB)),
                     axis=1).astype(jnp.int32)
        idx_ref[:, :, sl] = ai.reshape(1, 1, RC)
        total = total + jnp.sum(m)

    loss_ref[0, 0, 0] = total


def _run_score(zf, f2, cbt, c2, lanef):
    return pl.pallas_call(
        _score_body,
        grid=(FGRID,),
        in_specs=[
            pl.BlockSpec((FB, EMBED_DIM), lambda b: (b, 0)),
            pl.BlockSpec((FB, 1), lambda b: (b, 0)),
            pl.BlockSpec((EMBED_DIM, NUM_EMB), lambda b: (0, 0)),
            pl.BlockSpec((1, NUM_EMB), lambda b: (0, 0)),
            pl.BlockSpec((1, NUM_EMB), lambda b: (0, 0)),
        ],
        out_specs=[
            pl.BlockSpec((1, 1, FB), lambda b: (b, 0, 0)),
            pl.BlockSpec(block_shape=(1, 1, 1), index_map=lambda b: (b, 0, 0),
                         memory_space=pltpu.SMEM),
        ],
        out_shape=[
            jax.ShapeDtypeStruct((FGRID, 1, FB), jnp.int32),
            jax.ShapeDtypeStruct((FGRID, 1, 1), jnp.float32),
        ],
        compiler_params=pltpu.CompilerParams(
            dimension_semantics=("parallel",)),
    )(zf, f2, cbt, c2, lanef)


def _tab_body(cb_ref, w1r_ref, t_ref):
    t_ref[...] = jnp.dot(cb_ref[...], w1r_ref[0],
                         preferred_element_type=jnp.float32)


def _run_tables(codebook, dec_w1r):
    return pl.pallas_call(
        _tab_body,
        grid=(NUM_LATENTS,),
        in_specs=[
            pl.BlockSpec((NUM_EMB, EMBED_DIM), lambda i: (0, 0)),
            pl.BlockSpec((1, EMBED_DIM, HID), lambda i: (i, 0, 0)),
        ],
        out_specs=pl.BlockSpec((NUM_EMB, HID), lambda i: (i, 0)),
        out_shape=jax.ShapeDtypeStruct((NUM_LATENTS * NUM_EMB, HID),
                                       jnp.float32),
    )(codebook, dec_w1r)


SC_BPW = B // SC_NW


def _sc_gather_add(table, idx_off, bloc, zeros):
    mesh = plsc.VectorSubcoreMesh(core_axis_name="c", subcore_axis_name="s")

    @functools.partial(
        pl.kernel, mesh=mesh,
        compiler_params=pltpu.CompilerParams(use_tc_tiling_on_sc=False),
        out_type=jax.ShapeDtypeStruct((B, HID), jnp.float32),
        scratch_types=[
            pltpu.VMEM((2, SC_CH), jnp.int32),
            pltpu.VMEM((2, SC_CH), jnp.int32),
            pltpu.VMEM((2, SC_CH, HID), jnp.float32),
            pltpu.VMEM_SHARED((B, HID), jnp.float32),
            pltpu.SemaphoreType.DMA,
            pltpu.SemaphoreType.DMA,
        ],
    )
    def k(idx_hbm, table_hbm, bloc_hbm, zeros_hbm, out_hbm,
          idx_v, bloc_v, rows_v, hd_sh, sem0, sem1):
        wid = lax.axis_index("s") * SC_NC + lax.axis_index("c")
        obase = wid * SC_BPW
        nchunk = SC_PER_W // SC_CH
        sems = (sem0, sem1)
        pltpu.sync_copy(zeros_hbm, hd_sh.at[pl.ds(obase, SC_BPW)])

        def fire(chunk, buf):
            base = wid * SC_PER_W + chunk * SC_CH
            pltpu.sync_copy(idx_hbm.at[pl.ds(base, SC_CH)], idx_v.at[buf])
            pltpu.sync_copy(bloc_hbm.at[pl.ds(base, SC_CH)], bloc_v.at[buf])
            return pltpu.async_copy(table_hbm.at[idx_v.at[buf]],
                                    rows_v.at[buf], sems[buf])

        pending = fire(0, 0)
        for chunk in range(nchunk):
            buf = chunk % 2
            pending.wait()
            if chunk + 1 < nchunk:
                pending = fire(chunk + 1, 1 - buf)
            pltpu.sync_copy(rows_v.at[buf], hd_sh.at[bloc_v.at[buf]],
                            add=True)
        pltpu.sync_copy(hd_sh.at[pl.ds(obase, SC_BPW)],
                        out_hbm.at[pl.ds(obase, SC_BPW)])

    return k(idx_off, table, bloc, zeros)


def _dec_body(hd_ref, b1_ref, w2_ref, b2_ref, out_ref):
    hd = jnp.maximum(hd_ref[...] + b1_ref[...], 0.0)
    out_ref[...] = jnp.dot(hd, w2_ref[...],
                           preferred_element_type=jnp.float32) + b2_ref[...]


def _run_dec(hd, dec_b1, dec_w2, dec_b2):
    return pl.pallas_call(
        _dec_body,
        grid=(GRID,),
        in_specs=[
            pl.BlockSpec((BB, HID), lambda b: (b, 0)),
            pl.BlockSpec((1, HID), lambda b: (0, 0)),
            pl.BlockSpec((HID, INPUT_DIM), lambda b: (0, 0)),
            pl.BlockSpec((1, INPUT_DIM), lambda b: (0, 0)),
        ],
        out_specs=pl.BlockSpec((BB, INPUT_DIM), lambda b: (b, 0)),
        out_shape=jax.ShapeDtypeStruct((B, INPUT_DIM), jnp.float32),
    )(hd, dec_b1, dec_w2, dec_b2)


def kernel(x, enc_w1, enc_b1, enc_w2, enc_b2, codebook,
           dec_w1, dec_b1, dec_w2, dec_b2):
    x = x.astype(jnp.float32)
    cbt2 = 2.0 * codebook.T
    c2 = jnp.sum(codebook ** 2, axis=1)[None, :]

    ze = _run_enc(x, enc_w1, enc_b1[None, :], enc_w2, enc_b2[None, :])
    zf = ze.reshape(N_FLAT, EMBED_DIM)
    f2 = jnp.sum(zf ** 2, axis=1, keepdims=True)

    lanef = jnp.arange(NUM_EMB, dtype=jnp.float32)[None, :]
    idx3, loss_sum = _run_score(zf, f2, cbt2, c2, lanef)
    idx_flat = idx3.reshape(N_FLAT)

    table = _run_tables(codebook, dec_w1.reshape(NUM_LATENTS, EMBED_DIM, HID))
    idx_off = idx_flat + (jnp.arange(N_FLAT, dtype=jnp.int32)
                          % NUM_LATENTS) * NUM_EMB
    bloc = jnp.arange(N_FLAT, dtype=jnp.int32) // NUM_LATENTS
    zeros = jnp.zeros((SC_BPW, HID), jnp.float32)
    hd = _sc_gather_add(table, idx_off, bloc, zeros)

    x_recon = _run_dec(hd, dec_b1[None, :], dec_w2, dec_b2[None, :])

    vq_loss = ((1.0 + CC) * jnp.sum(loss_sum)
               / jnp.float32(N_FLAT * EMBED_DIM))

    avg_probs = jnp.float32(1.0 / NUM_EMB)
    perplexity = jnp.exp(-(avg_probs * jnp.log(avg_probs + 1e-10)))

    encoding_indices = idx_flat.reshape(B, NUM_LATENTS, 1)
    return (x_recon, vq_loss, perplexity, encoding_indices)

# --- scband reference (transcript-rebuilt; emitter-appended) ---
"""Pipeline reference for scband-vqvae-58248346468915 (READ-ONLY COPY).

The authoritative reference and input builder live on the scoring server;
editing this copy changes nothing except your own understanding.
"""

import jax, jax.numpy as jnp
import numpy as np

B = 4096
INPUT_DIM = 2048
NUM_LATENTS = 64
EMBED_DIM = 64
NUM_EMB = 1024
CC = 0.25
HID = 64


def setup_inputs(seed: int = 0) -> dict:
    key = jax.random.key(seed)
    ks = jax.random.split(key, 10)
    x = jax.random.normal(ks[0], (B, INPUT_DIM), dtype=jnp.float32)
    enc_w1 = jax.random.normal(ks[1], (INPUT_DIM, HID), dtype=jnp.float32) * 0.02
    enc_b1 = jnp.zeros((HID,), dtype=jnp.float32)
    enc_w2 = jax.random.normal(ks[2], (HID, NUM_LATENTS * EMBED_DIM), dtype=jnp.float32) * 0.02
    enc_b2 = jnp.zeros((NUM_LATENTS * EMBED_DIM,), dtype=jnp.float32)
    codebook = jax.random.uniform(ks[3], (NUM_EMB, EMBED_DIM), dtype=jnp.float32, minval=-1.0 / NUM_EMB, maxval=1.0 / NUM_EMB)
    dec_w1 = jax.random.normal(ks[4], (NUM_LATENTS * EMBED_DIM, HID), dtype=jnp.float32) * 0.02
    dec_b1 = jnp.zeros((HID,), dtype=jnp.float32)
    dec_w2 = jax.random.normal(ks[5], (HID, INPUT_DIM), dtype=jnp.float32) * 0.02
    dec_b2 = jnp.zeros((INPUT_DIM,), dtype=jnp.float32)
    return {"x": x, "enc_w1": enc_w1, "enc_b1": enc_b1, "enc_w2": enc_w2, "enc_b2": enc_b2,
            "codebook": codebook, "dec_w1": dec_w1, "dec_b1": dec_b1, "dec_w2": dec_w2, "dec_b2": dec_b2}


def _quantize(flat, codebook):
    # flat: [B, EMBED_DIM]; codebook: [NUM_EMB, EMBED_DIM]
    distances = (jnp.sum(flat ** 2, axis=1, keepdims=True)
                 + jnp.sum(codebook ** 2, axis=1)
                 - 2.0 * jnp.matmul(flat, codebook.T))
    encoding_indices = jnp.argmin(distances, axis=1)[:, None]  # [B, 1]
    quantized = jnp.take(codebook, encoding_indices[:, 0], axis=0)  # [B, EMBED_DIM]
    e_latent_loss = jnp.mean((jax.lax.stop_gradient(quantized) - flat) ** 2)
    q_latent_loss = jnp.mean((quantized - jax.lax.stop_gradient(flat)) ** 2)
    loss = q_latent_loss + CC * e_latent_loss
    quantized_st = flat + jax.lax.stop_gradient(quantized - flat)
    counts = jnp.bincount(encoding_indices.flatten(), minlength=NUM_EMB, length=NUM_EMB).astype(jnp.float32)
    avg_probs = jnp.mean(counts / encoding_indices.size)
    perplexity = jnp.exp(-jnp.sum(avg_probs * jnp.log(avg_probs + 1e-10)))
    return quantized_st, loss, perplexity, encoding_indices


def reference(x, enc_w1, enc_b1, enc_w2, enc_b2, codebook, dec_w1, dec_b1, dec_w2, dec_b2):
    x = x.astype(jnp.float32)
    h = jax.nn.relu(jnp.matmul(x, enc_w1) + enc_b1)
    z_e = jnp.matmul(h, enc_w2) + enc_b2
    z_e = z_e.reshape(-1, NUM_LATENTS, EMBED_DIM)
    quantized_list = []
    vq_loss = jnp.float32(0.0)
    perplexity = jnp.float32(0.0)
    idx_list = []
    for i in range(NUM_LATENTS):
        q, l, p, idx = _quantize(z_e[:, i, :], codebook)
        quantized_list.append(q)
        vq_loss = vq_loss + l
        perplexity = perplexity + p
        idx_list.append(idx)
    z_q = jnp.stack(quantized_list, axis=1).reshape(-1, NUM_LATENTS * EMBED_DIM)
    encoding_indices = jnp.stack(idx_list, axis=1)  # [B, NUM_LATENTS, 1]
    hd = jax.nn.relu(jnp.matmul(z_q, dec_w1) + dec_b1)
    x_recon = jnp.matmul(hd, dec_w2) + dec_b2
    return (x_recon, vq_loss / NUM_LATENTS, perplexity / NUM_LATENTS, encoding_indices)

if __name__ == "__main__":
    import jax
    _d = setup_inputs()
    print(jax.jit(kernel)(*tuple(_d.values())))

</pallas_src>

<mosaic_0001>
#map = affine_map<(d0, d1) -> (0)>
#map1 = affine_map<(d0, d1) -> (0, 0)>
module attributes {stable_mosaic.version = 14 : i64} {
  func.func @k(%arg0: i32, %arg1: i32, %arg2: memref<262144xi32, #tpu.memory_space<hbm>>, %arg3: memref<65536x64xf32, #tpu.memory_space<hbm>>, %arg4: memref<262144xi32, #tpu.memory_space<hbm>>, %arg5: memref<128x64xf32, #tpu.memory_space<hbm>>, %arg6: memref<4096x64xf32, #tpu.memory_space<hbm>>, %arg7: memref<2x512xi32, #tpu.memory_space<vmem>>, %arg8: memref<2x512xi32, #tpu.memory_space<vmem>>, %arg9: memref<2x512x64xf32, #tpu.memory_space<vmem>>, %arg10: memref<4096x64xf32, #tpu.memory_space<vmem_shared>>, %arg11: memref<!tpu.dma_semaphore, #tpu.memory_space<semaphore_mem>>, %arg12: memref<!tpu.dma_semaphore, #tpu.memory_space<semaphore_mem>>) attributes {dimension_semantics = [#tpu.dimension_semantics<core_parallel>, #tpu.dimension_semantics<subcore_parallel>], iteration_bounds = array<i64: 2, 16>, scalar_prefetch = 0 : i64, scratch_operands = 6 : i64, tpu.core_type = #tpu.core_type<sc_vector_subcore>, window_params = [{transform_indices = #map}, {transform_indices = #map1}, {transform_indices = #map}, {transform_indices = #map1}, {transform_indices = #map1}]} {
    %mul3A = arith.constant 2 : i32
    %mul3A_0 = arith.muli %arg1, %mul3A : i32
    %add3A = arith.addi %mul3A_0, %arg0 : i32
    %mul3A_1 = arith.constant 128 : i32
    %mul3A_2 = arith.muli %add3A, %mul3A_1 : i32
    "tpu.region"() ({
      %run_scoped3A_512 = tpu.sem_alloc : memref<!tpu.dma_semaphore, #tpu.memory_space<semaphore_mem>>
      %dma_start3A_513 = arith.constant 0 : i32
      %dma_start3A_514 = tpu.memref_slice %arg10[%mul3A_2, %dma_start3A_513] : memref<4096x64xf32, #tpu.memory_space<vmem_shared>> -> memref<128x64xf32, #tpu.memory_space<vmem_shared>>
      tpu.enqueue_dma source(%arg5 : memref<128x64xf32, #tpu.memory_space<hbm>>) target(%dma_start3A_514 : memref<128x64xf32, #tpu.memory_space<vmem_shared>>) target_semaphore(%run_scoped3A_512 : memref<!tpu.dma_semaphore, #tpu.memory_space<semaphore_mem>>)
      %dma_wait3A_515 = arith.constant 0 : i32
      %dma_wait3A_516 = tpu.memref_slice %arg10[%mul3A_2, %dma_wait3A_515] : memref<4096x64xf32, #tpu.memory_space<vmem_shared>> -> memref<128x64xf32, #tpu.memory_space<vmem_shared>>
      tpu.wait_dma2 semaphore(%run_scoped3A_512 : memref<!tpu.dma_semaphore, #tpu.memory_space<semaphore_mem>>) src(%arg5 : memref<128x64xf32, #tpu.memory_space<hbm>>) dst(%dma_wait3A_516 : memref<128x64xf32, #tpu.memory_space<vmem_shared>>)
      tpu.yield
    }) : () -> ()
    %mul3A_3 = arith.constant 8192 : i32
    %mul3A_4 = arith.muli %add3A, %mul3A_3 : i32
    %add3A_5 = arith.constant 0 : i32
    %add3A_6 = arith.addi %mul3A_4, %add3A_5 : i32
    %run_scoped3A = arith.constant 0 : i32
    "tpu.region"() ({
      %run_scoped3A_512 = tpu.sem_alloc : memref<!tpu.dma_semaphore, #tpu.memory_space<semaphore_mem>>
      %dma_start3A_513 = arith.constant 0 : i32
      %dma_start3A_514 = tpu.memref_slice %arg7[%run_scoped3A, %dma_start3A_513] : memref<2x512xi32, #tpu.memory_space<vmem>> -> memref<1x512xi32, #tpu.memory_space<vmem>>
      %dma_start3A_515 = tpu.memref_squeeze %dma_start3A_514 : memref<1x512xi32, #tpu.memory_space<vmem>> -> memref<512xi32, #tpu.memory_space<vmem>>
      %dma_start3A_516 = tpu.memref_slice %arg2[%add3A_6] : memref<262144xi32, #tpu.memory_space<hbm>> -> memref<512xi32, #tpu.memory_space<hbm>>
      %dma_start3A_517 = arith.constant 0 : i32
      %dma_start3A_518 = tpu.memref_slice %arg7[%run_scoped3A, %dma_start3A_517] : memref<2x512xi32, #tpu.memory_space<vmem>> -> memref<1x512xi32, #tpu.memory_space<vmem>>
      %dma_start3A_519 = tpu.memref_squeeze %dma_start3A_518 : memref<1x512xi32, #tpu.memory_space<vmem>> -> memref<512xi32, #tpu.memory_space<vmem>>
      %dma_start3A_520 = tpu.memref_slice %arg2[%add3A_6] : memref<262144xi32, #tpu.memory_space<hbm>> -> memref<512xi32, #tpu.memory_space<hbm>>
      tpu.enqueue_dma source(%dma_start3A_520 : memref<512xi32, #tpu.memory_space<hbm>>) target(%dma_start3A_519 : memref<512xi32, #tpu.memory_space<vmem>>) target_semaphore(%run_scoped3A_512 : memref<!tpu.dma_semaphore, #tpu.memory_space<semaphore_mem>>)
      %dma_wait3A_521 = arith.constant 0 : i32
      %dma_wait3A_522 = tpu.memref_slice %arg7[%run_scoped3A, %dma_wait3A_521] : memref<2x512xi32, #tpu.memory_space<vmem>> -> memref<1x512xi32, #tpu.memory_space<vmem>>
      %dma_wait3A_523 = tpu.memref_squeeze %dma_wait3A_522 : memref<1x512xi32, #tpu.memory_space<vmem>> -> memref<512xi32, #tpu.memory_space<vmem>>
      %dma_wait3A_524 = tpu.memref_slice %arg2[%add3A_6] : memref<262144xi32, #tpu.memory_space<hbm>> -> memref<512xi32, #tpu.memory_space<hbm>>
      %dma_wait3A_525 = arith.constant 0 : i32
      %dma_wait3A_526 = tpu.memref_slice %arg7[%run_scoped3A, %dma_wait3A_525] : memref<2x512xi32, #tpu.memory_space<vmem>> -> memref<1x512xi32, #tpu.memory_space<vmem>>
      %dma_wait3A_527 = tpu.memref_squeeze %dma_wait3A_526 : memref<1x512xi32, #tpu.memory_space<vmem>> -> memref<512xi32, #tpu.memory_space<vmem>>
      %dma_wait3A_528 = tpu.memref_slice %arg2[%add3A_6] : memref<262144xi32, #tpu.memory_space<hbm>> -> memref<512xi32, #tpu.memory_space<hbm>>
      tpu.wait_dma2 semaphore(%run_scoped3A_512 : memref<!tpu.dma_semaphore, #tpu.memory_space<semaphore_mem>>) src(%dma_wait3A_528 : memref<512xi32, #tpu.memory_space<hbm>>) dst(%dma_wait3A_527 : memref<512xi32, #tpu.memory_space<vmem>>)
      tpu.yield
    }) : () -> ()
    %run_scoped3A_7 = arith.constant 0 : i32
    "tpu.region"() ({
      %run_scoped3A_512 = tpu.sem_alloc : memref<!tpu.dma_semaphore, #tpu.memory_space<semaphore_mem>>
      %dma_start3A_513 = arith.constant 0 : i32
      %dma_start3A_514 = tpu.memref_slice %arg8[%run_scoped3A_7, %dma_start3A_513] : memref<2x512xi32, #tpu.memory_space<vmem>> -> memref<1x512xi32, #tpu.memory_space<vmem>>
      %dma_start3A_515 = tpu.memref_squeeze %dma_start3A_514 : memref<1x512xi32, #tpu.memory_space<vmem>> -> memref<512xi32, #tpu.memory_space<vmem>>
      %dma_start3A_516 = tpu.memref_slice %arg4[%add3A_6] : memref<262144xi32, #tpu.memory_space<hbm>> -> memref<512xi32, #tpu.memory_space<hbm>>
      %dma_start3A_517 = arith.constant 0 : i32
      %dma_start3A_518 = tpu.memref_slice %arg8[%run_scoped3A_7, %dma_start3A_517] : memref<2x512xi32, #tpu.memory_space<vmem>> -> memref<1x512xi32, #tpu.memory_space<vmem>>
      %dma_start3A_519 = tpu.memref_squeeze %dma_start3A_518 : memref<1x512xi32, #tpu.memory_space<vmem>> -> memref<512xi32, #tpu.memory_space<vmem>>
      %dma_start3A_520 = tpu.memref_slice %arg4[%add3A_6] : memref<262144xi32, #tpu.memory_space<hbm>> -> memref<512xi32, #tpu.memory_space<hbm>>
      tpu.enqueue_dma source(%dma_start3A_520 : memref<512xi32, #tpu.memory_space<hbm>>) target(%dma_start3A_519 : memref<512xi32, #tpu.memory_space<vmem>>) target_semaphore(%run_scoped3A_512 : memref<!tpu.dma_semaphore, #tpu.memory_space<semaphore_mem>>)
      %dma_wait3A_521 = arith.constant 0 : i32
      %dma_wait3A_522 = tpu.memref_slice %arg8[%run_scoped3A_7, %dma_wait3A_521] : memref<2x512xi32, #tpu.memory_space<vmem>> -> memref<1x512xi32, #tpu.memory_space<vmem>>
      %dma_wait3A_523 = tpu.memref_squeeze %dma_wait3A_522 : memref<1x512xi32, #tpu.memory_space<vmem>> -> memref<512xi32, #tpu.memory_space<vmem>>
      %dma_wait3A_524 = tpu.memref_slice %arg4[%add3A_6] : memref<262144xi32, #tpu.memory_space<hbm>> -> memref<512xi32, #tpu.memory_space<hbm>>
      %dma_wait3A_525 = arith.constant 0 : i32
      %dma_wait3A_526 = tpu.memref_slice %arg8[%run_scoped3A_7, %dma_wait3A_525] : memref<2x512xi32, #tpu.memory_space<vmem>> -> memref<1x512xi32, #tpu.memory_space<vmem>>
      %dma_wait3A_527 = tpu.memref_squeeze %dma_wait3A_526 : memref<1x512xi32, #tpu.memory_space<vmem>> -> memref<512xi32, #tpu.memory_space<vmem>>
      %dma_wait3A_528 = tpu.memref_slice %arg4[%add3A_6] : memref<262144xi32, #tpu.memory_space<hbm>> -> memref<512xi32, #tpu.memory_space<hbm>>
      tpu.wait_dma2 semaphore(%run_scoped3A_512 : memref<!tpu.dma_semaphore, #tpu.memory_space<semaphore_mem>>) src(%dma_wait3A_528 : memref<512xi32, #tpu.memory_space<hbm>>) dst(%dma_wait3A_527 : memref<512xi32, #tpu.memory_space<vmem>>)
      tpu.yield
    }) : () -> ()
    %dma_start3A = arith.constant 0 : i32
    %dma_start3A_8 = arith.constant 0 : i32
    %dma_start3A_9 = arith.constant 0 : i32
    %dma_start3A_10 = arith.constant 0 : i32
    %dma_start3A_11 = tpu.memref_slice %arg9[%dma_start3A_8, %dma_start3A_9, %dma_start3A_10] : memref<2x512x64xf32, #tpu.memory_space<vmem>> -> memref<1x512x64xf32, #tpu.memory_space<vmem>>
    %dma_start3A_12 = tpu.memref_squeeze %dma_start3A_11 : memref<1x512x64xf32, #tpu.memory_space<vmem>> -> memref<512x64xf32, #tpu.memory_space<vmem>>
    %dma_start3A_13 = arith.constant 0 : i32
    %dma_start3A_14 = tpu.memref_slice %arg7[%dma_start3A, %dma_start3A_13] : memref<2x512xi32, #tpu.memory_space<vmem>> -> memref<1x512xi32, #tpu.memory_space<vmem>>
    %dma_start3A_15 = tpu.memref_squeeze %dma_start3A_14 : memref<1x512xi32, #tpu.memory_space<vmem>> -> memref<512xi32, #tpu.memory_space<vmem>>
    %dma_start3A_16 = arith.constant 0 : i32
    %dma_start3A_17 = arith.constant 0 : i32
    %dma_start3A_18 = tpu.memref_slice %arg3[%dma_start3A_16, %dma_start3A_17] : memref<65536x64xf32, #tpu.memory_space<hbm>> -> memref<65536x64xf32, #tpu.memory_space<hbm>>
    tpu.enqueue_indirect_dma source(%dma_start3A_18 : memref<65536x64xf32, #tpu.memory_space<hbm>>) target(%dma_start3A_12 : memref<512x64xf32, #tpu.memory_space<vmem>>) offsets(%dma_start3A_15 : memref<512xi32, #tpu.memory_space<vmem>>) semaphore(%arg11 : memref<!tpu.dma_semaphore, #tpu.memory_space<semaphore_mem>>)
    %dma_wait3A = arith.constant 0 : i32
    %dma_wait3A_19 = arith.constant 0 : i32
    %dma_wait3A_20 = arith.constant 0 : i32
    %dma_wait3A_21 = arith.constant 0 : i32
    %dma_wait3A_22 = tpu.memref_slice %arg9[%dma_wait3A_19, %dma_wait3A_20, %dma_wait3A_21] : memref<2x512x64xf32, #tpu.memory_space<vmem>> -> memref<1x512x64xf32, #tpu.memory_space<vmem>>
    %dma_wait3A_23 = tpu.memref_squeeze %dma_wait3A_22 : memref<1x512x64xf32, #tpu.memory_space<vmem>> -> memref<512x64xf32, #tpu.memory_space<vmem>>
    %dma_wait3A_24 = arith.constant 0 : i32
    %dma_wait3A_25 = tpu.memref_slice %arg7[%dma_wait3A, %dma_wait3A_24] : memref<2x512xi32, #tpu.memory_space<vmem>> -> memref<1x512xi32, #tpu.memory_space<vmem>>
    %dma_wait3A_26 = tpu.memref_squeeze %dma_wait3A_25 : memref<1x512xi32, #tpu.memory_space<vmem>> -> memref<512xi32, #tpu.memory_space<vmem>>
    %dma_wait3A_27 = arith.constant 0 : i32
    %dma_wait3A_28 = arith.constant 0 : i32
    %dma_wait3A_29 = tpu.memref_slice %arg3[%dma_wait3A_27, %dma_wait3A_28] : memref<65536x64xf32, #tpu.memory_space<hbm>> -> memref<65536x64xf32, #tpu.memory_space<hbm>>
    tpu.wait_indirect_dma semaphore(%arg11 : memref<!tpu.dma_semaphore, #tpu.memory_space<semaphore_mem>>) src(%dma_wait3A_29 : memref<65536x64xf32, #tpu.memory_space<hbm>>) dst(%dma_wait3A_23 : memref<512x64xf32, #tpu.memory_space<vmem>>)
    %mul3A_30 = arith.constant 8192 : i32
    %mul3A_31 = arith.muli %add3A, %mul3A_30 : i32
    %add3A_32 = arith.constant 512 : i32
    %add3A_33 = arith.addi %mul3A_31, %add3A_32 : i32
    %run_scoped3A_34 = arith.constant 1 : i32
    "tpu.region"() ({
      %run_scoped3A_512 = tpu.sem_alloc : memref<!tpu.dma_semaphore, #tpu.memory_space<semaphore_mem>>
      %dma_start3A_513 = arith.constant 0 : i32
      %dma_start3A_514 = tpu.memref_slice %arg7[%run_scoped3A_34, %dma_start3A_513] : memref<2x512xi32, #tpu.memory_space<vmem>> -> memref<1x512xi32, #tpu.memory_space<vmem>>
      %dma_start3A_515 = tpu.memref_squeeze %dma_start3A_514 : memref<1x512xi32, #tpu.memory_space<vmem>> -> memref<512xi32, #tpu.memory_space<vmem>>
      %dma_start3A_516 = tpu.memref_slice %arg2[%add3A_33] : memref<262144xi32, #tpu.memory_space<hbm>> -> memref<512xi32, #tpu.memory_space<hbm>>
      %dma_start3A_517 = arith.constant 0 : i32
      %dma_start3A_518 = tpu.memref_slice %arg7[%run_scoped3A_34, %dma_start3A_517] : memref<2x512xi32, #tpu.memory_space<vmem>> -> memref<1x512xi32, #tpu.memory_space<vmem>>
      %dma_start3A_519 = tpu.memref_squeeze %dma_start3A_518 : memref<1x512xi32, #tpu.memory_space<vmem>> -> memref<512xi32, #tpu.memory_space<vmem>>
      %dma_start3A_520 = tpu.memref_slice %arg2[%add3A_33] : memref<262144xi32, #tpu.memory_space<hbm>> -> memref<512xi32, #tpu.memory_space<hbm>>
      tpu.enqueue_dma source(%dma_start3A_520 : memref<512xi32, #tpu.memory_space<hbm>>) target(%dma_start3A_519 : memref<512xi32, #tpu.memory_space<vmem>>) target_semaphore(%run_scoped3A_512 : memref<!tpu.dma_semaphore, #tpu.memory_space<semaphore_mem>>)
      %dma_wait3A_521 = arith.constant 0 : i32
      %dma_wait3A_522 = tpu.memref_slice %arg7[%run_scoped3A_34, %dma_wait3A_521] : memref<2x512xi32, #tpu.memory_space<vmem>> -> memref<1x512xi32, #tpu.memory_space<vmem>>
      %dma_wait3A_523 = tpu.memref_squeeze %dma_wait3A_522 : memref<1x512xi32, #tpu.memory_space<vmem>> -> memref<512xi32, #tpu.memory_space<vmem>>
      %dma_wait3A_524 = tpu.memref_slice %arg2[%add3A_33] : memref<262144xi32, #tpu.memory_space<hbm>> -> memref<512xi32, #tpu.memory_space<hbm>>
      %dma_wait3A_525 = arith.constant 0 : i32
      %dma_wait3A_526 = tpu.memref_slice %arg7[%run_scoped3A_34, %dma_wait3A_525] : memref<2x512xi32, #tpu.memory_space<vmem>> -> memref<1x512xi32, #tpu.memory_space<vmem>>
      %dma_wait3A_527 = tpu.memref_squeeze %dma_wait3A_526 : memref<1x512xi32, #tpu.memory_space<vmem>> -> memref<512xi32, #tpu.memory_space<vmem>>
      %dma_wait3A_528 = tpu.memref_slice %arg2[%add3A_33] : memref<262144xi32, #tpu.memory_space<hbm>> -> memref<512xi32, #tpu.memory_space<hbm>>
      tpu.wait_dma2 semaphore(%run_scoped3A_512 : memref<!tpu.dma_semaphore, #tpu.memory_space<semaphore_mem>>) src(%dma_wait3A_528 : memref<512xi32, #tpu.memory_space<hbm>>) dst(%dma_wait3A_527 : memref<512xi32, #tpu.memory_space<vmem>>)
      tpu.yield
    }) : () -> ()
    %run_scoped3A_35 = arith.constant 1 : i32
    "tpu.region"() ({
      %run_scoped3A_512 = tpu.sem_alloc : memref<!tpu.dma_semaphore, #tpu.memory_space<semaphore_mem>>
      %dma_start3A_513 = arith.constant 0 : i32
      %dma_start3A_514 = tpu.memref_slice %arg8[%run_scoped3A_35, %dma_start3A_513] : memref<2x512xi32, #tpu.memory_space<vmem>> -> memref<1x512xi32, #tpu.memory_space<vmem>>
      %dma_start3A_515 = tpu.memref_squeeze %dma_start3A_514 : memref<1x512xi32, #tpu.memory_space<vmem>> -> memref<512xi32, #tpu.memory_space<vmem>>
      %dma_start3A_516 = tpu.memref_slice %arg4[%add3A_33] : memref<262144xi32, #tpu.memory_space<hbm>> -> memref<512xi32, #tpu.memory_space<hbm>>
      %dma_start3A_517 = arith.constant 0 : i32
      %dma_start3A_518 = tpu.memref_slice %arg8[%run_scoped3A_35, %dma_start3A_517] : memref<2x512xi32, #tpu.memory_space<vmem>> -> memref<1x512xi32, #tpu.memory_space<vmem>>
      %dma_start3A_519 = tpu.memref_squeeze %dma_start3A_518 : memref<1x512xi32, #tpu.memory_space<vmem>> -> memref<512xi32, #tpu.memory_space<vmem>>
      %dma_start3A_520 = tpu.memref_slice %arg4[%add3A_33] : memref<262144xi32, #tpu.memory_space<hbm>> -> memref<512xi32, #tpu.memory_space<hbm>>
      tpu.enqueue_dma source(%dma_start3A_520 : memref<512xi32, #tpu.memory_space<hbm>>) target(%dma_start3A_519 : memref<512xi32, #tpu.memory_space<vmem>>) target_semaphore(%run_scoped3A_512 : memref<!tpu.dma_semaphore, #tpu.memory_space<semaphore_mem>>)
      %dma_wait3A_521 = arith.constant 0 : i32
      %dma_wait3A_522 = tpu.memref_slice %arg8[%run_scoped3A_35, %dma_wait3A_521] : memref<2x512xi32, #tpu.memory_space<vmem>> -> memref<1x512xi32, #tpu.memory_space<vmem>>
      %dma_wait3A_523 = tpu.memref_squeeze %dma_wait3A_522 : memref<1x512xi32, #tpu.memory_space<vmem>> -> memref<512xi32, #tpu.memory_space<vmem>>
      %dma_wait3A_524 = tpu.memref_slice %arg4[%add3A_33] : memref<262144xi32, #tpu.memory_space<hbm>> -> memref<512xi32, #tpu.memory_space<hbm>>
      %dma_wait3A_525 = arith.constant 0 : i32
      %dma_wait3A_526 = tpu.memref_slice %arg8[%run_scoped3A_35, %dma_wait3A_525] : memref<2x512xi32, #tpu.memory_space<vmem>> -> memref<1x512xi32, #tpu.memory_space<vmem>>
      %dma_wait3A_527 = tpu.memref_squeeze %dma_wait3A_526 : memref<1x512xi32, #tpu.memory_space<vmem>> -> memref<512xi32, #tpu.memory_space<vmem>>
      %dma_wait3A_528 = tpu.memref_slice %arg4[%add3A_33] : memref<262144xi32, #tpu.memory_space<hbm>> -> memref<512xi32, #tpu.memory_space<hbm>>
      tpu.wait_dma2 semaphore(%run_scoped3A_512 : memref<!tpu.dma_semaphore, #tpu.memory_space<semaphore_mem>>) src(%dma_wait3A_528 : memref<512xi32, #tpu.memory_space<hbm>>) dst(%dma_wait3A_527 : memref<512xi32, #tpu.memory_space<vmem>>)
      tpu.yield
    }) : () -> ()
    %dma_start3A_36 = arith.constant 1 : i32
    %dma_start3A_37 = arith.constant 1 : i32
    %dma_start3A_38 = arith.constant 0 : i32
    %dma_start3A_39 = arith.constant 0 : i32
    %dma_start3A_40 = tpu.memref_slice %arg9[%dma_start3A_37, %dma_start3A_38, %dma_start3A_39] : memref<2x512x64xf32, #tpu.memory_space<vmem>> -> memref<1x512x64xf32, #tpu.memory_space<vmem>>
    %dma_start3A_41 = tpu.memref_squeeze %dma_start3A_40 : memref<1x512x64xf32, #tpu.memory_space<vmem>> -> memref<512x64xf32, #tpu.memory_space<vmem>>
    %dma_start3A_42 = arith.constant 0 : i32
    %dma_start3A_43 = tpu.memref_slice %arg7[%dma_start3A_36, %dma_start3A_42] : memref<2x512xi32, #tpu.memory_space<vmem>> -> memref<1x512xi32, #tpu.memory_space<vmem>>
    %dma_start3A_44 = tpu.memref_squeeze %dma_start3A_43 : memref<1x512xi32, #tpu.memory_space<vmem>> -> memref<512xi32, #tpu.memory_space<vmem>>
    %dma_start3A_45 = arith.constant 0 : i32
    %dma_start3A_46 = arith.constant 0 : i32
    %dma_start3A_47 = tpu.memref_slice %arg3[%dma_start3A_45, %dma_start3A_46] : memref<65536x64xf32, #tpu.memory_space<hbm>> -> memref<65536x64xf32, #tpu.memory_space<hbm>>
    tpu.enqueue_indirect_dma source(%dma_start3A_47 : memref<65536x64xf32, #tpu.memory_space<hbm>>) target(%dma_start3A_41 : memref<512x64xf32, #tpu.memory_space<vmem>>) offsets(%dma_start3A_44 : memref<512xi32, #tpu.memory_space<vmem>>) semaphore(%arg12 : memref<!tpu.dma_semaphore, #tpu.memory_space<semaphore_mem>>)
    %run_scoped3A_48 = arith.constant 0 : i32
    %run_scoped3A_49 = arith.constant 0 : i32
    "tpu.region"() ({
      %run_scoped3A_512 = tpu.sem_alloc : memref<!tpu.dma_semaphore, #tpu.memory_space<semaphore_mem>>
      %dma_start3A_513 = arith.constant 0 : i32
      %dma_start3A_514 = arith.constant 0 : i32
      %dma_start3A_515 = tpu.memref_slice %arg9[%run_scoped3A_48, %dma_start3A_513, %dma_start3A_514] : memref<2x512x64xf32, #tpu.memory_space<vmem>> -> memref<1x512x64xf32, #tpu.memory_space<vmem>>
      %dma_start3A_516 = tpu.memref_squeeze %dma_start3A_515 : memref<1x512x64xf32, #tpu.memory_space<vmem>> -> memref<512x64xf32, #tpu.memory_space<vmem>>
      %dma_start3A_517 = arith.constant 0 : i32
      %dma_start3A_518 = tpu.memref_slice %arg8[%run_scoped3A_49, %dma_start3A_517] : memref<2x512xi32, #tpu.memory_space<vmem>> -> memref<1x512xi32, #tpu.memory_space<vmem>>
      %dma_start3A_519 = tpu.memref_squeeze %dma_start3A_518 : memref<1x512xi32, #tpu.memory_space<vmem>> -> memref<512xi32, #tpu.memory_space<vmem>>
      %dma_start3A_520 = arith.constant 0 : i32
      %dma_start3A_521 = arith.constant 0 : i32
      %dma_start3A_522 = tpu.memref_slice %arg10[%dma_start3A_520, %dma_start3A_521] : memref<4096x64xf32, #tpu.memory_space<vmem_shared>> -> memref<4096x64xf32, #tpu.memory_space<vmem_shared>>
      tpu.enqueue_indirect_dma source(%dma_start3A_516 : memref<512x64xf32, #tpu.memory_space<vmem>>) target(%dma_start3A_522 : memref<4096x64xf32, #tpu.memory_space<vmem_shared>>) offsets(%dma_start3A_519 : memref<512xi32, #tpu.memory_space<vmem>>) semaphore(%run_scoped3A_512 : memref<!tpu.dma_semaphore, #tpu.memory_space<semaphore_mem>>) {add = true}
      %dma_wait3A_523 = arith.constant 0 : i32
      %dma_wait3A_524 = arith.constant 0 : i32
      %dma_wait3A_525 = tpu.memref_slice %arg9[%run_scoped3A_48, %dma_wait3A_523, %dma_wait3A_524] : memref<2x512x64xf32, #tpu.memory_space<vmem>> -> memref<1x512x64xf32, #tpu.memory_space<vmem>>
      %dma_wait3A_526 = tpu.memref_squeeze %dma_wait3A_525 : memref<1x512x64xf32, #tpu.memory_space<vmem>> -> memref<512x64xf32, #tpu.memory_space<vmem>>
      %dma_wait3A_527 = arith.constant 0 : i32
      %dma_wait3A_528 = tpu.memref_slice %arg8[%run_scoped3A_49, %dma_wait3A_527] : memref<2x512xi32, #tpu.memory_space<vmem>> -> memref<1x512xi32, #tpu.memory_space<vmem>>
      %dma_wait3A_529 = tpu.memref_squeeze %dma_wait3A_528 : memref<1x512xi32, #tpu.memory_space<vmem>> -> memref<512xi32, #tpu.memory_space<vmem>>
      %dma_wait3A_530 = arith.constant 0 : i32
      %dma_wait3A_531 = arith.constant 0 : i32
      %dma_wait3A_532 = tpu.memref_slice %arg10[%dma_wait3A_530, %dma_wait3A_531] : memref<4096x64xf32, #tpu.memory_space<vmem_shared>> -> memref<4096x64xf32, #tpu.memory_space<vmem_shared>>
      tpu.wait_indirect_dma semaphore(%run_scoped3A_512 : memref<!tpu.dma_semaphore, #tpu.memory_space<semaphore_mem>>) src(%dma_wait3A_526 : memref<512x64xf32, #tpu.memory_space<vmem>>) dst(%dma_wait3A_532 : memref<4096x64xf32, #tpu.memory_space<vmem_shared>>)
      tpu.yield
    }) : () -> ()
    %dma_wait3A_50 = arith.constant 1 : i32
    %dma_wait3A_51 = arith.constant 1 : i32
    %dma_wait3A_52 = arith.constant 0 : i32
    %dma_wait3A_53 = arith.constant 0 : i32
    %dma_wait3A_54 = tpu.memref_slice %arg9[%dma_wait3A_51, %dma_wait3A_52, %dma_wait3A_53] : memref<2x512x64xf32, #tpu.memory_space<vmem>> -> memref<1x512x64xf32, #tpu.memory_space<vmem>>
    %dma_wait3A_55 = tpu.memref_squeeze %dma_wait3A_54 : memref<1x512x64xf32, #tpu.memory_space<vmem>> -> memref<512x64xf32, #tpu.memory_space<vmem>>
    %dma_wait3A_56 = arith.constant 0 : i32
    %dma_wait3A_57 = tpu.memref_slice %arg7[%dma_wait3A_50, %dma_wait3A_56] : memref<2x512xi32, #tpu.memory_space<vmem>> -> memref<1x512xi32, #tpu.memory_space<vmem>>
    %dma_wait3A_58 = tpu.memref_squeeze %dma_wait3A_57 : memref<1x512xi32, #tpu.memory_space<vmem>> -> memref<512xi32, #tpu.memory_space<vmem>>
    %dma_wait3A_59 = arith.constant 0 : i32
    %dma_wait3A_60 = arith.constant 0 : i32
    %dma_wait3A_61 = tpu.memref_slice %arg3[%dma_wait3A_59, %dma_wait3A_60] : memref<65536x64xf32, #tpu.memory_space<hbm>> -> memref<65536x64xf32, #tpu.memory_space<hbm>>
    tpu.wait_indirect_dma semaphore(%arg12 : memref<!tpu.dma_semaphore, #tpu.memory_space<semaphore_mem>>) src(%dma_wait3A_61 : memref<65536x64xf32, #tpu.memory_space<hbm>>) dst(%dma_wait3A_55 : memref<512x64xf32, #tpu.memory_space<vmem>>)
    %mul3A_62 = arith.constant 8192 : i32
    %mul3A_63 = arith.muli %add3A, %mul3A_62 : i32
    %add3A_64 = arith.constant 1024 : i32
    %add3A_65 = arith.addi %mul3A_63, %add3A_64 : i32
    %run_scoped3A_66 = arith.constant 0 : i32
    "tpu.region"() ({
      %run_scoped3A_512 = tpu.sem_alloc : memref<!tpu.dma_semaphore, #tpu.memory_space<semaphore_mem>>
      %dma_start3A_513 = arith.constant 0 : i32
      %dma_start3A_514 = tpu.memref_slice %arg7[%run_scoped3A_66, %dma_start3A_513] : memref<2x512xi32, #tpu.memory_space<vmem>> -> memref<1x512xi32, #tpu.memory_space<vmem>>
      %dma_start3A_515 = tpu.memref_squeeze %dma_start3A_514 : memref<1x512xi32, #tpu.memory_space<vmem>> -> memref<512xi32, #tpu.memory_space<vmem>>
      %dma_start3A_516 = tpu.memref_slice %arg2[%add3A_65] : memref<262144xi32, #tpu.memory_space<hbm>> -> memref<512xi32, #tpu.memory_space<hbm>>
      %dma_start3A_517 = arith.constant 0 : i32
      %dma_start3A_518 = tpu.memref_slice %arg7[%run_scoped3A_66, %dma_start3A_517] : memref<2x512xi32, #tpu.memory_space<vmem>> -> memref<1x512xi32, #tpu.memory_space<vmem>>
      %dma_start3A_519 = tpu.memref_squeeze %dma_start3A_518 : memref<1x512xi32, #tpu.memory_space<vmem>> -> memref<512xi32, #tpu.memory_space<vmem>>
      %dma_start3A_520 = tpu.memref_slice %arg2[%add3A_65] : memref<262144xi32, #tpu.memory_space<hbm>> -> memref<512xi32, #tpu.memory_space<hbm>>
      tpu.enqueue_dma source(%dma_start3A_520 : memref<512xi32, #tpu.memory_space<hbm>>) target(%dma_start3A_519 : memref<512xi32, #tpu.memory_space<vmem>>) target_semaphore(%run_scoped3A_512 : memref<!tpu.dma_semaphore, #tpu.memory_space<semaphore_mem>>)
      %dma_wait3A_521 = arith.constant 0 : i32
      %dma_wait3A_522 = tpu.memref_slice %arg7[%run_scoped3A_66, %dma_wait3A_521] : memref<2x512xi32, #tpu.memory_space<vmem>> -> memref<1x512xi32, #tpu.memory_space<vmem>>
      %dma_wait3A_523 = tpu.memref_squeeze %dma_wait3A_522 : memref<1x512xi32, #tpu.memory_space<vmem>> -> memref<512xi32, #tpu.memory_space<vmem>>
      %dma_wait3A_524 = tpu.memref_slice %arg2[%add3A_65] : memref<262144xi32, #tpu.memory_space<hbm>> -> memref<512xi32, #tpu.memory_space<hbm>>
      %dma_wait3A_525 = arith.constant 0 : i32
      %dma_wait3A_526 = tpu.memref_slice %arg7[%run_scoped3A_66, %dma_wait3A_525] : memref<2x512xi32, #tpu.memory_space<vmem>> -> memref<1x512xi32, #tpu.memory_space<vmem>>
      %dma_wait3A_527 = tpu.memref_squeeze %dma_wait3A_526 : memref<1x512xi32, #tpu.memory_space<vmem>> -> memref<512xi32, #tpu.memory_space<vmem>>
      %dma_wait3A_528 = tpu.memref_slice %arg2[%add3A_65] : memref<262144xi32, #tpu.memory_space<hbm>> -> memref<512xi32, #tpu.memory_space<hbm>>
      tpu.wait_dma2 semaphore(%run_scoped3A_512 : memref<!tpu.dma_semaphore, #tpu.memory_space<semaphore_mem>>) src(%dma_wait3A_528 : memref<512xi32, #tpu.memory_space<hbm>>) dst(%dma_wait3A_527 : memref<512xi32, #tpu.memory_space<vmem>>)
      tpu.yield
    }) : () -> ()
    %run_scoped3A_67 = arith.constant 0 : i32
    "tpu.region"() ({
      %run_scoped3A_512 = tpu.sem_alloc : memref<!tpu.dma_semaphore, #tpu.memory_space<semaphore_mem>>
      %dma_start3A_513 = arith.constant 0 : i32
      %dma_start3A_514 = tpu.memref_slice %arg8[%run_scoped3A_67, %dma_start3A_513] : memref<2x512xi32, #tpu.memory_space<vmem>> -> memref<1x512xi32, #tpu.memory_space<vmem>>
      %dma_start3A_515 = tpu.memref_squeeze %dma_start3A_514 : memref<1x512xi32, #tpu.memory_space<vmem>> -> memref<512xi32, #tpu.memory_space<vmem>>
      %dma_start3A_516 = tpu.memref_slice %arg4[%add3A_65] : memref<262144xi32, #tpu.memory_space<hbm>> -> memref<512xi32, #tpu.memory_space<hbm>>
      %dma_start3A_517 = arith.constant 0 : i32
      %dma_start3A_518 = tpu.memref_slice %arg8[%run_scoped3A_67, %dma_start3A_517] : memref<2x512xi32, #tpu.memory_space<vmem>> -> memref<1x512xi32, #tpu.memory_space<vmem>>
      %dma_start3A_519 = tpu.memref_squeeze %dma_start3A_518 : memref<1x512xi32, #tpu.memory_space<vmem>> -> memref<512xi32, #tpu.memory_space<vmem>>
      %dma_start3A_520 = tpu.memref_slice %arg4[%add3A_65] : memref<262144xi32, #tpu.memory_space<hbm>> -> memref<512xi32, #tpu.memory_space<hbm>>
      tpu.enqueue_dma source(%dma_start3A_520 : memref<512xi32, #tpu.memory_space<hbm>>) target(%dma_start3A_519 : memref<512xi32, #tpu.memory_space<vmem>>) target_semaphore(%run_scoped3A_512 : memref<!tpu.dma_semaphore, #tpu.memory_space<semaphore_mem>>)
      %dma_wait3A_521 = arith.constant 0 : i32
      %dma_wait3A_522 = tpu.memref_slice %arg8[%run_scoped3A_67, %dma_wait3A_521] : memref<2x512xi32, #tpu.memory_space<vmem>> -> memref<1x512xi32, #tpu.memory_space<vmem>>
      %dma_wait3A_523 = tpu.memref_squeeze %dma_wait3A_522 : memref<1x512xi32, #tpu.memory_space<vmem>> -> memref<512xi32, #tpu.memory_space<vmem>>
      %dma_wait3A_524 = tpu.memref_slice %arg4[%add3A_65] : memref<262144xi32, #tpu.memory_space<hbm>> -> memref<512xi32, #tpu.memory_space<hbm>>
      %dma_wait3A_525 = arith.constant 0 : i32
      %dma_wait3A_526 = tpu.memref_slice %arg8[%run_scoped3A_67, %dma_wait3A_525] : memref<2x512xi32, #tpu.memory_space<vmem>> -> memref<1x512xi32, #tpu.memory_space<vmem>>
      %dma_wait3A_527 = tpu.memref_squeeze %dma_wait3A_526 : memref<1x512xi32, #tpu.memory_space<vmem>> -> memref<512xi32, #tpu.memory_space<vmem>>
      %dma_wait3A_528 = tpu.memref_slice %arg4[%add3A_65] : memref<262144xi32, #tpu.memory_space<hbm>> -> memref<512xi32, #tpu.memory_space<hbm>>
      tpu.wait_dma2 semaphore(%run_scoped3A_512 : memref<!tpu.dma_semaphore, #tpu.memory_space<semaphore_mem>>) src(%dma_wait3A_528 : memref<512xi32, #tpu.memory_space<hbm>>) dst(%dma_wait3A_527 : memref<512xi32, #tpu.memory_space<vmem>>)
      tpu.yield
    }) : () -> ()
    %dma_start3A_68 = arith.constant 0 : i32
    %dma_start3A_69 = arith.constant 0 : i32
    %dma_start3A_70 = arith.constant 0 : i32
    %dma_start3A_71 = arith.constant 0 : i32
    %dma_start3A_72 = tpu.memref_slice %arg9[%dma_start3A_69, %dma_start3A_70, %dma_start3A_71] : memref<2x512x64xf32, #tpu.memory_space<vmem>> -> memref<1x512x64xf32, #tpu.memory_space<vmem>>
    %dma_start3A_73 = tpu.memref_squeeze %dma_start3A_72 : memref<1x512x64xf32, #tpu.memory_space<vmem>> -> memref<512x64xf32, #tpu.memory_space<vmem>>
    %dma_start3A_74 = arith.constant 0 : i32
    %dma_start3A_75 = tpu.memref_slice %arg7[%dma_start3A_68, %dma_start3A_74] : memref<2x512xi32, #tpu.memory_space<vmem>> -> memref<1x512xi32, #tpu.memory_space<vmem>>
    %dma_start3A_76 = tpu.memref_squeeze %dma_start3A_75 : memref<1x512xi32, #tpu.memory_space<vmem>> -> memref<512xi32, #tpu.memory_space<vmem>>
    %dma_start3A_77 = arith.constant 0 : i32
    %dma_start3A_78 = arith.constant 0 : i32
    %dma_start3A_79 = tpu.memref_slice %arg3[%dma_start3A_77, %dma_start3A_78] : memref<65536x64xf32, #tpu.memory_space<hbm>> -> memref<65536x64xf32, #tpu.memory_space<hbm>>
    tpu.enqueue_indirect_dma source(%dma_start3A_79 : memref<65536x64xf32, #tpu.memory_space<hbm>>) target(%dma_start3A_73 : memref<512x64xf32, #tpu.memory_space<vmem>>) offsets(%dma_start3A_76 : memref<512xi32, #tpu.memory_space<vmem>>) semaphore(%arg11 : memref<!tpu.dma_semaphore, #tpu.memory_space<semaphore_mem>>)
    %run_scoped3A_80 = arith.constant 1 : i32
    %run_scoped3A_81 = arith.constant 1 : i32
    "tpu.region"() ({
      %run_scoped3A_512 = tpu.sem_alloc : memref<!tpu.dma_semaphore, #tpu.memory_space<semaphore_mem>>
      %dma_start3A_513 = arith.constant 0 : i32
      %dma_start3A_514 = arith.constant 0 : i32
      %dma_start3A_515 = tpu.memref_slice %arg9[%run_scoped3A_80, %dma_start3A_513, %dma_start3A_514] : memref<2x512x64xf32, #tpu.memory_space<vmem>> -> memref<1x512x64xf32, #tpu.memory_space<vmem>>
      %dma_start3A_516 = tpu.memref_squeeze %dma_start3A_515 : memref<1x512x64xf32, #tpu.memory_space<vmem>> -> memref<512x64xf32, #tpu.memory_space<vmem>>
      %dma_start3A_517 = arith.constant 0 : i32
      %dma_start3A_518 = tpu.memref_slice %arg8[%run_scoped3A_81, %dma_start3A_517] : memref<2x512xi32, #tpu.memory_space<vmem>> -> memref<1x512xi32, #tpu.memory_space<vmem>>
      %dma_start3A_519 = tpu.memref_squeeze %dma_start3A_518 : memref<1x512xi32, #tpu.memory_space<vmem>> -> memref<512xi32, #tpu.memory_space<vmem>>
      %dma_start3A_520 = arith.constant 0 : i32
      %dma_start3A_521 = arith.constant 0 : i32
      %dma_start3A_522 = tpu.memref_slice %arg10[%dma_start3A_520, %dma_start3A_521] : memref<4096x64xf32, #tpu.memory_space<vmem_shared>> -> memref<4096x64xf32, #tpu.memory_space<vmem_shared>>
      tpu.enqueue_indirect_dma source(%dma_start3A_516 : memref<512x64xf32, #tpu.memory_space<vmem>>) target(%dma_start3A_522 : memref<4096x64xf32, #tpu.memory_space<vmem_shared>>) offsets(%dma_start3A_519 : memref<512xi32, #tpu.memory_space<vmem>>) semaphore(%run_scoped3A_512 : memref<!tpu.dma_semaphore, #tpu.memory_space<semaphore_mem>>) {add = true}
      %dma_wait3A_523 = arith.constant 0 : i32
      %dma_wait3A_524 = arith.constant 0 : i32
      %dma_wait3A_525 = tpu.memref_slice %arg9[%run_scoped3A_80, %dma_wait3A_523, %dma_wait3A_524] : memref<2x512x64xf32, #tpu.memory_space<vmem>> -> memref<1x512x64xf32, #tpu.memory_space<vmem>>
      %dma_wait3A_526 = tpu.memref_squeeze %dma_wait3A_525 : memref<1x512x64xf32, #tpu.memory_space<vmem>> -> memref<512x64xf32, #tpu.memory_space<vmem>>
      %dma_wait3A_527 = arith.constant 0 : i32
      %dma_wait3A_528 = tpu.memref_slice %arg8[%run_scoped3A_81, %dma_wait3A_527] : memref<2x512xi32, #tpu.memory_space<vmem>> -> memref<1x512xi32, #tpu.memory_space<vmem>>
      %dma_wait3A_529 = tpu.memref_squeeze %dma_wait3A_528 : memref<1x512xi32, #tpu.memory_space<vmem>> -> memref<512xi32, #tpu.memory_space<vmem>>
      %dma_wait3A_530 = arith.constant 0 : i32
      %dma_wait3A_531 = arith.constant 0 : i32
      %dma_wait3A_532 = tpu.memref_slice %arg10[%dma_wait3A_530, %dma_wait3A_531] : memref<4096x64xf32, #tpu.memory_space<vmem_shared>> -> memref<4096x64xf32, #tpu.memory_space<vmem_shared>>
      tpu.wait_indirect_dma semaphore(%run_scoped3A_512 : memref<!tpu.dma_semaphore, #tpu.memory_space<semaphore_mem>>) src(%dma_wait3A_526 : memref<512x64xf32, #tpu.memory_space<vmem>>) dst(%dma_wait3A_532 : memref<4096x64xf32, #tpu.memory_space<vmem_shared>>)
      tpu.yield
    }) : () -> ()
    %dma_wait3A_82 = arith.constant 0 : i32
    %dma_wait3A_83 = arith.constant 0 : i32
    %dma_wait3A_84 = arith.constant 0 : i32
    %dma_wait3A_85 = arith.constant 0 : i32
    %dma_wait3A_86 = tpu.memref_slice %arg9[%dma_wait3A_83, %dma_wait3A_84, %dma_wait3A_85] : memref<2x512x64xf32, #tpu.memory_space<vmem>> -> memref<1x512x64xf32, #tpu.memory_space<vmem>>
    %dma_wait3A_87 = tpu.memref_squeeze %dma_wait3A_86 : memref<1x512x64xf32, #tpu.memory_space<vmem>> -> memref<512x64xf32, #tpu.memory_space<vmem>>
    %dma_wait3A_88 = arith.constant 0 : i32
    %dma_wait3A_89 = tpu.memref_slice %arg7[%dma_wait3A_82, %dma_wait3A_88] : memref<2x512xi32, #tpu.memory_space<vmem>> -> memref<1x512xi32, #tpu.memory_space<vmem>>
    %dma_wait3A_90 = tpu.memref_squeeze %dma_wait3A_89 : memref<1x512xi32, #tpu.memory_space<vmem>> -> memref<512xi32, #tpu.memory_space<vmem>>
    %dma_wait3A_91 = arith.constant 0 : i32
    %dma_wait3A_92 = arith.constant 0 : i32
    %dma_wait3A_93 = tpu.memref_slice %arg3[%dma_wait3A_91, %dma_wait3A_92] : memref<65536x64xf32, #tpu.memory_space<hbm>> -> memref<65536x64xf32, #tpu.memory_space<hbm>>
    tpu.wait_indirect_dma semaphore(%arg11 : memref<!tpu.dma_semaphore, #tpu.memory_space<semaphore_mem>>) src(%dma_wait3A_93 : memref<65536x64xf32, #tpu.memory_space<hbm>>) dst(%dma_wait3A_87 : memref<512x64xf32, #tpu.memory_space<vmem>>)
    %mul3A_94 = arith.constant 8192 : i32
    %mul3A_95 = arith.muli %add3A, %mul3A_94 : i32
    %add3A_96 = arith.constant 1536 : i32
    %add3A_97 = arith.addi %mul3A_95, %add3A_96 : i32
    %run_scoped3A_98 = arith.constant 1 : i32
    "tpu.region"() ({
      %run_scoped3A_512 = tpu.sem_alloc : memref<!tpu.dma_semaphore, #tpu.memory_space<semaphore_mem>>
      %dma_start3A_513 = arith.constant 0 : i32
      %dma_start3A_514 = tpu.memref_slice %arg7[%run_scoped3A_98, %dma_start3A_513] : memref<2x512xi32, #tpu.memory_space<vmem>> -> memref<1x512xi32, #tpu.memory_space<vmem>>
      %dma_start3A_515 = tpu.memref_squeeze %dma_start3A_514 : memref<1x512xi32, #tpu.memory_space<vmem>> -> memref<512xi32, #tpu.memory_space<vmem>>
      %dma_start3A_516 = tpu.memref_slice %arg2[%add3A_97] : memref<262144xi32, #tpu.memory_space<hbm>> -> memref<512xi32, #tpu.memory_space<hbm>>
      %dma_start3A_517 = arith.constant 0 : i32
      %dma_start3A_518 = tpu.memref_slice %arg7[%run_scoped3A_98, %dma_start3A_517] : memref<2x512xi32, #tpu.memory_space<vmem>> -> memref<1x512xi32, #tpu.memory_space<vmem>>
      %dma_start3A_519 = tpu.memref_squeeze %dma_start3A_518 : memref<1x512xi32, #tpu.memory_space<vmem>> -> memref<512xi32, #tpu.memory_space<vmem>>
      %dma_start3A_520 = tpu.memref_slice %arg2[%add3A_97] : memref<262144xi32, #tpu.memory_space<hbm>> -> memref<512xi32, #tpu.memory_space<hbm>>
      tpu.enqueue_dma source(%dma_start3A_520 : memref<512xi32, #tpu.memory_space<hbm>>) target(%dma_start3A_519 : memref<512xi32, #tpu.memory_space<vmem>>) target_semaphore(%run_scoped3A_512 : memref<!tpu.dma_semaphore, #tpu.memory_space<semaphore_mem>>)
      %dma_wait3A_521 = arith.constant 0 : i32
      %dma_wait3A_522 = tpu.memref_slice %arg7[%run_scoped3A_98, %dma_wait3A_521] : memref<2x512xi32, #tpu.memory_space<vmem>> -> memref<1x512xi32, #tpu.memory_space<vmem>>
      %dma_wait3A_523 = tpu.memref_squeeze %dma_wait3A_522 : memref<1x512xi32, #tpu.memory_space<vmem>> -> memref<512xi32, #tpu.memory_space<vmem>>
      %dma_wait3A_524 = tpu.memref_slice %arg2[%add3A_97] : memref<262144xi32, #tpu.memory_space<hbm>> -> memref<512xi32, #tpu.memory_space<hbm>>
      %dma_wait3A_525 = arith.constant 0 : i32
      %dma_wait3A_526 = tpu.memref_slice %arg7[%run_scoped3A_98, %dma_wait3A_525] : memref<2x512xi32, #tpu.memory_space<vmem>> -> memref<1x512xi32, #tpu.memory_space<vmem>>
      %dma_wait3A_527 = tpu.memref_squeeze %dma_wait3A_526 : memref<1x512xi32, #tpu.memory_space<vmem>> -> memref<512xi32, #tpu.memory_space<vmem>>
      %dma_wait3A_528 = tpu.memref_slice %arg2[%add3A_97] : memref<262144xi32, #tpu.memory_space<hbm>> -> memref<512xi32, #tpu.memory_space<hbm>>
      tpu.wait_dma2 semaphore(%run_scoped3A_512 : memref<!tpu.dma_semaphore, #tpu.memory_space<semaphore_mem>>) src(%dma_wait3A_528 : memref<512xi32, #tpu.memory_space<hbm>>) dst(%dma_wait3A_527 : memref<512xi32, #tpu.memory_space<vmem>>)
      tpu.yield
    }) : () -> ()
    %run_scoped3A_99 = arith.constant 1 : i32
    "tpu.region"() ({
      %run_scoped3A_512 = tpu.sem_alloc : memref<!tpu.dma_semaphore, #tpu.memory_space<semaphore_mem>>
      %dma_start3A_513 = arith.constant 0 : i32
      %dma_start3A_514 = tpu.memref_slice %arg8[%run_scoped3A_99, %dma_start3A_513] : memref<2x512xi32, #tpu.memory_space<vmem>> -> memref<1x512xi32, #tpu.memory_space<vmem>>
      %dma_start3A_515 = tpu.memref_squeeze %dma_start3A_514 : memref<1x512xi32, #tpu.memory_space<vmem>> -> memref<512xi32, #tpu.memory_space<vmem>>
      %dma_start3A_516 = tpu.memref_slice %arg4[%add3A_97] : memref<262144xi32, #tpu.memory_space<hbm>> -> memref<512xi32, #tpu.memory_space<hbm>>
      %dma_start3A_517 = arith.constant 0 : i32
      %dma_start3A_518 = tpu.memref_slice %arg8[%run_scoped3A_99, %dma_start3A_517] : memref<2x512xi32, #tpu.memory_space<vmem>> -> memref<1x512xi32, #tpu.memory_space<vmem>>
      %dma_start3A_519 = tpu.memref_squeeze %dma_start3A_518 : memref<1x512xi32, #tpu.memory_space<vmem>> -> memref<512xi32, #tpu.memory_space<vmem>>
      %dma_start3A_520 = tpu.memref_slice %arg4[%add3A_97] : memref<262144xi32, #tpu.memory_space<hbm>> -> memref<512xi32, #tpu.memory_space<hbm>>
      tpu.enqueue_dma source(%dma_start3A_520 : memref<512xi32, #tpu.memory_space<hbm>>) target(%dma_start3A_519 : memref<512xi32, #tpu.memory_space<vmem>>) target_semaphore(%run_scoped3A_512 : memref<!tpu.dma_semaphore, #tpu.memory_space<semaphore_mem>>)
      %dma_wait3A_521 = arith.constant 0 : i32
      %dma_wait3A_522 = tpu.memref_slice %arg8[%run_scoped3A_99, %dma_wait3A_521] : memref<2x512xi32, #tpu.memory_space<vmem>> -> memref<1x512xi32, #tpu.memory_space<vmem>>
      %dma_wait3A_523 = tpu.memref_squeeze %dma_wait3A_522 : memref<1x512xi32, #tpu.memory_space<vmem>> -> memref<512xi32, #tpu.memory_space<vmem>>
      %dma_wait3A_524 = tpu.memref_slice %arg4[%add3A_97] : memref<262144xi32, #tpu.memory_space<hbm>> -> memref<512xi32, #tpu.memory_space<hbm>>
      %dma_wait3A_525 = arith.constant 0 : i32
      %dma_wait3A_526 = tpu.memref_slice %arg8[%run_scoped3A_99, %dma_wait3A_525] : memref<2x512xi32, #tpu.memory_space<vmem>> -> memref<1x512xi32, #tpu.memory_space<vmem>>
      %dma_wait3A_527 = tpu.memref_squeeze %dma_wait3A_526 : memref<1x512xi32, #tpu.memory_space<vmem>> -> memref<512xi32, #tpu.memory_space<vmem>>
      %dma_wait3A_528 = tpu.memref_slice %arg4[%add3A_97] : memref<262144xi32, #tpu.memory_space<hbm>> -> memref<512xi32, #tpu.memory_space<hbm>>
      tpu.wait_dma2 semaphore(%run_scoped3A_512 : memref<!tpu.dma_semaphore, #tpu.memory_space<semaphore_mem>>) src(%dma_wait3A_528 : memref<512xi32, #tpu.memory_space<hbm>>) dst(%dma_wait3A_527 : memref<512xi32, #tpu.memory_space<vmem>>)
      tpu.yield
    }) : () -> ()
    %dma_start3A_100 = arith.constant 1 : i32
    %dma_start3A_101 = arith.constant 1 : i32
    %dma_start3A_102 = arith.constant 0 : i32
    %dma_start3A_103 = arith.constant 0 : i32
    %dma_start3A_104 = tpu.memref_slice %arg9[%dma_start3A_101, %dma_start3A_102, %dma_start3A_103] : memref<2x512x64xf32, #tpu.memory_space<vmem>> -> memref<1x512x64xf32, #tpu.memory_space<vmem>>
    %dma_start3A_105 = tpu.memref_squeeze %dma_start3A_104 : memref<1x512x64xf32, #tpu.memory_space<vmem>> -> memref<512x64xf32, #tpu.memory_space<vmem>>
    %dma_start3A_106 = arith.constant 0 : i32
    %dma_start3A_107 = tpu.memref_slice %arg7[%dma_start3A_100, %dma_start3A_106] : memref<2x512xi32, #tpu.memory_space<vmem>> -> memref<1x512xi32, #tpu.memory_space<vmem>>
    %dma_start3A_108 = tpu.memref_squeeze %dma_start3A_107 : memref<1x512xi32, #tpu.memory_space<vmem>> -> memref<512xi32, #tpu.memory_space<vmem>>
    %dma_start3A_109 = arith.constant 0 : i32
    %dma_start3A_110 = arith.constant 0 : i32
    %dma_start3A_111 = tpu.memref_slice %arg3[%dma_start3A_109, %dma_start3A_110] : memref<65536x64xf32, #tpu.memory_space<hbm>> -> memref<65536x64xf32, #tpu.memory_space<hbm>>
    tpu.enqueue_indirect_dma source(%dma_start3A_111 : memref<65536x64xf32, #tpu.memory_space<hbm>>) target(%dma_start3A_105 : memref<512x64xf32, #tpu.memory_space<vmem>>) offsets(%dma_start3A_108 : memref<512xi32, #tpu.memory_space<vmem>>) semaphore(%arg12 : memref<!tpu.dma_semaphore, #tpu.memory_space<semaphore_mem>>)
    %run_scoped3A_112 = arith.constant 0 : i32
    %run_scoped3A_113 = arith.constant 0 : i32
    "tpu.region"() ({
      %run_scoped3A_512 = tpu.sem_alloc : memref<!tpu.dma_semaphore, #tpu.memory_space<semaphore_mem>>
      %dma_start3A_513 = arith.constant 0 : i32
      %dma_start3A_514 = arith.constant 0 : i32
      %dma_start3A_515 = tpu.memref_slice %arg9[%run_scoped3A_112, %dma_start3A_513, %dma_start3A_514] : memref<2x512x64xf32, #tpu.memory_space<vmem>> -> memref<1x512x64xf32, #tpu.memory_space<vmem>>
      %dma_start3A_516 = tpu.memref_squeeze %dma_start3A_515 : memref<1x512x64xf32, #tpu.memory_space<vmem>> -> memref<512x64xf32, #tpu.memory_space<vmem>>
      %dma_start3A_517 = arith.constant 0 : i32
      %dma_start3A_518 = tpu.memref_slice %arg8[%run_scoped3A_113, %dma_start3A_517] : memref<2x512xi32, #tpu.memory_space<vmem>> -> memref<1x512xi32, #tpu.memory_space<vmem>>
      %dma_start3A_519 = tpu.memref_squeeze %dma_start3A_518 : memref<1x512xi32, #tpu.memory_space<vmem>> -> memref<512xi32, #tpu.memory_space<vmem>>
      %dma_start3A_520 = arith.constant 0 : i32
      %dma_start3A_521 = arith.constant 0 : i32
      %dma_start3A_522 = tpu.memref_slice %arg10[%dma_start3A_520, %dma_start3A_521] : memref<4096x64xf32, #tpu.memory_space<vmem_shared>> -> memref<4096x64xf32, #tpu.memory_space<vmem_shared>>
      tpu.enqueue_indirect_dma source(%dma_start3A_516 : memref<512x64xf32, #tpu.memory_space<vmem>>) target(%dma_start3A_522 : memref<4096x64xf32, #tpu.memory_space<vmem_shared>>) offsets(%dma_start3A_519 : memref<512xi32, #tpu.memory_space<vmem>>) semaphore(%run_scoped3A_512 : memref<!tpu.dma_semaphore, #tpu.memory_space<semaphore_mem>>) {add = true}
      %dma_wait3A_523 = arith.constant 0 : i32
      %dma_wait3A_524 = arith.constant 0 : i32
      %dma_wait3A_525 = tpu.memref_slice %arg9[%run_scoped3A_112, %dma_wait3A_523, %dma_wait3A_524] : memref<2x512x64xf32, #tpu.memory_space<vmem>> -> memref<1x512x64xf32, #tpu.memory_space<vmem>>
      %dma_wait3A_526 = tpu.memref_squeeze %dma_wait3A_525 : memref<1x512x64xf32, #tpu.memory_space<vmem>> -> memref<512x64xf32, #tpu.memory_space<vmem>>
      %dma_wait3A_527 = arith.constant 0 : i32
      %dma_wait3A_528 = tpu.memref_slice %arg8[%run_scoped3A_113, %dma_wait3A_527] : memref<2x512xi32, #tpu.memory_space<vmem>> -> memref<1x512xi32, #tpu.memory_space<vmem>>
      %dma_wait3A_529 = tpu.memref_squeeze %dma_wait3A_528 : memref<1x512xi32, #tpu.memory_space<vmem>> -> memref<512xi32, #tpu.memory_space<vmem>>
      %dma_wait3A_530 = arith.constant 0 : i32
      %dma_wait3A_531 = arith.constant 0 : i32
      %dma_wait3A_532 = tpu.memref_slice %arg10[%dma_wait3A_530, %dma_wait3A_531] : memref<4096x64xf32, #tpu.memory_space<vmem_shared>> -> memref<4096x64xf32, #tpu.memory_space<vmem_shared>>
      tpu.wait_indirect_dma semaphore(%run_scoped3A_512 : memref<!tpu.dma_semaphore, #tpu.memory_space<semaphore_mem>>) src(%dma_wait3A_526 : memref<512x64xf32, #tpu.memory_space<vmem>>) dst(%dma_wait3A_532 : memref<4096x64xf32, #tpu.memory_space<vmem_shared>>)
      tpu.yield
    }) : () -> ()
    %dma_wait3A_114 = arith.constant 1 : i32
    %dma_wait3A_115 = arith.constant 1 : i32
    %dma_wait3A_116 = arith.constant 0 : i32
    %dma_wait3A_117 = arith.constant 0 : i32
    %dma_wait3A_118 = tpu.memref_slice %arg9[%dma_wait3A_115, %dma_wait3A_116, %dma_wait3A_117] : memref<2x512x64xf32, #tpu.memory_space<vmem>> -> memref<1x512x64xf32, #tpu.memory_space<vmem>>
    %dma_wait3A_119 = tpu.memref_squeeze %dma_wait3A_118 : memref<1x512x64xf32, #tpu.memory_space<vmem>> -> memref<512x64xf32, #tpu.memory_space<vmem>>
    %dma_wait3A_120 = arith.constant 0 : i32
    %dma_wait3A_121 = tpu.memref_slice %arg7[%dma_wait3A_114, %dma_wait3A_120] : memref<2x512xi32, #tpu.memory_space<vmem>> -> memref<1x512xi32, #tpu.memory_space<vmem>>
    %dma_wait3A_122 = tpu.memref_squeeze %dma_wait3A_121 : memref<1x512xi32, #tpu.memory_space<vmem>> -> memref<512xi32, #tpu.memory_space<vmem>>
    %dma_wait3A_123 = arith.constant 0 : i32
    %dma_wait3A_124 = arith.constant 0 : i32
    %dma_wait3A_125 = tpu.memref_slice %arg3[%dma_wait3A_123, %dma_wait3A_124] : memref<65536x64xf32, #tpu.memory_space<hbm>> -> memref<65536x64xf32, #tpu.memory_space<hbm>>
    tpu.wait_indirect_dma semaphore(%arg12 : memref<!tpu.dma_semaphore, #tpu.memory_space<semaphore_mem>>) src(%dma_wait3A_125 : memref<65536x64xf32, #tpu.memory_space<hbm>>) dst(%dma_wait3A_119 : memref<512x64xf32, #tpu.memory_space<vmem>>)
    %mul3A_126 = arith.constant 8192 : i32
    %mul3A_127 = arith.muli %add3A, %mul3A_126 : i32
    %add3A_128 = arith.constant 2048 : i32
    %add3A_129 = arith.addi %mul3A_127, %add3A_128 : i32
    %run_scoped3A_130 = arith.constant 0 : i32
    "tpu.region"() ({
      %run_scoped3A_512 = tpu.sem_alloc : memref<!tpu.dma_semaphore, #tpu.memory_space<semaphore_mem>>
      %dma_start3A_513 = arith.constant 0 : i32
      %dma_start3A_514 = tpu.memref_slice %arg7[%run_scoped3A_130, %dma_start3A_513] : memref<2x512xi32, #tpu.memory_space<vmem>> -> memref<1x512xi32, #tpu.memory_space<vmem>>
      %dma_start3A_515 = tpu.memref_squeeze %dma_start3A_514 : memref<1x512xi32, #tpu.memory_space<vmem>> -> memref<512xi32, #tpu.memory_space<vmem>>
      %dma_start3A_516 = tpu.memref_slice %arg2[%add3A_129] : memref<262144xi32, #tpu.memory_space<hbm>> -> memref<512xi32, #tpu.memory_space<hbm>>
      %dma_start3A_517 = arith.constant 0 : i32
      %dma_start3A_518 = tpu.memref_slice %arg7[%run_scoped3A_130, %dma_start3A_517] : memref<2x512xi32, #tpu.memory_space<vmem>> -> memref<1x512xi32, #tpu.memory_space<vmem>>
      %dma_start3A_519 = tpu.memref_squeeze %dma_start3A_518 : memref<1x512xi32, #tpu.memory_space<vmem>> -> memref<512xi32, #tpu.memory_space<vmem>>
      %dma_start3A_520 = tpu.memref_slice %arg2[%add3A_129] : memref<262144xi32, #tpu.memory_space<hbm>> -> memref<512xi32, #tpu.memory_space<hbm>>
      tpu.enqueue_dma source(%dma_start3A_520 : memref<512xi32, #tpu.memory_space<hbm>>) target(%dma_start3A_519 : memref<512xi32, #tpu.memory_space<vmem>>) target_semaphore(%run_scoped3A_512 : memref<!tpu.dma_semaphore, #tpu.memory_space<semaphore_mem>>)
      %dma_wait3A_521 = arith.constant 0 : i32
      %dma_wait3A_522 = tpu.memref_slice %arg7[%run_scoped3A_130, %dma_wait3A_521] : memref<2x512xi32, #tpu.memory_space<vmem>> -> memref<1x512xi32, #tpu.memory_space<vmem>>
      %dma_wait3A_523 = tpu.memref_squeeze %dma_wait3A_522 : memref<1x512xi32, #tpu.memory_space<vmem>> -> memref<512xi32, #tpu.memory_space<vmem>>
      %dma_wait3A_524 = tpu.memref_slice %arg2[%add3A_129] : memref<262144xi32, #tpu.memory_space<hbm>> -> memref<512xi32, #tpu.memory_space<hbm>>
      %dma_wait3A_525 = arith.constant 0 : i32
      %dma_wait3A_526 = tpu.memref_slice %arg7[%run_scoped3A_130, %dma_wait3A_525] : memref<2x512xi32, #tpu.memory_space<vmem>> -> memref<1x512xi32, #tpu.memory_space<vmem>>
      %dma_wait3A_527 = tpu.memref_squeeze %dma_wait3A_526 : memref<1x512xi32, #tpu.memory_space<vmem>> -> memref<512xi32, #tpu.memory_space<vmem>>
      %dma_wait3A_528 = tpu.memref_slice %arg2[%add3A_129] : memref<262144xi32, #tpu.memory_space<hbm>> -> memref<512xi32, #tpu.memory_space<hbm>>
      tpu.wait_dma2 semaphore(%run_scoped3A_512 : memref<!tpu.dma_semaphore, #tpu.memory_space<semaphore_mem>>) src(%dma_wait3A_528 : memref<512xi32, #tpu.memory_space<hbm>>) dst(%dma_wait3A_527 : memref<512xi32, #tpu.memory_space<vmem>>)
      tpu.yield
    }) : () -> ()
    %run_scoped3A_131 = arith.constant 0 : i32
    "tpu.region"() ({
      %run_scoped3A_512 = tpu.sem_alloc : memref<!tpu.dma_semaphore, #tpu.memory_space<semaphore_mem>>
      %dma_start3A_513 = arith.constant 0 : i32
      %dma_start3A_514 = tpu.memref_slice %arg8[%run_scoped3A_131, %dma_start3A_513] : memref<2x512xi32, #tpu.memory_space<vmem>> -> memref<1x512xi32, #tpu.memory_space<vmem>>
      %dma_start3A_515 = tpu.memref_squeeze %dma_start3A_514 : memref<1x512xi32, #tpu.memory_space<vmem>> -> memref<512xi32, #tpu.memory_space<vmem>>
      %dma_start3A_516 = tpu.memref_slice %arg4[%add3A_129] : memref<262144xi32, #tpu.memory_space<hbm>> -> memref<512xi32, #tpu.memory_space<hbm>>
      %dma_start3A_517 = arith.constant 0 : i32
      %dma_start3A_518 = tpu.memref_slice %arg8[%run_scoped3A_131, %dma_start3A_517] : memref<2x512xi32, #tpu.memory_space<vmem>> -> memref<1x512xi32, #tpu.memory_space<vmem>>
      %dma_start3A_519 = tpu.memref_squeeze %dma_start3A_518 : memref<1x512xi32, #tpu.memory_space<vmem>> -> memref<512xi32, #tpu.memory_space<vmem>>
      %dma_start3A_520 = tpu.memref_slice %arg4[%add3A_129] : memref<262144xi32, #tpu.memory_space<hbm>> -> memref<512xi32, #tpu.memory_space<hbm>>
      tpu.enqueue_dma source(%dma_start3A_520 : memref<512xi32, #tpu.memory_space<hbm>>) target(%dma_start3A_519 : memref<512xi32, #tpu.memory_space<vmem>>) target_semaphore(%run_scoped3A_512 : memref<!tpu.dma_semaphore, #tpu.memory_space<semaphore_mem>>)
      %dma_wait3A_521 = arith.constant 0 : i32
      %dma_wait3A_522 = tpu.memref_slice %arg8[%run_scoped3A_131, %dma_wait3A_521] : memref<2x512xi32, #tpu.memory_space<vmem>> -> memref<1x512xi32, #tpu.memory_space<vmem>>
      %dma_wait3A_523 = tpu.memref_squeeze %dma_wait3A_522 : memref<1x512xi32, #tpu.memory_space<vmem>> -> memref<512xi32, #tpu.memory_space<vmem>>
      %dma_wait3A_524 = tpu.memref_slice %arg4[%add3A_129] : memref<262144xi32, #tpu.memory_space<hbm>> -> memref<512xi32, #tpu.memory_space<hbm>>
      %dma_wait3A_525 = arith.constant 0 : i32
      %dma_wait3A_526 = tpu.memref_slice %arg8[%run_scoped3A_131, %dma_wait3A_525] : memref<2x512xi32, #tpu.memory_space<vmem>> -> memref<1x512xi32, #tpu.memory_space<vmem>>
      %dma_wait3A_527 = tpu.memref_squeeze %dma_wait3A_526 : memref<1x512xi32, #tpu.memory_space<vmem>> -> memref<512xi32, #tpu.memory_space<vmem>>
      %dma_wait3A_528 = tpu.memref_slice %arg4[%add3A_129] : memref<262144xi32, #tpu.memory_space<hbm>> -> memref<512xi32, #tpu.memory_space<hbm>>
      tpu.wait_dma2 semaphore(%run_scoped3A_512 : memref<!tpu.dma_semaphore, #tpu.memory_space<semaphore_mem>>) src(%dma_wait3A_528 : memref<512xi32, #tpu.memory_space<hbm>>) dst(%dma_wait3A_527 : memref<512xi32, #tpu.memory_space<vmem>>)
      tpu.yield
    }) : () -> ()
    %dma_start3A_132 = arith.constant 0 : i32
    %dma_start3A_133 = arith.constant 0 : i32
    %dma_start3A_134 = arith.constant 0 : i32
    %dma_start3A_135 = arith.constant 0 : i32
    %dma_start3A_136 = tpu.memref_slice %arg9[%dma_start3A_133, %dma_start3A_134, %dma_start3A_135] : memref<2x512x64xf32, #tpu.memory_space<vmem>> -> memref<1x512x64xf32, #tpu.memory_space<vmem>>
    %dma_start3A_137 = tpu.memref_squeeze %dma_start3A_136 : memref<1x512x64xf32, #tpu.memory_space<vmem>> -> memref<512x64xf32, #tpu.memory_space<vmem>>
    %dma_start3A_138 = arith.constant 0 : i32
    %dma_start3A_139 = tpu.memref_slice %arg7[%dma_start3A_132, %dma_start3A_138] : memref<2x512xi32, #tpu.memory_space<vmem>> -> memref<1x512xi32, #tpu.memory_space<vmem>>
    %dma_start3A_140 = tpu.memref_squeeze %dma_start3A_139 : memref<1x512xi32, #tpu.memory_space<vmem>> -> memref<512xi32, #tpu.memory_space<vmem>>
    %dma_start3A_141 = arith.constant 0 : i32
    %dma_start3A_142 = arith.constant 0 : i32
    %dma_start3A_143 = tpu.memref_slice %arg3[%dma_start3A_141, %dma_start3A_142] : memref<65536x64xf32, #tpu.memory_space<hbm>> -> memref<65536x64xf32, #tpu.memory_space<hbm>>
    tpu.enqueue_indirect_dma source(%dma_start3A_143 : memref<65536x64xf32, #tpu.memory_space<hbm>>) target(%dma_start3A_137 : memref<512x64xf32, #tpu.memory_space<vmem>>) offsets(%dma_start3A_140 : memref<512xi32, #tpu.memory_space<vmem>>) semaphore(%arg11 : memref<!tpu.dma_semaphore, #tpu.memory_space<semaphore_mem>>)
    %run_scoped3A_144 = arith.constant 1 : i32
    %run_scoped3A_145 = arith.constant 1 : i32
    "tpu.region"() ({
      %run_scoped3A_512 = tpu.sem_alloc : memref<!tpu.dma_semaphore, #tpu.memory_space<semaphore_mem>>
      %dma_start3A_513 = arith.constant 0 : i32
      %dma_start3A_514 = arith.constant 0 : i32
      %dma_start3A_515 = tpu.memref_slice %arg9[%run_scoped3A_144, %dma_start3A_513, %dma_start3A_514] : memref<2x512x64xf32, #tpu.memory_space<vmem>> -> memref<1x512x64xf32, #tpu.memory_space<vmem>>
      %dma_start3A_516 = tpu.memref_squeeze %dma_start3A_515 : memref<1x512x64xf32, #tpu.memory_space<vmem>> -> memref<512x64xf32, #tpu.memory_space<vmem>>
      %dma_start3A_517 = arith.constant 0 : i32
      %dma_start3A_518 = tpu.memref_slice %arg8[%run_scoped3A_145, %dma_start3A_517] : memref<2x512xi32, #tpu.memory_space<vmem>> -> memref<1x512xi32, #tpu.memory_space<vmem>>
      %dma_start3A_519 = tpu.memref_squeeze %dma_start3A_518 : memref<1x512xi32, #tpu.memory_space<vmem>> -> memref<512xi32, #tpu.memory_space<vmem>>
      %dma_start3A_520 = arith.constant 0 : i32
      %dma_start3A_521 = arith.constant 0 : i32
      %dma_start3A_522 = tpu.memref_slice %arg10[%dma_start3A_520, %dma_start3A_521] : memref<4096x64xf32, #tpu.memory_space<vmem_shared>> -> memref<4096x64xf32, #tpu.memory_space<vmem_shared>>
      tpu.enqueue_indirect_dma source(%dma_start3A_516 : memref<512x64xf32, #tpu.memory_space<vmem>>) target(%dma_start3A_522 : memref<4096x64xf32, #tpu.memory_space<vmem_shared>>) offsets(%dma_start3A_519 : memref<512xi32, #tpu.memory_space<vmem>>) semaphore(%run_scoped3A_512 : memref<!tpu.dma_semaphore, #tpu.memory_space<semaphore_mem>>) {add = true}
      %dma_wait3A_523 = arith.constant 0 : i32
      %dma_wait3A_524 = arith.constant 0 : i32
      %dma_wait3A_525 = tpu.memref_slice %arg9[%run_scoped3A_144, %dma_wait3A_523, %dma_wait3A_524] : memref<2x512x64xf32, #tpu.memory_space<vmem>> -> memref<1x512x64xf32, #tpu.memory_space<vmem>>
      %dma_wait3A_526 = tpu.memref_squeeze %dma_wait3A_525 : memref<1x512x64xf32, #tpu.memory_space<vmem>> -> memref<512x64xf32, #tpu.memory_space<vmem>>
      %dma_wait3A_527 = arith.constant 0 : i32
      %dma_wait3A_528 = tpu.memref_slice %arg8[%run_scoped3A_145, %dma_wait3A_527] : memref<2x512xi32, #tpu.memory_space<vmem>> -> memref<1x512xi32, #tpu.memory_space<vmem>>
      %dma_wait3A_529 = tpu.memref_squeeze %dma_wait3A_528 : memref<1x512xi32, #tpu.memory_space<vmem>> -> memref<512xi32, #tpu.memory_space<vmem>>
      %dma_wait3A_530 = arith.constant 0 : i32
      %dma_wait3A_531 = arith.constant 0 : i32
      %dma_wait3A_532 = tpu.memref_slice %arg10[%dma_wait3A_530, %dma_wait3A_531] : memref<4096x64xf32, #tpu.memory_space<vmem_shared>> -> memref<4096x64xf32, #tpu.memory_space<vmem_shared>>
      tpu.wait_indirect_dma semaphore(%run_scoped3A_512 : memref<!tpu.dma_semaphore, #tpu.memory_space<semaphore_mem>>) src(%dma_wait3A_526 : memref<512x64xf32, #tpu.memory_space<vmem>>) dst(%dma_wait3A_532 : memref<4096x64xf32, #tpu.memory_space<vmem_shared>>)
      tpu.yield
    }) : () -> ()
    %dma_wait3A_146 = arith.constant 0 : i32
    %dma_wait3A_147 = arith.constant 0 : i32
    %dma_wait3A_148 = arith.constant 0 : i32
    %dma_wait3A_149 = arith.constant 0 : i32
    %dma_wait3A_150 = tpu.memref_slice %arg9[%dma_wait3A_147, %dma_wait3A_148, %dma_wait3A_149] : memref<2x512x64xf32, #tpu.memory_space<vmem>> -> memref<1x512x64xf32, #tpu.memory_space<vmem>>
    %dma_wait3A_151 = tpu.memref_squeeze %dma_wait3A_150 : memref<1x512x64xf32, #tpu.memory_space<vmem>> -> memref<512x64xf32, #tpu.memory_space<vmem>>
    %dma_wait3A_152 = arith.constant 0 : i32
    %dma_wait3A_153 = tpu.memref_slice %arg7[%dma_wait3A_146, %dma_wait3A_152] : memref<2x512xi32, #tpu.memory_space<vmem>> -> memref<1x512xi32, #tpu.memory_space<vmem>>
    %dma_wait3A_154 = tpu.memref_squeeze %dma_wait3A_153 : memref<1x512xi32, #tpu.memory_space<vmem>> -> memref<512xi32, #tpu.memory_space<vmem>>
    %dma_wait3A_155 = arith.constant 0 : i32
    %dma_wait3A_156 = arith.constant 0 : i32
    %dma_wait3A_157 = tpu.memref_slice %arg3[%dma_wait3A_155, %dma_wait3A_156] : memref<65536x64xf32, #tpu.memory_space<hbm>> -> memref<65536x64xf32, #tpu.memory_space<hbm>>
    tpu.wait_indirect_dma semaphore(%arg11 : memref<!tpu.dma_semaphore, #tpu.memory_space<semaphore_mem>>) src(%dma_wait3A_157 : memref<65536x64xf32, #tpu.memory_space<hbm>>) dst(%dma_wait3A_151 : memref<512x64xf32, #tpu.memory_space<vmem>>)
    %mul3A_158 = arith.constant 8192 : i32
    %mul3A_159 = arith.muli %add3A, %mul3A_158 : i32
    %add3A_160 = arith.constant 2560 : i32
    %add3A_161 = arith.addi %mul3A_159, %add3A_160 : i32
    %run_scoped3A_162 = arith.constant 1 : i32
    "tpu.region"() ({
      %run_scoped3A_512 = tpu.sem_alloc : memref<!tpu.dma_semaphore, #tpu.memory_space<semaphore_mem>>
      %dma_start3A_513 = arith.constant 0 : i32
      %dma_start3A_514 = tpu.memref_slice %arg7[%run_scoped3A_162, %dma_start3A_513] : memref<2x512xi32, #tpu.memory_space<vmem>> -> memref<1x512xi32, #tpu.memory_space<vmem>>
      %dma_start3A_515 = tpu.memref_squeeze %dma_start3A_514 : memref<1x512xi32, #tpu.memory_space<vmem>> -> memref<512xi32, #tpu.memory_space<vmem>>
      %dma_start3A_516 = tpu.memref_slice %arg2[%add3A_161] : memref<262144xi32, #tpu.memory_space<hbm>> -> memref<512xi32, #tpu.memory_space<hbm>>
      %dma_start3A_517 = arith.constant 0 : i32
      %dma_start3A_518 = tpu.memref_slice %arg7[%run_scoped3A_162, %dma_start3A_517] : memref<2x512xi32, #tpu.memory_space<vmem>> -> memref<1x512xi32, #tpu.memory_space<vmem>>
      %dma_start3A_519 = tpu.memref_squeeze %dma_start3A_518 : memref<1x512xi32, #tpu.memory_space<vmem>> -> memref<512xi32, #tpu.memory_space<vmem>>
      %dma_start3A_520 = tpu.memref_slice %arg2[%add3A_161] : memref<262144xi32, #tpu.memory_space<hbm>> -> memref<512xi32, #tpu.memory_space<hbm>>
      tpu.enqueue_dma source(%dma_start3A_520 : memref<512xi32, #tpu.memory_space<hbm>>) target(%dma_start3A_519 : memref<512xi32, #tpu.memory_space<vmem>>) target_semaphore(%run_scoped3A_512 : memref<!tpu.dma_semaphore, #tpu.memory_space<semaphore_mem>>)
      %dma_wait3A_521 = arith.constant 0 : i32
      %dma_wait3A_522 = tpu.memref_slice %arg7[%run_scoped3A_162, %dma_wait3A_521] : memref<2x512xi32, #tpu.memory_space<vmem>> -> memref<1x512xi32, #tpu.memory_space<vmem>>
      %dma_wait3A_523 = tpu.memref_squeeze %dma_wait3A_522 : memref<1x512xi32, #tpu.memory_space<vmem>> -> memref<512xi32, #tpu.memory_space<vmem>>
      %dma_wait3A_524 = tpu.memref_slice %arg2[%add3A_161] : memref<262144xi32, #tpu.memory_space<hbm>> -> memref<512xi32, #tpu.memory_space<hbm>>
      %dma_wait3A_525 = arith.constant 0 : i32
      %dma_wait3A_526 = tpu.memref_slice %arg7[%run_scoped3A_162, %dma_wait3A_525] : memref<2x512xi32, #tpu.memory_space<vmem>> -> memref<1x512xi32, #tpu.memory_space<vmem>>
      %dma_wait3A_527 = tpu.memref_squeeze %dma_wait3A_526 : memref<1x512xi32, #tpu.memory_space<vmem>> -> memref<512xi32, #tpu.memory_space<vmem>>
      %dma_wait3A_528 = tpu.memref_slice %arg2[%add3A_161] : memref<262144xi32, #tpu.memory_space<hbm>> -> memref<512xi32, #tpu.memory_space<hbm>>
      tpu.wait_dma2 semaphore(%run_scoped3A_512 : memref<!tpu.dma_semaphore, #tpu.memory_space<semaphore_mem>>) src(%dma_wait3A_528 : memref<512xi32, #tpu.memory_space<hbm>>) dst(%dma_wait3A_527 : memref<512xi32, #tpu.memory_space<vmem>>)
      tpu.yield
    }) : () -> ()
    %run_scoped3A_163 = arith.constant 1 : i32
    "tpu.region"() ({
      %run_scoped3A_512 = tpu.sem_alloc : memref<!tpu.dma_semaphore, #tpu.memory_space<semaphore_mem>>
      %dma_start3A_513 = arith.constant 0 : i32
      %dma_start3A_514 = tpu.memref_slice %arg8[%run_scoped3A_163, %dma_start3A_513] : memref<2x512xi32, #tpu.memory_space<vmem>> -> memref<1x512xi32, #tpu.memory_space<vmem>>
      %dma_start3A_515 = tpu.memref_squeeze %dma_start3A_514 : memref<1x512xi32, #tpu.memory_space<vmem>> -> memref<512xi32, #tpu.memory_space<vmem>>
      %dma_start3A_516 = tpu.memref_slice %arg4[%add3A_161] : memref<262144xi32, #tpu.memory_space<hbm>> -> memref<512xi32, #tpu.memory_space<hbm>>
      %dma_start3A_517 = arith.constant 0 : i32
      %dma_start3A_518 = tpu.memref_slice %arg8[%run_scoped3A_163, %dma_start3A_517] : memref<2x512xi32, #tpu.memory_space<vmem>> -> memref<1x512xi32, #tpu.memory_space<vmem>>
      %dma_start3A_519 = tpu.memref_squeeze %dma_start3A_518 : memref<1x512xi32, #tpu.memory_space<vmem>> -> memref<512xi32, #tpu.memory_space<vmem>>
      %dma_start3A_520 = tpu.memref_slice %arg4[%add3A_161] : memref<262144xi32, #tpu.memory_space<hbm>> -> memref<512xi32, #tpu.memory_space<hbm>>
      tpu.enqueue_dma source(%dma_start3A_520 : memref<512xi32, #tpu.memory_space<hbm>>) target(%dma_start3A_519 : memref<512xi32, #tpu.memory_space<vmem>>) target_semaphore(%run_scoped3A_512 : memref<!tpu.dma_semaphore, #tpu.memory_space<semaphore_mem>>)
      %dma_wait3A_521 = arith.constant 0 : i32
      %dma_wait3A_522 = tpu.memref_slice %arg8[%run_scoped3A_163, %dma_wait3A_521] : memref<2x512xi32, #tpu.memory_space<vmem>> -> memref<1x512xi32, #tpu.memory_space<vmem>>
      %dma_wait3A_523 = tpu.memref_squeeze %dma_wait3A_522 : memref<1x512xi32, #tpu.memory_space<vmem>> -> memref<512xi32, #tpu.memory_space<vmem>>
      %dma_wait3A_524 = tpu.memref_slice %arg4[%add3A_161] : memref<262144xi32, #tpu.memory_space<hbm>> -> memref<512xi32, #tpu.memory_space<hbm>>
      %dma_wait3A_525 = arith.constant 0 : i32
      %dma_wait3A_526 = tpu.memref_slice %arg8[%run_scoped3A_163, %dma_wait3A_525] : memref<2x512xi32, #tpu.memory_space<vmem>> -> memref<1x512xi32, #tpu.memory_space<vmem>>
      %dma_wait3A_527 = tpu.memref_squeeze %dma_wait3A_526 : memref<1x512xi32, #tpu.memory_space<vmem>> -> memref<512xi32, #tpu.memory_space<vmem>>
      %dma_wait3A_528 = tpu.memref_slice %arg4[%add3A_161] : memref<262144xi32, #tpu.memory_space<hbm>> -> memref<512xi32, #tpu.memory_space<hbm>>
      tpu.wait_dma2 semaphore(%run_scoped3A_512 : memref<!tpu.dma_semaphore, #tpu.memory_space<semaphore_mem>>) src(%dma_wait3A_528 : memref<512xi32, #tpu.memory_space<hbm>>) dst(%dma_wait3A_527 : memref<512xi32, #tpu.memory_space<vmem>>)
      tpu.yield
    }) : () -> ()
    %dma_start3A_164 = arith.constant 1 : i32
    %dma_start3A_165 = arith.constant 1 : i32
    %dma_start3A_166 = arith.constant 0 : i32
    %dma_start3A_167 = arith.constant 0 : i32
    %dma_start3A_168 = tpu.memref_slice %arg9[%dma_start3A_165, %dma_start3A_166, %dma_start3A_167] : memref<2x512x64xf32, #tpu.memory_space<vmem>> -> memref<1x512x64xf32, #tpu.memory_space<vmem>>
    %dma_start3A_169 = tpu.memref_squeeze %dma_start3A_168 : memref<1x512x64xf32, #tpu.memory_space<vmem>> -> memref<512x64xf32, #tpu.memory_space<vmem>>
    %dma_start3A_170 = arith.constant 0 : i32
    %dma_start3A_171 = tpu.memref_slice %arg7[%dma_start3A_164, %dma_start3A_170] : memref<2x512xi32, #tpu.memory_space<vmem>> -> memref<1x512xi32, #tpu.memory_space<vmem>>
    %dma_start3A_172 = tpu.memref_squeeze %dma_start3A_171 : memref<1x512xi32, #tpu.memory_space<vmem>> -> memref<512xi32, #tpu.memory_space<vmem>>
    %dma_start3A_173 = arith.constant 0 : i32
    %dma_start3A_174 = arith.constant 0 : i32
    %dma_start3A_175 = tpu.memref_slice %arg3[%dma_start3A_173, %dma_start3A_174] : memref<65536x64xf32, #tpu.memory_space<hbm>> -> memref<65536x64xf32, #tpu.memory_space<hbm>>
    tpu.enqueue_indirect_dma source(%dma_start3A_175 : memref<65536x64xf32, #tpu.memory_space<hbm>>) target(%dma_start3A_169 : memref<512x64xf32, #tpu.memory_space<vmem>>) offsets(%dma_start3A_172 : memref<512xi32, #tpu.memory_space<vmem>>) semaphore(%arg12 : memref<!tpu.dma_semaphore, #tpu.memory_space<semaphore_mem>>)
    %run_scoped3A_176 = arith.constant 0 : i32
    %run_scoped3A_177 = arith.constant 0 : i32
    "tpu.region"() ({
      %run_scoped3A_512 = tpu.sem_alloc : memref<!tpu.dma_semaphore, #tpu.memory_space<semaphore_mem>>
      %dma_start3A_513 = arith.constant 0 : i32
      %dma_start3A_514 = arith.constant 0 : i32
      %dma_start3A_515 = tpu.memref_slice %arg9[%run_scoped3A_176, %dma_start3A_513, %dma_start3A_514] : memref<2x512x64xf32, #tpu.memory_space<vmem>> -> memref<1x512x64xf32, #tpu.memory_space<vmem>>
      %dma_start3A_516 = tpu.memref_squeeze %dma_start3A_515 : memref<1x512x64xf32, #tpu.memory_space<vmem>> -> memref<512x64xf32, #tpu.memory_space<vmem>>
      %dma_start3A_517 = arith.constant 0 : i32
      %dma_start3A_518 = tpu.memref_slice %arg8[%run_scoped3A_177, %dma_start3A_517] : memref<2x512xi32, #tpu.memory_space<vmem>> -> memref<1x512xi32, #tpu.memory_space<vmem>>
      %dma_start3A_519 = tpu.memref_squeeze %dma_start3A_518 : memref<1x512xi32, #tpu.memory_space<vmem>> -> memref<512xi32, #tpu.memory_space<vmem>>
      %dma_start3A_520 = arith.constant 0 : i32
      %dma_start3A_521 = arith.constant 0 : i32
      %dma_start3A_522 = tpu.memref_slice %arg10[%dma_start3A_520, %dma_start3A_521] : memref<4096x64xf32, #tpu.memory_space<vmem_shared>> -> memref<4096x64xf32, #tpu.memory_space<vmem_shared>>
      tpu.enqueue_indirect_dma source(%dma_start3A_516 : memref<512x64xf32, #tpu.memory_space<vmem>>) target(%dma_start3A_522 : memref<4096x64xf32, #tpu.memory_space<vmem_shared>>) offsets(%dma_start3A_519 : memref<512xi32, #tpu.memory_space<vmem>>) semaphore(%run_scoped3A_512 : memref<!tpu.dma_semaphore, #tpu.memory_space<semaphore_mem>>) {add = true}
      %dma_wait3A_523 = arith.constant 0 : i32
      %dma_wait3A_524 = arith.constant 0 : i32
      %dma_wait3A_525 = tpu.memref_slice %arg9[%run_scoped3A_176, %dma_wait3A_523, %dma_wait3A_524] : memref<2x512x64xf32, #tpu.memory_space<vmem>> -> memref<1x512x64xf32, #tpu.memory_space<vmem>>
      %dma_wait3A_526 = tpu.memref_squeeze %dma_wait3A_525 : memref<1x512x64xf32, #tpu.memory_space<vmem>> -> memref<512x64xf32, #tpu.memory_space<vmem>>
      %dma_wait3A_527 = arith.constant 0 : i32
      %dma_wait3A_528 = tpu.memref_slice %arg8[%run_scoped3A_177, %dma_wait3A_527] : memref<2x512xi32, #tpu.memory_space<vmem>> -> memref<1x512xi32, #tpu.memory_space<vmem>>
      %dma_wait3A_529 = tpu.memref_squeeze %dma_wait3A_528 : memref<1x512xi32, #tpu.memory_space<vmem>> -> memref<512xi32, #tpu.memory_space<vmem>>
      %dma_wait3A_530 = arith.constant 0 : i32
      %dma_wait3A_531 = arith.constant 0 : i32
      %dma_wait3A_532 = tpu.memref_slice %arg10[%dma_wait3A_530, %dma_wait3A_531] : memref<4096x64xf32, #tpu.memory_space<vmem_shared>> -> memref<4096x64xf32, #tpu.memory_space<vmem_shared>>
      tpu.wait_indirect_dma semaphore(%run_scoped3A_512 : memref<!tpu.dma_semaphore, #tpu.memory_space<semaphore_mem>>) src(%dma_wait3A_526 : memref<512x64xf32, #tpu.memory_space<vmem>>) dst(%dma_wait3A_532 : memref<4096x64xf32, #tpu.memory_space<vmem_shared>>)
      tpu.yield
    }) : () -> ()
    %dma_wait3A_178 = arith.constant 1 : i32
    %dma_wait3A_179 = arith.constant 1 : i32
    %dma_wait3A_180 = arith.constant 0 : i32
    %dma_wait3A_181 = arith.constant 0 : i32
    %dma_wait3A_182 = tpu.memref_slice %arg9[%dma_wait3A_179, %dma_wait3A_180, %dma_wait3A_181] : memref<2x512x64xf32, #tpu.memory_space<vmem>> -> memref<1x512x64xf32, #tpu.memory_space<vmem>>
    %dma_wait3A_183 = tpu.memref_squeeze %dma_wait3A_182 : memref<1x512x64xf32, #tpu.memory_space<vmem>> -> memref<512x64xf32, #tpu.memory_space<vmem>>
    %dma_wait3A_184 = arith.constant 0 : i32
    %dma_wait3A_185 = tpu.memref_slice %arg7[%dma_wait3A_178, %dma_wait3A_184] : memref<2x512xi32, #tpu.memory_space<vmem>> -> memref<1x512xi32, #tpu.memory_space<vmem>>
    %dma_wait3A_186 = tpu.memref_squeeze %dma_wait3A_185 : memref<1x512xi32, #tpu.memory_space<vmem>> -> memref<512xi32, #tpu.memory_space<vmem>>
    %dma_wait3A_187 = arith.constant 0 : i32
    %dma_wait3A_188 = arith.constant 0 : i32
    %dma_wait3A_189 = tpu.memref_slice %arg3[%dma_wait3A_187, %dma_wait3A_188] : memref<65536x64xf32, #tpu.memory_space<hbm>> -> memref<65536x64xf32, #tpu.memory_space<hbm>>
    tpu.wait_indirect_dma semaphore(%arg12 : memref<!tpu.dma_semaphore, #tpu.memory_space<semaphore_mem>>) src(%dma_wait3A_189 : memref<65536x64xf32, #tpu.memory_space<hbm>>) dst(%dma_wait3A_183 : memref<512x64xf32, #tpu.memory_space<vmem>>)
    %mul3A_190 = arith.constant 8192 : i32
    %mul3A_191 = arith.muli %add3A, %mul3A_190 : i32
    %add3A_192 = arith.constant 3072 : i32
    %add3A_193 = arith.addi %mul3A_191, %add3A_192 : i32
    %run_scoped3A_194 = arith.constant 0 : i32
    "tpu.region"() ({
      %run_scoped3A_512 = tpu.sem_alloc : memref<!tpu.dma_semaphore, #tpu.memory_space<semaphore_mem>>
      %dma_start3A_513 = arith.constant 0 : i32
      %dma_start3A_514 = tpu.memref_slice %arg7[%run_scoped3A_194, %dma_start3A_513] : memref<2x512xi32, #tpu.memory_space<vmem>> -> memref<1x512xi32, #tpu.memory_space<vmem>>
      %dma_start3A_515 = tpu.memref_squeeze %dma_start3A_514 : memref<1x512xi32, #tpu.memory_space<vmem>> -> memref<512xi32, #tpu.memory_space<vmem>>
      %dma_start3A_516 = tpu.memref_slice %arg2[%add3A_193] : memref<262144xi32, #tpu.memory_space<hbm>> -> memref<512xi32, #tpu.memory_space<hbm>>
      %dma_start3A_517 = arith.constant 0 : i32
      %dma_start3A_518 = tpu.memref_slice %arg7[%run_scoped3A_194, %dma_start3A_517] : memref<2x512xi32, #tpu.memory_space<vmem>> -> memref<1x512xi32, #tpu.memory_space<vmem>>
      %dma_start3A_519 = tpu.memref_squeeze %dma_start3A_518 : memref<1x512xi32, #tpu.memory_space<vmem>> -> memref<512xi32, #tpu.memory_space<vmem>>
      %dma_start3A_520 = tpu.memref_slice %arg2[%add3A_193] : memref<262144xi32, #tpu.memory_space<hbm>> -> memref<512xi32, #tpu.memory_space<hbm>>
      tpu.enqueue_dma source(%dma_start3A_520 : memref<512xi32, #tpu.memory_space<hbm>>) target(%dma_start3A_519 : memref<512xi32, #tpu.memory_space<vmem>>) target_semaphore(%run_scoped3A_512 : memref<!tpu.dma_semaphore, #tpu.memory_space<semaphore_mem>>)
      %dma_wait3A_521 = arith.constant 0 : i32
      %dma_wait3A_522 = tpu.memref_slice %arg7[%run_scoped3A_194, %dma_wait3A_521] : memref<2x512xi32, #tpu.memory_space<vmem>> -> memref<1x512xi32, #tpu.memory_space<vmem>>
      %dma_wait3A_523 = tpu.memref_squeeze %dma_wait3A_522 : memref<1x512xi32, #tpu.memory_space<vmem>> -> memref<512xi32, #tpu.memory_space<vmem>>
      %dma_wait3A_524 = tpu.memref_slice %arg2[%add3A_193] : memref<262144xi32, #tpu.memory_space<hbm>> -> memref<512xi32, #tpu.memory_space<hbm>>
      %dma_wait3A_525 = arith.constant 0 : i32
      %dma_wait3A_526 = tpu.memref_slice %arg7[%run_scoped3A_194, %dma_wait3A_525] : memref<2x512xi32, #tpu.memory_space<vmem>> -> memref<1x512xi32, #tpu.memory_space<vmem>>
      %dma_wait3A_527 = tpu.memref_squeeze %dma_wait3A_526 : memref<1x512xi32, #tpu.memory_space<vmem>> -> memref<512xi32, #tpu.memory_space<vmem>>
      %dma_wait3A_528 = tpu.memref_slice %arg2[%add3A_193] : memref<262144xi32, #tpu.memory_space<hbm>> -> memref<512xi32, #tpu.memory_space<hbm>>
      tpu.wait_dma2 semaphore(%run_scoped3A_512 : memref<!tpu.dma_semaphore, #tpu.memory_space<semaphore_mem>>) src(%dma_wait3A_528 : memref<512xi32, #tpu.memory_space<hbm>>) dst(%dma_wait3A_527 : memref<512xi32, #tpu.memory_space<vmem>>)
      tpu.yield
    }) : () -> ()
    %run_scoped3A_195 = arith.constant 0 : i32
    "tpu.region"() ({
      %run_scoped3A_512 = tpu.sem_alloc : memref<!tpu.dma_semaphore, #tpu.memory_space<semaphore_mem>>
      %dma_start3A_513 = arith.constant 0 : i32
      %dma_start3A_514 = tpu.memref_slice %arg8[%run_scoped3A_195, %dma_start3A_513] : memref<2x512xi32, #tpu.memory_space<vmem>> -> memref<1x512xi32, #tpu.memory_space<vmem>>
      %dma_start3A_515 = tpu.memref_squeeze %dma_start3A_514 : memref<1x512xi32, #tpu.memory_space<vmem>> -> memref<512xi32, #tpu.memory_space<vmem>>
      %dma_start3A_516 = tpu.memref_slice %arg4[%add3A_193] : memref<262144xi32, #tpu.memory_space<hbm>> -> memref<512xi32, #tpu.memory_space<hbm>>
      %dma_start3A_517 = arith.constant 0 : i32
      %dma_start3A_518 = tpu.memref_slice %arg8[%run_scoped3A_195, %dma_start3A_517] : memref<2x512xi32, #tpu.memory_space<vmem>> -> memref<1x512xi32, #tpu.memory_space<vmem>>
      %dma_start3A_519 = tpu.memref_squeeze %dma_start3A_518 : memref<1x512xi32, #tpu.memory_space<vmem>> -> memref<512xi32, #tpu.memory_space<vmem>>
      %dma_start3A_520 = tpu.memref_slice %arg4[%add3A_193] : memref<262144xi32, #tpu.memory_space<hbm>> -> memref<512xi32, #tpu.memory_space<hbm>>
      tpu.enqueue_dma source(%dma_start3A_520 : memref<512xi32, #tpu.memory_space<hbm>>) target(%dma_start3A_519 : memref<512xi32, #tpu.memory_space<vmem>>) target_semaphore(%run_scoped3A_512 : memref<!tpu.dma_semaphore, #tpu.memory_space<semaphore_mem>>)
      %dma_wait3A_521 = arith.constant 0 : i32
      %dma_wait3A_522 = tpu.memref_slice %arg8[%run_scoped3A_195, %dma_wait3A_521] : memref<2x512xi32, #tpu.memory_space<vmem>> -> memref<1x512xi32, #tpu.memory_space<vmem>>
      %dma_wait3A_523 = tpu.memref_squeeze %dma_wait3A_522 : memref<1x512xi32, #tpu.memory_space<vmem>> -> memref<512xi32, #tpu.memory_space<vmem>>
      %dma_wait3A_524 = tpu.memref_slice %arg4[%add3A_193] : memref<262144xi32, #tpu.memory_space<hbm>> -> memref<512xi32, #tpu.memory_space<hbm>>
      %dma_wait3A_525 = arith.constant 0 : i32
      %dma_wait3A_526 = tpu.memref_slice %arg8[%run_scoped3A_195, %dma_wait3A_525] : memref<2x512xi32, #tpu.memory_space<vmem>> -> memref<1x512xi32, #tpu.memory_space<vmem>>
      %dma_wait3A_527 = tpu.memref_squeeze %dma_wait3A_526 : memref<1x512xi32, #tpu.memory_space<vmem>> -> memref<512xi32, #tpu.memory_space<vmem>>
      %dma_wait3A_528 = tpu.memref_slice %arg4[%add3A_193] : memref<262144xi32, #tpu.memory_space<hbm>> -> memref<512xi32, #tpu.memory_space<hbm>>
      tpu.wait_dma2 semaphore(%run_scoped3A_512 : memref<!tpu.dma_semaphore, #tpu.memory_space<semaphore_mem>>) src(%dma_wait3A_528 : memref<512xi32, #tpu.memory_space<hbm>>) dst(%dma_wait3A_527 : memref<512xi32, #tpu.memory_space<vmem>>)
      tpu.yield
    }) : () -> ()
    %dma_start3A_196 = arith.constant 0 : i32
    %dma_start3A_197 = arith.constant 0 : i32
    %dma_start3A_198 = arith.constant 0 : i32
    %dma_start3A_199 = arith.constant 0 : i32
    %dma_start3A_200 = tpu.memref_slice %arg9[%dma_start3A_197, %dma_start3A_198, %dma_start3A_199] : memref<2x512x64xf32, #tpu.memory_space<vmem>> -> memref<1x512x64xf32, #tpu.memory_space<vmem>>
    %dma_start3A_201 = tpu.memref_squeeze %dma_start3A_200 : memref<1x512x64xf32, #tpu.memory_space<vmem>> -> memref<512x64xf32, #tpu.memory_space<vmem>>
    %dma_start3A_202 = arith.constant 0 : i32
    %dma_start3A_203 = tpu.memref_slice %arg7[%dma_start3A_196, %dma_start3A_202] : memref<2x512xi32, #tpu.memory_space<vmem>> -> memref<1x512xi32, #tpu.memory_space<vmem>>
    %dma_start3A_204 = tpu.memref_squeeze %dma_start3A_203 : memref<1x512xi32, #tpu.memory_space<vmem>> -> memref<512xi32, #tpu.memory_space<vmem>>
    %dma_start3A_205 = arith.constant 0 : i32
    %dma_start3A_206 = arith.constant 0 : i32
    %dma_start3A_207 = tpu.memref_slice %arg3[%dma_start3A_205, %dma_start3A_206] : memref<65536x64xf32, #tpu.memory_space<hbm>> -> memref<65536x64xf32, #tpu.memory_space<hbm>>
    tpu.enqueue_indirect_dma source(%dma_start3A_207 : memref<65536x64xf32, #tpu.memory_space<hbm>>) target(%dma_start3A_201 : memref<512x64xf32, #tpu.memory_space<vmem>>) offsets(%dma_start3A_204 : memref<512xi32, #tpu.memory_space<vmem>>) semaphore(%arg11 : memref<!tpu.dma_semaphore, #tpu.memory_space<semaphore_mem>>)
    %run_scoped3A_208 = arith.constant 1 : i32
    %run_scoped3A_209 = arith.constant 1 : i32
    "tpu.region"() ({
      %run_scoped3A_512 = tpu.sem_alloc : memref<!tpu.dma_semaphore, #tpu.memory_space<semaphore_mem>>
      %dma_start3A_513 = arith.constant 0 : i32
      %dma_start3A_514 = arith.constant 0 : i32
      %dma_start3A_515 = tpu.memref_slice %arg9[%run_scoped3A_208, %dma_start3A_513, %dma_start3A_514] : memref<2x512x64xf32, #tpu.memory_space<vmem>> -> memref<1x512x64xf32, #tpu.memory_space<vmem>>
      %dma_start3A_516 = tpu.memref_squeeze %dma_start3A_515 : memref<1x512x64xf32, #tpu.memory_space<vmem>> -> memref<512x64xf32, #tpu.memory_space<vmem>>
      %dma_start3A_517 = arith.constant 0 : i32
      %dma_start3A_518 = tpu.memref_slice %arg8[%run_scoped3A_209, %dma_start3A_517] : memref<2x512xi32, #tpu.memory_space<vmem>> -> memref<1x512xi32, #tpu.memory_space<vmem>>
      %dma_start3A_519 = tpu.memref_squeeze %dma_start3A_518 : memref<1x512xi32, #tpu.memory_space<vmem>> -> memref<512xi32, #tpu.memory_space<vmem>>
      %dma_start3A_520 = arith.constant 0 : i32
      %dma_start3A_521 = arith.constant 0 : i32
      %dma_start3A_522 = tpu.memref_slice %arg10[%dma_start3A_520, %dma_start3A_521] : memref<4096x64xf32, #tpu.memory_space<vmem_shared>> -> memref<4096x64xf32, #tpu.memory_space<vmem_shared>>
      tpu.enqueue_indirect_dma source(%dma_start3A_516 : memref<512x64xf32, #tpu.memory_space<vmem>>) target(%dma_start3A_522 : memref<4096x64xf32, #tpu.memory_space<vmem_shared>>) offsets(%dma_start3A_519 : memref<512xi32, #tpu.memory_space<vmem>>) semaphore(%run_scoped3A_512 : memref<!tpu.dma_semaphore, #tpu.memory_space<semaphore_mem>>) {add = true}
      %dma_wait3A_523 = arith.constant 0 : i32
      %dma_wait3A_524 = arith.constant 0 : i32
      %dma_wait3A_525 = tpu.memref_slice %arg9[%run_scoped3A_208, %dma_wait3A_523, %dma_wait3A_524] : memref<2x512x64xf32, #tpu.memory_space<vmem>> -> memref<1x512x64xf32, #tpu.memory_space<vmem>>
      %dma_wait3A_526 = tpu.memref_squeeze %dma_wait3A_525 : memref<1x512x64xf32, #tpu.memory_space<vmem>> -> memref<512x64xf32, #tpu.memory_space<vmem>>
      %dma_wait3A_527 = arith.constant 0 : i32
      %dma_wait3A_528 = tpu.memref_slice %arg8[%run_scoped3A_209, %dma_wait3A_527] : memref<2x512xi32, #tpu.memory_space<vmem>> -> memref<1x512xi32, #tpu.memory_space<vmem>>
      %dma_wait3A_529 = tpu.memref_squeeze %dma_wait3A_528 : memref<1x512xi32, #tpu.memory_space<vmem>> -> memref<512xi32, #tpu.memory_space<vmem>>
      %dma_wait3A_530 = arith.constant 0 : i32
      %dma_wait3A_531 = arith.constant 0 : i32
      %dma_wait3A_532 = tpu.memref_slice %arg10[%dma_wait3A_530, %dma_wait3A_531] : memref<4096x64xf32, #tpu.memory_space<vmem_shared>> -> memref<4096x64xf32, #tpu.memory_space<vmem_shared>>
      tpu.wait_indirect_dma semaphore(%run_scoped3A_512 : memref<!tpu.dma_semaphore, #tpu.memory_space<semaphore_mem>>) src(%dma_wait3A_526 : memref<512x64xf32, #tpu.memory_space<vmem>>) dst(%dma_wait3A_532 : memref<4096x64xf32, #tpu.memory_space<vmem_shared>>)
      tpu.yield
    }) : () -> ()
    %dma_wait3A_210 = arith.constant 0 : i32
    %dma_wait3A_211 = arith.constant 0 : i32
    %dma_wait3A_212 = arith.constant 0 : i32
    %dma_wait3A_213 = arith.constant 0 : i32
    %dma_wait3A_214 = tpu.memref_slice %arg9[%dma_wait3A_211, %dma_wait3A_212, %dma_wait3A_213] : memref<2x512x64xf32, #tpu.memory_space<vmem>> -> memref<1x512x64xf32, #tpu.memory_space<vmem>>
    %dma_wait3A_215 = tpu.memref_squeeze %dma_wait3A_214 : memref<1x512x64xf32, #tpu.memory_space<vmem>> -> memref<512x64xf32, #tpu.memory_space<vmem>>
    %dma_wait3A_216 = arith.constant 0 : i32
    %dma_wait3A_217 = tpu.memref_slice %arg7[%dma_wait3A_210, %dma_wait3A_216] : memref<2x512xi32, #tpu.memory_space<vmem>> -> memref<1x512xi32, #tpu.memory_space<vmem>>
    %dma_wait3A_218 = tpu.memref_squeeze %dma_wait3A_217 : memref<1x512xi32, #tpu.memory_space<vmem>> -> memref<512xi32, #tpu.memory_space<vmem>>
    %dma_wait3A_219 = arith.constant 0 : i32
    %dma_wait3A_220 = arith.constant 0 : i32
    %dma_wait3A_221 = tpu.memref_slice %arg3[%dma_wait3A_219, %dma_wait3A_220] : memref<65536x64xf32, #tpu.memory_space<hbm>> -> memref<65536x64xf32, #tpu.memory_space<hbm>>
    tpu.wait_indirect_dma semaphore(%arg11 : memref<!tpu.dma_semaphore, #tpu.memory_space<semaphore_mem>>) src(%dma_wait3A_221 : memref<65536x64xf32, #tpu.memory_space<hbm>>) dst(%dma_wait3A_215 : memref<512x64xf32, #tpu.memory_space<vmem>>)
    %mul3A_222 = arith.constant 8192 : i32
    %mul3A_223 = arith.muli %add3A, %mul3A_222 : i32
    %add3A_224 = arith.constant 3584 : i32
    %add3A_225 = arith.addi %mul3A_223, %add3A_224 : i32
    %run_scoped3A_226 = arith.constant 1 : i32
    "tpu.region"() ({
      %run_scoped3A_512 = tpu.sem_alloc : memref<!tpu.dma_semaphore, #tpu.memory_space<semaphore_mem>>
      %dma_start3A_513 = arith.constant 0 : i32
      %dma_start3A_514 = tpu.memref_slice %arg7[%run_scoped3A_226, %dma_start3A_513] : memref<2x512xi32, #tpu.memory_space<vmem>> -> memref<1x512xi32, #tpu.memory_space<vmem>>
      %dma_start3A_515 = tpu.memref_squeeze %dma_start3A_514 : memref<1x512xi32, #tpu.memory_space<vmem>> -> memref<512xi32, #tpu.memory_space<vmem>>
      %dma_start3A_516 = tpu.memref_slice %arg2[%add3A_225] : memref<262144xi32, #tpu.memory_space<hbm>> -> memref<512xi32, #tpu.memory_space<hbm>>
      %dma_start3A_517 = arith.constant 0 : i32
      %dma_start3A_518 = tpu.memref_slice %arg7[%run_scoped3A_226, %dma_start3A_517] : memref<2x512xi32, #tpu.memory_space<vmem>> -> memref<1x512xi32, #tpu.memory_space<vmem>>
      %dma_start3A_519 = tpu.memref_squeeze %dma_start3A_518 : memref<1x512xi32, #tpu.memory_space<vmem>> -> memref<512xi32, #tpu.memory_space<vmem>>
      %dma_start3A_520 = tpu.memref_slice %arg2[%add3A_225] : memref<262144xi32, #tpu.memory_space<hbm>> -> memref<512xi32, #tpu.memory_space<hbm>>
      tpu.enqueue_dma source(%dma_start3A_520 : memref<512xi32, #tpu.memory_space<hbm>>) target(%dma_start3A_519 : memref<512xi32, #tpu.memory_space<vmem>>) target_semaphore(%run_scoped3A_512 : memref<!tpu.dma_semaphore, #tpu.memory_space<semaphore_mem>>)
      %dma_wait3A_521 = arith.constant 0 : i32
      %dma_wait3A_522 = tpu.memref_slice %arg7[%run_scoped3A_226, %dma_wait3A_521] : memref<2x512xi32, #tpu.memory_space<vmem>> -> memref<1x512xi32, #tpu.memory_space<vmem>>
      %dma_wait3A_523 = tpu.memref_squeeze %dma_wait3A_522 : memref<1x512xi32, #tpu.memory_space<vmem>> -> memref<512xi32, #tpu.memory_space<vmem>>
      %dma_wait3A_524 = tpu.memref_slice %arg2[%add3A_225] : memref<262144xi32, #tpu.memory_space<hbm>> -> memref<512xi32, #tpu.memory_space<hbm>>
      %dma_wait3A_525 = arith.constant 0 : i32
      %dma_wait3A_526 = tpu.memref_slice %arg7[%run_scoped3A_226, %dma_wait3A_525] : memref<2x512xi32, #tpu.memory_space<vmem>> -> memref<1x512xi32, #tpu.memory_space<vmem>>
      %dma_wait3A_527 = tpu.memref_squeeze %dma_wait3A_526 : memref<1x512xi32, #tpu.memory_space<vmem>> -> memref<512xi32, #tpu.memory_space<vmem>>
      %dma_wait3A_528 = tpu.memref_slice %arg2[%add3A_225] : memref<262144xi32, #tpu.memory_space<hbm>> -> memref<512xi32, #tpu.memory_space<hbm>>
      tpu.wait_dma2 semaphore(%run_scoped3A_512 : memref<!tpu.dma_semaphore, #tpu.memory_space<semaphore_mem>>) src(%dma_wait3A_528 : memref<512xi32, #tpu.memory_space<hbm>>) dst(%dma_wait3A_527 : memref<512xi32, #tpu.memory_space<vmem>>)
      tpu.yield
    }) : () -> ()
    %run_scoped3A_227 = arith.constant 1 : i32
    "tpu.region"() ({
      %run_scoped3A_512 = tpu.sem_alloc : memref<!tpu.dma_semaphore, #tpu.memory_space<semaphore_mem>>
      %dma_start3A_513 = arith.constant 0 : i32
      %dma_start3A_514 = tpu.memref_slice %arg8[%run_scoped3A_227, %dma_start3A_513] : memref<2x512xi32, #tpu.memory_space<vmem>> -> memref<1x512xi32, #tpu.memory_space<vmem>>
      %dma_start3A_515 = tpu.memref_squeeze %dma_start3A_514 : memref<1x512xi32, #tpu.memory_space<vmem>> -> memref<512xi32, #tpu.memory_space<vmem>>
      %dma_start3A_516 = tpu.memref_slice %arg4[%add3A_225] : memref<262144xi32, #tpu.memory_space<hbm>> -> memref<512xi32, #tpu.memory_space<hbm>>
      %dma_start3A_517 = arith.constant 0 : i32
      %dma_start3A_518 = tpu.memref_slice %arg8[%run_scoped3A_227, %dma_start3A_517] : memref<2x512xi32, #tpu.memory_space<vmem>> -> memref<1x512xi32, #tpu.memory_space<vmem>>
      %dma_start3A_519 = tpu.memref_squeeze %dma_start3A_518 : memref<1x512xi32, #tpu.memory_space<vmem>> -> memref<512xi32, #tpu.memory_space<vmem>>
      %dma_start3A_520 = tpu.memref_slice %arg4[%add3A_225] : memref<262144xi32, #tpu.memory_space<hbm>> -> memref<512xi32, #tpu.memory_space<hbm>>
      tpu.enqueue_dma source(%dma_start3A_520 : memref<512xi32, #tpu.memory_space<hbm>>) target(%dma_start3A_519 : memref<512xi32, #tpu.memory_space<vmem>>) target_semaphore(%run_scoped3A_512 : memref<!tpu.dma_semaphore, #tpu.memory_space<semaphore_mem>>)
      %dma_wait3A_521 = arith.constant 0 : i32
      %dma_wait3A_522 = tpu.memref_slice %arg8[%run_scoped3A_227, %dma_wait3A_521] : memref<2x512xi32, #tpu.memory_space<vmem>> -> memref<1x512xi32, #tpu.memory_space<vmem>>
      %dma_wait3A_523 = tpu.memref_squeeze %dma_wait3A_522 : memref<1x512xi32, #tpu.memory_space<vmem>> -> memref<512xi32, #tpu.memory_space<vmem>>
      %dma_wait3A_524 = tpu.memref_slice %arg4[%add3A_225] : memref<262144xi32, #tpu.memory_space<hbm>> -> memref<512xi32, #tpu.memory_space<hbm>>
      %dma_wait3A_525 = arith.constant 0 : i32
      %dma_wait3A_526 = tpu.memref_slice %arg8[%run_scoped3A_227, %dma_wait3A_525] : memref<2x512xi32, #tpu.memory_space<vmem>> -> memref<1x512xi32, #tpu.memory_space<vmem>>
      %dma_wait3A_527 = tpu.memref_squeeze %dma_wait3A_526 : memref<1x512xi32, #tpu.memory_space<vmem>> -> memref<512xi32, #tpu.memory_space<vmem>>
      %dma_wait3A_528 = tpu.memref_slice %arg4[%add3A_225] : memref<262144xi32, #tpu.memory_space<hbm>> -> memref<512xi32, #tpu.memory_space<hbm>>
      tpu.wait_dma2 semaphore(%run_scoped3A_512 : memref<!tpu.dma_semaphore, #tpu.memory_space<semaphore_mem>>) src(%dma_wait3A_528 : memref<512xi32, #tpu.memory_space<hbm>>) dst(%dma_wait3A_527 : memref<512xi32, #tpu.memory_space<vmem>>)
      tpu.yield
    }) : () -> ()
    %dma_start3A_228 = arith.constant 1 : i32
    %dma_start3A_229 = arith.constant 1 : i32
    %dma_start3A_230 = arith.constant 0 : i32
    %dma_start3A_231 = arith.constant 0 : i32
    %dma_start3A_232 = tpu.memref_slice %arg9[%dma_start3A_229, %dma_start3A_230, %dma_start3A_231] : memref<2x512x64xf32, #tpu.memory_space<vmem>> -> memref<1x512x64xf32, #tpu.memory_space<vmem>>
    %dma_start3A_233 = tpu.memref_squeeze %dma_start3A_232 : memref<1x512x64xf32, #tpu.memory_space<vmem>> -> memref<512x64xf32, #tpu.memory_space<vmem>>
    %dma_start3A_234 = arith.constant 0 : i32
    %dma_start3A_235 = tpu.memref_slice %arg7[%dma_start3A_228, %dma_start3A_234] : memref<2x512xi32, #tpu.memory_space<vmem>> -> memref<1x512xi32, #tpu.memory_space<vmem>>
    %dma_start3A_236 = tpu.memref_squeeze %dma_start3A_235 : memref<1x512xi32, #tpu.memory_space<vmem>> -> memref<512xi32, #tpu.memory_space<vmem>>
    %dma_start3A_237 = arith.constant 0 : i32
    %dma_start3A_238 = arith.constant 0 : i32
    %dma_start3A_239 = tpu.memref_slice %arg3[%dma_start3A_237, %dma_start3A_238] : memref<65536x64xf32, #tpu.memory_space<hbm>> -> memref<65536x64xf32, #tpu.memory_space<hbm>>
    tpu.enqueue_indirect_dma source(%dma_start3A_239 : memref<65536x64xf32, #tpu.memory_space<hbm>>) target(%dma_start3A_233 : memref<512x64xf32, #tpu.memory_space<vmem>>) offsets(%dma_start3A_236 : memref<512xi32, #tpu.memory_space<vmem>>) semaphore(%arg12 : memref<!tpu.dma_semaphore, #tpu.memory_space<semaphore_mem>>)
    %run_scoped3A_240 = arith.constant 0 : i32
    %run_scoped3A_241 = arith.constant 0 : i32
    "tpu.region"() ({
      %run_scoped3A_512 = tpu.sem_alloc : memref<!tpu.dma_semaphore, #tpu.memory_space<semaphore_mem>>
      %dma_start3A_513 = arith.constant 0 : i32
      %dma_start3A_514 = arith.constant 0 : i32
      %dma_start3A_515 = tpu.memref_slice %arg9[%run_scoped3A_240, %dma_start3A_513, %dma_start3A_514] : memref<2x512x64xf32, #tpu.memory_space<vmem>> -> memref<1x512x64xf32, #tpu.memory_space<vmem>>
      %dma_start3A_516 = tpu.memref_squeeze %dma_start3A_515 : memref<1x512x64xf32, #tpu.memory_space<vmem>> -> memref<512x64xf32, #tpu.memory_space<vmem>>
      %dma_start3A_517 = arith.constant 0 : i32
      %dma_start3A_518 = tpu.memref_slice %arg8[%run_scoped3A_241, %dma_start3A_517] : memref<2x512xi32, #tpu.memory_space<vmem>> -> memref<1x512xi32, #tpu.memory_space<vmem>>
      %dma_start3A_519 = tpu.memref_squeeze %dma_start3A_518 : memref<1x512xi32, #tpu.memory_space<vmem>> -> memref<512xi32, #tpu.memory_space<vmem>>
      %dma_start3A_520 = arith.constant 0 : i32
      %dma_start3A_521 = arith.constant 0 : i32
      %dma_start3A_522 = tpu.memref_slice %arg10[%dma_start3A_520, %dma_start3A_521] : memref<4096x64xf32, #tpu.memory_space<vmem_shared>> -> memref<4096x64xf32, #tpu.memory_space<vmem_shared>>
      tpu.enqueue_indirect_dma source(%dma_start3A_516 : memref<512x64xf32, #tpu.memory_space<vmem>>) target(%dma_start3A_522 : memref<4096x64xf32, #tpu.memory_space<vmem_shared>>) offsets(%dma_start3A_519 : memref<512xi32, #tpu.memory_space<vmem>>) semaphore(%run_scoped3A_512 : memref<!tpu.dma_semaphore, #tpu.memory_space<semaphore_mem>>) {add = true}
      %dma_wait3A_523 = arith.constant 0 : i32
      %dma_wait3A_524 = arith.constant 0 : i32
      %dma_wait3A_525 = tpu.memref_slice %arg9[%run_scoped3A_240, %dma_wait3A_523, %dma_wait3A_524] : memref<2x512x64xf32, #tpu.memory_space<vmem>> -> memref<1x512x64xf32, #tpu.memory_space<vmem>>
      %dma_wait3A_526 = tpu.memref_squeeze %dma_wait3A_525 : memref<1x512x64xf32, #tpu.memory_space<vmem>> -> memref<512x64xf32, #tpu.memory_space<vmem>>
      %dma_wait3A_527 = arith.constant 0 : i32
      %dma_wait3A_528 = tpu.memref_slice %arg8[%run_scoped3A_241, %dma_wait3A_527] : memref<2x512xi32, #tpu.memory_space<vmem>> -> memref<1x512xi32, #tpu.memory_space<vmem>>
      %dma_wait3A_529 = tpu.memref_squeeze %dma_wait3A_528 : memref<1x512xi32, #tpu.memory_space<vmem>> -> memref<512xi32, #tpu.memory_space<vmem>>
      %dma_wait3A_530 = arith.constant 0 : i32
      %dma_wait3A_531 = arith.constant 0 : i32
      %dma_wait3A_532 = tpu.memref_slice %arg10[%dma_wait3A_530, %dma_wait3A_531] : memref<4096x64xf32, #tpu.memory_space<vmem_shared>> -> memref<4096x64xf32, #tpu.memory_space<vmem_shared>>
      tpu.wait_indirect_dma semaphore(%run_scoped3A_512 : memref<!tpu.dma_semaphore, #tpu.memory_space<semaphore_mem>>) src(%dma_wait3A_526 : memref<512x64xf32, #tpu.memory_space<vmem>>) dst(%dma_wait3A_532 : memref<4096x64xf32, #tpu.memory_space<vmem_shared>>)
      tpu.yield
    }) : () -> ()
    %dma_wait3A_242 = arith.constant 1 : i32
    %dma_wait3A_243 = arith.constant 1 : i32
    %dma_wait3A_244 = arith.constant 0 : i32
    %dma_wait3A_245 = arith.constant 0 : i32
    %dma_wait3A_246 = tpu.memref_slice %arg9[%dma_wait3A_243, %dma_wait3A_244, %dma_wait3A_245] : memref<2x512x64xf32, #tpu.memory_space<vmem>> -> memref<1x512x64xf32, #tpu.memory_space<vmem>>
    %dma_wait3A_247 = tpu.memref_squeeze %dma_wait3A_246 : memref<1x512x64xf32, #tpu.memory_space<vmem>> -> memref<512x64xf32, #tpu.memory_space<vmem>>
    %dma_wait3A_248 = arith.constant 0 : i32
    %dma_wait3A_249 = tpu.memref_slice %arg7[%dma_wait3A_242, %dma_wait3A_248] : memref<2x512xi32, #tpu.memory_space<vmem>> -> memref<1x512xi32, #tpu.memory_space<vmem>>
    %dma_wait3A_250 = tpu.memref_squeeze %dma_wait3A_249 : memref<1x512xi32, #tpu.memory_space<vmem>> -> memref<512xi32, #tpu.memory_space<vmem>>
    %dma_wait3A_251 = arith.constant 0 : i32
    %dma_wait3A_252 = arith.constant 0 : i32
    %dma_wait3A_253 = tpu.memref_slice %arg3[%dma_wait3A_251, %dma_wait3A_252] : memref<65536x64xf32, #tpu.memory_space<hbm>> -> memref<65536x64xf32, #tpu.memory_space<hbm>>
    tpu.wait_indirect_dma semaphore(%arg12 : memref<!tpu.dma_semaphore, #tpu.memory_space<semaphore_mem>>) src(%dma_wait3A_253 : memref<65536x64xf32, #tpu.memory_space<hbm>>) dst(%dma_wait3A_247 : memref<512x64xf32, #tpu.memory_space<vmem>>)
    %mul3A_254 = arith.constant 8192 : i32
    %mul3A_255 = arith.muli %add3A, %mul3A_254 : i32
    %add3A_256 = arith.constant 4096 : i32
    %add3A_257 = arith.addi %mul3A_255, %add3A_256 : i32
    %run_scoped3A_258 = arith.constant 0 : i32
    "tpu.region"() ({
      %run_scoped3A_512 = tpu.sem_alloc : memref<!tpu.dma_semaphore, #tpu.memory_space<semaphore_mem>>
      %dma_start3A_513 = arith.constant 0 : i32
      %dma_start3A_514 = tpu.memref_slice %arg7[%run_scoped3A_258, %dma_start3A_513] : memref<2x512xi32, #tpu.memory_space<vmem>> -> memref<1x512xi32, #tpu.memory_space<vmem>>
      %dma_start3A_515 = tpu.memref_squeeze %dma_start3A_514 : memref<1x512xi32, #tpu.memory_space<vmem>> -> memref<512xi32, #tpu.memory_space<vmem>>
      %dma_start3A_516 = tpu.memref_slice %arg2[%add3A_257] : memref<262144xi32, #tpu.memory_space<hbm>> -> memref<512xi32, #tpu.memory_space<hbm>>
      %dma_start3A_517 = arith.constant 0 : i32
      %dma_start3A_518 = tpu.memref_slice %arg7[%run_scoped3A_258, %dma_start3A_517] : memref<2x512xi32, #tpu.memory_space<vmem>> -> memref<1x512xi32, #tpu.memory_space<vmem>>
      %dma_start3A_519 = tpu.memref_squeeze %dma_start3A_518 : memref<1x512xi32, #tpu.memory_space<vmem>> -> memref<512xi32, #tpu.memory_space<vmem>>
      %dma_start3A_520 = tpu.memref_slice %arg2[%add3A_257] : memref<262144xi32, #tpu.memory_space<hbm>> -> memref<512xi32, #tpu.memory_space<hbm>>
      tpu.enqueue_dma source(%dma_start3A_520 : memref<512xi32, #tpu.memory_space<hbm>>) target(%dma_start3A_519 : memref<512xi32, #tpu.memory_space<vmem>>) target_semaphore(%run_scoped3A_512 : memref<!tpu.dma_semaphore, #tpu.memory_space<semaphore_mem>>)
      %dma_wait3A_521 = arith.constant 0 : i32
      %dma_wait3A_522 = tpu.memref_slice %arg7[%run_scoped3A_258, %dma_wait3A_521] : memref<2x512xi32, #tpu.memory_space<vmem>> -> memref<1x512xi32, #tpu.memory_space<vmem>>
      %dma_wait3A_523 = tpu.memref_squeeze %dma_wait3A_522 : memref<1x512xi32, #tpu.memory_space<vmem>> -> memref<512xi32, #tpu.memory_space<vmem>>
      %dma_wait3A_524 = tpu.memref_slice %arg2[%add3A_257] : memref<262144xi32, #tpu.memory_space<hbm>> -> memref<512xi32, #tpu.memory_space<hbm>>
      %dma_wait3A_525 = arith.constant 0 : i32
      %dma_wait3A_526 = tpu.memref_slice %arg7[%run_scoped3A_258, %dma_wait3A_525] : memref<2x512xi32, #tpu.memory_space<vmem>> -> memref<1x512xi32, #tpu.memory_space<vmem>>
      %dma_wait3A_527 = tpu.memref_squeeze %dma_wait3A_526 : memref<1x512xi32, #tpu.memory_space<vmem>> -> memref<512xi32, #tpu.memory_space<vmem>>
      %dma_wait3A_528 = tpu.memref_slice %arg2[%add3A_257] : memref<262144xi32, #tpu.memory_space<hbm>> -> memref<512xi32, #tpu.memory_space<hbm>>
      tpu.wait_dma2 semaphore(%run_scoped3A_512 : memref<!tpu.dma_semaphore, #tpu.memory_space<semaphore_mem>>) src(%dma_wait3A_528 : memref<512xi32, #tpu.memory_space<hbm>>) dst(%dma_wait3A_527 : memref<512xi32, #tpu.memory_space<vmem>>)
      tpu.yield
    }) : () -> ()
    %run_scoped3A_259 = arith.constant 0 : i32
    "tpu.region"() ({
      %run_scoped3A_512 = tpu.sem_alloc : memref<!tpu.dma_semaphore, #tpu.memory_space<semaphore_mem>>
      %dma_start3A_513 = arith.constant 0 : i32
      %dma_start3A_514 = tpu.memref_slice %arg8[%run_scoped3A_259, %dma_start3A_513] : memref<2x512xi32, #tpu.memory_space<vmem>> -> memref<1x512xi32, #tpu.memory_space<vmem>>
      %dma_start3A_515 = tpu.memref_squeeze %dma_start3A_514 : memref<1x512xi32, #tpu.memory_space<vmem>> -> memref<512xi32, #tpu.memory_space<vmem>>
      %dma_start3A_516 = tpu.memref_slice %arg4[%add3A_257] : memref<262144xi32, #tpu.memory_space<hbm>> -> memref<512xi32, #tpu.memory_space<hbm>>
      %dma_start3A_517 = arith.constant 0 : i32
      %dma_start3A_518 = tpu.memref_slice %arg8[%run_scoped3A_259, %dma_start3A_517] : memref<2x512xi32, #tpu.memory_space<vmem>> -> memref<1x512xi32, #tpu.memory_space<vmem>>
      %dma_start3A_519 = tpu.memref_squeeze %dma_start3A_518 : memref<1x512xi32, #tpu.memory_space<vmem>> -> memref<512xi32, #tpu.memory_space<vmem>>
      %dma_start3A_520 = tpu.memref_slice %arg4[%add3A_257] : memref<262144xi32, #tpu.memory_space<hbm>> -> memref<512xi32, #tpu.memory_space<hbm>>
      tpu.enqueue_dma source(%dma_start3A_520 : memref<512xi32, #tpu.memory_space<hbm>>) target(%dma_start3A_519 : memref<512xi32, #tpu.memory_space<vmem>>) target_semaphore(%run_scoped3A_512 : memref<!tpu.dma_semaphore, #tpu.memory_space<semaphore_mem>>)
      %dma_wait3A_521 = arith.constant 0 : i32
      %dma_wait3A_522 = tpu.memref_slice %arg8[%run_scoped3A_259, %dma_wait3A_521] : memref<2x512xi32, #tpu.memory_space<vmem>> -> memref<1x512xi32, #tpu.memory_space<vmem>>
      %dma_wait3A_523 = tpu.memref_squeeze %dma_wait3A_522 : memref<1x512xi32, #tpu.memory_space<vmem>> -> memref<512xi32, #tpu.memory_space<vmem>>
      %dma_wait3A_524 = tpu.memref_slice %arg4[%add3A_257] : memref<262144xi32, #tpu.memory_space<hbm>> -> memref<512xi32, #tpu.memory_space<hbm>>
      %dma_wait3A_525 = arith.constant 0 : i32
      %dma_wait3A_526 = tpu.memref_slice %arg8[%run_scoped3A_259, %dma_wait3A_525] : memref<2x512xi32, #tpu.memory_space<vmem>> -> memref<1x512xi32, #tpu.memory_space<vmem>>
      %dma_wait3A_527 = tpu.memref_squeeze %dma_wait3A_526 : memref<1x512xi32, #tpu.memory_space<vmem>> -> memref<512xi32, #tpu.memory_space<vmem>>
      %dma_wait3A_528 = tpu.memref_slice %arg4[%add3A_257] : memref<262144xi32, #tpu.memory_space<hbm>> -> memref<512xi32, #tpu.memory_space<hbm>>
      tpu.wait_dma2 semaphore(%run_scoped3A_512 : memref<!tpu.dma_semaphore, #tpu.memory_space<semaphore_mem>>) src(%dma_wait3A_528 : memref<512xi32, #tpu.memory_space<hbm>>) dst(%dma_wait3A_527 : memref<512xi32, #tpu.memory_space<vmem>>)
      tpu.yield
    }) : () -> ()
    %dma_start3A_260 = arith.constant 0 : i32
    %dma_start3A_261 = arith.constant 0 : i32
    %dma_start3A_262 = arith.constant 0 : i32
    %dma_start3A_263 = arith.constant 0 : i32
    %dma_start3A_264 = tpu.memref_slice %arg9[%dma_start3A_261, %dma_start3A_262, %dma_start3A_263] : memref<2x512x64xf32, #tpu.memory_space<vmem>> -> memref<1x512x64xf32, #tpu.memory_space<vmem>>
    %dma_start3A_265 = tpu.memref_squeeze %dma_start3A_264 : memref<1x512x64xf32, #tpu.memory_space<vmem>> -> memref<512x64xf32, #tpu.memory_space<vmem>>
    %dma_start3A_266 = arith.constant 0 : i32
    %dma_start3A_267 = tpu.memref_slice %arg7[%dma_start3A_260, %dma_start3A_266] : memref<2x512xi32, #tpu.memory_space<vmem>> -> memref<1x512xi32, #tpu.memory_space<vmem>>
    %dma_start3A_268 = tpu.memref_squeeze %dma_start3A_267 : memref<1x512xi32, #tpu.memory_space<vmem>> -> memref<512xi32, #tpu.memory_space<vmem>>
    %dma_start3A_269 = arith.constant 0 : i32
    %dma_start3A_270 = arith.constant 0 : i32
    %dma_start3A_271 = tpu.memref_slice %arg3[%dma_start3A_269, %dma_start3A_270] : memref<65536x64xf32, #tpu.memory_space<hbm>> -> memref<65536x64xf32, #tpu.memory_space<hbm>>
    tpu.enqueue_indirect_dma source(%dma_start3A_271 : memref<65536x64xf32, #tpu.memory_space<hbm>>) target(%dma_start3A_265 : memref<512x64xf32, #tpu.memory_space<vmem>>) offsets(%dma_start3A_268 : memref<512xi32, #tpu.memory_space<vmem>>) semaphore(%arg11 : memref<!tpu.dma_semaphore, #tpu.memory_space<semaphore_mem>>)
    %run_scoped3A_272 = arith.constant 1 : i32
    %run_scoped3A_273 = arith.constant 1 : i32
    "tpu.region"() ({
      %run_scoped3A_512 = tpu.sem_alloc : memref<!tpu.dma_semaphore, #tpu.memory_space<semaphore_mem>>
      %dma_start3A_513 = arith.constant 0 : i32
      %dma_start3A_514 = arith.constant 0 : i32
      %dma_start3A_515 = tpu.memref_slice %arg9[%run_scoped3A_272, %dma_start3A_513, %dma_start3A_514] : memref<2x512x64xf32, #tpu.memory_space<vmem>> -> memref<1x512x64xf32, #tpu.memory_space<vmem>>
      %dma_start3A_516 = tpu.memref_squeeze %dma_start3A_515 : memref<1x512x64xf32, #tpu.memory_space<vmem>> -> memref<512x64xf32, #tpu.memory_space<vmem>>
      %dma_start3A_517 = arith.constant 0 : i32
      %dma_start3A_518 = tpu.memref_slice %arg8[%run_scoped3A_273, %dma_start3A_517] : memref<2x512xi32, #tpu.memory_space<vmem>> -> memref<1x512xi32, #tpu.memory_space<vmem>>
      %dma_start3A_519 = tpu.memref_squeeze %dma_start3A_518 : memref<1x512xi32, #tpu.memory_space<vmem>> -> memref<512xi32, #tpu.memory_space<vmem>>
      %dma_start3A_520 = arith.constant 0 : i32
      %dma_start3A_521 = arith.constant 0 : i32
      %dma_start3A_522 = tpu.memref_slice %arg10[%dma_start3A_520, %dma_start3A_521] : memref<4096x64xf32, #tpu.memory_space<vmem_shared>> -> memref<4096x64xf32, #tpu.memory_space<vmem_shared>>
      tpu.enqueue_indirect_dma source(%dma_start3A_516 : memref<512x64xf32, #tpu.memory_space<vmem>>) target(%dma_start3A_522 : memref<4096x64xf32, #tpu.memory_space<vmem_shared>>) offsets(%dma_start3A_519 : memref<512xi32, #tpu.memory_space<vmem>>) semaphore(%run_scoped3A_512 : memref<!tpu.dma_semaphore, #tpu.memory_space<semaphore_mem>>) {add = true}
      %dma_wait3A_523 = arith.constant 0 : i32
      %dma_wait3A_524 = arith.constant 0 : i32
      %dma_wait3A_525 = tpu.memref_slice %arg9[%run_scoped3A_272, %dma_wait3A_523, %dma_wait3A_524] : memref<2x512x64xf32, #tpu.memory_space<vmem>> -> memref<1x512x64xf32, #tpu.memory_space<vmem>>
      %dma_wait3A_526 = tpu.memref_squeeze %dma_wait3A_525 : memref<1x512x64xf32, #tpu.memory_space<vmem>> -> memref<512x64xf32, #tpu.memory_space<vmem>>
      %dma_wait3A_527 = arith.constant 0 : i32
      %dma_wait3A_528 = tpu.memref_slice %arg8[%run_scoped3A_273, %dma_wait3A_527] : memref<2x512xi32, #tpu.memory_space<vmem>> -> memref<1x512xi32, #tpu.memory_space<vmem>>
      %dma_wait3A_529 = tpu.memref_squeeze %dma_wait3A_528 : memref<1x512xi32, #tpu.memory_space<vmem>> -> memref<512xi32, #tpu.memory_space<vmem>>
      %dma_wait3A_530 = arith.constant 0 : i32
      %dma_wait3A_531 = arith.constant 0 : i32
      %dma_wait3A_532 = tpu.memref_slice %arg10[%dma_wait3A_530, %dma_wait3A_531] : memref<4096x64xf32, #tpu.memory_space<vmem_shared>> -> memref<4096x64xf32, #tpu.memory_space<vmem_shared>>
      tpu.wait_indirect_dma semaphore(%run_scoped3A_512 : memref<!tpu.dma_semaphore, #tpu.memory_space<semaphore_mem>>) src(%dma_wait3A_526 : memref<512x64xf32, #tpu.memory_space<vmem>>) dst(%dma_wait3A_532 : memref<4096x64xf32, #tpu.memory_space<vmem_shared>>)
      tpu.yield
    }) : () -> ()
    %dma_wait3A_274 = arith.constant 0 : i32
    %dma_wait3A_275 = arith.constant 0 : i32
    %dma_wait3A_276 = arith.constant 0 : i32
    %dma_wait3A_277 = arith.constant 0 : i32
    %dma_wait3A_278 = tpu.memref_slice %arg9[%dma_wait3A_275, %dma_wait3A_276, %dma_wait3A_277] : memref<2x512x64xf32, #tpu.memory_space<vmem>> -> memref<1x512x64xf32, #tpu.memory_space<vmem>>
    %dma_wait3A_279 = tpu.memref_squeeze %dma_wait3A_278 : memref<1x512x64xf32, #tpu.memory_space<vmem>> -> memref<512x64xf32, #tpu.memory_space<vmem>>
    %dma_wait3A_280 = arith.constant 0 : i32
    %dma_wait3A_281 = tpu.memref_slice %arg7[%dma_wait3A_274, %dma_wait3A_280] : memref<2x512xi32, #tpu.memory_space<vmem>> -> memref<1x512xi32, #tpu.memory_space<vmem>>
    %dma_wait3A_282 = tpu.memref_squeeze %dma_wait3A_281 : memref<1x512xi32, #tpu.memory_space<vmem>> -> memref<512xi32, #tpu.memory_space<vmem>>
    %dma_wait3A_283 = arith.constant 0 : i32
    %dma_wait3A_284 = arith.constant 0 : i32
    %dma_wait3A_285 = tpu.memref_slice %arg3[%dma_wait3A_283, %dma_wait3A_284] : memref<65536x64xf32, #tpu.memory_space<hbm>> -> memref<65536x64xf32, #tpu.memory_space<hbm>>
    tpu.wait_indirect_dma semaphore(%arg11 : memref<!tpu.dma_semaphore, #tpu.memory_space<semaphore_mem>>) src(%dma_wait3A_285 : memref<65536x64xf32, #tpu.memory_space<hbm>>) dst(%dma_wait3A_279 : memref<512x64xf32, #tpu.memory_space<vmem>>)
    %mul3A_286 = arith.constant 8192 : i32
    %mul3A_287 = arith.muli %add3A, %mul3A_286 : i32
    %add3A_288 = arith.constant 4608 : i32
    %add3A_289 = arith.addi %mul3A_287, %add3A_288 : i32
    %run_scoped3A_290 = arith.constant 1 : i32
    "tpu.region"() ({
      %run_scoped3A_512 = tpu.sem_alloc : memref<!tpu.dma_semaphore, #tpu.memory_space<semaphore_mem>>
      %dma_start3A_513 = arith.constant 0 : i32
      %dma_start3A_514 = tpu.memref_slice %arg7[%run_scoped3A_290, %dma_start3A_513] : memref<2x512xi32, #tpu.memory_space<vmem>> -> memref<1x512xi32, #tpu.memory_space<vmem>>
      %dma_start3A_515 = tpu.memref_squeeze %dma_start3A_514 : memref<1x512xi32, #tpu.memory_space<vmem>> -> memref<512xi32, #tpu.memory_space<vmem>>
      %dma_start3A_516 = tpu.memref_slice %arg2[%add3A_289] : memref<262144xi32, #tpu.memory_space<hbm>> -> memref<512xi32, #tpu.memory_space<hbm>>
      %dma_start3A_517 = arith.constant 0 : i32
      %dma_start3A_518 = tpu.memref_slice %arg7[%run_scoped3A_290, %dma_start3A_517] : memref<2x512xi32, #tpu.memory_space<vmem>> -> memref<1x512xi32, #tpu.memory_space<vmem>>
      %dma_start3A_519 = tpu.memref_squeeze %dma_start3A_518 : memref<1x512xi32, #tpu.memory_space<vmem>> -> memref<512xi32, #tpu.memory_space<vmem>>
      %dma_start3A_520 = tpu.memref_slice %arg2[%add3A_289] : memref<262144xi32, #tpu.memory_space<hbm>> -> memref<512xi32, #tpu.memory_space<hbm>>
      tpu.enqueue_dma source(%dma_start3A_520 : memref<512xi32, #tpu.memory_space<hbm>>) target(%dma_start3A_519 : memref<512xi32, #tpu.memory_space<vmem>>) target_semaphore(%run_scoped3A_512 : memref<!tpu.dma_semaphore, #tpu.memory_space<semaphore_mem>>)
      %dma_wait3A_521 = arith.constant 0 : i32
      %dma_wait3A_522 = tpu.memref_slice %arg7[%run_scoped3A_290, %dma_wait3A_521] : memref<2x512xi32, #tpu.memory_space<vmem>> -> memref<1x512xi32, #tpu.memory_space<vmem>>
      %dma_wait3A_523 = tpu.memref_squeeze %dma_wait3A_522 : memref<1x512xi32, #tpu.memory_space<vmem>> -> memref<512xi32, #tpu.memory_space<vmem>>
      %dma_wait3A_524 = tpu.memref_slice %arg2[%add3A_289] : memref<262144xi32, #tpu.memory_space<hbm>> -> memref<512xi32, #tpu.memory_space<hbm>>
      %dma_wait3A_525 = arith.constant 0 : i32
      %dma_wait3A_526 = tpu.memref_slice %arg7[%run_scoped3A_290, %dma_wait3A_525] : memref<2x512xi32, #tpu.memory_space<vmem>> -> memref<1x512xi32, #tpu.memory_space<vmem>>
      %dma_wait3A_527 = tpu.memref_squeeze %dma_wait3A_526 : memref<1x512xi32, #tpu.memory_space<vmem>> -> memref<512xi32, #tpu.memory_space<vmem>>
      %dma_wait3A_528 = tpu.memref_slice %arg2[%add3A_289] : memref<262144xi32, #tpu.memory_space<hbm>> -> memref<512xi32, #tpu.memory_space<hbm>>
      tpu.wait_dma2 semaphore(%run_scoped3A_512 : memref<!tpu.dma_semaphore, #tpu.memory_space<semaphore_mem>>) src(%dma_wait3A_528 : memref<512xi32, #tpu.memory_space<hbm>>) dst(%dma_wait3A_527 : memref<512xi32, #tpu.memory_space<vmem>>)
      tpu.yield
    }) : () -> ()
    %run_scoped3A_291 = arith.constant 1 : i32
    "tpu.region"() ({
      %run_scoped3A_512 = tpu.sem_alloc : memref<!tpu.dma_semaphore, #tpu.memory_space<semaphore_mem>>
      %dma_start3A_513 = arith.constant 0 : i32
      %dma_start3A_514 = tpu.memref_slice %arg8[%run_scoped3A_291, %dma_start3A_513] : memref<2x512xi32, #tpu.memory_space<vmem>> -> memref<1x512xi32, #tpu.memory_space<vmem>>
      %dma_start3A_515 = tpu.memref_squeeze %dma_start3A_514 : memref<1x512xi32, #tpu.memory_space<vmem>> -> memref<512xi32, #tpu.memory_space<vmem>>
      %dma_start3A_516 = tpu.memref_slice %arg4[%add3A_289] : memref<262144xi32, #tpu.memory_space<hbm>> -> memref<512xi32, #tpu.memory_space<hbm>>
      %dma_start3A_517 = arith.constant 0 : i32
      %dma_start3A_518 = tpu.memref_slice %arg8[%run_scoped3A_291, %dma_start3A_517] : memref<2x512xi32, #tpu.memory_space<vmem>> -> memref<1x512xi32, #tpu.memory_space<vmem>>
      %dma_start3A_519 = tpu.memref_squeeze %dma_start3A_518 : memref<1x512xi32, #tpu.memory_space<vmem>> -> memref<512xi32, #tpu.memory_space<vmem>>
      %dma_start3A_520 = tpu.memref_slice %arg4[%add3A_289] : memref<262144xi32, #tpu.memory_space<hbm>> -> memref<512xi32, #tpu.memory_space<hbm>>
      tpu.enqueue_dma source(%dma_start3A_520 : memref<512xi32, #tpu.memory_space<hbm>>) target(%dma_start3A_519 : memref<512xi32, #tpu.memory_space<vmem>>) target_semaphore(%run_scoped3A_512 : memref<!tpu.dma_semaphore, #tpu.memory_space<semaphore_mem>>)
      %dma_wait3A_521 = arith.constant 0 : i32
      %dma_wait3A_522 = tpu.memref_slice %arg8[%run_scoped3A_291, %dma_wait3A_521] : memref<2x512xi32, #tpu.memory_space<vmem>> -> memref<1x512xi32, #tpu.memory_space<vmem>>
      %dma_wait3A_523 = tpu.memref_squeeze %dma_wait3A_522 : memref<1x512xi32, #tpu.memory_space<vmem>> -> memref<512xi32, #tpu.memory_space<vmem>>
      %dma_wait3A_524 = tpu.memref_slice %arg4[%add3A_289] : memref<262144xi32, #tpu.memory_space<hbm>> -> memref<512xi32, #tpu.memory_space<hbm>>
      %dma_wait3A_525 = arith.constant 0 : i32
      %dma_wait3A_526 = tpu.memref_slice %arg8[%run_scoped3A_291, %dma_wait3A_525] : memref<2x512xi32, #tpu.memory_space<vmem>> -> memref<1x512xi32, #tpu.memory_space<vmem>>
      %dma_wait3A_527 = tpu.memref_squeeze %dma_wait3A_526 : memref<1x512xi32, #tpu.memory_space<vmem>> -> memref<512xi32, #tpu.memory_space<vmem>>
      %dma_wait3A_528 = tpu.memref_slice %arg4[%add3A_289] : memref<262144xi32, #tpu.memory_space<hbm>> -> memref<512xi32, #tpu.memory_space<hbm>>
      tpu.wait_dma2 semaphore(%run_scoped3A_512 : memref<!tpu.dma_semaphore, #tpu.memory_space<semaphore_mem>>) src(%dma_wait3A_528 : memref<512xi32, #tpu.memory_space<hbm>>) dst(%dma_wait3A_527 : memref<512xi32, #tpu.memory_space<vmem>>)
      tpu.yield
    }) : () -> ()
    %dma_start3A_292 = arith.constant 1 : i32
    %dma_start3A_293 = arith.constant 1 : i32
    %dma_start3A_294 = arith.constant 0 : i32
    %dma_start3A_295 = arith.constant 0 : i32
    %dma_start3A_296 = tpu.memref_slice %arg9[%dma_start3A_293, %dma_start3A_294, %dma_start3A_295] : memref<2x512x64xf32, #tpu.memory_space<vmem>> -> memref<1x512x64xf32, #tpu.memory_space<vmem>>
    %dma_start3A_297 = tpu.memref_squeeze %dma_start3A_296 : memref<1x512x64xf32, #tpu.memory_space<vmem>> -> memref<512x64xf32, #tpu.memory_space<vmem>>
    %dma_start3A_298 = arith.constant 0 : i32
    %dma_start3A_299 = tpu.memref_slice %arg7[%dma_start3A_292, %dma_start3A_298] : memref<2x512xi32, #tpu.memory_space<vmem>> -> memref<1x512xi32, #tpu.memory_space<vmem>>
    %dma_start3A_300 = tpu.memref_squeeze %dma_start3A_299 : memref<1x512xi32, #tpu.memory_space<vmem>> -> memref<512xi32, #tpu.memory_space<vmem>>
    %dma_start3A_301 = arith.constant 0 : i32
    %dma_start3A_302 = arith.constant 0 : i32
    %dma_start3A_303 = tpu.memref_slice %arg3[%dma_start3A_301, %dma_start3A_302] : memref<65536x64xf32, #tpu.memory_space<hbm>> -> memref<65536x64xf32, #tpu.memory_space<hbm>>
    tpu.enqueue_indirect_dma source(%dma_start3A_303 : memref<65536x64xf32, #tpu.memory_space<hbm>>) target(%dma_start3A_297 : memref<512x64xf32, #tpu.memory_space<vmem>>) offsets(%dma_start3A_300 : memref<512xi32, #tpu.memory_space<vmem>>) semaphore(%arg12 : memref<!tpu.dma_semaphore, #tpu.memory_space<semaphore_mem>>)
    %run_scoped3A_304 = arith.constant 0 : i32
    %run_scoped3A_305 = arith.constant 0 : i32
    "tpu.region"() ({
      %run_scoped3A_512 = tpu.sem_alloc : memref<!tpu.dma_semaphore, #tpu.memory_space<semaphore_mem>>
      %dma_start3A_513 = arith.constant 0 : i32
      %dma_start3A_514 = arith.constant 0 : i32
      %dma_start3A_515 = tpu.memref_slice %arg9[%run_scoped3A_304, %dma_start3A_513, %dma_start3A_514] : memref<2x512x64xf32, #tpu.memory_space<vmem>> -> memref<1x512x64xf32, #tpu.memory_space<vmem>>
      %dma_start3A_516 = tpu.memref_squeeze %dma_start3A_515 : memref<1x512x64xf32, #tpu.memory_space<vmem>> -> memref<512x64xf32, #tpu.memory_space<vmem>>
      %dma_start3A_517 = arith.constant 0 : i32
      %dma_start3A_518 = tpu.memref_slice %arg8[%run_scoped3A_305, %dma_start3A_517] : memref<2x512xi32, #tpu.memory_space<vmem>> -> memref<1x512xi32, #tpu.memory_space<vmem>>
      %dma_start3A_519 = tpu.memref_squeeze %dma_start3A_518 : memref<1x512xi32, #tpu.memory_space<vmem>> -> memref<512xi32, #tpu.memory_space<vmem>>
      %dma_start3A_520 = arith.constant 0 : i32
      %dma_start3A_521 = arith.constant 0 : i32
      %dma_start3A_522 = tpu.memref_slice %arg10[%dma_start3A_520, %dma_start3A_521] : memref<4096x64xf32, #tpu.memory_space<vmem_shared>> -> memref<4096x64xf32, #tpu.memory_space<vmem_shared>>
      tpu.enqueue_indirect_dma source(%dma_start3A_516 : memref<512x64xf32, #tpu.memory_space<vmem>>) target(%dma_start3A_522 : memref<4096x64xf32, #tpu.memory_space<vmem_shared>>) offsets(%dma_start3A_519 : memref<512xi32, #tpu.memory_space<vmem>>) semaphore(%run_scoped3A_512 : memref<!tpu.dma_semaphore, #tpu.memory_space<semaphore_mem>>) {add = true}
      %dma_wait3A_523 = arith.constant 0 : i32
      %dma_wait3A_524 = arith.constant 0 : i32
      %dma_wait3A_525 = tpu.memref_slice %arg9[%run_scoped3A_304, %dma_wait3A_523, %dma_wait3A_524] : memref<2x512x64xf32, #tpu.memory_space<vmem>> -> memref<1x512x64xf32, #tpu.memory_space<vmem>>
      %dma_wait3A_526 = tpu.memref_squeeze %dma_wait3A_525 : memref<1x512x64xf32, #tpu.memory_space<vmem>> -> memref<512x64xf32, #tpu.memory_space<vmem>>
      %dma_wait3A_527 = arith.constant 0 : i32
      %dma_wait3A_528 = tpu.memref_slice %arg8[%run_scoped3A_305, %dma_wait3A_527] : memref<2x512xi32, #tpu.memory_space<vmem>> -> memref<1x512xi32, #tpu.memory_space<vmem>>
      %dma_wait3A_529 = tpu.memref_squeeze %dma_wait3A_528 : memref<1x512xi32, #tpu.memory_space<vmem>> -> memref<512xi32, #tpu.memory_space<vmem>>
      %dma_wait3A_530 = arith.constant 0 : i32
      %dma_wait3A_531 = arith.constant 0 : i32
      %dma_wait3A_532 = tpu.memref_slice %arg10[%dma_wait3A_530, %dma_wait3A_531] : memref<4096x64xf32, #tpu.memory_space<vmem_shared>> -> memref<4096x64xf32, #tpu.memory_space<vmem_shared>>
      tpu.wait_indirect_dma semaphore(%run_scoped3A_512 : memref<!tpu.dma_semaphore, #tpu.memory_space<semaphore_mem>>) src(%dma_wait3A_526 : memref<512x64xf32, #tpu.memory_space<vmem>>) dst(%dma_wait3A_532 : memref<4096x64xf32, #tpu.memory_space<vmem_shared>>)
      tpu.yield
    }) : () -> ()
    %dma_wait3A_306 = arith.constant 1 : i32
    %dma_wait3A_307 = arith.constant 1 : i32
    %dma_wait3A_308 = arith.constant 0 : i32
    %dma_wait3A_309 = arith.constant 0 : i32
    %dma_wait3A_310 = tpu.memref_slice %arg9[%dma_wait3A_307, %dma_wait3A_308, %dma_wait3A_309] : memref<2x512x64xf32, #tpu.memory_space<vmem>> -> memref<1x512x64xf32, #tpu.memory_space<vmem>>
    %dma_wait3A_311 = tpu.memref_squeeze %dma_wait3A_310 : memref<1x512x64xf32, #tpu.memory_space<vmem>> -> memref<512x64xf32, #tpu.memory_space<vmem>>
    %dma_wait3A_312 = arith.constant 0 : i32
    %dma_wait3A_313 = tpu.memref_slice %arg7[%dma_wait3A_306, %dma_wait3A_312] : memref<2x512xi32, #tpu.memory_space<vmem>> -> memref<1x512xi32, #tpu.memory_space<vmem>>
    %dma_wait3A_314 = tpu.memref_squeeze %dma_wait3A_313 : memref<1x512xi32, #tpu.memory_space<vmem>> -> memref<512xi32, #tpu.memory_space<vmem>>
    %dma_wait3A_315 = arith.constant 0 : i32
    %dma_wait3A_316 = arith.constant 0 : i32
    %dma_wait3A_317 = tpu.memref_slice %arg3[%dma_wait3A_315, %dma_wait3A_316] : memref<65536x64xf32, #tpu.memory_space<hbm>> -> memref<65536x64xf32, #tpu.memory_space<hbm>>
    tpu.wait_indirect_dma semaphore(%arg12 : memref<!tpu.dma_semaphore, #tpu.memory_space<semaphore_mem>>) src(%dma_wait3A_317 : memref<65536x64xf32, #tpu.memory_space<hbm>>) dst(%dma_wait3A_311 : memref<512x64xf32, #tpu.memory_space<vmem>>)
    %mul3A_318 = arith.constant 8192 : i32
    %mul3A_319 = arith.muli %add3A, %mul3A_318 : i32
    %add3A_320 = arith.constant 5120 : i32
    %add3A_321 = arith.addi %mul3A_319, %add3A_320 : i32
    %run_scoped3A_322 = arith.constant 0 : i32
    "tpu.region"() ({
      %run_scoped3A_512 = tpu.sem_alloc : memref<!tpu.dma_semaphore, #tpu.memory_space<semaphore_mem>>
      %dma_start3A_513 = arith.constant 0 : i32
      %dma_start3A_514 = tpu.memref_slice %arg7[%run_scoped3A_322, %dma_start3A_513] : memref<2x512xi32, #tpu.memory_space<vmem>> -> memref<1x512xi32, #tpu.memory_space<vmem>>
      %dma_start3A_515 = tpu.memref_squeeze %dma_start3A_514 : memref<1x512xi32, #tpu.memory_space<vmem>> -> memref<512xi32, #tpu.memory_space<vmem>>
      %dma_start3A_516 = tpu.memref_slice %arg2[%add3A_321] : memref<262144xi32, #tpu.memory_space<hbm>> -> memref<512xi32, #tpu.memory_space<hbm>>
      %dma_start3A_517 = arith.constant 0 : i32
      %dma_start3A_518 = tpu.memref_slice %arg7[%run_scoped3A_322, %dma_start3A_517] : memref<2x512xi32, #tpu.memory_space<vmem>> -> memref<1x512xi32, #tpu.memory_space<vmem>>
      %dma_start3A_519 = tpu.memref_squeeze %dma_start3A_518 : memref<1x512xi32, #tpu.memory_space<vmem>> -> memref<512xi32, #tpu.memory_space<vmem>>
      %dma_start3A_520 = tpu.memref_slice %arg2[%add3A_321] : memref<262144xi32, #tpu.memory_space<hbm>> -> memref<512xi32, #tpu.memory_space<hbm>>
      tpu.enqueue_dma source(%dma_start3A_520 : memref<512xi32, #tpu.memory_space<hbm>>) target(%dma_start3A_519 : memref<512xi32, #tpu.memory_space<vmem>>) target_semaphore(%run_scoped3A_512 : memref<!tpu.dma_semaphore, #tpu.memory_space<semaphore_mem>>)
      %dma_wait3A_521 = arith.constant 0 : i32
      %dma_wait3A_522 = tpu.memref_slice %arg7[%run_scoped3A_322, %dma_wait3A_521] : memref<2x512xi32, #tpu.memory_space<vmem>> -> memref<1x512xi32, #tpu.memory_space<vmem>>
      %dma_wait3A_523 = tpu.memref_squeeze %dma_wait3A_522 : memref<1x512xi32, #tpu.memory_space<vmem>> -> memref<512xi32, #tpu.memory_space<vmem>>
      %dma_wait3A_524 = tpu.memref_slice %arg2[%add3A_321] : memref<262144xi32, #tpu.memory_space<hbm>> -> memref<512xi32, #tpu.memory_space<hbm>>
      %dma_wait3A_525 = arith.constant 0 : i32
      %dma_wait3A_526 = tpu.memref_slice %arg7[%run_scoped3A_322, %dma_wait3A_525] : memref<2x512xi32, #tpu.memory_space<vmem>> -> memref<1x512xi32, #tpu.memory_space<vmem>>
      %dma_wait3A_527 = tpu.memref_squeeze %dma_wait3A_526 : memref<1x512xi32, #tpu.memory_space<vmem>> -> memref<512xi32, #tpu.memory_space<vmem>>
      %dma_wait3A_528 = tpu.memref_slice %arg2[%add3A_321] : memref<262144xi32, #tpu.memory_space<hbm>> -> memref<512xi32, #tpu.memory_space<hbm>>
      tpu.wait_dma2 semaphore(%run_scoped3A_512 : memref<!tpu.dma_semaphore, #tpu.memory_space<semaphore_mem>>) src(%dma_wait3A_528 : memref<512xi32, #tpu.memory_space<hbm>>) dst(%dma_wait3A_527 : memref<512xi32, #tpu.memory_space<vmem>>)
      tpu.yield
    }) : () -> ()
    %run_scoped3A_323 = arith.constant 0 : i32
    "tpu.region"() ({
      %run_scoped3A_512 = tpu.sem_alloc : memref<!tpu.dma_semaphore, #tpu.memory_space<semaphore_mem>>
      %dma_start3A_513 = arith.constant 0 : i32
      %dma_start3A_514 = tpu.memref_slice %arg8[%run_scoped3A_323, %dma_start3A_513] : memref<2x512xi32, #tpu.memory_space<vmem>> -> memref<1x512xi32, #tpu.memory_space<vmem>>
      %dma_start3A_515 = tpu.memref_squeeze %dma_start3A_514 : memref<1x512xi32, #tpu.memory_space<vmem>> -> memref<512xi32, #tpu.memory_space<vmem>>
      %dma_start3A_516 = tpu.memref_slice %arg4[%add3A_321] : memref<262144xi32, #tpu.memory_space<hbm>> -> memref<512xi32, #tpu.memory_space<hbm>>
      %dma_start3A_517 = arith.constant 0 : i32
      %dma_start3A_518 = tpu.memref_slice %arg8[%run_scoped3A_323, %dma_start3A_517] : memref<2x512xi32, #tpu.memory_space<vmem>> -> memref<1x512xi32, #tpu.memory_space<vmem>>
      %dma_start3A_519 = tpu.memref_squeeze %dma_start3A_518 : memref<1x512xi32, #tpu.memory_space<vmem>> -> memref<512xi32, #tpu.memory_space<vmem>>
      %dma_start3A_520 = tpu.memref_slice %arg4[%add3A_321] : memref<262144xi32, #tpu.memory_space<hbm>> -> memref<512xi32, #tpu.memory_space<hbm>>
      tpu.enqueue_dma source(%dma_start3A_520 : memref<512xi32, #tpu.memory_space<hbm>>) target(%dma_start3A_519 : memref<512xi32, #tpu.memory_space<vmem>>) target_semaphore(%run_scoped3A_512 : memref<!tpu.dma_semaphore, #tpu.memory_space<semaphore_mem>>)
      %dma_wait3A_521 = arith.constant 0 : i32
      %dma_wait3A_522 = tpu.memref_slice %arg8[%run_scoped3A_323, %dma_wait3A_521] : memref<2x512xi32, #tpu.memory_space<vmem>> -> memref<1x512xi32, #tpu.memory_space<vmem>>
      %dma_wait3A_523 = tpu.memref_squeeze %dma_wait3A_522 : memref<1x512xi32, #tpu.memory_space<vmem>> -> memref<512xi32, #tpu.memory_space<vmem>>
      %dma_wait3A_524 = tpu.memref_slice %arg4[%add3A_321] : memref<262144xi32, #tpu.memory_space<hbm>> -> memref<512xi32, #tpu.memory_space<hbm>>
      %dma_wait3A_525 = arith.constant 0 : i32
      %dma_wait3A_526 = tpu.memref_slice %arg8[%run_scoped3A_323, %dma_wait3A_525] : memref<2x512xi32, #tpu.memory_space<vmem>> -> memref<1x512xi32, #tpu.memory_space<vmem>>
      %dma_wait3A_527 = tpu.memref_squeeze %dma_wait3A_526 : memref<1x512xi32, #tpu.memory_space<vmem>> -> memref<512xi32, #tpu.memory_space<vmem>>
      %dma_wait3A_528 = tpu.memref_slice %arg4[%add3A_321] : memref<262144xi32, #tpu.memory_space<hbm>> -> memref<512xi32, #tpu.memory_space<hbm>>
      tpu.wait_dma2 semaphore(%run_scoped3A_512 : memref<!tpu.dma_semaphore, #tpu.memory_space<semaphore_mem>>) src(%dma_wait3A_528 : memref<512xi32, #tpu.memory_space<hbm>>) dst(%dma_wait3A_527 : memref<512xi32, #tpu.memory_space<vmem>>)
      tpu.yield
    }) : () -> ()
    %dma_start3A_324 = arith.constant 0 : i32
    %dma_start3A_325 = arith.constant 0 : i32
    %dma_start3A_326 = arith.constant 0 : i32
    %dma_start3A_327 = arith.constant 0 : i32
    %dma_start3A_328 = tpu.memref_slice %arg9[%dma_start3A_325, %dma_start3A_326, %dma_start3A_327] : memref<2x512x64xf32, #tpu.memory_space<vmem>> -> memref<1x512x64xf32, #tpu.memory_space<vmem>>
    %dma_start3A_329 = tpu.memref_squeeze %dma_start3A_328 : memref<1x512x64xf32, #tpu.memory_space<vmem>> -> memref<512x64xf32, #tpu.memory_space<vmem>>
    %dma_start3A_330 = arith.constant 0 : i32
    %dma_start3A_331 = tpu.memref_slice %arg7[%dma_start3A_324, %dma_start3A_330] : memref<2x512xi32, #tpu.memory_space<vmem>> -> memref<1x512xi32, #tpu.memory_space<vmem>>
    %dma_start3A_332 = tpu.memref_squeeze %dma_start3A_331 : memref<1x512xi32, #tpu.memory_space<vmem>> -> memref<512xi32, #tpu.memory_space<vmem>>
    %dma_start3A_333 = arith.constant 0 : i32
    %dma_start3A_334 = arith.constant 0 : i32
    %dma_start3A_335 = tpu.memref_slice %arg3[%dma_start3A_333, %dma_start3A_334] : memref<65536x64xf32, #tpu.memory_space<hbm>> -> memref<65536x64xf32, #tpu.memory_space<hbm>>
    tpu.enqueue_indirect_dma source(%dma_start3A_335 : memref<65536x64xf32, #tpu.memory_space<hbm>>) target(%dma_start3A_329 : memref<512x64xf32, #tpu.memory_space<vmem>>) offsets(%dma_start3A_332 : memref<512xi32, #tpu.memory_space<vmem>>) semaphore(%arg11 : memref<!tpu.dma_semaphore, #tpu.memory_space<semaphore_mem>>)
    %run_scoped3A_336 = arith.constant 1 : i32
    %run_scoped3A_337 = arith.constant 1 : i32
    "tpu.region"() ({
      %run_scoped3A_512 = tpu.sem_alloc : memref<!tpu.dma_semaphore, #tpu.memory_space<semaphore_mem>>
      %dma_start3A_513 = arith.constant 0 : i32
      %dma_start3A_514 = arith.constant 0 : i32
      %dma_start3A_515 = tpu.memref_slice %arg9[%run_scoped3A_336, %dma_start3A_513, %dma_start3A_514] : memref<2x512x64xf32, #tpu.memory_space<vmem>> -> memref<1x512x64xf32, #tpu.memory_space<vmem>>
      %dma_start3A_516 = tpu.memref_squeeze %dma_start3A_515 : memref<1x512x64xf32, #tpu.memory_space<vmem>> -> memref<512x64xf32, #tpu.memory_space<vmem>>
      %dma_start3A_517 = arith.constant 0 : i32
      %dma_start3A_518 = tpu.memref_slice %arg8[%run_scoped3A_337, %dma_start3A_517] : memref<2x512xi32, #tpu.memory_space<vmem>> -> memref<1x512xi32, #tpu.memory_space<vmem>>
      %dma_start3A_519 = tpu.memref_squeeze %dma_start3A_518 : memref<1x512xi32, #tpu.memory_space<vmem>> -> memref<512xi32, #tpu.memory_space<vmem>>
      %dma_start3A_520 = arith.constant 0 : i32
      %dma_start3A_521 = arith.constant 0 : i32
      %dma_start3A_522 = tpu.memref_slice %arg10[%dma_start3A_520, %dma_start3A_521] : memref<4096x64xf32, #tpu.memory_space<vmem_shared>> -> memref<4096x64xf32, #tpu.memory_space<vmem_shared>>
      tpu.enqueue_indirect_dma source(%dma_start3A_516 : memref<512x64xf32, #tpu.memory_space<vmem>>) target(%dma_start3A_522 : memref<4096x64xf32, #tpu.memory_space<vmem_shared>>) offsets(%dma_start3A_519 : memref<512xi32, #tpu.memory_space<vmem>>) semaphore(%run_scoped3A_512 : memref<!tpu.dma_semaphore, #tpu.memory_space<semaphore_mem>>) {add = true}
      %dma_wait3A_523 = arith.constant 0 : i32
      %dma_wait3A_524 = arith.constant 0 : i32
      %dma_wait3A_525 = tpu.memref_slice %arg9[%run_scoped3A_336, %dma_wait3A_523, %dma_wait3A_524] : memref<2x512x64xf32, #tpu.memory_space<vmem>> -> memref<1x512x64xf32, #tpu.memory_space<vmem>>
      %dma_wait3A_526 = tpu.memref_squeeze %dma_wait3A_525 : memref<1x512x64xf32, #tpu.memory_space<vmem>> -> memref<512x64xf32, #tpu.memory_space<vmem>>
      %dma_wait3A_527 = arith.constant 0 : i32
      %dma_wait3A_528 = tpu.memref_slice %arg8[%run_scoped3A_337, %dma_wait3A_527] : memref<2x512xi32, #tpu.memory_space<vmem>> -> memref<1x512xi32, #tpu.memory_space<vmem>>
      %dma_wait3A_529 = tpu.memref_squeeze %dma_wait3A_528 : memref<1x512xi32, #tpu.memory_space<vmem>> -> memref<512xi32, #tpu.memory_space<vmem>>
      %dma_wait3A_530 = arith.constant 0 : i32
      %dma_wait3A_531 = arith.constant 0 : i32
      %dma_wait3A_532 = tpu.memref_slice %arg10[%dma_wait3A_530, %dma_wait3A_531] : memref<4096x64xf32, #tpu.memory_space<vmem_shared>> -> memref<4096x64xf32, #tpu.memory_space<vmem_shared>>
      tpu.wait_indirect_dma semaphore(%run_scoped3A_512 : memref<!tpu.dma_semaphore, #tpu.memory_space<semaphore_mem>>) src(%dma_wait3A_526 : memref<512x64xf32, #tpu.memory_space<vmem>>) dst(%dma_wait3A_532 : memref<4096x64xf32, #tpu.memory_space<vmem_shared>>)
      tpu.yield
    }) : () -> ()
    %dma_wait3A_338 = arith.constant 0 : i32
    %dma_wait3A_339 = arith.constant 0 : i32
    %dma_wait3A_340 = arith.constant 0 : i32
    %dma_wait3A_341 = arith.constant 0 : i32
    %dma_wait3A_342 = tpu.memref_slice %arg9[%dma_wait3A_339, %dma_wait3A_340, %dma_wait3A_341] : memref<2x512x64xf32, #tpu.memory_space<vmem>> -> memref<1x512x64xf32, #tpu.memory_space<vmem>>
    %dma_wait3A_343 = tpu.memref_squeeze %dma_wait3A_342 : memref<1x512x64xf32, #tpu.memory_space<vmem>> -> memref<512x64xf32, #tpu.memory_space<vmem>>
    %dma_wait3A_344 = arith.constant 0 : i32
    %dma_wait3A_345 = tpu.memref_slice %arg7[%dma_wait3A_338, %dma_wait3A_344] : memref<2x512xi32, #tpu.memory_space<vmem>> -> memref<1x512xi32, #tpu.memory_space<vmem>>
    %dma_wait3A_346 = tpu.memref_squeeze %dma_wait3A_345 : memref<1x512xi32, #tpu.memory_space<vmem>> -> memref<512xi32, #tpu.memory_space<vmem>>
    %dma_wait3A_347 = arith.constant 0 : i32
    %dma_wait3A_348 = arith.constant 0 : i32
    %dma_wait3A_349 = tpu.memref_slice %arg3[%dma_wait3A_347, %dma_wait3A_348] : memref<65536x64xf32, #tpu.memory_space<hbm>> -> memref<65536x64xf32, #tpu.memory_space<hbm>>
    tpu.wait_indirect_dma semaphore(%arg11 : memref<!tpu.dma_semaphore, #tpu.memory_space<semaphore_mem>>) src(%dma_wait3A_349 : memref<65536x64xf32, #tpu.memory_space<hbm>>) dst(%dma_wait3A_343 : memref<512x64xf32, #tpu.memory_space<vmem>>)
    %mul3A_350 = arith.constant 8192 : i32
    %mul3A_351 = arith.muli %add3A, %mul3A_350 : i32
    %add3A_352 = arith.constant 5632 : i32
    %add3A_353 = arith.addi %mul3A_351, %add3A_352 : i32
    %run_scoped3A_354 = arith.constant 1 : i32
    "tpu.region"() ({
      %run_scoped3A_512 = tpu.sem_alloc : memref<!tpu.dma_semaphore, #tpu.memory_space<semaphore_mem>>
      %dma_start3A_513 = arith.constant 0 : i32
      %dma_start3A_514 = tpu.memref_slice %arg7[%run_scoped3A_354, %dma_start3A_513] : memref<2x512xi32, #tpu.memory_space<vmem>> -> memref<1x512xi32, #tpu.memory_space<vmem>>
      %dma_start3A_515 = tpu.memref_squeeze %dma_start3A_514 : memref<1x512xi32, #tpu.memory_space<vmem>> -> memref<512xi32, #tpu.memory_space<vmem>>
      %dma_start3A_516 = tpu.memref_slice %arg2[%add3A_353] : memref<262144xi32, #tpu.memory_space<hbm>> -> memref<512xi32, #tpu.memory_space<hbm>>
      %dma_start3A_517 = arith.constant 0 : i32
      %dma_start3A_518 = tpu.memref_slice %arg7[%run_scoped3A_354, %dma_start3A_517] : memref<2x512xi32, #tpu.memory_space<vmem>> -> memref<1x512xi32, #tpu.memory_space<vmem>>
      %dma_start3A_519 = tpu.memref_squeeze %dma_start3A_518 : memref<1x512xi32, #tpu.memory_space<vmem>> -> memref<512xi32, #tpu.memory_space<vmem>>
      %dma_start3A_520 = tpu.memref_slice %arg2[%add3A_353] : memref<262144xi32, #tpu.memory_space<hbm>> -> memref<512xi32, #tpu.memory_space<hbm>>
      tpu.enqueue_dma source(%dma_start3A_520 : memref<512xi32, #tpu.memory_space<hbm>>) target(%dma_start3A_519 : memref<512xi32, #tpu.memory_space<vmem>>) target_semaphore(%run_scoped3A_512 : memref<!tpu.dma_semaphore, #tpu.memory_space<semaphore_mem>>)
      %dma_wait3A_521 = arith.constant 0 : i32
      %dma_wait3A_522 = tpu.memref_slice %arg7[%run_scoped3A_354, %dma_wait3A_521] : memref<2x512xi32, #tpu.memory_space<vmem>> -> memref<1x512xi32, #tpu.memory_space<vmem>>
      %dma_wait3A_523 = tpu.memref_squeeze %dma_wait3A_522 : memref<1x512xi32, #tpu.memory_space<vmem>> -> memref<512xi32, #tpu.memory_space<vmem>>
      %dma_wait3A_524 = tpu.memref_slice %arg2[%add3A_353] : memref<262144xi32, #tpu.memory_space<hbm>> -> memref<512xi32, #tpu.memory_space<hbm>>
      %dma_wait3A_525 = arith.constant 0 : i32
      %dma_wait3A_526 = tpu.memref_slice %arg7[%run_scoped3A_354, %dma_wait3A_525] : memref<2x512xi32, #tpu.memory_space<vmem>> -> memref<1x512xi32, #tpu.memory_space<vmem>>
      %dma_wait3A_527 = tpu.memref_squeeze %dma_wait3A_526 : memref<1x512xi32, #tpu.memory_space<vmem>> -> memref<512xi32, #tpu.memory_space<vmem>>
      %dma_wait3A_528 = tpu.memref_slice %arg2[%add3A_353] : memref<262144xi32, #tpu.memory_space<hbm>> -> memref<512xi32, #tpu.memory_space<hbm>>
      tpu.wait_dma2 semaphore(%run_scoped3A_512 : memref<!tpu.dma_semaphore, #tpu.memory_space<semaphore_mem>>) src(%dma_wait3A_528 : memref<512xi32, #tpu.memory_space<hbm>>) dst(%dma_wait3A_527 : memref<512xi32, #tpu.memory_space<vmem>>)
      tpu.yield
    }) : () -> ()
    %run_scoped3A_355 = arith.constant 1 : i32
    "tpu.region"() ({
      %run_scoped3A_512 = tpu.sem_alloc : memref<!tpu.dma_semaphore, #tpu.memory_space<semaphore_mem>>
      %dma_start3A_513 = arith.constant 0 : i32
      %dma_start3A_514 = tpu.memref_slice %arg8[%run_scoped3A_355, %dma_start3A_513] : memref<2x512xi32, #tpu.memory_space<vmem>> -> memref<1x512xi32, #tpu.memory_space<vmem>>
      %dma_start3A_515 = tpu.memref_squeeze %dma_start3A_514 : memref<1x512xi32, #tpu.memory_space<vmem>> -> memref<512xi32, #tpu.memory_space<vmem>>
      %dma_start3A_516 = tpu.memref_slice %arg4[%add3A_353] : memref<262144xi32, #tpu.memory_space<hbm>> -> memref<512xi32, #tpu.memory_space<hbm>>
      %dma_start3A_517 = arith.constant 0 : i32
      %dma_start3A_518 = tpu.memref_slice %arg8[%run_scoped3A_355, %dma_start3A_517] : memref<2x512xi32, #tpu.memory_space<vmem>> -> memref<1x512xi32, #tpu.memory_space<vmem>>
      %dma_start3A_519 = tpu.memref_squeeze %dma_start3A_518 : memref<1x512xi32, #tpu.memory_space<vmem>> -> memref<512xi32, #tpu.memory_space<vmem>>
      %dma_start3A_520 = tpu.memref_slice %arg4[%add3A_353] : memref<262144xi32, #tpu.memory_space<hbm>> -> memref<512xi32, #tpu.memory_space<hbm>>
      tpu.enqueue_dma source(%dma_start3A_520 : memref<512xi32, #tpu.memory_space<hbm>>) target(%dma_start3A_519 : memref<512xi32, #tpu.memory_space<vmem>>) target_semaphore(%run_scoped3A_512 : memref<!tpu.dma_semaphore, #tpu.memory_space<semaphore_mem>>)
      %dma_wait3A_521 = arith.constant 0 : i32
      %dma_wait3A_522 = tpu.memref_slice %arg8[%run_scoped3A_355, %dma_wait3A_521] : memref<2x512xi32, #tpu.memory_space<vmem>> -> memref<1x512xi32, #tpu.memory_space<vmem>>
      %dma_wait3A_523 = tpu.memref_squeeze %dma_wait3A_522 : memref<1x512xi32, #tpu.memory_space<vmem>> -> memref<512xi32, #tpu.memory_space<vmem>>
      %dma_wait3A_524 = tpu.memref_slice %arg4[%add3A_353] : memref<262144xi32, #tpu.memory_space<hbm>> -> memref<512xi32, #tpu.memory_space<hbm>>
      %dma_wait3A_525 = arith.constant 0 : i32
      %dma_wait3A_526 = tpu.memref_slice %arg8[%run_scoped3A_355, %dma_wait3A_525] : memref<2x512xi32, #tpu.memory_space<vmem>> -> memref<1x512xi32, #tpu.memory_space<vmem>>
      %dma_wait3A_527 = tpu.memref_squeeze %dma_wait3A_526 : memref<1x512xi32, #tpu.memory_space<vmem>> -> memref<512xi32, #tpu.memory_space<vmem>>
      %dma_wait3A_528 = tpu.memref_slice %arg4[%add3A_353] : memref<262144xi32, #tpu.memory_space<hbm>> -> memref<512xi32, #tpu.memory_space<hbm>>
      tpu.wait_dma2 semaphore(%run_scoped3A_512 : memref<!tpu.dma_semaphore, #tpu.memory_space<semaphore_mem>>) src(%dma_wait3A_528 : memref<512xi32, #tpu.memory_space<hbm>>) dst(%dma_wait3A_527 : memref<512xi32, #tpu.memory_space<vmem>>)
      tpu.yield
    }) : () -> ()
    %dma_start3A_356 = arith.constant 1 : i32
    %dma_start3A_357 = arith.constant 1 : i32
    %dma_start3A_358 = arith.constant 0 : i32
    %dma_start3A_359 = arith.constant 0 : i32
    %dma_start3A_360 = tpu.memref_slice %arg9[%dma_start3A_357, %dma_start3A_358, %dma_start3A_359] : memref<2x512x64xf32, #tpu.memory_space<vmem>> -> memref<1x512x64xf32, #tpu.memory_space<vmem>>
    %dma_start3A_361 = tpu.memref_squeeze %dma_start3A_360 : memref<1x512x64xf32, #tpu.memory_space<vmem>> -> memref<512x64xf32, #tpu.memory_space<vmem>>
    %dma_start3A_362 = arith.constant 0 : i32
    %dma_start3A_363 = tpu.memref_slice %arg7[%dma_start3A_356, %dma_start3A_362] : memref<2x512xi32, #tpu.memory_space<vmem>> -> memref<1x512xi32, #tpu.memory_space<vmem>>
    %dma_start3A_364 = tpu.memref_squeeze %dma_start3A_363 : memref<1x512xi32, #tpu.memory_space<vmem>> -> memref<512xi32, #tpu.memory_space<vmem>>
    %dma_start3A_365 = arith.constant 0 : i32
    %dma_start3A_366 = arith.constant 0 : i32
    %dma_start3A_367 = tpu.memref_slice %arg3[%dma_start3A_365, %dma_start3A_366] : memref<65536x64xf32, #tpu.memory_space<hbm>> -> memref<65536x64xf32, #tpu.memory_space<hbm>>
    tpu.enqueue_indirect_dma source(%dma_start3A_367 : memref<65536x64xf32, #tpu.memory_space<hbm>>) target(%dma_start3A_361 : memref<512x64xf32, #tpu.memory_space<vmem>>) offsets(%dma_start3A_364 : memref<512xi32, #tpu.memory_space<vmem>>) semaphore(%arg12 : memref<!tpu.dma_semaphore, #tpu.memory_space<semaphore_mem>>)
    %run_scoped3A_368 = arith.constant 0 : i32
    %run_scoped3A_369 = arith.constant 0 : i32
    "tpu.region"() ({
      %run_scoped3A_512 = tpu.sem_alloc : memref<!tpu.dma_semaphore, #tpu.memory_space<semaphore_mem>>
      %dma_start3A_513 = arith.constant 0 : i32
      %dma_start3A_514 = arith.constant 0 : i32
      %dma_start3A_515 = tpu.memref_slice %arg9[%run_scoped3A_368, %dma_start3A_513, %dma_start3A_514] : memref<2x512x64xf32, #tpu.memory_space<vmem>> -> memref<1x512x64xf32, #tpu.memory_space<vmem>>
      %dma_start3A_516 = tpu.memref_squeeze %dma_start3A_515 : memref<1x512x64xf32, #tpu.memory_space<vmem>> -> memref<512x64xf32, #tpu.memory_space<vmem>>
      %dma_start3A_517 = arith.constant 0 : i32
      %dma_start3A_518 = tpu.memref_slice %arg8[%run_scoped3A_369, %dma_start3A_517] : memref<2x512xi32, #tpu.memory_space<vmem>> -> memref<1x512xi32, #tpu.memory_space<vmem>>
      %dma_start3A_519 = tpu.memref_squeeze %dma_start3A_518 : memref<1x512xi32, #tpu.memory_space<vmem>> -> memref<512xi32, #tpu.memory_space<vmem>>
      %dma_start3A_520 = arith.constant 0 : i32
      %dma_start3A_521 = arith.constant 0 : i32
      %dma_start3A_522 = tpu.memref_slice %arg10[%dma_start3A_520, %dma_start3A_521] : memref<4096x64xf32, #tpu.memory_space<vmem_shared>> -> memref<4096x64xf32, #tpu.memory_space<vmem_shared>>
      tpu.enqueue_indirect_dma source(%dma_start3A_516 : memref<512x64xf32, #tpu.memory_space<vmem>>) target(%dma_start3A_522 : memref<4096x64xf32, #tpu.memory_space<vmem_shared>>) offsets(%dma_start3A_519 : memref<512xi32, #tpu.memory_space<vmem>>) semaphore(%run_scoped3A_512 : memref<!tpu.dma_semaphore, #tpu.memory_space<semaphore_mem>>) {add = true}
      %dma_wait3A_523 = arith.constant 0 : i32
      %dma_wait3A_524 = arith.constant 0 : i32
      %dma_wait3A_525 = tpu.memref_slice %arg9[%run_scoped3A_368, %dma_wait3A_523, %dma_wait3A_524] : memref<2x512x64xf32, #tpu.memory_space<vmem>> -> memref<1x512x64xf32, #tpu.memory_space<vmem>>
      %dma_wait3A_526 = tpu.memref_squeeze %dma_wait3A_525 : memref<1x512x64xf32, #tpu.memory_space<vmem>> -> memref<512x64xf32, #tpu.memory_space<vmem>>
      %dma_wait3A_527 = arith.constant 0 : i32
      %dma_wait3A_528 = tpu.memref_slice %arg8[%run_scoped3A_369, %dma_wait3A_527] : memref<2x512xi32, #tpu.memory_space<vmem>> -> memref<1x512xi32, #tpu.memory_space<vmem>>
      %dma_wait3A_529 = tpu.memref_squeeze %dma_wait3A_528 : memref<1x512xi32, #tpu.memory_space<vmem>> -> memref<512xi32, #tpu.memory_space<vmem>>
      %dma_wait3A_530 = arith.constant 0 : i32
      %dma_wait3A_531 = arith.constant 0 : i32
      %dma_wait3A_532 = tpu.memref_slice %arg10[%dma_wait3A_530, %dma_wait3A_531] : memref<4096x64xf32, #tpu.memory_space<vmem_shared>> -> memref<4096x64xf32, #tpu.memory_space<vmem_shared>>
      tpu.wait_indirect_dma semaphore(%run_scoped3A_512 : memref<!tpu.dma_semaphore, #tpu.memory_space<semaphore_mem>>) src(%dma_wait3A_526 : memref<512x64xf32, #tpu.memory_space<vmem>>) dst(%dma_wait3A_532 : memref<4096x64xf32, #tpu.memory_space<vmem_shared>>)
      tpu.yield
    }) : () -> ()
    %dma_wait3A_370 = arith.constant 1 : i32
    %dma_wait3A_371 = arith.constant 1 : i32
    %dma_wait3A_372 = arith.constant 0 : i32
    %dma_wait3A_373 = arith.constant 0 : i32
    %dma_wait3A_374 = tpu.memref_slice %arg9[%dma_wait3A_371, %dma_wait3A_372, %dma_wait3A_373] : memref<2x512x64xf32, #tpu.memory_space<vmem>> -> memref<1x512x64xf32, #tpu.memory_space<vmem>>
    %dma_wait3A_375 = tpu.memref_squeeze %dma_wait3A_374 : memref<1x512x64xf32, #tpu.memory_space<vmem>> -> memref<512x64xf32, #tpu.memory_space<vmem>>
    %dma_wait3A_376 = arith.constant 0 : i32
    %dma_wait3A_377 = tpu.memref_slice %arg7[%dma_wait3A_370, %dma_wait3A_376] : memref<2x512xi32, #tpu.memory_space<vmem>> -> memref<1x512xi32, #tpu.memory_space<vmem>>
    %dma_wait3A_378 = tpu.memref_squeeze %dma_wait3A_377 : memref<1x512xi32, #tpu.memory_space<vmem>> -> memref<512xi32, #tpu.memory_space<vmem>>
    %dma_wait3A_379 = arith.constant 0 : i32
    %dma_wait3A_380 = arith.constant 0 : i32
    %dma_wait3A_381 = tpu.memref_slice %arg3[%dma_wait3A_379, %dma_wait3A_380] : memref<65536x64xf32, #tpu.memory_space<hbm>> -> memref<65536x64xf32, #tpu.memory_space<hbm>>
    tpu.wait_indirect_dma semaphore(%arg12 : memref<!tpu.dma_semaphore, #tpu.memory_space<semaphore_mem>>) src(%dma_wait3A_381 : memref<65536x64xf32, #tpu.memory_space<hbm>>) dst(%dma_wait3A_375 : memref<512x64xf32, #tpu.memory_space<vmem>>)
    %mul3A_382 = arith.constant 8192 : i32
    %mul3A_383 = arith.muli %add3A, %mul3A_382 : i32
    %add3A_384 = arith.constant 6144 : i32
    %add3A_385 = arith.addi %mul3A_383, %add3A_384 : i32
    %run_scoped3A_386 = arith.constant 0 : i32
    "tpu.region"() ({
      %run_scoped3A_512 = tpu.sem_alloc : memref<!tpu.dma_semaphore, #tpu.memory_space<semaphore_mem>>
      %dma_start3A_513 = arith.constant 0 : i32
      %dma_start3A_514 = tpu.memref_slice %arg7[%run_scoped3A_386, %dma_start3A_513] : memref<2x512xi32, #tpu.memory_space<vmem>> -> memref<1x512xi32, #tpu.memory_space<vmem>>
      %dma_start3A_515 = tpu.memref_squeeze %dma_start3A_514 : memref<1x512xi32, #tpu.memory_space<vmem>> -> memref<512xi32, #tpu.memory_space<vmem>>
      %dma_start3A_516 = tpu.memref_slice %arg2[%add3A_385] : memref<262144xi32, #tpu.memory_space<hbm>> -> memref<512xi32, #tpu.memory_space<hbm>>
      %dma_start3A_517 = arith.constant 0 : i32
      %dma_start3A_518 = tpu.memref_slice %arg7[%run_scoped3A_386, %dma_start3A_517] : memref<2x512xi32, #tpu.memory_space<vmem>> -> memref<1x512xi32, #tpu.memory_space<vmem>>
      %dma_start3A_519 = tpu.memref_squeeze %dma_start3A_518 : memref<1x512xi32, #tpu.memory_space<vmem>> -> memref<512xi32, #tpu.memory_space<vmem>>
      %dma_start3A_520 = tpu.memref_slice %arg2[%add3A_385] : memref<262144xi32, #tpu.memory_space<hbm>> -> memref<512xi32, #tpu.memory_space<hbm>>
      tpu.enqueue_dma source(%dma_start3A_520 : memref<512xi32, #tpu.memory_space<hbm>>) target(%dma_start3A_519 : memref<512xi32, #tpu.memory_space<vmem>>) target_semaphore(%run_scoped3A_512 : memref<!tpu.dma_semaphore, #tpu.memory_space<semaphore_mem>>)
      %dma_wait3A_521 = arith.constant 0 : i32
      %dma_wait3A_522 = tpu.memref_slice %arg7[%run_scoped3A_386, %dma_wait3A_521] : memref<2x512xi32, #tpu.memory_space<vmem>> -> memref<1x512xi32, #tpu.memory_space<vmem>>
      %dma_wait3A_523 = tpu.memref_squeeze %dma_wait3A_522 : memref<1x512xi32, #tpu.memory_space<vmem>> -> memref<512xi32, #tpu.memory_space<vmem>>
      %dma_wait3A_524 = tpu.memref_slice %arg2[%add3A_385] : memref<262144xi32, #tpu.memory_space<hbm>> -> memref<512xi32, #tpu.memory_space<hbm>>
      %dma_wait3A_525 = arith.constant 0 : i32
      %dma_wait3A_526 = tpu.memref_slice %arg7[%run_scoped3A_386, %dma_wait3A_525] : memref<2x512xi32, #tpu.memory_space<vmem>> -> memref<1x512xi32, #tpu.memory_space<vmem>>
      %dma_wait3A_527 = tpu.memref_squeeze %dma_wait3A_526 : memref<1x512xi32, #tpu.memory_space<vmem>> -> memref<512xi32, #tpu.memory_space<vmem>>
      %dma_wait3A_528 = tpu.memref_slice %arg2[%add3A_385] : memref<262144xi32, #tpu.memory_space<hbm>> -> memref<512xi32, #tpu.memory_space<hbm>>
      tpu.wait_dma2 semaphore(%run_scoped3A_512 : memref<!tpu.dma_semaphore, #tpu.memory_space<semaphore_mem>>) src(%dma_wait3A_528 : memref<512xi32, #tpu.memory_space<hbm>>) dst(%dma_wait3A_527 : memref<512xi32, #tpu.memory_space<vmem>>)
      tpu.yield
    }) : () -> ()
    %run_scoped3A_387 = arith.constant 0 : i32
    "tpu.region"() ({
      %run_scoped3A_512 = tpu.sem_alloc : memref<!tpu.dma_semaphore, #tpu.memory_space<semaphore_mem>>
      %dma_start3A_513 = arith.constant 0 : i32
      %dma_start3A_514 = tpu.memref_slice %arg8[%run_scoped3A_387, %dma_start3A_513] : memref<2x512xi32, #tpu.memory_space<vmem>> -> memref<1x512xi32, #tpu.memory_space<vmem>>
      %dma_start3A_515 = tpu.memref_squeeze %dma_start3A_514 : memref<1x512xi32, #tpu.memory_space<vmem>> -> memref<512xi32, #tpu.memory_space<vmem>>
      %dma_start3A_516 = tpu.memref_slice %arg4[%add3A_385] : memref<262144xi32, #tpu.memory_space<hbm>> -> memref<512xi32, #tpu.memory_space<hbm>>
      %dma_start3A_517 = arith.constant 0 : i32
      %dma_start3A_518 = tpu.memref_slice %arg8[%run_scoped3A_387, %dma_start3A_517] : memref<2x512xi32, #tpu.memory_space<vmem>> -> memref<1x512xi32, #tpu.memory_space<vmem>>
      %dma_start3A_519 = tpu.memref_squeeze %dma_start3A_518 : memref<1x512xi32, #tpu.memory_space<vmem>> -> memref<512xi32, #tpu.memory_space<vmem>>
      %dma_start3A_520 = tpu.memref_slice %arg4[%add3A_385] : memref<262144xi32, #tpu.memory_space<hbm>> -> memref<512xi32, #tpu.memory_space<hbm>>
      tpu.enqueue_dma source(%dma_start3A_520 : memref<512xi32, #tpu.memory_space<hbm>>) target(%dma_start3A_519 : memref<512xi32, #tpu.memory_space<vmem>>) target_semaphore(%run_scoped3A_512 : memref<!tpu.dma_semaphore, #tpu.memory_space<semaphore_mem>>)
      %dma_wait3A_521 = arith.constant 0 : i32
      %dma_wait3A_522 = tpu.memref_slice %arg8[%run_scoped3A_387, %dma_wait3A_521] : memref<2x512xi32, #tpu.memory_space<vmem>> -> memref<1x512xi32, #tpu.memory_space<vmem>>
      %dma_wait3A_523 = tpu.memref_squeeze %dma_wait3A_522 : memref<1x512xi32, #tpu.memory_space<vmem>> -> memref<512xi32, #tpu.memory_space<vmem>>
      %dma_wait3A_524 = tpu.memref_slice %arg4[%add3A_385] : memref<262144xi32, #tpu.memory_space<hbm>> -> memref<512xi32, #tpu.memory_space<hbm>>
      %dma_wait3A_525 = arith.constant 0 : i32
      %dma_wait3A_526 = tpu.memref_slice %arg8[%run_scoped3A_387, %dma_wait3A_525] : memref<2x512xi32, #tpu.memory_space<vmem>> -> memref<1x512xi32, #tpu.memory_space<vmem>>
      %dma_wait3A_527 = tpu.memref_squeeze %dma_wait3A_526 : memref<1x512xi32, #tpu.memory_space<vmem>> -> memref<512xi32, #tpu.memory_space<vmem>>
      %dma_wait3A_528 = tpu.memref_slice %arg4[%add3A_385] : memref<262144xi32, #tpu.memory_space<hbm>> -> memref<512xi32, #tpu.memory_space<hbm>>
      tpu.wait_dma2 semaphore(%run_scoped3A_512 : memref<!tpu.dma_semaphore, #tpu.memory_space<semaphore_mem>>) src(%dma_wait3A_528 : memref<512xi32, #tpu.memory_space<hbm>>) dst(%dma_wait3A_527 : memref<512xi32, #tpu.memory_space<vmem>>)
      tpu.yield
    }) : () -> ()
    %dma_start3A_388 = arith.constant 0 : i32
    %dma_start3A_389 = arith.constant 0 : i32
    %dma_start3A_390 = arith.constant 0 : i32
    %dma_start3A_391 = arith.constant 0 : i32
    %dma_start3A_392 = tpu.memref_slice %arg9[%dma_start3A_389, %dma_start3A_390, %dma_start3A_391] : memref<2x512x64xf32, #tpu.memory_space<vmem>> -> memref<1x512x64xf32, #tpu.memory_space<vmem>>
    %dma_start3A_393 = tpu.memref_squeeze %dma_start3A_392 : memref<1x512x64xf32, #tpu.memory_space<vmem>> -> memref<512x64xf32, #tpu.memory_space<vmem>>
    %dma_start3A_394 = arith.constant 0 : i32
    %dma_start3A_395 = tpu.memref_slice %arg7[%dma_start3A_388, %dma_start3A_394] : memref<2x512xi32, #tpu.memory_space<vmem>> -> memref<1x512xi32, #tpu.memory_space<vmem>>
    %dma_start3A_396 = tpu.memref_squeeze %dma_start3A_395 : memref<1x512xi32, #tpu.memory_space<vmem>> -> memref<512xi32, #tpu.memory_space<vmem>>
    %dma_start3A_397 = arith.constant 0 : i32
    %dma_start3A_398 = arith.constant 0 : i32
    %dma_start3A_399 = tpu.memref_slice %arg3[%dma_start3A_397, %dma_start3A_398] : memref<65536x64xf32, #tpu.memory_space<hbm>> -> memref<65536x64xf32, #tpu.memory_space<hbm>>
    tpu.enqueue_indirect_dma source(%dma_start3A_399 : memref<65536x64xf32, #tpu.memory_space<hbm>>) target(%dma_start3A_393 : memref<512x64xf32, #tpu.memory_space<vmem>>) offsets(%dma_start3A_396 : memref<512xi32, #tpu.memory_space<vmem>>) semaphore(%arg11 : memref<!tpu.dma_semaphore, #tpu.memory_space<semaphore_mem>>)
    %run_scoped3A_400 = arith.constant 1 : i32
    %run_scoped3A_401 = arith.constant 1 : i32
    "tpu.region"() ({
      %run_scoped3A_512 = tpu.sem_alloc : memref<!tpu.dma_semaphore, #tpu.memory_space<semaphore_mem>>
      %dma_start3A_513 = arith.constant 0 : i32
      %dma_start3A_514 = arith.constant 0 : i32
      %dma_start3A_515 = tpu.memref_slice %arg9[%run_scoped3A_400, %dma_start3A_513, %dma_start3A_514] : memref<2x512x64xf32, #tpu.memory_space<vmem>> -> memref<1x512x64xf32, #tpu.memory_space<vmem>>
      %dma_start3A_516 = tpu.memref_squeeze %dma_start3A_515 : memref<1x512x64xf32, #tpu.memory_space<vmem>> -> memref<512x64xf32, #tpu.memory_space<vmem>>
      %dma_start3A_517 = arith.constant 0 : i32
      %dma_start3A_518 = tpu.memref_slice %arg8[%run_scoped3A_401, %dma_start3A_517] : memref<2x512xi32, #tpu.memory_space<vmem>> -> memref<1x512xi32, #tpu.memory_space<vmem>>
      %dma_start3A_519 = tpu.memref_squeeze %dma_start3A_518 : memref<1x512xi32, #tpu.memory_space<vmem>> -> memref<512xi32, #tpu.memory_space<vmem>>
      %dma_start3A_520 = arith.constant 0 : i32
      %dma_start3A_521 = arith.constant 0 : i32
      %dma_start3A_522 = tpu.memref_slice %arg10[%dma_start3A_520, %dma_start3A_521] : memref<4096x64xf32, #tpu.memory_space<vmem_shared>> -> memref<4096x64xf32, #tpu.memory_space<vmem_shared>>
      tpu.enqueue_indirect_dma source(%dma_start3A_516 : memref<512x64xf32, #tpu.memory_space<vmem>>) target(%dma_start3A_522 : memref<4096x64xf32, #tpu.memory_space<vmem_shared>>) offsets(%dma_start3A_519 : memref<512xi32, #tpu.memory_space<vmem>>) semaphore(%run_scoped3A_512 : memref<!tpu.dma_semaphore, #tpu.memory_space<semaphore_mem>>) {add = true}
      %dma_wait3A_523 = arith.constant 0 : i32
      %dma_wait3A_524 = arith.constant 0 : i32
      %dma_wait3A_525 = tpu.memref_slice %arg9[%run_scoped3A_400, %dma_wait3A_523, %dma_wait3A_524] : memref<2x512x64xf32, #tpu.memory_space<vmem>> -> memref<1x512x64xf32, #tpu.memory_space<vmem>>
      %dma_wait3A_526 = tpu.memref_squeeze %dma_wait3A_525 : memref<1x512x64xf32, #tpu.memory_space<vmem>> -> memref<512x64xf32, #tpu.memory_space<vmem>>
      %dma_wait3A_527 = arith.constant 0 : i32
      %dma_wait3A_528 = tpu.memref_slice %arg8[%run_scoped3A_401, %dma_wait3A_527] : memref<2x512xi32, #tpu.memory_space<vmem>> -> memref<1x512xi32, #tpu.memory_space<vmem>>
      %dma_wait3A_529 = tpu.memref_squeeze %dma_wait3A_528 : memref<1x512xi32, #tpu.memory_space<vmem>> -> memref<512xi32, #tpu.memory_space<vmem>>
      %dma_wait3A_530 = arith.constant 0 : i32
      %dma_wait3A_531 = arith.constant 0 : i32
      %dma_wait3A_532 = tpu.memref_slice %arg10[%dma_wait3A_530, %dma_wait3A_531] : memref<4096x64xf32, #tpu.memory_space<vmem_shared>> -> memref<4096x64xf32, #tpu.memory_space<vmem_shared>>
      tpu.wait_indirect_dma semaphore(%run_scoped3A_512 : memref<!tpu.dma_semaphore, #tpu.memory_space<semaphore_mem>>) src(%dma_wait3A_526 : memref<512x64xf32, #tpu.memory_space<vmem>>) dst(%dma_wait3A_532 : memref<4096x64xf32, #tpu.memory_space<vmem_shared>>)
      tpu.yield
    }) : () -> ()
    %dma_wait3A_402 = arith.constant 0 : i32
    %dma_wait3A_403 = arith.constant 0 : i32
    %dma_wait3A_404 = arith.constant 0 : i32
    %dma_wait3A_405 = arith.constant 0 : i32
    %dma_wait3A_406 = tpu.memref_slice %arg9[%dma_wait3A_403, %dma_wait3A_404, %dma_wait3A_405] : memref<2x512x64xf32, #tpu.memory_space<vmem>> -> memref<1x512x64xf32, #tpu.memory_space<vmem>>
    %dma_wait3A_407 = tpu.memref_squeeze %dma_wait3A_406 : memref<1x512x64xf32, #tpu.memory_space<vmem>> -> memref<512x64xf32, #tpu.memory_space<vmem>>
    %dma_wait3A_408 = arith.constant 0 : i32
    %dma_wait3A_409 = tpu.memref_slice %arg7[%dma_wait3A_402, %dma_wait3A_408] : memref<2x512xi32, #tpu.memory_space<vmem>> -> memref<1x512xi32, #tpu.memory_space<vmem>>
    %dma_wait3A_410 = tpu.memref_squeeze %dma_wait3A_409 : memref<1x512xi32, #tpu.memory_space<vmem>> -> memref<512xi32, #tpu.memory_space<vmem>>
    %dma_wait3A_411 = arith.constant 0 : i32
    %dma_wait3A_412 = arith.constant 0 : i32
    %dma_wait3A_413 = tpu.memref_slice %arg3[%dma_wait3A_411, %dma_wait3A_412] : memref<65536x64xf32, #tpu.memory_space<hbm>> -> memref<65536x64xf32, #tpu.memory_space<hbm>>
    tpu.wait_indirect_dma semaphore(%arg11 : memref<!tpu.dma_semaphore, #tpu.memory_space<semaphore_mem>>) src(%dma_wait3A_413 : memref<65536x64xf32, #tpu.memory_space<hbm>>) dst(%dma_wait3A_407 : memref<512x64xf32, #tpu.memory_space<vmem>>)
    %mul3A_414 = arith.constant 8192 : i32
    %mul3A_415 = arith.muli %add3A, %mul3A_414 : i32
    %add3A_416 = arith.constant 6656 : i32
    %add3A_417 = arith.addi %mul3A_415, %add3A_416 : i32
    %run_scoped3A_418 = arith.constant 1 : i32
    "tpu.region"() ({
      %run_scoped3A_512 = tpu.sem_alloc : memref<!tpu.dma_semaphore, #tpu.memory_space<semaphore_mem>>
      %dma_start3A_513 = arith.constant 0 : i32
      %dma_start3A_514 = tpu.memref_slice %arg7[%run_scoped3A_418, %dma_start3A_513] : memref<2x512xi32, #tpu.memory_space<vmem>> -> memref<1x512xi32, #tpu.memory_space<vmem>>
      %dma_start3A_515 = tpu.memref_squeeze %dma_start3A_514 : memref<1x512xi32, #tpu.memory_space<vmem>> -> memref<512xi32, #tpu.memory_space<vmem>>
      %dma_start3A_516 = tpu.memref_slice %arg2[%add3A_417] : memref<262144xi32, #tpu.memory_space<hbm>> -> memref<512xi32, #tpu.memory_space<hbm>>
      %dma_start3A_517 = arith.constant 0 : i32
      %dma_start3A_518 = tpu.memref_slice %arg7[%run_scoped3A_418, %dma_start3A_517] : memref<2x512xi32, #tpu.memory_space<vmem>> -> memref<1x512xi32, #tpu.memory_space<vmem>>
      %dma_start3A_519 = tpu.memref_squeeze %dma_start3A_518 : memref<1x512xi32, #tpu.memory_space<vmem>> -> memref<512xi32, #tpu.memory_space<vmem>>
      %dma_start3A_520 = tpu.memref_slice %arg2[%add3A_417] : memref<262144xi32, #tpu.memory_space<hbm>> -> memref<512xi32, #tpu.memory_space<hbm>>
      tpu.enqueue_dma source(%dma_start3A_520 : memref<512xi32, #tpu.memory_space<hbm>>) target(%dma_start3A_519 : memref<512xi32, #tpu.memory_space<vmem>>) target_semaphore(%run_scoped3A_512 : memref<!tpu.dma_semaphore, #tpu.memory_space<semaphore_mem>>)
      %dma_wait3A_521 = arith.constant 0 : i32
      %dma_wait3A_522 = tpu.memref_slice %arg7[%run_scoped3A_418, %dma_wait3A_521] : memref<2x512xi32, #tpu.memory_space<vmem>> -> memref<1x512xi32, #tpu.memory_space<vmem>>
      %dma_wait3A_523 = tpu.memref_squeeze %dma_wait3A_522 : memref<1x512xi32, #tpu.memory_space<vmem>> -> memref<512xi32, #tpu.memory_space<vmem>>
      %dma_wait3A_524 = tpu.memref_slice %arg2[%add3A_417] : memref<262144xi32, #tpu.memory_space<hbm>> -> memref<512xi32, #tpu.memory_space<hbm>>
      %dma_wait3A_525 = arith.constant 0 : i32
      %dma_wait3A_526 = tpu.memref_slice %arg7[%run_scoped3A_418, %dma_wait3A_525] : memref<2x512xi32, #tpu.memory_space<vmem>> -> memref<1x512xi32, #tpu.memory_space<vmem>>
      %dma_wait3A_527 = tpu.memref_squeeze %dma_wait3A_526 : memref<1x512xi32, #tpu.memory_space<vmem>> -> memref<512xi32, #tpu.memory_space<vmem>>
      %dma_wait3A_528 = tpu.memref_slice %arg2[%add3A_417] : memref<262144xi32, #tpu.memory_space<hbm>> -> memref<512xi32, #tpu.memory_space<hbm>>
      tpu.wait_dma2 semaphore(%run_scoped3A_512 : memref<!tpu.dma_semaphore, #tpu.memory_space<semaphore_mem>>) src(%dma_wait3A_528 : memref<512xi32, #tpu.memory_space<hbm>>) dst(%dma_wait3A_527 : memref<512xi32, #tpu.memory_space<vmem>>)
      tpu.yield
    }) : () -> ()
    %run_scoped3A_419 = arith.constant 1 : i32
    "tpu.region"() ({
      %run_scoped3A_512 = tpu.sem_alloc : memref<!tpu.dma_semaphore, #tpu.memory_space<semaphore_mem>>
      %dma_start3A_513 = arith.constant 0 : i32
      %dma_start3A_514 = tpu.memref_slice %arg8[%run_scoped3A_419, %dma_start3A_513] : memref<2x512xi32, #tpu.memory_space<vmem>> -> memref<1x512xi32, #tpu.memory_space<vmem>>
      %dma_start3A_515 = tpu.memref_squeeze %dma_start3A_514 : memref<1x512xi32, #tpu.memory_space<vmem>> -> memref<512xi32, #tpu.memory_space<vmem>>
      %dma_start3A_516 = tpu.memref_slice %arg4[%add3A_417] : memref<262144xi32, #tpu.memory_space<hbm>> -> memref<512xi32, #tpu.memory_space<hbm>>
      %dma_start3A_517 = arith.constant 0 : i32
      %dma_start3A_518 = tpu.memref_slice %arg8[%run_scoped3A_419, %dma_start3A_517] : memref<2x512xi32, #tpu.memory_space<vmem>> -> memref<1x512xi32, #tpu.memory_space<vmem>>
      %dma_start3A_519 = tpu.memref_squeeze %dma_start3A_518 : memref<1x512xi32, #tpu.memory_space<vmem>> -> memref<512xi32, #tpu.memory_space<vmem>>
      %dma_start3A_520 = tpu.memref_slice %arg4[%add3A_417] : memref<262144xi32, #tpu.memory_space<hbm>> -> memref<512xi32, #tpu.memory_space<hbm>>
      tpu.enqueue_dma source(%dma_start3A_520 : memref<512xi32, #tpu.memory_space<hbm>>) target(%dma_start3A_519 : memref<512xi32, #tpu.memory_space<vmem>>) target_semaphore(%run_scoped3A_512 : memref<!tpu.dma_semaphore, #tpu.memory_space<semaphore_mem>>)
      %dma_wait3A_521 = arith.constant 0 : i32
      %dma_wait3A_522 = tpu.memref_slice %arg8[%run_scoped3A_419, %dma_wait3A_521] : memref<2x512xi32, #tpu.memory_space<vmem>> -> memref<1x512xi32, #tpu.memory_space<vmem>>
      %dma_wait3A_523 = tpu.memref_squeeze %dma_wait3A_522 : memref<1x512xi32, #tpu.memory_space<vmem>> -> memref<512xi32, #tpu.memory_space<vmem>>
      %dma_wait3A_524 = tpu.memref_slice %arg4[%add3A_417] : memref<262144xi32, #tpu.memory_space<hbm>> -> memref<512xi32, #tpu.memory_space<hbm>>
      %dma_wait3A_525 = arith.constant 0 : i32
      %dma_wait3A_526 = tpu.memref_slice %arg8[%run_scoped3A_419, %dma_wait3A_525] : memref<2x512xi32, #tpu.memory_space<vmem>> -> memref<1x512xi32, #tpu.memory_space<vmem>>
      %dma_wait3A_527 = tpu.memref_squeeze %dma_wait3A_526 : memref<1x512xi32, #tpu.memory_space<vmem>> -> memref<512xi32, #tpu.memory_space<vmem>>
      %dma_wait3A_528 = tpu.memref_slice %arg4[%add3A_417] : memref<262144xi32, #tpu.memory_space<hbm>> -> memref<512xi32, #tpu.memory_space<hbm>>
      tpu.wait_dma2 semaphore(%run_scoped3A_512 : memref<!tpu.dma_semaphore, #tpu.memory_space<semaphore_mem>>) src(%dma_wait3A_528 : memref<512xi32, #tpu.memory_space<hbm>>) dst(%dma_wait3A_527 : memref<512xi32, #tpu.memory_space<vmem>>)
      tpu.yield
    }) : () -> ()
    %dma_start3A_420 = arith.constant 1 : i32
    %dma_start3A_421 = arith.constant 1 : i32
    %dma_start3A_422 = arith.constant 0 : i32
    %dma_start3A_423 = arith.constant 0 : i32
    %dma_start3A_424 = tpu.memref_slice %arg9[%dma_start3A_421, %dma_start3A_422, %dma_start3A_423] : memref<2x512x64xf32, #tpu.memory_space<vmem>> -> memref<1x512x64xf32, #tpu.memory_space<vmem>>
    %dma_start3A_425 = tpu.memref_squeeze %dma_start3A_424 : memref<1x512x64xf32, #tpu.memory_space<vmem>> -> memref<512x64xf32, #tpu.memory_space<vmem>>
    %dma_start3A_426 = arith.constant 0 : i32
    %dma_start3A_427 = tpu.memref_slice %arg7[%dma_start3A_420, %dma_start3A_426] : memref<2x512xi32, #tpu.memory_space<vmem>> -> memref<1x512xi32, #tpu.memory_space<vmem>>
    %dma_start3A_428 = tpu.memref_squeeze %dma_start3A_427 : memref<1x512xi32, #tpu.memory_space<vmem>> -> memref<512xi32, #tpu.memory_space<vmem>>
    %dma_start3A_429 = arith.constant 0 : i32
    %dma_start3A_430 = arith.constant 0 : i32
    %dma_start3A_431 = tpu.memref_slice %arg3[%dma_start3A_429, %dma_start3A_430] : memref<65536x64xf32, #tpu.memory_space<hbm>> -> memref<65536x64xf32, #tpu.memory_space<hbm>>
    tpu.enqueue_indirect_dma source(%dma_start3A_431 : memref<65536x64xf32, #tpu.memory_space<hbm>>) target(%dma_start3A_425 : memref<512x64xf32, #tpu.memory_space<vmem>>) offsets(%dma_start3A_428 : memref<512xi32, #tpu.memory_space<vmem>>) semaphore(%arg12 : memref<!tpu.dma_semaphore, #tpu.memory_space<semaphore_mem>>)
    %run_scoped3A_432 = arith.constant 0 : i32
    %run_scoped3A_433 = arith.constant 0 : i32
    "tpu.region"() ({
      %run_scoped3A_512 = tpu.sem_alloc : memref<!tpu.dma_semaphore, #tpu.memory_space<semaphore_mem>>
      %dma_start3A_513 = arith.constant 0 : i32
      %dma_start3A_514 = arith.constant 0 : i32
      %dma_start3A_515 = tpu.memref_slice %arg9[%run_scoped3A_432, %dma_start3A_513, %dma_start3A_514] : memref<2x512x64xf32, #tpu.memory_space<vmem>> -> memref<1x512x64xf32, #tpu.memory_space<vmem>>
      %dma_start3A_516 = tpu.memref_squeeze %dma_start3A_515 : memref<1x512x64xf32, #tpu.memory_space<vmem>> -> memref<512x64xf32, #tpu.memory_space<vmem>>
      %dma_start3A_517 = arith.constant 0 : i32
      %dma_start3A_518 = tpu.memref_slice %arg8[%run_scoped3A_433, %dma_start3A_517] : memref<2x512xi32, #tpu.memory_space<vmem>> -> memref<1x512xi32, #tpu.memory_space<vmem>>
      %dma_start3A_519 = tpu.memref_squeeze %dma_start3A_518 : memref<1x512xi32, #tpu.memory_space<vmem>> -> memref<512xi32, #tpu.memory_space<vmem>>
      %dma_start3A_520 = arith.constant 0 : i32
      %dma_start3A_521 = arith.constant 0 : i32
      %dma_start3A_522 = tpu.memref_slice %arg10[%dma_start3A_520, %dma_start3A_521] : memref<4096x64xf32, #tpu.memory_space<vmem_shared>> -> memref<4096x64xf32, #tpu.memory_space<vmem_shared>>
      tpu.enqueue_indirect_dma source(%dma_start3A_516 : memref<512x64xf32, #tpu.memory_space<vmem>>) target(%dma_start3A_522 : memref<4096x64xf32, #tpu.memory_space<vmem_shared>>) offsets(%dma_start3A_519 : memref<512xi32, #tpu.memory_space<vmem>>) semaphore(%run_scoped3A_512 : memref<!tpu.dma_semaphore, #tpu.memory_space<semaphore_mem>>) {add = true}
      %dma_wait3A_523 = arith.constant 0 : i32
      %dma_wait3A_524 = arith.constant 0 : i32
      %dma_wait3A_525 = tpu.memref_slice %arg9[%run_scoped3A_432, %dma_wait3A_523, %dma_wait3A_524] : memref<2x512x64xf32, #tpu.memory_space<vmem>> -> memref<1x512x64xf32, #tpu.memory_space<vmem>>
      %dma_wait3A_526 = tpu.memref_squeeze %dma_wait3A_525 : memref<1x512x64xf32, #tpu.memory_space<vmem>> -> memref<512x64xf32, #tpu.memory_space<vmem>>
      %dma_wait3A_527 = arith.constant 0 : i32
      %dma_wait3A_528 = tpu.memref_slice %arg8[%run_scoped3A_433, %dma_wait3A_527] : memref<2x512xi32, #tpu.memory_space<vmem>> -> memref<1x512xi32, #tpu.memory_space<vmem>>
      %dma_wait3A_529 = tpu.memref_squeeze %dma_wait3A_528 : memref<1x512xi32, #tpu.memory_space<vmem>> -> memref<512xi32, #tpu.memory_space<vmem>>
      %dma_wait3A_530 = arith.constant 0 : i32
      %dma_wait3A_531 = arith.constant 0 : i32
      %dma_wait3A_532 = tpu.memref_slice %arg10[%dma_wait3A_530, %dma_wait3A_531] : memref<4096x64xf32, #tpu.memory_space<vmem_shared>> -> memref<4096x64xf32, #tpu.memory_space<vmem_shared>>
      tpu.wait_indirect_dma semaphore(%run_scoped3A_512 : memref<!tpu.dma_semaphore, #tpu.memory_space<semaphore_mem>>) src(%dma_wait3A_526 : memref<512x64xf32, #tpu.memory_space<vmem>>) dst(%dma_wait3A_532 : memref<4096x64xf32, #tpu.memory_space<vmem_shared>>)
      tpu.yield
    }) : () -> ()
    %dma_wait3A_434 = arith.constant 1 : i32
    %dma_wait3A_435 = arith.constant 1 : i32
    %dma_wait3A_436 = arith.constant 0 : i32
    %dma_wait3A_437 = arith.constant 0 : i32
    %dma_wait3A_438 = tpu.memref_slice %arg9[%dma_wait3A_435, %dma_wait3A_436, %dma_wait3A_437] : memref<2x512x64xf32, #tpu.memory_space<vmem>> -> memref<1x512x64xf32, #tpu.memory_space<vmem>>
    %dma_wait3A_439 = tpu.memref_squeeze %dma_wait3A_438 : memref<1x512x64xf32, #tpu.memory_space<vmem>> -> memref<512x64xf32, #tpu.memory_space<vmem>>
    %dma_wait3A_440 = arith.constant 0 : i32
    %dma_wait3A_441 = tpu.memref_slice %arg7[%dma_wait3A_434, %dma_wait3A_440] : memref<2x512xi32, #tpu.memory_space<vmem>> -> memref<1x512xi32, #tpu.memory_space<vmem>>
    %dma_wait3A_442 = tpu.memref_squeeze %dma_wait3A_441 : memref<1x512xi32, #tpu.memory_space<vmem>> -> memref<512xi32, #tpu.memory_space<vmem>>
    %dma_wait3A_443 = arith.constant 0 : i32
    %dma_wait3A_444 = arith.constant 0 : i32
    %dma_wait3A_445 = tpu.memref_slice %arg3[%dma_wait3A_443, %dma_wait3A_444] : memref<65536x64xf32, #tpu.memory_space<hbm>> -> memref<65536x64xf32, #tpu.memory_space<hbm>>
    tpu.wait_indirect_dma semaphore(%arg12 : memref<!tpu.dma_semaphore, #tpu.memory_space<semaphore_mem>>) src(%dma_wait3A_445 : memref<65536x64xf32, #tpu.memory_space<hbm>>) dst(%dma_wait3A_439 : memref<512x64xf32, #tpu.memory_space<vmem>>)
    %mul3A_446 = arith.constant 8192 : i32
    %mul3A_447 = arith.muli %add3A, %mul3A_446 : i32
    %add3A_448 = arith.constant 7168 : i32
    %add3A_449 = arith.addi %mul3A_447, %add3A_448 : i32
    %run_scoped3A_450 = arith.constant 0 : i32
    "tpu.region"() ({
      %run_scoped3A_512 = tpu.sem_alloc : memref<!tpu.dma_semaphore, #tpu.memory_space<semaphore_mem>>
      %dma_start3A_513 = arith.constant 0 : i32
      %dma_start3A_514 = tpu.memref_slice %arg7[%run_scoped3A_450, %dma_start3A_513] : memref<2x512xi32, #tpu.memory_space<vmem>> -> memref<1x512xi32, #tpu.memory_space<vmem>>
      %dma_start3A_515 = tpu.memref_squeeze %dma_start3A_514 : memref<1x512xi32, #tpu.memory_space<vmem>> -> memref<512xi32, #tpu.memory_space<vmem>>
      %dma_start3A_516 = tpu.memref_slice %arg2[%add3A_449] : memref<262144xi32, #tpu.memory_space<hbm>> -> memref<512xi32, #tpu.memory_space<hbm>>
      %dma_start3A_517 = arith.constant 0 : i32
      %dma_start3A_518 = tpu.memref_slice %arg7[%run_scoped3A_450, %dma_start3A_517] : memref<2x512xi32, #tpu.memory_space<vmem>> -> memref<1x512xi32, #tpu.memory_space<vmem>>
      %dma_start3A_519 = tpu.memref_squeeze %dma_start3A_518 : memref<1x512xi32, #tpu.memory_space<vmem>> -> memref<512xi32, #tpu.memory_space<vmem>>
      %dma_start3A_520 = tpu.memref_slice %arg2[%add3A_449] : memref<262144xi32, #tpu.memory_space<hbm>> -> memref<512xi32, #tpu.memory_space<hbm>>
      tpu.enqueue_dma source(%dma_start3A_520 : memref<512xi32, #tpu.memory_space<hbm>>) target(%dma_start3A_519 : memref<512xi32, #tpu.memory_space<vmem>>) target_semaphore(%run_scoped3A_512 : memref<!tpu.dma_semaphore, #tpu.memory_space<semaphore_mem>>)
      %dma_wait3A_521 = arith.constant 0 : i32
      %dma_wait3A_522 = tpu.memref_slice %arg7[%run_scoped3A_450, %dma_wait3A_521] : memref<2x512xi32, #tpu.memory_space<vmem>> -> memref<1x512xi32, #tpu.memory_space<vmem>>
      %dma_wait3A_523 = tpu.memref_squeeze %dma_wait3A_522 : memref<1x512xi32, #tpu.memory_space<vmem>> -> memref<512xi32, #tpu.memory_space<vmem>>
      %dma_wait3A_524 = tpu.memref_slice %arg2[%add3A_449] : memref<262144xi32, #tpu.memory_space<hbm>> -> memref<512xi32, #tpu.memory_space<hbm>>
      %dma_wait3A_525 = arith.constant 0 : i32
      %dma_wait3A_526 = tpu.memref_slice %arg7[%run_scoped3A_450, %dma_wait3A_525] : memref<2x512xi32, #tpu.memory_space<vmem>> -> memref<1x512xi32, #tpu.memory_space<vmem>>
      %dma_wait3A_527 = tpu.memref_squeeze %dma_wait3A_526 : memref<1x512xi32, #tpu.memory_space<vmem>> -> memref<512xi32, #tpu.memory_space<vmem>>
      %dma_wait3A_528 = tpu.memref_slice %arg2[%add3A_449] : memref<262144xi32, #tpu.memory_space<hbm>> -> memref<512xi32, #tpu.memory_space<hbm>>
      tpu.wait_dma2 semaphore(%run_scoped3A_512 : memref<!tpu.dma_semaphore, #tpu.memory_space<semaphore_mem>>) src(%dma_wait3A_528 : memref<512xi32, #tpu.memory_space<hbm>>) dst(%dma_wait3A_527 : memref<512xi32, #tpu.memory_space<vmem>>)
      tpu.yield
    }) : () -> ()
    %run_scoped3A_451 = arith.constant 0 : i32
    "tpu.region"() ({
      %run_scoped3A_512 = tpu.sem_alloc : memref<!tpu.dma_semaphore, #tpu.memory_space<semaphore_mem>>
      %dma_start3A_513 = arith.constant 0 : i32
      %dma_start3A_514 = tpu.memref_slice %arg8[%run_scoped3A_451, %dma_start3A_513] : memref<2x512xi32, #tpu.memory_space<vmem>> -> memref<1x512xi32, #tpu.memory_space<vmem>>
      %dma_start3A_515 = tpu.memref_squeeze %dma_start3A_514 : memref<1x512xi32, #tpu.memory_space<vmem>> -> memref<512xi32, #tpu.memory_space<vmem>>
      %dma_start3A_516 = tpu.memref_slice %arg4[%add3A_449] : memref<262144xi32, #tpu.memory_space<hbm>> -> memref<512xi32, #tpu.memory_space<hbm>>
      %dma_start3A_517 = arith.constant 0 : i32
      %dma_start3A_518 = tpu.memref_slice %arg8[%run_scoped3A_451, %dma_start3A_517] : memref<2x512xi32, #tpu.memory_space<vmem>> -> memref<1x512xi32, #tpu.memory_space<vmem>>
      %dma_start3A_519 = tpu.memref_squeeze %dma_start3A_518 : memref<1x512xi32, #tpu.memory_space<vmem>> -> memref<512xi32, #tpu.memory_space<vmem>>
      %dma_start3A_520 = tpu.memref_slice %arg4[%add3A_449] : memref<262144xi32, #tpu.memory_space<hbm>> -> memref<512xi32, #tpu.memory_space<hbm>>
      tpu.enqueue_dma source(%dma_start3A_520 : memref<512xi32, #tpu.memory_space<hbm>>) target(%dma_start3A_519 : memref<512xi32, #tpu.memory_space<vmem>>) target_semaphore(%run_scoped3A_512 : memref<!tpu.dma_semaphore, #tpu.memory_space<semaphore_mem>>)
      %dma_wait3A_521 = arith.constant 0 : i32
      %dma_wait3A_522 = tpu.memref_slice %arg8[%run_scoped3A_451, %dma_wait3A_521] : memref<2x512xi32, #tpu.memory_space<vmem>> -> memref<1x512xi32, #tpu.memory_space<vmem>>
      %dma_wait3A_523 = tpu.memref_squeeze %dma_wait3A_522 : memref<1x512xi32, #tpu.memory_space<vmem>> -> memref<512xi32, #tpu.memory_space<vmem>>
      %dma_wait3A_524 = tpu.memref_slice %arg4[%add3A_449] : memref<262144xi32, #tpu.memory_space<hbm>> -> memref<512xi32, #tpu.memory_space<hbm>>
      %dma_wait3A_525 = arith.constant 0 : i32
      %dma_wait3A_526 = tpu.memref_slice %arg8[%run_scoped3A_451, %dma_wait3A_525] : memref<2x512xi32, #tpu.memory_space<vmem>> -> memref<1x512xi32, #tpu.memory_space<vmem>>
      %dma_wait3A_527 = tpu.memref_squeeze %dma_wait3A_526 : memref<1x512xi32, #tpu.memory_space<vmem>> -> memref<512xi32, #tpu.memory_space<vmem>>
      %dma_wait3A_528 = tpu.memref_slice %arg4[%add3A_449] : memref<262144xi32, #tpu.memory_space<hbm>> -> memref<512xi32, #tpu.memory_space<hbm>>
      tpu.wait_dma2 semaphore(%run_scoped3A_512 : memref<!tpu.dma_semaphore, #tpu.memory_space<semaphore_mem>>) src(%dma_wait3A_528 : memref<512xi32, #tpu.memory_space<hbm>>) dst(%dma_wait3A_527 : memref<512xi32, #tpu.memory_space<vmem>>)
      tpu.yield
    }) : () -> ()
    %dma_start3A_452 = arith.constant 0 : i32
    %dma_start3A_453 = arith.constant 0 : i32
    %dma_start3A_454 = arith.constant 0 : i32
    %dma_start3A_455 = arith.constant 0 : i32
    %dma_start3A_456 = tpu.memref_slice %arg9[%dma_start3A_453, %dma_start3A_454, %dma_start3A_455] : memref<2x512x64xf32, #tpu.memory_space<vmem>> -> memref<1x512x64xf32, #tpu.memory_space<vmem>>
    %dma_start3A_457 = tpu.memref_squeeze %dma_start3A_456 : memref<1x512x64xf32, #tpu.memory_space<vmem>> -> memref<512x64xf32, #tpu.memory_space<vmem>>
    %dma_start3A_458 = arith.constant 0 : i32
    %dma_start3A_459 = tpu.memref_slice %arg7[%dma_start3A_452, %dma_start3A_458] : memref<2x512xi32, #tpu.memory_space<vmem>> -> memref<1x512xi32, #tpu.memory_space<vmem>>
    %dma_start3A_460 = tpu.memref_squeeze %dma_start3A_459 : memref<1x512xi32, #tpu.memory_space<vmem>> -> memref<512xi32, #tpu.memory_space<vmem>>
    %dma_start3A_461 = arith.constant 0 : i32
    %dma_start3A_462 = arith.constant 0 : i32
    %dma_start3A_463 = tpu.memref_slice %arg3[%dma_start3A_461, %dma_start3A_462] : memref<65536x64xf32, #tpu.memory_space<hbm>> -> memref<65536x64xf32, #tpu.memory_space<hbm>>
    tpu.enqueue_indirect_dma source(%dma_start3A_463 : memref<65536x64xf32, #tpu.memory_space<hbm>>) target(%dma_start3A_457 : memref<512x64xf32, #tpu.memory_space<vmem>>) offsets(%dma_start3A_460 : memref<512xi32, #tpu.memory_space<vmem>>) semaphore(%arg11 : memref<!tpu.dma_semaphore, #tpu.memory_space<semaphore_mem>>)
    %run_scoped3A_464 = arith.constant 1 : i32
    %run_scoped3A_465 = arith.constant 1 : i32
    "tpu.region"() ({
      %run_scoped3A_512 = tpu.sem_alloc : memref<!tpu.dma_semaphore, #tpu.memory_space<semaphore_mem>>
      %dma_start3A_513 = arith.constant 0 : i32
      %dma_start3A_514 = arith.constant 0 : i32
      %dma_start3A_515 = tpu.memref_slice %arg9[%run_scoped3A_464, %dma_start3A_513, %dma_start3A_514] : memref<2x512x64xf32, #tpu.memory_space<vmem>> -> memref<1x512x64xf32, #tpu.memory_space<vmem>>
      %dma_start3A_516 = tpu.memref_squeeze %dma_start3A_515 : memref<1x512x64xf32, #tpu.memory_space<vmem>> -> memref<512x64xf32, #tpu.memory_space<vmem>>
      %dma_start3A_517 = arith.constant 0 : i32
      %dma_start3A_518 = tpu.memref_slice %arg8[%run_scoped3A_465, %dma_start3A_517] : memref<2x512xi32, #tpu.memory_space<vmem>> -> memref<1x512xi32, #tpu.memory_space<vmem>>
      %dma_start3A_519 = tpu.memref_squeeze %dma_start3A_518 : memref<1x512xi32, #tpu.memory_space<vmem>> -> memref<512xi32, #tpu.memory_space<vmem>>
      %dma_start3A_520 = arith.constant 0 : i32
      %dma_start3A_521 = arith.constant 0 : i32
      %dma_start3A_522 = tpu.memref_slice %arg10[%dma_start3A_520, %dma_start3A_521] : memref<4096x64xf32, #tpu.memory_space<vmem_shared>> -> memref<4096x64xf32, #tpu.memory_space<vmem_shared>>
      tpu.enqueue_indirect_dma source(%dma_start3A_516 : memref<512x64xf32, #tpu.memory_space<vmem>>) target(%dma_start3A_522 : memref<4096x64xf32, #tpu.memory_space<vmem_shared>>) offsets(%dma_start3A_519 : memref<512xi32, #tpu.memory_space<vmem>>) semaphore(%run_scoped3A_512 : memref<!tpu.dma_semaphore, #tpu.memory_space<semaphore_mem>>) {add = true}
      %dma_wait3A_523 = arith.constant 0 : i32
      %dma_wait3A_524 = arith.constant 0 : i32
      %dma_wait3A_525 = tpu.memref_slice %arg9[%run_scoped3A_464, %dma_wait3A_523, %dma_wait3A_524] : memref<2x512x64xf32, #tpu.memory_space<vmem>> -> memref<1x512x64xf32, #tpu.memory_space<vmem>>
      %dma_wait3A_526 = tpu.memref_squeeze %dma_wait3A_525 : memref<1x512x64xf32, #tpu.memory_space<vmem>> -> memref<512x64xf32, #tpu.memory_space<vmem>>
      %dma_wait3A_527 = arith.constant 0 : i32
      %dma_wait3A_528 = tpu.memref_slice %arg8[%run_scoped3A_465, %dma_wait3A_527] : memref<2x512xi32, #tpu.memory_space<vmem>> -> memref<1x512xi32, #tpu.memory_space<vmem>>
      %dma_wait3A_529 = tpu.memref_squeeze %dma_wait3A_528 : memref<1x512xi32, #tpu.memory_space<vmem>> -> memref<512xi32, #tpu.memory_space<vmem>>
      %dma_wait3A_530 = arith.constant 0 : i32
      %dma_wait3A_531 = arith.constant 0 : i32
      %dma_wait3A_532 = tpu.memref_slice %arg10[%dma_wait3A_530, %dma_wait3A_531] : memref<4096x64xf32, #tpu.memory_space<vmem_shared>> -> memref<4096x64xf32, #tpu.memory_space<vmem_shared>>
      tpu.wait_indirect_dma semaphore(%run_scoped3A_512 : memref<!tpu.dma_semaphore, #tpu.memory_space<semaphore_mem>>) src(%dma_wait3A_526 : memref<512x64xf32, #tpu.memory_space<vmem>>) dst(%dma_wait3A_532 : memref<4096x64xf32, #tpu.memory_space<vmem_shared>>)
      tpu.yield
    }) : () -> ()
    %dma_wait3A_466 = arith.constant 0 : i32
    %dma_wait3A_467 = arith.constant 0 : i32
    %dma_wait3A_468 = arith.constant 0 : i32
    %dma_wait3A_469 = arith.constant 0 : i32
    %dma_wait3A_470 = tpu.memref_slice %arg9[%dma_wait3A_467, %dma_wait3A_468, %dma_wait3A_469] : memref<2x512x64xf32, #tpu.memory_space<vmem>> -> memref<1x512x64xf32, #tpu.memory_space<vmem>>
    %dma_wait3A_471 = tpu.memref_squeeze %dma_wait3A_470 : memref<1x512x64xf32, #tpu.memory_space<vmem>> -> memref<512x64xf32, #tpu.memory_space<vmem>>
    %dma_wait3A_472 = arith.constant 0 : i32
    %dma_wait3A_473 = tpu.memref_slice %arg7[%dma_wait3A_466, %dma_wait3A_472] : memref<2x512xi32, #tpu.memory_space<vmem>> -> memref<1x512xi32, #tpu.memory_space<vmem>>
    %dma_wait3A_474 = tpu.memref_squeeze %dma_wait3A_473 : memref<1x512xi32, #tpu.memory_space<vmem>> -> memref<512xi32, #tpu.memory_space<vmem>>
    %dma_wait3A_475 = arith.constant 0 : i32
    %dma_wait3A_476 = arith.constant 0 : i32
    %dma_wait3A_477 = tpu.memref_slice %arg3[%dma_wait3A_475, %dma_wait3A_476] : memref<65536x64xf32, #tpu.memory_space<hbm>> -> memref<65536x64xf32, #tpu.memory_space<hbm>>
    tpu.wait_indirect_dma semaphore(%arg11 : memref<!tpu.dma_semaphore, #tpu.memory_space<semaphore_mem>>) src(%dma_wait3A_477 : memref<65536x64xf32, #tpu.memory_space<hbm>>) dst(%dma_wait3A_471 : memref<512x64xf32, #tpu.memory_space<vmem>>)
    %mul3A_478 = arith.constant 8192 : i32
    %mul3A_479 = arith.muli %add3A, %mul3A_478 : i32
    %add3A_480 = arith.constant 7680 : i32
    %add3A_481 = arith.addi %mul3A_479, %add3A_480 : i32
    %run_scoped3A_482 = arith.constant 1 : i32
    "tpu.region"() ({
      %run_scoped3A_512 = tpu.sem_alloc : memref<!tpu.dma_semaphore, #tpu.memory_space<semaphore_mem>>
      %dma_start3A_513 = arith.constant 0 : i32
      %dma_start3A_514 = tpu.memref_slice %arg7[%run_scoped3A_482, %dma_start3A_513] : memref<2x512xi32, #tpu.memory_space<vmem>> -> memref<1x512xi32, #tpu.memory_space<vmem>>
      %dma_start3A_515 = tpu.memref_squeeze %dma_start3A_514 : memref<1x512xi32, #tpu.memory_space<vmem>> -> memref<512xi32, #tpu.memory_space<vmem>>
      %dma_start3A_516 = tpu.memref_slice %arg2[%add3A_481] : memref<262144xi32, #tpu.memory_space<hbm>> -> memref<512xi32, #tpu.memory_space<hbm>>
      %dma_start3A_517 = arith.constant 0 : i32
      %dma_start3A_518 = tpu.memref_slice %arg7[%run_scoped3A_482, %dma_start3A_517] : memref<2x512xi32, #tpu.memory_space<vmem>> -> memref<1x512xi32, #tpu.memory_space<vmem>>
      %dma_start3A_519 = tpu.memref_squeeze %dma_start3A_518 : memref<1x512xi32, #tpu.memory_space<vmem>> -> memref<512xi32, #tpu.memory_space<vmem>>
      %dma_start3A_520 = tpu.memref_slice %arg2[%add3A_481] : memref<262144xi32, #tpu.memory_space<hbm>> -> memref<512xi32, #tpu.memory_space<hbm>>
      tpu.enqueue_dma source(%dma_start3A_520 : memref<512xi32, #tpu.memory_space<hbm>>) target(%dma_start3A_519 : memref<512xi32, #tpu.memory_space<vmem>>) target_semaphore(%run_scoped3A_512 : memref<!tpu.dma_semaphore, #tpu.memory_space<semaphore_mem>>)
      %dma_wait3A_521 = arith.constant 0 : i32
      %dma_wait3A_522 = tpu.memref_slice %arg7[%run_scoped3A_482, %dma_wait3A_521] : memref<2x512xi32, #tpu.memory_space<vmem>> -> memref<1x512xi32, #tpu.memory_space<vmem>>
      %dma_wait3A_523 = tpu.memref_squeeze %dma_wait3A_522 : memref<1x512xi32, #tpu.memory_space<vmem>> -> memref<512xi32, #tpu.memory_space<vmem>>
      %dma_wait3A_524 = tpu.memref_slice %arg2[%add3A_481] : memref<262144xi32, #tpu.memory_space<hbm>> -> memref<512xi32, #tpu.memory_space<hbm>>
      %dma_wait3A_525 = arith.constant 0 : i32
      %dma_wait3A_526 = tpu.memref_slice %arg7[%run_scoped3A_482, %dma_wait3A_525] : memref<2x512xi32, #tpu.memory_space<vmem>> -> memref<1x512xi32, #tpu.memory_space<vmem>>
      %dma_wait3A_527 = tpu.memref_squeeze %dma_wait3A_526 : memref<1x512xi32, #tpu.memory_space<vmem>> -> memref<512xi32, #tpu.memory_space<vmem>>
      %dma_wait3A_528 = tpu.memref_slice %arg2[%add3A_481] : memref<262144xi32, #tpu.memory_space<hbm>> -> memref<512xi32, #tpu.memory_space<hbm>>
      tpu.wait_dma2 semaphore(%run_scoped3A_512 : memref<!tpu.dma_semaphore, #tpu.memory_space<semaphore_mem>>) src(%dma_wait3A_528 : memref<512xi32, #tpu.memory_space<hbm>>) dst(%dma_wait3A_527 : memref<512xi32, #tpu.memory_space<vmem>>)
      tpu.yield
    }) : () -> ()
    %run_scoped3A_483 = arith.constant 1 : i32
    "tpu.region"() ({
      %run_scoped3A_512 = tpu.sem_alloc : memref<!tpu.dma_semaphore, #tpu.memory_space<semaphore_mem>>
      %dma_start3A_513 = arith.constant 0 : i32
      %dma_start3A_514 = tpu.memref_slice %arg8[%run_scoped3A_483, %dma_start3A_513] : memref<2x512xi32, #tpu.memory_space<vmem>> -> memref<1x512xi32, #tpu.memory_space<vmem>>
      %dma_start3A_515 = tpu.memref_squeeze %dma_start3A_514 : memref<1x512xi32, #tpu.memory_space<vmem>> -> memref<512xi32, #tpu.memory_space<vmem>>
      %dma_start3A_516 = tpu.memref_slice %arg4[%add3A_481] : memref<262144xi32, #tpu.memory_space<hbm>> -> memref<512xi32, #tpu.memory_space<hbm>>
      %dma_start3A_517 = arith.constant 0 : i32
      %dma_start3A_518 = tpu.memref_slice %arg8[%run_scoped3A_483, %dma_start3A_517] : memref<2x512xi32, #tpu.memory_space<vmem>> -> memref<1x512xi32, #tpu.memory_space<vmem>>
      %dma_start3A_519 = tpu.memref_squeeze %dma_start3A_518 : memref<1x512xi32, #tpu.memory_space<vmem>> -> memref<512xi32, #tpu.memory_space<vmem>>
      %dma_start3A_520 = tpu.memref_slice %arg4[%add3A_481] : memref<262144xi32, #tpu.memory_space<hbm>> -> memref<512xi32, #tpu.memory_space<hbm>>
      tpu.enqueue_dma source(%dma_start3A_520 : memref<512xi32, #tpu.memory_space<hbm>>) target(%dma_start3A_519 : memref<512xi32, #tpu.memory_space<vmem>>) target_semaphore(%run_scoped3A_512 : memref<!tpu.dma_semaphore, #tpu.memory_space<semaphore_mem>>)
      %dma_wait3A_521 = arith.constant 0 : i32
      %dma_wait3A_522 = tpu.memref_slice %arg8[%run_scoped3A_483, %dma_wait3A_521] : memref<2x512xi32, #tpu.memory_space<vmem>> -> memref<1x512xi32, #tpu.memory_space<vmem>>
      %dma_wait3A_523 = tpu.memref_squeeze %dma_wait3A_522 : memref<1x512xi32, #tpu.memory_space<vmem>> -> memref<512xi32, #tpu.memory_space<vmem>>
      %dma_wait3A_524 = tpu.memref_slice %arg4[%add3A_481] : memref<262144xi32, #tpu.memory_space<hbm>> -> memref<512xi32, #tpu.memory_space<hbm>>
      %dma_wait3A_525 = arith.constant 0 : i32
      %dma_wait3A_526 = tpu.memref_slice %arg8[%run_scoped3A_483, %dma_wait3A_525] : memref<2x512xi32, #tpu.memory_space<vmem>> -> memref<1x512xi32, #tpu.memory_space<vmem>>
      %dma_wait3A_527 = tpu.memref_squeeze %dma_wait3A_526 : memref<1x512xi32, #tpu.memory_space<vmem>> -> memref<512xi32, #tpu.memory_space<vmem>>
      %dma_wait3A_528 = tpu.memref_slice %arg4[%add3A_481] : memref<262144xi32, #tpu.memory_space<hbm>> -> memref<512xi32, #tpu.memory_space<hbm>>
      tpu.wait_dma2 semaphore(%run_scoped3A_512 : memref<!tpu.dma_semaphore, #tpu.memory_space<semaphore_mem>>) src(%dma_wait3A_528 : memref<512xi32, #tpu.memory_space<hbm>>) dst(%dma_wait3A_527 : memref<512xi32, #tpu.memory_space<vmem>>)
      tpu.yield
    }) : () -> ()
    %dma_start3A_484 = arith.constant 1 : i32
    %dma_start3A_485 = arith.constant 1 : i32
    %dma_start3A_486 = arith.constant 0 : i32
    %dma_start3A_487 = arith.constant 0 : i32
    %dma_start3A_488 = tpu.memref_slice %arg9[%dma_start3A_485, %dma_start3A_486, %dma_start3A_487] : memref<2x512x64xf32, #tpu.memory_space<vmem>> -> memref<1x512x64xf32, #tpu.memory_space<vmem>>
    %dma_start3A_489 = tpu.memref_squeeze %dma_start3A_488 : memref<1x512x64xf32, #tpu.memory_space<vmem>> -> memref<512x64xf32, #tpu.memory_space<vmem>>
    %dma_start3A_490 = arith.constant 0 : i32
    %dma_start3A_491 = tpu.memref_slice %arg7[%dma_start3A_484, %dma_start3A_490] : memref<2x512xi32, #tpu.memory_space<vmem>> -> memref<1x512xi32, #tpu.memory_space<vmem>>
    %dma_start3A_492 = tpu.memref_squeeze %dma_start3A_491 : memref<1x512xi32, #tpu.memory_space<vmem>> -> memref<512xi32, #tpu.memory_space<vmem>>
    %dma_start3A_493 = arith.constant 0 : i32
    %dma_start3A_494 = arith.constant 0 : i32
    %dma_start3A_495 = tpu.memref_slice %arg3[%dma_start3A_493, %dma_start3A_494] : memref<65536x64xf32, #tpu.memory_space<hbm>> -> memref<65536x64xf32, #tpu.memory_space<hbm>>
    tpu.enqueue_indirect_dma source(%dma_start3A_495 : memref<65536x64xf32, #tpu.memory_space<hbm>>) target(%dma_start3A_489 : memref<512x64xf32, #tpu.memory_space<vmem>>) offsets(%dma_start3A_492 : memref<512xi32, #tpu.memory_space<vmem>>) semaphore(%arg12 : memref<!tpu.dma_semaphore, #tpu.memory_space<semaphore_mem>>)
    %run_scoped3A_496 = arith.constant 0 : i32
    %run_scoped3A_497 = arith.constant 0 : i32
    "tpu.region"() ({
      %run_scoped3A_512 = tpu.sem_alloc : memref<!tpu.dma_semaphore, #tpu.memory_space<semaphore_mem>>
      %dma_start3A_513 = arith.constant 0 : i32
      %dma_start3A_514 = arith.constant 0 : i32
      %dma_start3A_515 = tpu.memref_slice %arg9[%run_scoped3A_496, %dma_start3A_513, %dma_start3A_514] : memref<2x512x64xf32, #tpu.memory_space<vmem>> -> memref<1x512x64xf32, #tpu.memory_space<vmem>>
      %dma_start3A_516 = tpu.memref_squeeze %dma_start3A_515 : memref<1x512x64xf32, #tpu.memory_space<vmem>> -> memref<512x64xf32, #tpu.memory_space<vmem>>
      %dma_start3A_517 = arith.constant 0 : i32
      %dma_start3A_518 = tpu.memref_slice %arg8[%run_scoped3A_497, %dma_start3A_517] : memref<2x512xi32, #tpu.memory_space<vmem>> -> memref<1x512xi32, #tpu.memory_space<vmem>>
      %dma_start3A_519 = tpu.memref_squeeze %dma_start3A_518 : memref<1x512xi32, #tpu.memory_space<vmem>> -> memref<512xi32, #tpu.memory_space<vmem>>
      %dma_start3A_520 = arith.constant 0 : i32
      %dma_start3A_521 = arith.constant 0 : i32
      %dma_start3A_522 = tpu.memref_slice %arg10[%dma_start3A_520, %dma_start3A_521] : memref<4096x64xf32, #tpu.memory_space<vmem_shared>> -> memref<4096x64xf32, #tpu.memory_space<vmem_shared>>
      tpu.enqueue_indirect_dma source(%dma_start3A_516 : memref<512x64xf32, #tpu.memory_space<vmem>>) target(%dma_start3A_522 : memref<4096x64xf32, #tpu.memory_space<vmem_shared>>) offsets(%dma_start3A_519 : memref<512xi32, #tpu.memory_space<vmem>>) semaphore(%run_scoped3A_512 : memref<!tpu.dma_semaphore, #tpu.memory_space<semaphore_mem>>) {add = true}
      %dma_wait3A_523 = arith.constant 0 : i32
      %dma_wait3A_524 = arith.constant 0 : i32
      %dma_wait3A_525 = tpu.memref_slice %arg9[%run_scoped3A_496, %dma_wait3A_523, %dma_wait3A_524] : memref<2x512x64xf32, #tpu.memory_space<vmem>> -> memref<1x512x64xf32, #tpu.memory_space<vmem>>
      %dma_wait3A_526 = tpu.memref_squeeze %dma_wait3A_525 : memref<1x512x64xf32, #tpu.memory_space<vmem>> -> memref<512x64xf32, #tpu.memory_space<vmem>>
      %dma_wait3A_527 = arith.constant 0 : i32
      %dma_wait3A_528 = tpu.memref_slice %arg8[%run_scoped3A_497, %dma_wait3A_527] : memref<2x512xi32, #tpu.memory_space<vmem>> -> memref<1x512xi32, #tpu.memory_space<vmem>>
      %dma_wait3A_529 = tpu.memref_squeeze %dma_wait3A_528 : memref<1x512xi32, #tpu.memory_space<vmem>> -> memref<512xi32, #tpu.memory_space<vmem>>
      %dma_wait3A_530 = arith.constant 0 : i32
      %dma_wait3A_531 = arith.constant 0 : i32
      %dma_wait3A_532 = tpu.memref_slice %arg10[%dma_wait3A_530, %dma_wait3A_531] : memref<4096x64xf32, #tpu.memory_space<vmem_shared>> -> memref<4096x64xf32, #tpu.memory_space<vmem_shared>>
      tpu.wait_indirect_dma semaphore(%run_scoped3A_512 : memref<!tpu.dma_semaphore, #tpu.memory_space<semaphore_mem>>) src(%dma_wait3A_526 : memref<512x64xf32, #tpu.memory_space<vmem>>) dst(%dma_wait3A_532 : memref<4096x64xf32, #tpu.memory_space<vmem_shared>>)
      tpu.yield
    }) : () -> ()
    %dma_wait3A_498 = arith.constant 1 : i32
    %dma_wait3A_499 = arith.constant 1 : i32
    %dma_wait3A_500 = arith.constant 0 : i32
    %dma_wait3A_501 = arith.constant 0 : i32
    %dma_wait3A_502 = tpu.memref_slice %arg9[%dma_wait3A_499, %dma_wait3A_500, %dma_wait3A_501] : memref<2x512x64xf32, #tpu.memory_space<vmem>> -> memref<1x512x64xf32, #tpu.memory_space<vmem>>
    %dma_wait3A_503 = tpu.memref_squeeze %dma_wait3A_502 : memref<1x512x64xf32, #tpu.memory_space<vmem>> -> memref<512x64xf32, #tpu.memory_space<vmem>>
    %dma_wait3A_504 = arith.constant 0 : i32
    %dma_wait3A_505 = tpu.memref_slice %arg7[%dma_wait3A_498, %dma_wait3A_504] : memref<2x512xi32, #tpu.memory_space<vmem>> -> memref<1x512xi32, #tpu.memory_space<vmem>>
    %dma_wait3A_506 = tpu.memref_squeeze %dma_wait3A_505 : memref<1x512xi32, #tpu.memory_space<vmem>> -> memref<512xi32, #tpu.memory_space<vmem>>
    %dma_wait3A_507 = arith.constant 0 : i32
    %dma_wait3A_508 = arith.constant 0 : i32
    %dma_wait3A_509 = tpu.memref_slice %arg3[%dma_wait3A_507, %dma_wait3A_508] : memref<65536x64xf32, #tpu.memory_space<hbm>> -> memref<65536x64xf32, #tpu.memory_space<hbm>>
    tpu.wait_indirect_dma semaphore(%arg12 : memref<!tpu.dma_semaphore, #tpu.memory_space<semaphore_mem>>) src(%dma_wait3A_509 : memref<65536x64xf32, #tpu.memory_space<hbm>>) dst(%dma_wait3A_503 : memref<512x64xf32, #tpu.memory_space<vmem>>)
    %run_scoped3A_510 = arith.constant 1 : i32
    %run_scoped3A_511 = arith.constant 1 : i32
    "tpu.region"() ({
      %run_scoped3A_512 = tpu.sem_alloc : memref<!tpu.dma_semaphore, #tpu.memory_space<semaphore_mem>>
      %dma_start3A_513 = arith.constant 0 : i32
      %dma_start3A_514 = arith.constant 0 : i32
      %dma_start3A_515 = tpu.memref_slice %arg9[%run_scoped3A_510, %dma_start3A_513, %dma_start3A_514] : memref<2x512x64xf32, #tpu.memory_space<vmem>> -> memref<1x512x64xf32, #tpu.memory_space<vmem>>
      %dma_start3A_516 = tpu.memref_squeeze %dma_start3A_515 : memref<1x512x64xf32, #tpu.memory_space<vmem>> -> memref<512x64xf32, #tpu.memory_space<vmem>>
      %dma_start3A_517 = arith.constant 0 : i32
      %dma_start3A_518 = tpu.memref_slice %arg8[%run_scoped3A_511, %dma_start3A_517] : memref<2x512xi32, #tpu.memory_space<vmem>> -> memref<1x512xi32, #tpu.memory_space<vmem>>
      %dma_start3A_519 = tpu.memref_squeeze %dma_start3A_518 : memref<1x512xi32, #tpu.memory_space<vmem>> -> memref<512xi32, #tpu.memory_space<vmem>>
      %dma_start3A_520 = arith.constant 0 : i32
      %dma_start3A_521 = arith.constant 0 : i32
      %dma_start3A_522 = tpu.memref_slice %arg10[%dma_start3A_520, %dma_start3A_521] : memref<4096x64xf32, #tpu.memory_space<vmem_shared>> -> memref<4096x64xf32, #tpu.memory_space<vmem_shared>>
      tpu.enqueue_indirect_dma source(%dma_start3A_516 : memref<512x64xf32, #tpu.memory_space<vmem>>) target(%dma_start3A_522 : memref<4096x64xf32, #tpu.memory_space<vmem_shared>>) offsets(%dma_start3A_519 : memref<512xi32, #tpu.memory_space<vmem>>) semaphore(%run_scoped3A_512 : memref<!tpu.dma_semaphore, #tpu.memory_space<semaphore_mem>>) {add = true}
      %dma_wait3A_523 = arith.constant 0 : i32
      %dma_wait3A_524 = arith.constant 0 : i32
      %dma_wait3A_525 = tpu.memref_slice %arg9[%run_scoped3A_510, %dma_wait3A_523, %dma_wait3A_524] : memref<2x512x64xf32, #tpu.memory_space<vmem>> -> memref<1x512x64xf32, #tpu.memory_space<vmem>>
      %dma_wait3A_526 = tpu.memref_squeeze %dma_wait3A_525 : memref<1x512x64xf32, #tpu.memory_space<vmem>> -> memref<512x64xf32, #tpu.memory_space<vmem>>
      %dma_wait3A_527 = arith.constant 0 : i32
      %dma_wait3A_528 = tpu.memref_slice %arg8[%run_scoped3A_511, %dma_wait3A_527] : memref<2x512xi32, #tpu.memory_space<vmem>> -> memref<1x512xi32, #tpu.memory_space<vmem>>
      %dma_wait3A_529 = tpu.memref_squeeze %dma_wait3A_528 : memref<1x512xi32, #tpu.memory_space<vmem>> -> memref<512xi32, #tpu.memory_space<vmem>>
      %dma_wait3A_530 = arith.constant 0 : i32
      %dma_wait3A_531 = arith.constant 0 : i32
      %dma_wait3A_532 = tpu.memref_slice %arg10[%dma_wait3A_530, %dma_wait3A_531] : memref<4096x64xf32, #tpu.memory_space<vmem_shared>> -> memref<4096x64xf32, #tpu.memory_space<vmem_shared>>
      tpu.wait_indirect_dma semaphore(%run_scoped3A_512 : memref<!tpu.dma_semaphore, #tpu.memory_space<semaphore_mem>>) src(%dma_wait3A_526 : memref<512x64xf32, #tpu.memory_space<vmem>>) dst(%dma_wait3A_532 : memref<4096x64xf32, #tpu.memory_space<vmem_shared>>)
      tpu.yield
    }) : () -> ()
    "tpu.region"() ({
      %run_scoped3A_512 = tpu.sem_alloc : memref<!tpu.dma_semaphore, #tpu.memory_space<semaphore_mem>>
      %dma_start3A_513 = arith.constant 0 : i32
      %dma_start3A_514 = tpu.memref_slice %arg6[%mul3A_2, %dma_start3A_513] : memref<4096x64xf32, #tpu.memory_space<hbm>> -> memref<128x64xf32, #tpu.memory_space<hbm>>
      %dma_start3A_515 = arith.constant 0 : i32
      %dma_start3A_516 = tpu.memref_slice %arg10[%mul3A_2, %dma_start3A_515] : memref<4096x64xf32, #tpu.memory_space<vmem_shared>> -> memref<128x64xf32, #tpu.memory_space<vmem_shared>>
      tpu.enqueue_dma source(%dma_start3A_516 : memref<128x64xf32, #tpu.memory_space<vmem_shared>>) target(%dma_start3A_514 : memref<128x64xf32, #tpu.memory_space<hbm>>) target_semaphore(%run_scoped3A_512 : memref<!tpu.dma_semaphore, #tpu.memory_space<semaphore_mem>>)
      %dma_wait3A_517 = arith.constant 0 : i32
      %dma_wait3A_518 = tpu.memref_slice %arg6[%mul3A_2, %dma_wait3A_517] : memref<4096x64xf32, #tpu.memory_space<hbm>> -> memref<128x64xf32, #tpu.memory_space<hbm>>
      %dma_wait3A_519 = arith.constant 0 : i32
      %dma_wait3A_520 = tpu.memref_slice %arg10[%mul3A_2, %dma_wait3A_519] : memref<4096x64xf32, #tpu.memory_space<vmem_shared>> -> memref<128x64xf32, #tpu.memory_space<vmem_shared>>
      tpu.wait_dma2 semaphore(%run_scoped3A_512 : memref<!tpu.dma_semaphore, #tpu.memory_space<semaphore_mem>>) src(%dma_wait3A_520 : memref<128x64xf32, #tpu.memory_space<vmem_shared>>) dst(%dma_wait3A_518 : memref<128x64xf32, #tpu.memory_space<hbm>>)
      tpu.yield
    }) : () -> ()
    return
  }
}

module attributes {stable_mosaic.version = 14 : i64} {
  func.func @_enc_body(%arg0: i32, %arg1: memref<512x2048xf32, #tpu.memory_space<vmem>>, %arg2: memref<2048x64xf32, #tpu.memory_space<vmem>>, %arg3: memref<1x64xf32, #tpu.memory_space<vmem>>, %arg4: memref<64x4096xf32, #tpu.memory_space<vmem>>, %arg5: memref<1x4096xf32, #tpu.memory_space<vmem>>, %arg6: memref<512x4096xf32, #tpu.memory_space<vmem>>) attributes {dimension_semantics = [#tpu.dimension_semantics<arbitrary>], iteration_bounds = array<i64: 8>, scalar_prefetch = 0 : i64, scratch_operands = 0 : i64, tpu.core_type = #tpu.core_type<tc>, window_params = [{transform_indices = @transform_0, window_bounds = array<i64: 512, 2048>}, {pipeline_mode = #tpu.pipeline_mode<synchronous>, transform_indices = @transform_1, window_bounds = array<i64: 2048, 64>}, {pipeline_mode = #tpu.pipeline_mode<synchronous>, transform_indices = @transform_2, window_bounds = array<i64: 1, 64>}, {pipeline_mode = #tpu.pipeline_mode<synchronous>, transform_indices = @transform_3, window_bounds = array<i64: 64, 4096>}, {pipeline_mode = #tpu.pipeline_mode<synchronous>, transform_indices = @transform_4, window_bounds = array<i64: 1, 4096>}, {transform_indices = @transform_5, window_bounds = array<i64: 512, 4096>}]} {
    %get3A = arith.constant 0 : index
    %get3A_0 = arith.constant 0 : index
    %get3A_1 = vector.load %arg1[%get3A, %get3A_0] : memref<512x2048xf32, #tpu.memory_space<vmem>>, vector<512x2048xf32>
    %get3A_2 = arith.constant 0 : index
    %get3A_3 = arith.constant 0 : index
    %get3A_4 = vector.load %arg2[%get3A_2, %get3A_3] : memref<2048x64xf32, #tpu.memory_space<vmem>>, vector<2048x64xf32>
    %dot_general3A = arith.constant dense<0.000000e+00> : vector<512x64xf32>
    %dot_general3A_5 = tpu.matmul %get3A_1, %get3A_4, %dot_general3A {dimension_numbers = #tpu.dot_dimension_numbers<[1], [0], [0], [1], [0, 0, 1, 1], [], []>, transpose_lhs_hint = false} : vector<512x2048xf32>, vector<2048x64xf32>, vector<512x64xf32> -> vector<512x64xf32>
    %get3A_6 = arith.constant 0 : index
    %get3A_7 = arith.constant 0 : index
    %get3A_8 = vector.load %arg3[%get3A_6, %get3A_7] : memref<1x64xf32, #tpu.memory_space<vmem>>, vector<1x64xf32>
    %add3A = vector.broadcast %get3A_8 : vector<1x64xf32> to vector<512x64xf32>
    %add3A_9 = arith.addf %dot_general3A_5, %add3A : vector<512x64xf32>
    %max3A = arith.constant 0.000000e+00 : f32
    %max3A_10 = vector.broadcast %max3A : f32 to vector<512x64xf32>
    %max3A_11 = arith.maximumf %add3A_9, %max3A_10 : vector<512x64xf32>
    %get3A_12 = arith.constant 0 : index
    %get3A_13 = arith.constant 0 : index
    %get3A_14 = vector.load %arg4[%get3A_12, %get3A_13] : memref<64x4096xf32, #tpu.memory_space<vmem>>, vector<64x4096xf32>
    %dot_general3A_15 = arith.constant dense<0.000000e+00> : vector<512x4096xf32>
    %dot_general3A_16 = tpu.matmul %max3A_11, %get3A_14, %dot_general3A_15 {dimension_numbers = #tpu.dot_dimension_numbers<[1], [0], [0], [1], [0, 0, 1, 1], [], []>, transpose_lhs_hint = false} : vector<512x64xf32>, vector<64x4096xf32>, vector<512x4096xf32> -> vector<512x4096xf32>
    %get3A_17 = arith.constant 0 : index
    %get3A_18 = arith.constant 0 : index
    %get3A_19 = vector.load %arg5[%get3A_17, %get3A_18] : memref<1x4096xf32, #tpu.memory_space<vmem>>, vector<1x4096xf32>
    %add3A_20 = vector.broadcast %get3A_19 : vector<1x4096xf32> to vector<512x4096xf32>
    %add3A_21 = arith.addf %dot_general3A_16, %add3A_20 : vector<512x4096xf32>
    %swap3A = arith.constant 0 : index
    %swap3A_22 = arith.constant 0 : index
    %swap3A_23 = vector.load %arg6[%swap3A, %swap3A_22] : memref<512x4096xf32, #tpu.memory_space<vmem>>, vector<512x4096xf32>
    tpu.vector_store %arg6[%swap3A, %swap3A_22], %add3A_21 {strides = array<i32>} : memref<512x4096xf32, #tpu.memory_space<vmem>>, vector<512x4096xf32>,
    return
  }
  func.func @transform_0(%arg0: i32) -> (i32, i32) {
    %c0_i32 = arith.constant 0 : i32
    %c0_i32_0 = arith.constant 0 : i32
    return %arg0, %c0_i32 : i32, i32
  }
  func.func @transform_1(%arg0: i32) -> (i32, i32) {
    %c0_i32 = arith.constant 0 : i32
    %c0_i32_0 = arith.constant 0 : i32
    %c0_i32_1 = arith.constant 0 : i32
    return %c0_i32, %c0_i32_0 : i32, i32
  }
  func.func @transform_2(%arg0: i32) -> (i32, i32) {
    %c0_i32 = arith.constant 0 : i32
    %c0_i32_0 = arith.constant 0 : i32
    %c0_i32_1 = arith.constant 0 : i32
    return %c0_i32, %c0_i32_0 : i32, i32
  }
  func.func @transform_3(%arg0: i32) -> (i32, i32) {
    %c0_i32 = arith.constant 0 : i32
    %c0_i32_0 = arith.constant 0 : i32
    %c0_i32_1 = arith.constant 0 : i32
    return %c0_i32, %c0_i32_0 : i32, i32
  }
  func.func @transform_4(%arg0: i32) -> (i32, i32) {
    %c0_i32 = arith.constant 0 : i32
    %c0_i32_0 = arith.constant 0 : i32
    %c0_i32_1 = arith.constant 0 : i32
    return %c0_i32, %c0_i32_0 : i32, i32
  }
  func.func @transform_5(%arg0: i32) -> (i32, i32) {
    %c0_i32 = arith.constant 0 : i32
    %c0_i32_0 = arith.constant 0 : i32
    return %arg0, %c0_i32 : i32, i32
  }
}

module attributes {stable_mosaic.version = 14 : i64} {
  func.func @_score_body(%arg0: i32, %arg1: memref<4096x64xf32, #tpu.memory_space<vmem>>, %arg2: memref<4096x1xf32, #tpu.memory_space<vmem>>, %arg3: memref<64x1024xf32, #tpu.memory_space<vmem>>, %arg4: memref<1x1024xf32, #tpu.memory_space<vmem>>, %arg5: memref<1x1024xf32, #tpu.memory_space<vmem>>, %arg6: memref<1x1x4096xi32, #tpu.memory_space<vmem>>, %arg7: memref<1x1x1xf32, #tpu.memory_space<smem>>) attributes {dimension_semantics = [#tpu.dimension_semantics<parallel>], iteration_bounds = array<i64: 64>, scalar_prefetch = 0 : i64, scratch_operands = 0 : i64, tpu.core_type = #tpu.core_type<tc>, window_params = [{transform_indices = @transform_0, window_bounds = array<i64: 4096, 64>}, {transform_indices = @transform_1, window_bounds = array<i64: 4096, 1>}, {pipeline_mode = #tpu.pipeline_mode<synchronous>, transform_indices = @transform_2, window_bounds = array<i64: 64, 1024>}, {pipeline_mode = #tpu.pipeline_mode<synchronous>, transform_indices = @transform_3, window_bounds = array<i64: 1, 1024>}, {pipeline_mode = #tpu.pipeline_mode<synchronous>, transform_indices = @transform_4, window_bounds = array<i64: 1, 1024>}, {transform_indices = @transform_5, window_bounds = array<i64: 1, 1, 4096>}, {transform_indices = @transform_6, window_bounds = array<i64: 1, 1, 1>}]} {
    %get3A = arith.constant 0 : index
    %get3A_0 = arith.constant 0 : index
    %get3A_1 = vector.load %arg3[%get3A, %get3A_0] : memref<64x1024xf32, #tpu.memory_space<vmem>>, vector<64x1024xf32>
    %get3A_2 = arith.constant 0 : index
    %get3A_3 = arith.constant 0 : index
    %get3A_4 = vector.load %arg4[%get3A_2, %get3A_3] : memref<1x1024xf32, #tpu.memory_space<vmem>>, vector<1x1024xf32>
    %get3A_5 = arith.constant 0 : index
    %get3A_6 = arith.constant 0 : index
    %get3A_7 = vector.load %arg5[%get3A_5, %get3A_6] : memref<1x1024xf32, #tpu.memory_space<vmem>>, vector<1x1024xf32>
    %get3A_8 = arith.constant 0 : index
    %get3A_9 = arith.constant 0 : index
    %get3A_10 = vector.load %arg1[%get3A_8, %get3A_9] : memref<4096x64xf32, #tpu.memory_space<vmem>>, vector<256x64xf32>
    %dot_general3A = arith.constant dense<0.000000e+00> : vector<256x1024xf32>
    %dot_general3A_11 = tpu.matmul %get3A_10, %get3A_1, %dot_general3A {dimension_numbers = #tpu.dot_dimension_numbers<[1], [0], [0], [1], [0, 0, 1, 1], [], []>, transpose_lhs_hint = false} : vector<256x64xf32>, vector<64x1024xf32>, vector<256x1024xf32> -> vector<256x1024xf32>
    %get3A_12 = arith.constant 0 : index
    %get3A_13 = arith.constant 0 : index
    %get3A_14 = vector.load %arg2[%get3A_12, %get3A_13] : memref<4096x1xf32, #tpu.memory_space<vmem>>, vector<256x1xf32>
    %add3A = vector.broadcast %get3A_14 : vector<256x1xf32> to vector<256x1024xf32>
    %add3A_15 = vector.broadcast %get3A_4 : vector<1x1024xf32> to vector<256x1024xf32>
    %add3A_16 = arith.addf %add3A, %add3A_15 : vector<256x1024xf32>
    %sub3A = arith.subf %add3A_16, %dot_general3A_11 : vector<256x1024xf32>
    %reduce_min3A = arith.constant dense<0x7F800000> : vector<256xf32>
    %reduce_min3A_17 = vector.multi_reduction <minimumf>, %sub3A, %reduce_min3A [1] : vector<256x1024xf32> to vector<256xf32>
    %broadcast_in_dim3A = vector.shape_cast %reduce_min3A_17 : vector<256xf32> to vector<256x1xf32>
    %eq3A = vector.broadcast %broadcast_in_dim3A : vector<256x1xf32> to vector<256x1024xf32>
    %eq3A_18 = arith.cmpf oeq, %sub3A, %eq3A : vector<256x1024xf32>
    %jit3A = arith.constant 1.024000e+03 : f32
    %broadcast_in_dim3A_19 = vector.shape_cast %get3A_7 : vector<1x1024xf32> to vector<1x1024xf32>
    %broadcast_in_dim3A_20 = vector.broadcast %broadcast_in_dim3A_19 : vector<1x1024xf32> to vector<256x1024xf32>
    %broadcast_in_dim3A_21 = vector.broadcast %jit3A : f32 to vector<256x1024xf32>
    %select_n3A = arith.select %eq3A_18, %broadcast_in_dim3A_20, %broadcast_in_dim3A_21 : vector<256x1024xi1>, vector<256x1024xf32>
    %reduce_min3A_22 = arith.constant dense<0x7F800000> : vector<256xf32>
    %reduce_min3A_23 = vector.multi_reduction <minimumf>, %select_n3A, %reduce_min3A_22 [1] : vector<256x1024xf32> to vector<256xf32>
    %convert_element_type3A = arith.fptosi %reduce_min3A_23 : vector<256xf32> to vector<256xi32>
    %reshape3A = vector.shape_cast %convert_element_type3A : vector<256xi32> to vector<1x1x256xi32>
    %swap3A = arith.constant 0 : index
    %swap3A_24 = arith.constant 0 : index
    %swap3A_25 = arith.constant 0 : index
    %swap3A_26 = vector.load %arg6[%swap3A, %swap3A_24, %swap3A_25] : memref<1x1x4096xi32, #tpu.memory_space<vmem>>, vector<1x1x256xi32>
    tpu.vector_store %arg6[%swap3A, %swap3A_24, %swap3A_25], %reshape3A {strides = array<i32>} : memref<1x1x4096xi32, #tpu.memory_space<vmem>>, vector<1x1x256xi32>,
    %reduce_sum3A = vector.shape_cast %broadcast_in_dim3A : vector<256x1xf32> to vector<1x256x1xf32>
    %reduce_sum3A_27 = arith.constant dense<0.000000e+00> : vector<1xf32>
    %reduce_sum3A_28 = vector.multi_reduction <add>, %reduce_sum3A, %reduce_sum3A_27 [1, 2] : vector<1x256x1xf32> to vector<1xf32>
    %reduce_sum3A_29 = vector.shape_cast %reduce_sum3A_28 : vector<1xf32> to vector<1x1x1xf32>
    %reduce_sum3A_30 = vector.extract %reduce_sum3A_29[0, 0, 0] : f32 from vector<1x1x1xf32>
    %add3A_31 = arith.constant 0.000000e+00 : f32
    %add3A_32 = arith.addf %add3A_31, %reduce_sum3A_30 : f32
    %get3A_33 = arith.constant 256 : index
    %get3A_34 = arith.constant 0 : index
    %get3A_35 = vector.load %arg1[%get3A_33, %get3A_34] : memref<4096x64xf32, #tpu.memory_space<vmem>>, vector<256x64xf32>
    %dot_general3A_36 = arith.constant dense<0.000000e+00> : vector<256x1024xf32>
    %dot_general3A_37 = tpu.matmul %get3A_35, %get3A_1, %dot_general3A_36 {dimension_numbers = #tpu.dot_dimension_numbers<[1], [0], [0], [1], [0, 0, 1, 1], [], []>, transpose_lhs_hint = false} : vector<256x64xf32>, vector<64x1024xf32>, vector<256x1024xf32> -> vector<256x1024xf32>
    %get3A_38 = arith.constant 256 : index
    %get3A_39 = arith.constant 0 : index
    %get3A_40 = vector.load %arg2[%get3A_38, %get3A_39] : memref<4096x1xf32, #tpu.memory_space<vmem>>, vector<256x1xf32>
    %add3A_41 = vector.broadcast %get3A_40 : vector<256x1xf32> to vector<256x1024xf32>
    %add3A_42 = vector.broadcast %get3A_4 : vector<1x1024xf32> to vector<256x1024xf32>
    %add3A_43 = arith.addf %add3A_41, %add3A_42 : vector<256x1024xf32>
    %sub3A_44 = arith.subf %add3A_43, %dot_general3A_37 : vector<256x1024xf32>
    %reduce_min3A_45 = arith.constant dense<0x7F800000> : vector<256xf32>
    %reduce_min3A_46 = vector.multi_reduction <minimumf>, %sub3A_44, %reduce_min3A_45 [1] : vector<256x1024xf32> to vector<256xf32>
    %broadcast_in_dim3A_47 = vector.shape_cast %reduce_min3A_46 : vector<256xf32> to vector<256x1xf32>
    %eq3A_48 = vector.broadcast %broadcast_in_dim3A_47 : vector<256x1xf32> to vector<256x1024xf32>
    %eq3A_49 = arith.cmpf oeq, %sub3A_44, %eq3A_48 : vector<256x1024xf32>
    %jit3A_50 = arith.constant 1.024000e+03 : f32
    %broadcast_in_dim3A_51 = vector.shape_cast %get3A_7 : vector<1x1024xf32> to vector<1x1024xf32>
    %broadcast_in_dim3A_52 = vector.broadcast %broadcast_in_dim3A_51 : vector<1x1024xf32> to vector<256x1024xf32>
    %broadcast_in_dim3A_53 = vector.broadcast %jit3A_50 : f32 to vector<256x1024xf32>
    %select_n3A_54 = arith.select %eq3A_49, %broadcast_in_dim3A_52, %broadcast_in_dim3A_53 : vector<256x1024xi1>, vector<256x1024xf32>
    %reduce_min3A_55 = arith.constant dense<0x7F800000> : vector<256xf32>
    %reduce_min3A_56 = vector.multi_reduction <minimumf>, %select_n3A_54, %reduce_min3A_55 [1] : vector<256x1024xf32> to vector<256xf32>
    %convert_element_type3A_57 = arith.fptosi %reduce_min3A_56 : vector<256xf32> to vector<256xi32>
    %reshape3A_58 = vector.shape_cast %convert_element_type3A_57 : vector<256xi32> to vector<1x1x256xi32>
    %swap3A_59 = arith.constant 0 : index
    %swap3A_60 = arith.constant 0 : index
    %swap3A_61 = arith.constant 256 : index
    %swap3A_62 = vector.load %arg6[%swap3A_59, %swap3A_60, %swap3A_61] : memref<1x1x4096xi32, #tpu.memory_space<vmem>>, vector<1x1x256xi32>
    tpu.vector_store %arg6[%swap3A_59, %swap3A_60, %swap3A_61], %reshape3A_58 {strides = array<i32>} : memref<1x1x4096xi32, #tpu.memory_space<vmem>>, vector<1x1x256xi32>,
    %reduce_sum3A_63 = vector.shape_cast %broadcast_in_dim3A_47 : vector<256x1xf32> to vector<1x256x1xf32>
    %reduce_sum3A_64 = arith.constant dense<0.000000e+00> : vector<1xf32>
    %reduce_sum3A_65 = vector.multi_reduction <add>, %reduce_sum3A_63, %reduce_sum3A_64 [1, 2] : vector<1x256x1xf32> to vector<1xf32>
    %reduce_sum3A_66 = vector.shape_cast %reduce_sum3A_65 : vector<1xf32> to vector<1x1x1xf32>
    %reduce_sum3A_67 = vector.extract %reduce_sum3A_66[0, 0, 0] : f32 from vector<1x1x1xf32>
    %add3A_68 = arith.addf %add3A_32, %reduce_sum3A_67 : f32
    %get3A_69 = arith.constant 512 : index
    %get3A_70 = arith.constant 0 : index
    %get3A_71 = vector.load %arg1[%get3A_69, %get3A_70] : memref<4096x64xf32, #tpu.memory_space<vmem>>, vector<256x64xf32>
    %dot_general3A_72 = arith.constant dense<0.000000e+00> : vector<256x1024xf32>
    %dot_general3A_73 = tpu.matmul %get3A_71, %get3A_1, %dot_general3A_72 {dimension_numbers = #tpu.dot_dimension_numbers<[1], [0], [0], [1], [0, 0, 1, 1], [], []>, transpose_lhs_hint = false} : vector<256x64xf32>, vector<64x1024xf32>, vector<256x1024xf32> -> vector<256x1024xf32>
    %get3A_74 = arith.constant 512 : index
    %get3A_75 = arith.constant 0 : index
    %get3A_76 = vector.load %arg2[%get3A_74, %get3A_75] : memref<4096x1xf32, #tpu.memory_space<vmem>>, vector<256x1xf32>
    %add3A_77 = vector.broadcast %get3A_76 : vector<256x1xf32> to vector<256x1024xf32>
    %add3A_78 = vector.broadcast %get3A_4 : vector<1x1024xf32> to vector<256x1024xf32>
    %add3A_79 = arith.addf %add3A_77, %add3A_78 : vector<256x1024xf32>
    %sub3A_80 = arith.subf %add3A_79, %dot_general3A_73 : vector<256x1024xf32>
    %reduce_min3A_81 = arith.constant dense<0x7F800000> : vector<256xf32>
    %reduce_min3A_82 = vector.multi_reduction <minimumf>, %sub3A_80, %reduce_min3A_81 [1] : vector<256x1024xf32> to vector<256xf32>
    %broadcast_in_dim3A_83 = vector.shape_cast %reduce_min3A_82 : vector<256xf32> to vector<256x1xf32>
    %eq3A_84 = vector.broadcast %broadcast_in_dim3A_83 : vector<256x1xf32> to vector<256x1024xf32>
    %eq3A_85 = arith.cmpf oeq, %sub3A_80, %eq3A_84 : vector<256x1024xf32>
    %jit3A_86 = arith.constant 1.024000e+03 : f32
    %broadcast_in_dim3A_87 = vector.shape_cast %get3A_7 : vector<1x1024xf32> to vector<1x1024xf32>
    %broadcast_in_dim3A_88 = vector.broadcast %broadcast_in_dim3A_87 : vector<1x1024xf32> to vector<256x1024xf32>
    %broadcast_in_dim3A_89 = vector.broadcast %jit3A_86 : f32 to vector<256x1024xf32>
    %select_n3A_90 = arith.select %eq3A_85, %broadcast_in_dim3A_88, %broadcast_in_dim3A_89 : vector<256x1024xi1>, vector<256x1024xf32>
    %reduce_min3A_91 = arith.constant dense<0x7F800000> : vector<256xf32>
    %reduce_min3A_92 = vector.multi_reduction <minimumf>, %select_n3A_90, %reduce_min3A_91 [1] : vector<256x1024xf32> to vector<256xf32>
    %convert_element_type3A_93 = arith.fptosi %reduce_min3A_92 : vector<256xf32> to vector<256xi32>
    %reshape3A_94 = vector.shape_cast %convert_element_type3A_93 : vector<256xi32> to vector<1x1x256xi32>
    %swap3A_95 = arith.constant 0 : index
    %swap3A_96 = arith.constant 0 : index
    %swap3A_97 = arith.constant 512 : index
    %swap3A_98 = vector.load %arg6[%swap3A_95, %swap3A_96, %swap3A_97] : memref<1x1x4096xi32, #tpu.memory_space<vmem>>, vector<1x1x256xi32>
    tpu.vector_store %arg6[%swap3A_95, %swap3A_96, %swap3A_97], %reshape3A_94 {strides = array<i32>} : memref<1x1x4096xi32, #tpu.memory_space<vmem>>, vector<1x1x256xi32>,
    %reduce_sum3A_99 = vector.shape_cast %broadcast_in_dim3A_83 : vector<256x1xf32> to vector<1x256x1xf32>
    %reduce_sum3A_100 = arith.constant dense<0.000000e+00> : vector<1xf32>
    %reduce_sum3A_101 = vector.multi_reduction <add>, %reduce_sum3A_99, %reduce_sum3A_100 [1, 2] : vector<1x256x1xf32> to vector<1xf32>
    %reduce_sum3A_102 = vector.shape_cast %reduce_sum3A_101 : vector<1xf32> to vector<1x1x1xf32>
    %reduce_sum3A_103 = vector.extract %reduce_sum3A_102[0, 0, 0] : f32 from vector<1x1x1xf32>
    %add3A_104 = arith.addf %add3A_68, %reduce_sum3A_103 : f32
    %get3A_105 = arith.constant 768 : index
    %get3A_106 = arith.constant 0 : index
    %get3A_107 = vector.load %arg1[%get3A_105, %get3A_106] : memref<4096x64xf32, #tpu.memory_space<vmem>>, vector<256x64xf32>
    %dot_general3A_108 = arith.constant dense<0.000000e+00> : vector<256x1024xf32>
    %dot_general3A_109 = tpu.matmul %get3A_107, %get3A_1, %dot_general3A_108 {dimension_numbers = #tpu.dot_dimension_numbers<[1], [0], [0], [1], [0, 0, 1, 1], [], []>, transpose_lhs_hint = false} : vector<256x64xf32>, vector<64x1024xf32>, vector<256x1024xf32> -> vector<256x1024xf32>
    %get3A_110 = arith.constant 768 : index
    %get3A_111 = arith.constant 0 : index
    %get3A_112 = vector.load %arg2[%get3A_110, %get3A_111] : memref<4096x1xf32, #tpu.memory_space<vmem>>, vector<256x1xf32>
    %add3A_113 = vector.broadcast %get3A_112 : vector<256x1xf32> to vector<256x1024xf32>
    %add3A_114 = vector.broadcast %get3A_4 : vector<1x1024xf32> to vector<256x1024xf32>
    %add3A_115 = arith.addf %add3A_113, %add3A_114 : vector<256x1024xf32>
    %sub3A_116 = arith.subf %add3A_115, %dot_general3A_109 : vector<256x1024xf32>
    %reduce_min3A_117 = arith.constant dense<0x7F800000> : vector<256xf32>
    %reduce_min3A_118 = vector.multi_reduction <minimumf>, %sub3A_116, %reduce_min3A_117 [1] : vector<256x1024xf32> to vector<256xf32>
    %broadcast_in_dim3A_119 = vector.shape_cast %reduce_min3A_118 : vector<256xf32> to vector<256x1xf32>
    %eq3A_120 = vector.broadcast %broadcast_in_dim3A_119 : vector<256x1xf32> to vector<256x1024xf32>
    %eq3A_121 = arith.cmpf oeq, %sub3A_116, %eq3A_120 : vector<256x1024xf32>
    %jit3A_122 = arith.constant 1.024000e+03 : f32
    %broadcast_in_dim3A_123 = vector.shape_cast %get3A_7 : vector<1x1024xf32> to vector<1x1024xf32>
    %broadcast_in_dim3A_124 = vector.broadcast %broadcast_in_dim3A_123 : vector<1x1024xf32> to vector<256x1024xf32>
    %broadcast_in_dim3A_125 = vector.broadcast %jit3A_122 : f32 to vector<256x1024xf32>
    %select_n3A_126 = arith.select %eq3A_121, %broadcast_in_dim3A_124, %broadcast_in_dim3A_125 : vector<256x1024xi1>, vector<256x1024xf32>
    %reduce_min3A_127 = arith.constant dense<0x7F800000> : vector<256xf32>
    %reduce_min3A_128 = vector.multi_reduction <minimumf>, %select_n3A_126, %reduce_min3A_127 [1] : vector<256x1024xf32> to vector<256xf32>
    %convert_element_type3A_129 = arith.fptosi %reduce_min3A_128 : vector<256xf32> to vector<256xi32>
    %reshape3A_130 = vector.shape_cast %convert_element_type3A_129 : vector<256xi32> to vector<1x1x256xi32>
    %swap3A_131 = arith.constant 0 : index
    %swap3A_132 = arith.constant 0 : index
    %swap3A_133 = arith.constant 768 : index
    %swap3A_134 = vector.load %arg6[%swap3A_131, %swap3A_132, %swap3A_133] : memref<1x1x4096xi32, #tpu.memory_space<vmem>>, vector<1x1x256xi32>
    tpu.vector_store %arg6[%swap3A_131, %swap3A_132, %swap3A_133], %reshape3A_130 {strides = array<i32>} : memref<1x1x4096xi32, #tpu.memory_space<vmem>>, vector<1x1x256xi32>,
    %reduce_sum3A_135 = vector.shape_cast %broadcast_in_dim3A_119 : vector<256x1xf32> to vector<1x256x1xf32>
    %reduce_sum3A_136 = arith.constant dense<0.000000e+00> : vector<1xf32>
    %reduce_sum3A_137 = vector.multi_reduction <add>, %reduce_sum3A_135, %reduce_sum3A_136 [1, 2] : vector<1x256x1xf32> to vector<1xf32>
    %reduce_sum3A_138 = vector.shape_cast %reduce_sum3A_137 : vector<1xf32> to vector<1x1x1xf32>
    %reduce_sum3A_139 = vector.extract %reduce_sum3A_138[0, 0, 0] : f32 from vector<1x1x1xf32>
    %add3A_140 = arith.addf %add3A_104, %reduce_sum3A_139 : f32
    %get3A_141 = arith.constant 1024 : index
    %get3A_142 = arith.constant 0 : index
    %get3A_143 = vector.load %arg1[%get3A_141, %get3A_142] : memref<4096x64xf32, #tpu.memory_space<vmem>>, vector<256x64xf32>
    %dot_general3A_144 = arith.constant dense<0.000000e+00> : vector<256x1024xf32>
    %dot_general3A_145 = tpu.matmul %get3A_143, %get3A_1, %dot_general3A_144 {dimension_numbers = #tpu.dot_dimension_numbers<[1], [0], [0], [1], [0, 0, 1, 1], [], []>, transpose_lhs_hint = false} : vector<256x64xf32>, vector<64x1024xf32>, vector<256x1024xf32> -> vector<256x1024xf32>
    %get3A_146 = arith.constant 1024 : index
    %get3A_147 = arith.constant 0 : index
    %get3A_148 = vector.load %arg2[%get3A_146, %get3A_147] : memref<4096x1xf32, #tpu.memory_space<vmem>>, vector<256x1xf32>
    %add3A_149 = vector.broadcast %get3A_148 : vector<256x1xf32> to vector<256x1024xf32>
    %add3A_150 = vector.broadcast %get3A_4 : vector<1x1024xf32> to vector<256x1024xf32>
    %add3A_151 = arith.addf %add3A_149, %add3A_150 : vector<256x1024xf32>
    %sub3A_152 = arith.subf %add3A_151, %dot_general3A_145 : vector<256x1024xf32>
    %reduce_min3A_153 = arith.constant dense<0x7F800000> : vector<256xf32>
    %reduce_min3A_154 = vector.multi_reduction <minimumf>, %sub3A_152, %reduce_min3A_153 [1] : vector<256x1024xf32> to vector<256xf32>
    %broadcast_in_dim3A_155 = vector.shape_cast %reduce_min3A_154 : vector<256xf32> to vector<256x1xf32>
    %eq3A_156 = vector.broadcast %broadcast_in_dim3A_155 : vector<256x1xf32> to vector<256x1024xf32>
    %eq3A_157 = arith.cmpf oeq, %sub3A_152, %eq3A_156 : vector<256x1024xf32>
    %jit3A_158 = arith.constant 1.024000e+03 : f32
    %broadcast_in_dim3A_159 = vector.shape_cast %get3A_7 : vector<1x1024xf32> to vector<1x1024xf32>
    %broadcast_in_dim3A_160 = vector.broadcast %broadcast_in_dim3A_159 : vector<1x1024xf32> to vector<256x1024xf32>
    %broadcast_in_dim3A_161 = vector.broadcast %jit3A_158 : f32 to vector<256x1024xf32>
    %select_n3A_162 = arith.select %eq3A_157, %broadcast_in_dim3A_160, %broadcast_in_dim3A_161 : vector<256x1024xi1>, vector<256x1024xf32>
    %reduce_min3A_163 = arith.constant dense<0x7F800000> : vector<256xf32>
    %reduce_min3A_164 = vector.multi_reduction <minimumf>, %select_n3A_162, %reduce_min3A_163 [1] : vector<256x1024xf32> to vector<256xf32>
    %convert_element_type3A_165 = arith.fptosi %reduce_min3A_164 : vector<256xf32> to vector<256xi32>
    %reshape3A_166 = vector.shape_cast %convert_element_type3A_165 : vector<256xi32> to vector<1x1x256xi32>
    %swap3A_167 = arith.constant 0 : index
    %swap3A_168 = arith.constant 0 : index
    %swap3A_169 = arith.constant 1024 : index
    %swap3A_170 = vector.load %arg6[%swap3A_167, %swap3A_168, %swap3A_169] : memref<1x1x4096xi32, #tpu.memory_space<vmem>>, vector<1x1x256xi32>
    tpu.vector_store %arg6[%swap3A_167, %swap3A_168, %swap3A_169], %reshape3A_166 {strides = array<i32>} : memref<1x1x4096xi32, #tpu.memory_space<vmem>>, vector<1x1x256xi32>,
    %reduce_sum3A_171 = vector.shape_cast %broadcast_in_dim3A_155 : vector<256x1xf32> to vector<1x256x1xf32>
    %reduce_sum3A_172 = arith.constant dense<0.000000e+00> : vector<1xf32>
    %reduce_sum3A_173 = vector.multi_reduction <add>, %reduce_sum3A_171, %reduce_sum3A_172 [1, 2] : vector<1x256x1xf32> to vector<1xf32>
    %reduce_sum3A_174 = vector.shape_cast %reduce_sum3A_173 : vector<1xf32> to vector<1x1x1xf32>
    %reduce_sum3A_175 = vector.extract %reduce_sum3A_174[0, 0, 0] : f32 from vector<1x1x1xf32>
    %add3A_176 = arith.addf %add3A_140, %reduce_sum3A_175 : f32
    %get3A_177 = arith.constant 1280 : index
    %get3A_178 = arith.constant 0 : index
    %get3A_179 = vector.load %arg1[%get3A_177, %get3A_178] : memref<4096x64xf32, #tpu.memory_space<vmem>>, vector<256x64xf32>
    %dot_general3A_180 = arith.constant dense<0.000000e+00> : vector<256x1024xf32>
    %dot_general3A_181 = tpu.matmul %get3A_179, %get3A_1, %dot_general3A_180 {dimension_numbers = #tpu.dot_dimension_numbers<[1], [0], [0], [1], [0, 0, 1, 1], [], []>, transpose_lhs_hint = false} : vector<256x64xf32>, vector<64x1024xf32>, vector<256x1024xf32> -> vector<256x1024xf32>
    %get3A_182 = arith.constant 1280 : index
    %get3A_183 = arith.constant 0 : index
    %get3A_184 = vector.load %arg2[%get3A_182, %get3A_183] : memref<4096x1xf32, #tpu.memory_space<vmem>>, vector<256x1xf32>
    %add3A_185 = vector.broadcast %get3A_184 : vector<256x1xf32> to vector<256x1024xf32>
    %add3A_186 = vector.broadcast %get3A_4 : vector<1x1024xf32> to vector<256x1024xf32>
    %add3A_187 = arith.addf %add3A_185, %add3A_186 : vector<256x1024xf32>
    %sub3A_188 = arith.subf %add3A_187, %dot_general3A_181 : vector<256x1024xf32>
    %reduce_min3A_189 = arith.constant dense<0x7F800000> : vector<256xf32>
    %reduce_min3A_190 = vector.multi_reduction <minimumf>, %sub3A_188, %reduce_min3A_189 [1] : vector<256x1024xf32> to vector<256xf32>
    %broadcast_in_dim3A_191 = vector.shape_cast %reduce_min3A_190 : vector<256xf32> to vector<256x1xf32>
    %eq3A_192 = vector.broadcast %broadcast_in_dim3A_191 : vector<256x1xf32> to vector<256x1024xf32>
    %eq3A_193 = arith.cmpf oeq, %sub3A_188, %eq3A_192 : vector<256x1024xf32>
    %jit3A_194 = arith.constant 1.024000e+03 : f32
    %broadcast_in_dim3A_195 = vector.shape_cast %get3A_7 : vector<1x1024xf32> to vector<1x1024xf32>
    %broadcast_in_dim3A_196 = vector.broadcast %broadcast_in_dim3A_195 : vector<1x1024xf32> to vector<256x1024xf32>
    %broadcast_in_dim3A_197 = vector.broadcast %jit3A_194 : f32 to vector<256x1024xf32>
    %select_n3A_198 = arith.select %eq3A_193, %broadcast_in_dim3A_196, %broadcast_in_dim3A_197 : vector<256x1024xi1>, vector<256x1024xf32>
    %reduce_min3A_199 = arith.constant dense<0x7F800000> : vector<256xf32>
    %reduce_min3A_200 = vector.multi_reduction <minimumf>, %select_n3A_198, %reduce_min3A_199 [1] : vector<256x1024xf32> to vector<256xf32>
    %convert_element_type3A_201 = arith.fptosi %reduce_min3A_200 : vector<256xf32> to vector<256xi32>
    %reshape3A_202 = vector.shape_cast %convert_element_type3A_201 : vector<256xi32> to vector<1x1x256xi32>
    %swap3A_203 = arith.constant 0 : index
    %swap3A_204 = arith.constant 0 : index
    %swap3A_205 = arith.constant 1280 : index
    %swap3A_206 = vector.load %arg6[%swap3A_203, %swap3A_204, %swap3A_205] : memref<1x1x4096xi32, #tpu.memory_space<vmem>>, vector<1x1x256xi32>
    tpu.vector_store %arg6[%swap3A_203, %swap3A_204, %swap3A_205], %reshape3A_202 {strides = array<i32>} : memref<1x1x4096xi32, #tpu.memory_space<vmem>>, vector<1x1x256xi32>,
    %reduce_sum3A_207 = vector.shape_cast %broadcast_in_dim3A_191 : vector<256x1xf32> to vector<1x256x1xf32>
    %reduce_sum3A_208 = arith.constant dense<0.000000e+00> : vector<1xf32>
    %reduce_sum3A_209 = vector.multi_reduction <add>, %reduce_sum3A_207, %reduce_sum3A_208 [1, 2] : vector<1x256x1xf32> to vector<1xf32>
    %reduce_sum3A_210 = vector.shape_cast %reduce_sum3A_209 : vector<1xf32> to vector<1x1x1xf32>
    %reduce_sum3A_211 = vector.extract %reduce_sum3A_210[0, 0, 0] : f32 from vector<1x1x1xf32>
    %add3A_212 = arith.addf %add3A_176, %reduce_sum3A_211 : f32
    %get3A_213 = arith.constant 1536 : index
    %get3A_214 = arith.constant 0 : index
    %get3A_215 = vector.load %arg1[%get3A_213, %get3A_214] : memref<4096x64xf32, #tpu.memory_space<vmem>>, vector<256x64xf32>
    %dot_general3A_216 = arith.constant dense<0.000000e+00> : vector<256x1024xf32>
    %dot_general3A_217 = tpu.matmul %get3A_215, %get3A_1, %dot_general3A_216 {dimension_numbers = #tpu.dot_dimension_numbers<[1], [0], [0], [1], [0, 0, 1, 1], [], []>, transpose_lhs_hint = false} : vector<256x64xf32>, vector<64x1024xf32>, vector<256x1024xf32> -> vector<256x1024xf32>
    %get3A_218 = arith.constant 1536 : index
    %get3A_219 = arith.constant 0 : index
    %get3A_220 = vector.load %arg2[%get3A_218, %get3A_219] : memref<4096x1xf32, #tpu.memory_space<vmem>>, vector<256x1xf32>
    %add3A_221 = vector.broadcast %get3A_220 : vector<256x1xf32> to vector<256x1024xf32>
    %add3A_222 = vector.broadcast %get3A_4 : vector<1x1024xf32> to vector<256x1024xf32>
    %add3A_223 = arith.addf %add3A_221, %add3A_222 : vector<256x1024xf32>
    %sub3A_224 = arith.subf %add3A_223, %dot_general3A_217 : vector<256x1024xf32>
    %reduce_min3A_225 = arith.constant dense<0x7F800000> : vector<256xf32>
    %reduce_min3A_226 = vector.multi_reduction <minimumf>, %sub3A_224, %reduce_min3A_225 [1] : vector<256x1024xf32> to vector<256xf32>
    %broadcast_in_dim3A_227 = vector.shape_cast %reduce_min3A_226 : vector<256xf32> to vector<256x1xf32>
    %eq3A_228 = vector.broadcast %broadcast_in_dim3A_227 : vector<256x1xf32> to vector<256x1024xf32>
    %eq3A_229 = arith.cmpf oeq, %sub3A_224, %eq3A_228 : vector<256x1024xf32>
    %jit3A_230 = arith.constant 1.024000e+03 : f32
    %broadcast_in_dim3A_231 = vector.shape_cast %get3A_7 : vector<1x1024xf32> to vector<1x1024xf32>
    %broadcast_in_dim3A_232 = vector.broadcast %broadcast_in_dim3A_231 : vector<1x1024xf32> to vector<256x1024xf32>
    %broadcast_in_dim3A_233 = vector.broadcast %jit3A_230 : f32 to vector<256x1024xf32>
    %select_n3A_234 = arith.select %eq3A_229, %broadcast_in_dim3A_232, %broadcast_in_dim3A_233 : vector<256x1024xi1>, vector<256x1024xf32>
    %reduce_min3A_235 = arith.constant dense<0x7F800000> : vector<256xf32>
    %reduce_min3A_236 = vector.multi_reduction <minimumf>, %select_n3A_234, %reduce_min3A_235 [1] : vector<256x1024xf32> to vector<256xf32>
    %convert_element_type3A_237 = arith.fptosi %reduce_min3A_236 : vector<256xf32> to vector<256xi32>
    %reshape3A_238 = vector.shape_cast %convert_element_type3A_237 : vector<256xi32> to vector<1x1x256xi32>
    %swap3A_239 = arith.constant 0 : index
    %swap3A_240 = arith.constant 0 : index
    %swap3A_241 = arith.constant 1536 : index
    %swap3A_242 = vector.load %arg6[%swap3A_239, %swap3A_240, %swap3A_241] : memref<1x1x4096xi32, #tpu.memory_space<vmem>>, vector<1x1x256xi32>
    tpu.vector_store %arg6[%swap3A_239, %swap3A_240, %swap3A_241], %reshape3A_238 {strides = array<i32>} : memref<1x1x4096xi32, #tpu.memory_space<vmem>>, vector<1x1x256xi32>,
    %reduce_sum3A_243 = vector.shape_cast %broadcast_in_dim3A_227 : vector<256x1xf32> to vector<1x256x1xf32>
    %reduce_sum3A_244 = arith.constant dense<0.000000e+00> : vector<1xf32>
    %reduce_sum3A_245 = vector.multi_reduction <add>, %reduce_sum3A_243, %reduce_sum3A_244 [1, 2] : vector<1x256x1xf32> to vector<1xf32>
    %reduce_sum3A_246 = vector.shape_cast %reduce_sum3A_245 : vector<1xf32> to vector<1x1x1xf32>
    %reduce_sum3A_247 = vector.extract %reduce_sum3A_246[0, 0, 0] : f32 from vector<1x1x1xf32>
    %add3A_248 = arith.addf %add3A_212, %reduce_sum3A_247 : f32
    %get3A_249 = arith.constant 1792 : index
    %get3A_250 = arith.constant 0 : index
    %get3A_251 = vector.load %arg1[%get3A_249, %get3A_250] : memref<4096x64xf32, #tpu.memory_space<vmem>>, vector<256x64xf32>
    %dot_general3A_252 = arith.constant dense<0.000000e+00> : vector<256x1024xf32>
    %dot_general3A_253 = tpu.matmul %get3A_251, %get3A_1, %dot_general3A_252 {dimension_numbers = #tpu.dot_dimension_numbers<[1], [0], [0], [1], [0, 0, 1, 1], [], []>, transpose_lhs_hint = false} : vector<256x64xf32>, vector<64x1024xf32>, vector<256x1024xf32> -> vector<256x1024xf32>
    %get3A_254 = arith.constant 1792 : index
    %get3A_255 = arith.constant 0 : index
    %get3A_256 = vector.load %arg2[%get3A_254, %get3A_255] : memref<4096x1xf32, #tpu.memory_space<vmem>>, vector<256x1xf32>
    %add3A_257 = vector.broadcast %get3A_256 : vector<256x1xf32> to vector<256x1024xf32>
    %add3A_258 = vector.broadcast %get3A_4 : vector<1x1024xf32> to vector<256x1024xf32>
    %add3A_259 = arith.addf %add3A_257, %add3A_258 : vector<256x1024xf32>
    %sub3A_260 = arith.subf %add3A_259, %dot_general3A_253 : vector<256x1024xf32>
    %reduce_min3A_261 = arith.constant dense<0x7F800000> : vector<256xf32>
    %reduce_min3A_262 = vector.multi_reduction <minimumf>, %sub3A_260, %reduce_min3A_261 [1] : vector<256x1024xf32> to vector<256xf32>
    %broadcast_in_dim3A_263 = vector.shape_cast %reduce_min3A_262 : vector<256xf32> to vector<256x1xf32>
    %eq3A_264 = vector.broadcast %broadcast_in_dim3A_263 : vector<256x1xf32> to vector<256x1024xf32>
    %eq3A_265 = arith.cmpf oeq, %sub3A_260, %eq3A_264 : vector<256x1024xf32>
    %jit3A_266 = arith.constant 1.024000e+03 : f32
    %broadcast_in_dim3A_267 = vector.shape_cast %get3A_7 : vector<1x1024xf32> to vector<1x1024xf32>
    %broadcast_in_dim3A_268 = vector.broadcast %broadcast_in_dim3A_267 : vector<1x1024xf32> to vector<256x1024xf32>
    %broadcast_in_dim3A_269 = vector.broadcast %jit3A_266 : f32 to vector<256x1024xf32>
    %select_n3A_270 = arith.select %eq3A_265, %broadcast_in_dim3A_268, %broadcast_in_dim3A_269 : vector<256x1024xi1>, vector<256x1024xf32>
    %reduce_min3A_271 = arith.constant dense<0x7F800000> : vector<256xf32>
    %reduce_min3A_272 = vector.multi_reduction <minimumf>, %select_n3A_270, %reduce_min3A_271 [1] : vector<256x1024xf32> to vector<256xf32>
    %convert_element_type3A_273 = arith.fptosi %reduce_min3A_272 : vector<256xf32> to vector<256xi32>
    %reshape3A_274 = vector.shape_cast %convert_element_type3A_273 : vector<256xi32> to vector<1x1x256xi32>
    %swap3A_275 = arith.constant 0 : index
    %swap3A_276 = arith.constant 0 : index
    %swap3A_277 = arith.constant 1792 : index
    %swap3A_278 = vector.load %arg6[%swap3A_275, %swap3A_276, %swap3A_277] : memref<1x1x4096xi32, #tpu.memory_space<vmem>>, vector<1x1x256xi32>
    tpu.vector_store %arg6[%swap3A_275, %swap3A_276, %swap3A_277], %reshape3A_274 {strides = array<i32>} : memref<1x1x4096xi32, #tpu.memory_space<vmem>>, vector<1x1x256xi32>,
    %reduce_sum3A_279 = vector.shape_cast %broadcast_in_dim3A_263 : vector<256x1xf32> to vector<1x256x1xf32>
    %reduce_sum3A_280 = arith.constant dense<0.000000e+00> : vector<1xf32>
    %reduce_sum3A_281 = vector.multi_reduction <add>, %reduce_sum3A_279, %reduce_sum3A_280 [1, 2] : vector<1x256x1xf32> to vector<1xf32>
    %reduce_sum3A_282 = vector.shape_cast %reduce_sum3A_281 : vector<1xf32> to vector<1x1x1xf32>
    %reduce_sum3A_283 = vector.extract %reduce_sum3A_282[0, 0, 0] : f32 from vector<1x1x1xf32>
    %add3A_284 = arith.addf %add3A_248, %reduce_sum3A_283 : f32
    %get3A_285 = arith.constant 2048 : index
    %get3A_286 = arith.constant 0 : index
    %get3A_287 = vector.load %arg1[%get3A_285, %get3A_286] : memref<4096x64xf32, #tpu.memory_space<vmem>>, vector<256x64xf32>
    %dot_general3A_288 = arith.constant dense<0.000000e+00> : vector<256x1024xf32>
    %dot_general3A_289 = tpu.matmul %get3A_287, %get3A_1, %dot_general3A_288 {dimension_numbers = #tpu.dot_dimension_numbers<[1], [0], [0], [1], [0, 0, 1, 1], [], []>, transpose_lhs_hint = false} : vector<256x64xf32>, vector<64x1024xf32>, vector<256x1024xf32> -> vector<256x1024xf32>
    %get3A_290 = arith.constant 2048 : index
    %get3A_291 = arith.constant 0 : index
    %get3A_292 = vector.load %arg2[%get3A_290, %get3A_291] : memref<4096x1xf32, #tpu.memory_space<vmem>>, vector<256x1xf32>
    %add3A_293 = vector.broadcast %get3A_292 : vector<256x1xf32> to vector<256x1024xf32>
    %add3A_294 = vector.broadcast %get3A_4 : vector<1x1024xf32> to vector<256x1024xf32>
    %add3A_295 = arith.addf %add3A_293, %add3A_294 : vector<256x1024xf32>
    %sub3A_296 = arith.subf %add3A_295, %dot_general3A_289 : vector<256x1024xf32>
    %reduce_min3A_297 = arith.constant dense<0x7F800000> : vector<256xf32>
    %reduce_min3A_298 = vector.multi_reduction <minimumf>, %sub3A_296, %reduce_min3A_297 [1] : vector<256x1024xf32> to vector<256xf32>
    %broadcast_in_dim3A_299 = vector.shape_cast %reduce_min3A_298 : vector<256xf32> to vector<256x1xf32>
    %eq3A_300 = vector.broadcast %broadcast_in_dim3A_299 : vector<256x1xf32> to vector<256x1024xf32>
    %eq3A_301 = arith.cmpf oeq, %sub3A_296, %eq3A_300 : vector<256x1024xf32>
    %jit3A_302 = arith.constant 1.024000e+03 : f32
    %broadcast_in_dim3A_303 = vector.shape_cast %get3A_7 : vector<1x1024xf32> to vector<1x1024xf32>
    %broadcast_in_dim3A_304 = vector.broadcast %broadcast_in_dim3A_303 : vector<1x1024xf32> to vector<256x1024xf32>
    %broadcast_in_dim3A_305 = vector.broadcast %jit3A_302 : f32 to vector<256x1024xf32>
    %select_n3A_306 = arith.select %eq3A_301, %broadcast_in_dim3A_304, %broadcast_in_dim3A_305 : vector<256x1024xi1>, vector<256x1024xf32>
    %reduce_min3A_307 = arith.constant dense<0x7F800000> : vector<256xf32>
    %reduce_min3A_308 = vector.multi_reduction <minimumf>, %select_n3A_306, %reduce_min3A_307 [1] : vector<256x1024xf32> to vector<256xf32>
    %convert_element_type3A_309 = arith.fptosi %reduce_min3A_308 : vector<256xf32> to vector<256xi32>
    %reshape3A_310 = vector.shape_cast %convert_element_type3A_309 : vector<256xi32> to vector<1x1x256xi32>
    %swap3A_311 = arith.constant 0 : index
    %swap3A_312 = arith.constant 0 : index
    %swap3A_313 = arith.constant 2048 : index
    %swap3A_314 = vector.load %arg6[%swap3A_311, %swap3A_312, %swap3A_313] : memref<1x1x4096xi32, #tpu.memory_space<vmem>>, vector<1x1x256xi32>
    tpu.vector_store %arg6[%swap3A_311, %swap3A_312, %swap3A_313], %reshape3A_310 {strides = array<i32>} : memref<1x1x4096xi32, #tpu.memory_space<vmem>>, vector<1x1x256xi32>,
    %reduce_sum3A_315 = vector.shape_cast %broadcast_in_dim3A_299 : vector<256x1xf32> to vector<1x256x1xf32>
    %reduce_sum3A_316 = arith.constant dense<0.000000e+00> : vector<1xf32>
    %reduce_sum3A_317 = vector.multi_reduction <add>, %reduce_sum3A_315, %reduce_sum3A_316 [1, 2] : vector<1x256x1xf32> to vector<1xf32>
    %reduce_sum3A_318 = vector.shape_cast %reduce_sum3A_317 : vector<1xf32> to vector<1x1x1xf32>
    %reduce_sum3A_319 = vector.extract %reduce_sum3A_318[0, 0, 0] : f32 from vector<1x1x1xf32>
    %add3A_320 = arith.addf %add3A_284, %reduce_sum3A_319 : f32
    %get3A_321 = arith.constant 2304 : index
    %get3A_322 = arith.constant 0 : index
    %get3A_323 = vector.load %arg1[%get3A_321, %get3A_322] : memref<4096x64xf32, #tpu.memory_space<vmem>>, vector<256x64xf32>
    %dot_general3A_324 = arith.constant dense<0.000000e+00> : vector<256x1024xf32>
    %dot_general3A_325 = tpu.matmul %get3A_323, %get3A_1, %dot_general3A_324 {dimension_numbers = #tpu.dot_dimension_numbers<[1], [0], [0], [1], [0, 0, 1, 1], [], []>, transpose_lhs_hint = false} : vector<256x64xf32>, vector<64x1024xf32>, vector<256x1024xf32> -> vector<256x1024xf32>
    %get3A_326 = arith.constant 2304 : index
    %get3A_327 = arith.constant 0 : index
    %get3A_328 = vector.load %arg2[%get3A_326, %get3A_327] : memref<4096x1xf32, #tpu.memory_space<vmem>>, vector<256x1xf32>
    %add3A_329 = vector.broadcast %get3A_328 : vector<256x1xf32> to vector<256x1024xf32>
    %add3A_330 = vector.broadcast %get3A_4 : vector<1x1024xf32> to vector<256x1024xf32>
    %add3A_331 = arith.addf %add3A_329, %add3A_330 : vector<256x1024xf32>
    %sub3A_332 = arith.subf %add3A_331, %dot_general3A_325 : vector<256x1024xf32>
    %reduce_min3A_333 = arith.constant dense<0x7F800000> : vector<256xf32>
    %reduce_min3A_334 = vector.multi_reduction <minimumf>, %sub3A_332, %reduce_min3A_333 [1] : vector<256x1024xf32> to vector<256xf32>
    %broadcast_in_dim3A_335 = vector.shape_cast %reduce_min3A_334 : vector<256xf32> to vector<256x1xf32>
    %eq3A_336 = vector.broadcast %broadcast_in_dim3A_335 : vector<256x1xf32> to vector<256x1024xf32>
    %eq3A_337 = arith.cmpf oeq, %sub3A_332, %eq3A_336 : vector<256x1024xf32>
    %jit3A_338 = arith.constant 1.024000e+03 : f32
    %broadcast_in_dim3A_339 = vector.shape_cast %get3A_7 : vector<1x1024xf32> to vector<1x1024xf32>
    %broadcast_in_dim3A_340 = vector.broadcast %broadcast_in_dim3A_339 : vector<1x1024xf32> to vector<256x1024xf32>
    %broadcast_in_dim3A_341 = vector.broadcast %jit3A_338 : f32 to vector<256x1024xf32>
    %select_n3A_342 = arith.select %eq3A_337, %broadcast_in_dim3A_340, %broadcast_in_dim3A_341 : vector<256x1024xi1>, vector<256x1024xf32>
    %reduce_min3A_343 = arith.constant dense<0x7F800000> : vector<256xf32>
    %reduce_min3A_344 = vector.multi_reduction <minimumf>, %select_n3A_342, %reduce_min3A_343 [1] : vector<256x1024xf32> to vector<256xf32>
    %convert_element_type3A_345 = arith.fptosi %reduce_min3A_344 : vector<256xf32> to vector<256xi32>
    %reshape3A_346 = vector.shape_cast %convert_element_type3A_345 : vector<256xi32> to vector<1x1x256xi32>
    %swap3A_347 = arith.constant 0 : index
    %swap3A_348 = arith.constant 0 : index
    %swap3A_349 = arith.constant 2304 : index
    %swap3A_350 = vector.load %arg6[%swap3A_347, %swap3A_348, %swap3A_349] : memref<1x1x4096xi32, #tpu.memory_space<vmem>>, vector<1x1x256xi32>
    tpu.vector_store %arg6[%swap3A_347, %swap3A_348, %swap3A_349], %reshape3A_346 {strides = array<i32>} : memref<1x1x4096xi32, #tpu.memory_space<vmem>>, vector<1x1x256xi32>,
    %reduce_sum3A_351 = vector.shape_cast %broadcast_in_dim3A_335 : vector<256x1xf32> to vector<1x256x1xf32>
    %reduce_sum3A_352 = arith.constant dense<0.000000e+00> : vector<1xf32>
    %reduce_sum3A_353 = vector.multi_reduction <add>, %reduce_sum3A_351, %reduce_sum3A_352 [1, 2] : vector<1x256x1xf32> to vector<1xf32>
    %reduce_sum3A_354 = vector.shape_cast %reduce_sum3A_353 : vector<1xf32> to vector<1x1x1xf32>
    %reduce_sum3A_355 = vector.extract %reduce_sum3A_354[0, 0, 0] : f32 from vector<1x1x1xf32>
    %add3A_356 = arith.addf %add3A_320, %reduce_sum3A_355 : f32
    %get3A_357 = arith.constant 2560 : index
    %get3A_358 = arith.constant 0 : index
    %get3A_359 = vector.load %arg1[%get3A_357, %get3A_358] : memref<4096x64xf32, #tpu.memory_space<vmem>>, vector<256x64xf32>
    %dot_general3A_360 = arith.constant dense<0.000000e+00> : vector<256x1024xf32>
    %dot_general3A_361 = tpu.matmul %get3A_359, %get3A_1, %dot_general3A_360 {dimension_numbers = #tpu.dot_dimension_numbers<[1], [0], [0], [1], [0, 0, 1, 1], [], []>, transpose_lhs_hint = false} : vector<256x64xf32>, vector<64x1024xf32>, vector<256x1024xf32> -> vector<256x1024xf32>
    %get3A_362 = arith.constant 2560 : index
    %get3A_363 = arith.constant 0 : index
    %get3A_364 = vector.load %arg2[%get3A_362, %get3A_363] : memref<4096x1xf32, #tpu.memory_space<vmem>>, vector<256x1xf32>
    %add3A_365 = vector.broadcast %get3A_364 : vector<256x1xf32> to vector<256x1024xf32>
    %add3A_366 = vector.broadcast %get3A_4 : vector<1x1024xf32> to vector<256x1024xf32>
    %add3A_367 = arith.addf %add3A_365, %add3A_366 : vector<256x1024xf32>
    %sub3A_368 = arith.subf %add3A_367, %dot_general3A_361 : vector<256x1024xf32>
    %reduce_min3A_369 = arith.constant dense<0x7F800000> : vector<256xf32>
    %reduce_min3A_370 = vector.multi_reduction <minimumf>, %sub3A_368, %reduce_min3A_369 [1] : vector<256x1024xf32> to vector<256xf32>
    %broadcast_in_dim3A_371 = vector.shape_cast %reduce_min3A_370 : vector<256xf32> to vector<256x1xf32>
    %eq3A_372 = vector.broadcast %broadcast_in_dim3A_371 : vector<256x1xf32> to vector<256x1024xf32>
    %eq3A_373 = arith.cmpf oeq, %sub3A_368, %eq3A_372 : vector<256x1024xf32>
    %jit3A_374 = arith.constant 1.024000e+03 : f32
    %broadcast_in_dim3A_375 = vector.shape_cast %get3A_7 : vector<1x1024xf32> to vector<1x1024xf32>
    %broadcast_in_dim3A_376 = vector.broadcast %broadcast_in_dim3A_375 : vector<1x1024xf32> to vector<256x1024xf32>
    %broadcast_in_dim3A_377 = vector.broadcast %jit3A_374 : f32 to vector<256x1024xf32>
    %select_n3A_378 = arith.select %eq3A_373, %broadcast_in_dim3A_376, %broadcast_in_dim3A_377 : vector<256x1024xi1>, vector<256x1024xf32>
    %reduce_min3A_379 = arith.constant dense<0x7F800000> : vector<256xf32>
    %reduce_min3A_380 = vector.multi_reduction <minimumf>, %select_n3A_378, %reduce_min3A_379 [1] : vector<256x1024xf32> to vector<256xf32>
    %convert_element_type3A_381 = arith.fptosi %reduce_min3A_380 : vector<256xf32> to vector<256xi32>
    %reshape3A_382 = vector.shape_cast %convert_element_type3A_381 : vector<256xi32> to vector<1x1x256xi32>
    %swap3A_383 = arith.constant 0 : index
    %swap3A_384 = arith.constant 0 : index
    %swap3A_385 = arith.constant 2560 : index
    %swap3A_386 = vector.load %arg6[%swap3A_383, %swap3A_384, %swap3A_385] : memref<1x1x4096xi32, #tpu.memory_space<vmem>>, vector<1x1x256xi32>
    tpu.vector_store %arg6[%swap3A_383, %swap3A_384, %swap3A_385], %reshape3A_382 {strides = array<i32>} : memref<1x1x4096xi32, #tpu.memory_space<vmem>>, vector<1x1x256xi32>,
    %reduce_sum3A_387 = vector.shape_cast %broadcast_in_dim3A_371 : vector<256x1xf32> to vector<1x256x1xf32>
    %reduce_sum3A_388 = arith.constant dense<0.000000e+00> : vector<1xf32>
    %reduce_sum3A_389 = vector.multi_reduction <add>, %reduce_sum3A_387, %reduce_sum3A_388 [1, 2] : vector<1x256x1xf32> to vector<1xf32>
    %reduce_sum3A_390 = vector.shape_cast %reduce_sum3A_389 : vector<1xf32> to vector<1x1x1xf32>
    %reduce_sum3A_391 = vector.extract %reduce_sum3A_390[0, 0, 0] : f32 from vector<1x1x1xf32>
    %add3A_392 = arith.addf %add3A_356, %reduce_sum3A_391 : f32
    %get3A_393 = arith.constant 2816 : index
    %get3A_394 = arith.constant 0 : index
    %get3A_395 = vector.load %arg1[%get3A_393, %get3A_394] : memref<4096x64xf32, #tpu.memory_space<vmem>>, vector<256x64xf32>
    %dot_general3A_396 = arith.constant dense<0.000000e+00> : vector<256x1024xf32>
    %dot_general3A_397 = tpu.matmul %get3A_395, %get3A_1, %dot_general3A_396 {dimension_numbers = #tpu.dot_dimension_numbers<[1], [0], [0], [1], [0, 0, 1, 1], [], []>, transpose_lhs_hint = false} : vector<256x64xf32>, vector<64x1024xf32>, vector<256x1024xf32> -> vector<256x1024xf32>
    %get3A_398 = arith.constant 2816 : index
    %get3A_399 = arith.constant 0 : index
    %get3A_400 = vector.load %arg2[%get3A_398, %get3A_399] : memref<4096x1xf32, #tpu.memory_space<vmem>>, vector<256x1xf32>
    %add3A_401 = vector.broadcast %get3A_400 : vector<256x1xf32> to vector<256x1024xf32>
    %add3A_402 = vector.broadcast %get3A_4 : vector<1x1024xf32> to vector<256x1024xf32>
    %add3A_403 = arith.addf %add3A_401, %add3A_402 : vector<256x1024xf32>
    %sub3A_404 = arith.subf %add3A_403, %dot_general3A_397 : vector<256x1024xf32>
    %reduce_min3A_405 = arith.constant dense<0x7F800000> : vector<256xf32>
    %reduce_min3A_406 = vector.multi_reduction <minimumf>, %sub3A_404, %reduce_min3A_405 [1] : vector<256x1024xf32> to vector<256xf32>
    %broadcast_in_dim3A_407 = vector.shape_cast %reduce_min3A_406 : vector<256xf32> to vector<256x1xf32>
    %eq3A_408 = vector.broadcast %broadcast_in_dim3A_407 : vector<256x1xf32> to vector<256x1024xf32>
    %eq3A_409 = arith.cmpf oeq, %sub3A_404, %eq3A_408 : vector<256x1024xf32>
    %jit3A_410 = arith.constant 1.024000e+03 : f32
    %broadcast_in_dim3A_411 = vector.shape_cast %get3A_7 : vector<1x1024xf32> to vector<1x1024xf32>
    %broadcast_in_dim3A_412 = vector.broadcast %broadcast_in_dim3A_411 : vector<1x1024xf32> to vector<256x1024xf32>
    %broadcast_in_dim3A_413 = vector.broadcast %jit3A_410 : f32 to vector<256x1024xf32>
    %select_n3A_414 = arith.select %eq3A_409, %broadcast_in_dim3A_412, %broadcast_in_dim3A_413 : vector<256x1024xi1>, vector<256x1024xf32>
    %reduce_min3A_415 = arith.constant dense<0x7F800000> : vector<256xf32>
    %reduce_min3A_416 = vector.multi_reduction <minimumf>, %select_n3A_414, %reduce_min3A_415 [1] : vector<256x1024xf32> to vector<256xf32>
    %convert_element_type3A_417 = arith.fptosi %reduce_min3A_416 : vector<256xf32> to vector<256xi32>
    %reshape3A_418 = vector.shape_cast %convert_element_type3A_417 : vector<256xi32> to vector<1x1x256xi32>
    %swap3A_419 = arith.constant 0 : index
    %swap3A_420 = arith.constant 0 : index
    %swap3A_421 = arith.constant 2816 : index
    %swap3A_422 = vector.load %arg6[%swap3A_419, %swap3A_420, %swap3A_421] : memref<1x1x4096xi32, #tpu.memory_space<vmem>>, vector<1x1x256xi32>
    tpu.vector_store %arg6[%swap3A_419, %swap3A_420, %swap3A_421], %reshape3A_418 {strides = array<i32>} : memref<1x1x4096xi32, #tpu.memory_space<vmem>>, vector<1x1x256xi32>,
    %reduce_sum3A_423 = vector.shape_cast %broadcast_in_dim3A_407 : vector<256x1xf32> to vector<1x256x1xf32>
    %reduce_sum3A_424 = arith.constant dense<0.000000e+00> : vector<1xf32>
    %reduce_sum3A_425 = vector.multi_reduction <add>, %reduce_sum3A_423, %reduce_sum3A_424 [1, 2] : vector<1x256x1xf32> to vector<1xf32>
    %reduce_sum3A_426 = vector.shape_cast %reduce_sum3A_425 : vector<1xf32> to vector<1x1x1xf32>
    %reduce_sum3A_427 = vector.extract %reduce_sum3A_426[0, 0, 0] : f32 from vector<1x1x1xf32>
    %add3A_428 = arith.addf %add3A_392, %reduce_sum3A_427 : f32
    %get3A_429 = arith.constant 3072 : index
    %get3A_430 = arith.constant 0 : index
    %get3A_431 = vector.load %arg1[%get3A_429, %get3A_430] : memref<4096x64xf32, #tpu.memory_space<vmem>>, vector<256x64xf32>
    %dot_general3A_432 = arith.constant dense<0.000000e+00> : vector<256x1024xf32>
    %dot_general3A_433 = tpu.matmul %get3A_431, %get3A_1, %dot_general3A_432 {dimension_numbers = #tpu.dot_dimension_numbers<[1], [0], [0], [1], [0, 0, 1, 1], [], []>, transpose_lhs_hint = false} : vector<256x64xf32>, vector<64x1024xf32>, vector<256x1024xf32> -> vector<256x1024xf32>
    %get3A_434 = arith.constant 3072 : index
    %get3A_435 = arith.constant 0 : index
    %get3A_436 = vector.load %arg2[%get3A_434, %get3A_435] : memref<4096x1xf32, #tpu.memory_space<vmem>>, vector<256x1xf32>
    %add3A_437 = vector.broadcast %get3A_436 : vector<256x1xf32> to vector<256x1024xf32>
    %add3A_438 = vector.broadcast %get3A_4 : vector<1x1024xf32> to vector<256x1024xf32>
    %add3A_439 = arith.addf %add3A_437, %add3A_438 : vector<256x1024xf32>
    %sub3A_440 = arith.subf %add3A_439, %dot_general3A_433 : vector<256x1024xf32>
    %reduce_min3A_441 = arith.constant dense<0x7F800000> : vector<256xf32>
    %reduce_min3A_442 = vector.multi_reduction <minimumf>, %sub3A_440, %reduce_min3A_441 [1] : vector<256x1024xf32> to vector<256xf32>
    %broadcast_in_dim3A_443 = vector.shape_cast %reduce_min3A_442 : vector<256xf32> to vector<256x1xf32>
    %eq3A_444 = vector.broadcast %broadcast_in_dim3A_443 : vector<256x1xf32> to vector<256x1024xf32>
    %eq3A_445 = arith.cmpf oeq, %sub3A_440, %eq3A_444 : vector<256x1024xf32>
    %jit3A_446 = arith.constant 1.024000e+03 : f32
    %broadcast_in_dim3A_447 = vector.shape_cast %get3A_7 : vector<1x1024xf32> to vector<1x1024xf32>
    %broadcast_in_dim3A_448 = vector.broadcast %broadcast_in_dim3A_447 : vector<1x1024xf32> to vector<256x1024xf32>
    %broadcast_in_dim3A_449 = vector.broadcast %jit3A_446 : f32 to vector<256x1024xf32>
    %select_n3A_450 = arith.select %eq3A_445, %broadcast_in_dim3A_448, %broadcast_in_dim3A_449 : vector<256x1024xi1>, vector<256x1024xf32>
    %reduce_min3A_451 = arith.constant dense<0x7F800000> : vector<256xf32>
    %reduce_min3A_452 = vector.multi_reduction <minimumf>, %select_n3A_450, %reduce_min3A_451 [1] : vector<256x1024xf32> to vector<256xf32>
    %convert_element_type3A_453 = arith.fptosi %reduce_min3A_452 : vector<256xf32> to vector<256xi32>
    %reshape3A_454 = vector.shape_cast %convert_element_type3A_453 : vector<256xi32> to vector<1x1x256xi32>
    %swap3A_455 = arith.constant 0 : index
    %swap3A_456 = arith.constant 0 : index
    %swap3A_457 = arith.constant 3072 : index
    %swap3A_458 = vector.load %arg6[%swap3A_455, %swap3A_456, %swap3A_457] : memref<1x1x4096xi32, #tpu.memory_space<vmem>>, vector<1x1x256xi32>
    tpu.vector_store %arg6[%swap3A_455, %swap3A_456, %swap3A_457], %reshape3A_454 {strides = array<i32>} : memref<1x1x4096xi32, #tpu.memory_space<vmem>>, vector<1x1x256xi32>,
    %reduce_sum3A_459 = vector.shape_cast %broadcast_in_dim3A_443 : vector<256x1xf32> to vector<1x256x1xf32>
    %reduce_sum3A_460 = arith.constant dense<0.000000e+00> : vector<1xf32>
    %reduce_sum3A_461 = vector.multi_reduction <add>, %reduce_sum3A_459, %reduce_sum3A_460 [1, 2] : vector<1x256x1xf32> to vector<1xf32>
    %reduce_sum3A_462 = vector.shape_cast %reduce_sum3A_461 : vector<1xf32> to vector<1x1x1xf32>
    %reduce_sum3A_463 = vector.extract %reduce_sum3A_462[0, 0, 0] : f32 from vector<1x1x1xf32>
    %add3A_464 = arith.addf %add3A_428, %reduce_sum3A_463 : f32
    %get3A_465 = arith.constant 3328 : index
    %get3A_466 = arith.constant 0 : index
    %get3A_467 = vector.load %arg1[%get3A_465, %get3A_466] : memref<4096x64xf32, #tpu.memory_space<vmem>>, vector<256x64xf32>
    %dot_general3A_468 = arith.constant dense<0.000000e+00> : vector<256x1024xf32>
    %dot_general3A_469 = tpu.matmul %get3A_467, %get3A_1, %dot_general3A_468 {dimension_numbers = #tpu.dot_dimension_numbers<[1], [0], [0], [1], [0, 0, 1, 1], [], []>, transpose_lhs_hint = false} : vector<256x64xf32>, vector<64x1024xf32>, vector<256x1024xf32> -> vector<256x1024xf32>
    %get3A_470 = arith.constant 3328 : index
    %get3A_471 = arith.constant 0 : index
    %get3A_472 = vector.load %arg2[%get3A_470, %get3A_471] : memref<4096x1xf32, #tpu.memory_space<vmem>>, vector<256x1xf32>
    %add3A_473 = vector.broadcast %get3A_472 : vector<256x1xf32> to vector<256x1024xf32>
    %add3A_474 = vector.broadcast %get3A_4 : vector<1x1024xf32> to vector<256x1024xf32>
    %add3A_475 = arith.addf %add3A_473, %add3A_474 : vector<256x1024xf32>
    %sub3A_476 = arith.subf %add3A_475, %dot_general3A_469 : vector<256x1024xf32>
    %reduce_min3A_477 = arith.constant dense<0x7F800000> : vector<256xf32>
    %reduce_min3A_478 = vector.multi_reduction <minimumf>, %sub3A_476, %reduce_min3A_477 [1] : vector<256x1024xf32> to vector<256xf32>
    %broadcast_in_dim3A_479 = vector.shape_cast %reduce_min3A_478 : vector<256xf32> to vector<256x1xf32>
    %eq3A_480 = vector.broadcast %broadcast_in_dim3A_479 : vector<256x1xf32> to vector<256x1024xf32>
    %eq3A_481 = arith.cmpf oeq, %sub3A_476, %eq3A_480 : vector<256x1024xf32>
    %jit3A_482 = arith.constant 1.024000e+03 : f32
    %broadcast_in_dim3A_483 = vector.shape_cast %get3A_7 : vector<1x1024xf32> to vector<1x1024xf32>
    %broadcast_in_dim3A_484 = vector.broadcast %broadcast_in_dim3A_483 : vector<1x1024xf32> to vector<256x1024xf32>
    %broadcast_in_dim3A_485 = vector.broadcast %jit3A_482 : f32 to vector<256x1024xf32>
    %select_n3A_486 = arith.select %eq3A_481, %broadcast_in_dim3A_484, %broadcast_in_dim3A_485 : vector<256x1024xi1>, vector<256x1024xf32>
    %reduce_min3A_487 = arith.constant dense<0x7F800000> : vector<256xf32>
    %reduce_min3A_488 = vector.multi_reduction <minimumf>, %select_n3A_486, %reduce_min3A_487 [1] : vector<256x1024xf32> to vector<256xf32>
    %convert_element_type3A_489 = arith.fptosi %reduce_min3A_488 : vector<256xf32> to vector<256xi32>
    %reshape3A_490 = vector.shape_cast %convert_element_type3A_489 : vector<256xi32> to vector<1x1x256xi32>
    %swap3A_491 = arith.constant 0 : index
    %swap3A_492 = arith.constant 0 : index
    %swap3A_493 = arith.constant 3328 : index
    %swap3A_494 = vector.load %arg6[%swap3A_491, %swap3A_492, %swap3A_493] : memref<1x1x4096xi32, #tpu.memory_space<vmem>>, vector<1x1x256xi32>
    tpu.vector_store %arg6[%swap3A_491, %swap3A_492, %swap3A_493], %reshape3A_490 {strides = array<i32>} : memref<1x1x4096xi32, #tpu.memory_space<vmem>>, vector<1x1x256xi32>,
    %reduce_sum3A_495 = vector.shape_cast %broadcast_in_dim3A_479 : vector<256x1xf32> to vector<1x256x1xf32>
    %reduce_sum3A_496 = arith.constant dense<0.000000e+00> : vector<1xf32>
    %reduce_sum3A_497 = vector.multi_reduction <add>, %reduce_sum3A_495, %reduce_sum3A_496 [1, 2] : vector<1x256x1xf32> to vector<1xf32>
    %reduce_sum3A_498 = vector.shape_cast %reduce_sum3A_497 : vector<1xf32> to vector<1x1x1xf32>
    %reduce_sum3A_499 = vector.extract %reduce_sum3A_498[0, 0, 0] : f32 from vector<1x1x1xf32>
    %add3A_500 = arith.addf %add3A_464, %reduce_sum3A_499 : f32
    %get3A_501 = arith.constant 3584 : index
    %get3A_502 = arith.constant 0 : index
    %get3A_503 = vector.load %arg1[%get3A_501, %get3A_502] : memref<4096x64xf32, #tpu.memory_space<vmem>>, vector<256x64xf32>
    %dot_general3A_504 = arith.constant dense<0.000000e+00> : vector<256x1024xf32>
    %dot_general3A_505 = tpu.matmul %get3A_503, %get3A_1, %dot_general3A_504 {dimension_numbers = #tpu.dot_dimension_numbers<[1], [0], [0], [1], [0, 0, 1, 1], [], []>, transpose_lhs_hint = false} : vector<256x64xf32>, vector<64x1024xf32>, vector<256x1024xf32> -> vector<256x1024xf32>
    %get3A_506 = arith.constant 3584 : index
    %get3A_507 = arith.constant 0 : index
    %get3A_508 = vector.load %arg2[%get3A_506, %get3A_507] : memref<4096x1xf32, #tpu.memory_space<vmem>>, vector<256x1xf32>
    %add3A_509 = vector.broadcast %get3A_508 : vector<256x1xf32> to vector<256x1024xf32>
    %add3A_510 = vector.broadcast %get3A_4 : vector<1x1024xf32> to vector<256x1024xf32>
    %add3A_511 = arith.addf %add3A_509, %add3A_510 : vector<256x1024xf32>
    %sub3A_512 = arith.subf %add3A_511, %dot_general3A_505 : vector<256x1024xf32>
    %reduce_min3A_513 = arith.constant dense<0x7F800000> : vector<256xf32>
    %reduce_min3A_514 = vector.multi_reduction <minimumf>, %sub3A_512, %reduce_min3A_513 [1] : vector<256x1024xf32> to vector<256xf32>
    %broadcast_in_dim3A_515 = vector.shape_cast %reduce_min3A_514 : vector<256xf32> to vector<256x1xf32>
    %eq3A_516 = vector.broadcast %broadcast_in_dim3A_515 : vector<256x1xf32> to vector<256x1024xf32>
    %eq3A_517 = arith.cmpf oeq, %sub3A_512, %eq3A_516 : vector<256x1024xf32>
    %jit3A_518 = arith.constant 1.024000e+03 : f32
    %broadcast_in_dim3A_519 = vector.shape_cast %get3A_7 : vector<1x1024xf32> to vector<1x1024xf32>
    %broadcast_in_dim3A_520 = vector.broadcast %broadcast_in_dim3A_519 : vector<1x1024xf32> to vector<256x1024xf32>
    %broadcast_in_dim3A_521 = vector.broadcast %jit3A_518 : f32 to vector<256x1024xf32>
    %select_n3A_522 = arith.select %eq3A_517, %broadcast_in_dim3A_520, %broadcast_in_dim3A_521 : vector<256x1024xi1>, vector<256x1024xf32>
    %reduce_min3A_523 = arith.constant dense<0x7F800000> : vector<256xf32>
    %reduce_min3A_524 = vector.multi_reduction <minimumf>, %select_n3A_522, %reduce_min3A_523 [1] : vector<256x1024xf32> to vector<256xf32>
    %convert_element_type3A_525 = arith.fptosi %reduce_min3A_524 : vector<256xf32> to vector<256xi32>
    %reshape3A_526 = vector.shape_cast %convert_element_type3A_525 : vector<256xi32> to vector<1x1x256xi32>
    %swap3A_527 = arith.constant 0 : index
    %swap3A_528 = arith.constant 0 : index
    %swap3A_529 = arith.constant 3584 : index
    %swap3A_530 = vector.load %arg6[%swap3A_527, %swap3A_528, %swap3A_529] : memref<1x1x4096xi32, #tpu.memory_space<vmem>>, vector<1x1x256xi32>
    tpu.vector_store %arg6[%swap3A_527, %swap3A_528, %swap3A_529], %reshape3A_526 {strides = array<i32>} : memref<1x1x4096xi32, #tpu.memory_space<vmem>>, vector<1x1x256xi32>,
    %reduce_sum3A_531 = vector.shape_cast %broadcast_in_dim3A_515 : vector<256x1xf32> to vector<1x256x1xf32>
    %reduce_sum3A_532 = arith.constant dense<0.000000e+00> : vector<1xf32>
    %reduce_sum3A_533 = vector.multi_reduction <add>, %reduce_sum3A_531, %reduce_sum3A_532 [1, 2] : vector<1x256x1xf32> to vector<1xf32>
    %reduce_sum3A_534 = vector.shape_cast %reduce_sum3A_533 : vector<1xf32> to vector<1x1x1xf32>
    %reduce_sum3A_535 = vector.extract %reduce_sum3A_534[0, 0, 0] : f32 from vector<1x1x1xf32>
    %add3A_536 = arith.addf %add3A_500, %reduce_sum3A_535 : f32
    %get3A_537 = arith.constant 3840 : index
    %get3A_538 = arith.constant 0 : index
    %get3A_539 = vector.load %arg1[%get3A_537, %get3A_538] : memref<4096x64xf32, #tpu.memory_space<vmem>>, vector<256x64xf32>
    %dot_general3A_540 = arith.constant dense<0.000000e+00> : vector<256x1024xf32>
    %dot_general3A_541 = tpu.matmul %get3A_539, %get3A_1, %dot_general3A_540 {dimension_numbers = #tpu.dot_dimension_numbers<[1], [0], [0], [1], [0, 0, 1, 1], [], []>, transpose_lhs_hint = false} : vector<256x64xf32>, vector<64x1024xf32>, vector<256x1024xf32> -> vector<256x1024xf32>
    %get3A_542 = arith.constant 3840 : index
    %get3A_543 = arith.constant 0 : index
    %get3A_544 = vector.load %arg2[%get3A_542, %get3A_543] : memref<4096x1xf32, #tpu.memory_space<vmem>>, vector<256x1xf32>
    %add3A_545 = vector.broadcast %get3A_544 : vector<256x1xf32> to vector<256x1024xf32>
    %add3A_546 = vector.broadcast %get3A_4 : vector<1x1024xf32> to vector<256x1024xf32>
    %add3A_547 = arith.addf %add3A_545, %add3A_546 : vector<256x1024xf32>
    %sub3A_548 = arith.subf %add3A_547, %dot_general3A_541 : vector<256x1024xf32>
    %reduce_min3A_549 = arith.constant dense<0x7F800000> : vector<256xf32>
    %reduce_min3A_550 = vector.multi_reduction <minimumf>, %sub3A_548, %reduce_min3A_549 [1] : vector<256x1024xf32> to vector<256xf32>
    %broadcast_in_dim3A_551 = vector.shape_cast %reduce_min3A_550 : vector<256xf32> to vector<256x1xf32>
    %eq3A_552 = vector.broadcast %broadcast_in_dim3A_551 : vector<256x1xf32> to vector<256x1024xf32>
    %eq3A_553 = arith.cmpf oeq, %sub3A_548, %eq3A_552 : vector<256x1024xf32>
    %jit3A_554 = arith.constant 1.024000e+03 : f32
    %broadcast_in_dim3A_555 = vector.shape_cast %get3A_7 : vector<1x1024xf32> to vector<1x1024xf32>
    %broadcast_in_dim3A_556 = vector.broadcast %broadcast_in_dim3A_555 : vector<1x1024xf32> to vector<256x1024xf32>
    %broadcast_in_dim3A_557 = vector.broadcast %jit3A_554 : f32 to vector<256x1024xf32>
    %select_n3A_558 = arith.select %eq3A_553, %broadcast_in_dim3A_556, %broadcast_in_dim3A_557 : vector<256x1024xi1>, vector<256x1024xf32>
    %reduce_min3A_559 = arith.constant dense<0x7F800000> : vector<256xf32>
    %reduce_min3A_560 = vector.multi_reduction <minimumf>, %select_n3A_558, %reduce_min3A_559 [1] : vector<256x1024xf32> to vector<256xf32>
    %convert_element_type3A_561 = arith.fptosi %reduce_min3A_560 : vector<256xf32> to vector<256xi32>
    %reshape3A_562 = vector.shape_cast %convert_element_type3A_561 : vector<256xi32> to vector<1x1x256xi32>
    %swap3A_563 = arith.constant 0 : index
    %swap3A_564 = arith.constant 0 : index
    %swap3A_565 = arith.constant 3840 : index
    %swap3A_566 = vector.load %arg6[%swap3A_563, %swap3A_564, %swap3A_565] : memref<1x1x4096xi32, #tpu.memory_space<vmem>>, vector<1x1x256xi32>
    tpu.vector_store %arg6[%swap3A_563, %swap3A_564, %swap3A_565], %reshape3A_562 {strides = array<i32>} : memref<1x1x4096xi32, #tpu.memory_space<vmem>>, vector<1x1x256xi32>,
    %reduce_sum3A_567 = vector.shape_cast %broadcast_in_dim3A_551 : vector<256x1xf32> to vector<1x256x1xf32>
    %reduce_sum3A_568 = arith.constant dense<0.000000e+00> : vector<1xf32>
    %reduce_sum3A_569 = vector.multi_reduction <add>, %reduce_sum3A_567, %reduce_sum3A_568 [1, 2] : vector<1x256x1xf32> to vector<1xf32>
    %reduce_sum3A_570 = vector.shape_cast %reduce_sum3A_569 : vector<1xf32> to vector<1x1x1xf32>
    %reduce_sum3A_571 = vector.extract %reduce_sum3A_570[0, 0, 0] : f32 from vector<1x1x1xf32>
    %add3A_572 = arith.addf %add3A_536, %reduce_sum3A_571 : f32
    %swap3A_573 = arith.constant 0 : index
    %swap3A_574 = arith.constant 0 : index
    %swap3A_575 = arith.constant 0 : index
    %swap3A_576 = memref.load %arg7[%swap3A_573, %swap3A_574, %swap3A_575] : memref<1x1x1xf32, #tpu.memory_space<smem>>
    memref.store %add3A_572, %arg7[%swap3A_573, %swap3A_574, %swap3A_575] : memref<1x1x1xf32, #tpu.memory_space<smem>>
    return
  }
  func.func @transform_0(%arg0: i32) -> (i32, i32) {
    %c0_i32 = arith.constant 0 : i32
    %c0_i32_0 = arith.constant 0 : i32
    return %arg0, %c0_i32 : i32, i32
  }
  func.func @transform_1(%arg0: i32) -> (i32, i32) {
    %c0_i32 = arith.constant 0 : i32
    %c0_i32_0 = arith.constant 0 : i32
    return %arg0, %c0_i32 : i32, i32
  }
  func.func @transform_2(%arg0: i32) -> (i32, i32) {
    %c0_i32 = arith.constant 0 : i32
    %c0_i32_0 = arith.constant 0 : i32
    %c0_i32_1 = arith.constant 0 : i32
    return %c0_i32, %c0_i32_0 : i32, i32
  }
  func.func @transform_3(%arg0: i32) -> (i32, i32) {
    %c0_i32 = arith.constant 0 : i32
    %c0_i32_0 = arith.constant 0 : i32
    %c0_i32_1 = arith.constant 0 : i32
    return %c0_i32, %c0_i32_0 : i32, i32
  }
  func.func @transform_4(%arg0: i32) -> (i32, i32) {
    %c0_i32 = arith.constant 0 : i32
    %c0_i32_0 = arith.constant 0 : i32
    %c0_i32_1 = arith.constant 0 : i32
    return %c0_i32, %c0_i32_0 : i32, i32
  }
  func.func @transform_5(%arg0: i32) -> (i32, i32, i32) {
    %c0_i32 = arith.constant 0 : i32
    %c0_i32_0 = arith.constant 0 : i32
    %c0_i32_1 = arith.constant 0 : i32
    return %arg0, %c0_i32, %c0_i32_0 : i32, i32, i32
  }
  func.func @transform_6(%arg0: i32) -> (i32, i32, i32) {
    %c0_i32 = arith.constant 0 : i32
    %c0_i32_0 = arith.constant 0 : i32
    %c0_i32_1 = arith.constant 0 : i32
    return %arg0, %c0_i32, %c0_i32_0 : i32, i32, i32
  }
}

module attributes {stable_mosaic.version = 14 : i64} {
  func.func @_tab_body(%arg0: i32, %arg1: memref<1024x64xf32, #tpu.memory_space<vmem>>, %arg2: memref<1x64x64xf32, #tpu.memory_space<vmem>>, %arg3: memref<1024x64xf32, #tpu.memory_space<vmem>>) attributes {dimension_semantics = [#tpu.dimension_semantics<arbitrary>], iteration_bounds = array<i64: 64>, scalar_prefetch = 0 : i64, scratch_operands = 0 : i64, tpu.core_type = #tpu.core_type<tc>, window_params = [{pipeline_mode = #tpu.pipeline_mode<synchronous>, transform_indices = @transform_0, window_bounds = array<i64: 1024, 64>}, {transform_indices = @transform_1, window_bounds = array<i64: 1, 64, 64>}, {transform_indices = @transform_2, window_bounds = array<i64: 1024, 64>}]} {
    %get3A = arith.constant 0 : index
    %get3A_0 = arith.constant 0 : index
    %get3A_1 = vector.load %arg1[%get3A, %get3A_0] : memref<1024x64xf32, #tpu.memory_space<vmem>>, vector<1024x64xf32>
    %get3A_2 = arith.constant 0 : index
    %get3A_3 = arith.constant 0 : index
    %get3A_4 = arith.constant 0 : index
    %get3A_5 = vector.load %arg2[%get3A_2, %get3A_3, %get3A_4] : memref<1x64x64xf32, #tpu.memory_space<vmem>>, vector<1x64x64xf32>
    %get3A_6 = vector.shape_cast %get3A_5 : vector<1x64x64xf32> to vector<64x64xf32>
    %dot_general3A = arith.constant dense<0.000000e+00> : vector<1024x64xf32>
    %dot_general3A_7 = tpu.matmul %get3A_1, %get3A_6, %dot_general3A {dimension_numbers = #tpu.dot_dimension_numbers<[1], [0], [0], [1], [0, 0, 1, 1], [], []>, transpose_lhs_hint = false} : vector<1024x64xf32>, vector<64x64xf32>, vector<1024x64xf32> -> vector<1024x64xf32>
    %swap3A = arith.constant 0 : index
    %swap3A_8 = arith.constant 0 : index
    %swap3A_9 = vector.load %arg3[%swap3A, %swap3A_8] : memref<1024x64xf32, #tpu.memory_space<vmem>>, vector<1024x64xf32>
    tpu.vector_store %arg3[%swap3A, %swap3A_8], %dot_general3A_7 {strides = array<i32>} : memref<1024x64xf32, #tpu.memory_space<vmem>>, vector<1024x64xf32>,
    return
  }
  func.func @transform_0(%arg0: i32) -> (i32, i32) {
    %c0_i32 = arith.constant 0 : i32
    %c0_i32_0 = arith.constant 0 : i32
    %c0_i32_1 = arith.constant 0 : i32
    return %c0_i32, %c0_i32_0 : i32, i32
  }
  func.func @transform_1(%arg0: i32) -> (i32, i32, i32) {
    %c0_i32 = arith.constant 0 : i32
    %c0_i32_0 = arith.constant 0 : i32
    %c0_i32_1 = arith.constant 0 : i32
    return %arg0, %c0_i32, %c0_i32_0 : i32, i32, i32
  }
  func.func @transform_2(%arg0: i32) -> (i32, i32) {
    %c0_i32 = arith.constant 0 : i32
    %c0_i32_0 = arith.constant 0 : i32
    return %arg0, %c0_i32 : i32, i32
  }
}

module attributes {stable_mosaic.version = 14 : i64} {
  func.func @_dec_body(%arg0: i32, %arg1: memref<512x64xf32, #tpu.memory_space<vmem>>, %arg2: memref<1x64xf32, #tpu.memory_space<vmem>>, %arg3: memref<64x2048xf32, #tpu.memory_space<vmem>>, %arg4: memref<1x2048xf32, #tpu.memory_space<vmem>>, %arg5: memref<512x2048xf32, #tpu.memory_space<vmem>>) attributes {dimension_semantics = [#tpu.dimension_semantics<arbitrary>], iteration_bounds = array<i64: 8>, scalar_prefetch = 0 : i64, scratch_operands = 0 : i64, tpu.core_type = #tpu.core_type<tc>, window_params = [{transform_indices = @transform_0, window_bounds = array<i64: 512, 64>}, {pipeline_mode = #tpu.pipeline_mode<synchronous>, transform_indices = @transform_1, window_bounds = array<i64: 1, 64>}, {pipeline_mode = #tpu.pipeline_mode<synchronous>, transform_indices = @transform_2, window_bounds = array<i64: 64, 2048>}, {pipeline_mode = #tpu.pipeline_mode<synchronous>, transform_indices = @transform_3, window_bounds = array<i64: 1, 2048>}, {transform_indices = @transform_4, window_bounds = array<i64: 512, 2048>}]} {
    %get3A = arith.constant 0 : index
    %get3A_0 = arith.constant 0 : index
    %get3A_1 = vector.load %arg1[%get3A, %get3A_0] : memref<512x64xf32, #tpu.memory_space<vmem>>, vector<512x64xf32>
    %get3A_2 = arith.constant 0 : index
    %get3A_3 = arith.constant 0 : index
    %get3A_4 = vector.load %arg2[%get3A_2, %get3A_3] : memref<1x64xf32, #tpu.memory_space<vmem>>, vector<1x64xf32>
    %add3A = vector.broadcast %get3A_4 : vector<1x64xf32> to vector<512x64xf32>
    %add3A_5 = arith.addf %get3A_1, %add3A : vector<512x64xf32>
    %max3A = arith.constant 0.000000e+00 : f32
    %max3A_6 = vector.broadcast %max3A : f32 to vector<512x64xf32>
    %max3A_7 = arith.maximumf %add3A_5, %max3A_6 : vector<512x64xf32>
    %get3A_8 = arith.constant 0 : index
    %get3A_9 = arith.constant 0 : index
    %get3A_10 = vector.load %arg3[%get3A_8, %get3A_9] : memref<64x2048xf32, #tpu.memory_space<vmem>>, vector<64x2048xf32>
    %dot_general3A = arith.constant dense<0.000000e+00> : vector<512x2048xf32>
    %dot_general3A_11 = tpu.matmul %max3A_7, %get3A_10, %dot_general3A {dimension_numbers = #tpu.dot_dimension_numbers<[1], [0], [0], [1], [0, 0, 1, 1], [], []>, transpose_lhs_hint = false} : vector<512x64xf32>, vector<64x2048xf32>, vector<512x2048xf32> -> vector<512x2048xf32>
    %get3A_12 = arith.constant 0 : index
    %get3A_13 = arith.constant 0 : index
    %get3A_14 = vector.load %arg4[%get3A_12, %get3A_13] : memref<1x2048xf32, #tpu.memory_space<vmem>>, vector<1x2048xf32>
    %add3A_15 = vector.broadcast %get3A_14 : vector<1x2048xf32> to vector<512x2048xf32>
    %add3A_16 = arith.addf %dot_general3A_11, %add3A_15 : vector<512x2048xf32>
    %swap3A = arith.constant 0 : index
    %swap3A_17 = arith.constant 0 : index
    %swap3A_18 = vector.load %arg5[%swap3A, %swap3A_17] : memref<512x2048xf32, #tpu.memory_space<vmem>>, vector<512x2048xf32>
    tpu.vector_store %arg5[%swap3A, %swap3A_17], %add3A_16 {strides = array<i32>} : memref<512x2048xf32, #tpu.memory_space<vmem>>, vector<512x2048xf32>,
    return
  }
  func.func @transform_0(%arg0: i32) -> (i32, i32) {
    %c0_i32 = arith.constant 0 : i32
    %c0_i32_0 = arith.constant 0 : i32
    return %arg0, %c0_i32 : i32, i32
  }
  func.func @transform_1(%arg0: i32) -> (i32, i32) {
    %c0_i32 = arith.constant 0 : i32
    %c0_i32_0 = arith.constant 0 : i32
    %c0_i32_1 = arith.constant 0 : i32
    return %c0_i32, %c0_i32_0 : i32, i32
  }
  func.func @transform_2(%arg0: i32) -> (i32, i32) {
    %c0_i32 = arith.constant 0 : i32
    %c0_i32_0 = arith.constant 0 : i32
    %c0_i32_1 = arith.constant 0 : i32
    return %c0_i32, %c0_i32_0 : i32, i32
  }
  func.func @transform_3(%arg0: i32) -> (i32, i32) {
    %c0_i32 = arith.constant 0 : i32
    %c0_i32_0 = arith.constant 0 : i32
    %c0_i32_1 = arith.constant 0 : i32
    return %c0_i32, %c0_i32_0 : i32, i32
  }
  func.func @transform_4(%arg0: i32) -> (i32, i32) {
    %c0_i32 = arith.constant 0 : i32
    %c0_i32_0 = arith.constant 0 : i32
    return %arg0, %c0_i32 : i32, i32
  }
}

</mosaic_0001>

<sc_bundles>
// kernel: kernel.7.cloned.1.call-start
scs
__scs_entry_jumppad:
0x0: {  	(pc) =	sbr.rel $0x88, $3  }
0x1: {  	(tag) =	ssettag $0x0;
	lr =	simm.s32 $0x1  }
0x2: {  	[smem:$0x3F97] =	sst lr;
	_ =	strace $0xD0000000  }
0x3: {  	_ = 	snop  }
0x4: {  	_ = 	snop  }
0x5: {  	_ = 	snop  }
0x6: {  	_ = 	snop  }
0x7: {  	_ = 	snop  }
__scs_overlays_trampoline_lowered:
0x8: {  	[smem:$0x3FA6] =	sst s0  }
0x9: {  	[smem:$0x3FA7] =	sst s1  }
0xa: {  	[smem:$0x3FA8] =	sst s2  }
0xb: {  	[smem:$0x3FA9] =	sst s3  }
0xc: {  	[smem:$0x3FAA] =	sst s4  }
0xd: {  	[smem:$0x3FAB] =	sst s5  }
0xe: {  	[smem:$0x3FAC] =	sst s6  }
0xf: {  	[smem:$0x3FAD] =	sst s7  }
0x10: {  	[smem:$0x3FAE] =	sst s8  }
0x11: {  	[smem:$0x3FAF] =	sst s9;
	s0 =	simm.s32 @!p0 $0x0  }
0x12: {  	s1 =	sld [smem:$0x3F95];
	s0 =	simm.s32 @p0 $0x1  }
0x13: {  	[smem:$0x3FB0] =	sst s0;
	s0 =	simm.s32 @!p1 $0x0  }
0x14: {  	s2 =	sld [smem:$0x3F94];
	s0 =	simm.s32 @p1 $0x1  }
0x15: {  	[smem:$0x3FB1] =	sst s0;
	s0 =	simm.s32 @!p2 $0x0  }
0x16: {  	s3 =	sld [smem:$0x3FDB];
	s0 =	simm.s32 @p2 $0x1  }
0x17: {  	s4 =	simm.s32 $0x1BF5;
	[smem:$0x3FB3] =	sst s0  }
0x18: {  	s0 =	sld [smem:$0x3F96];
	_ =	swait.ge [sflag:s4], $0x0  }
0x19: {  	s7 =	sld [smem:$0x3F97]  }
0x1a: {  	s8 =	sadd.s32 $0xFFFFE003, lr  }
0x1b: {  	s9 =	sadd.s32 $0xFFFFFEF7, lr;
	s5 =	simm.s32 $0xFFFFFFFF;
	p2 =	slt.u32 s8, $0xFFFFF086  }
0x1c: {  	p1 =	slt.u32 s9, $0xF7A;
	s5 =	simm.s32 @!p2 $0x0  }
0x1d: {  	s5 =	simm.s32 @p1 $0x1;
	p0 =	seq.s32 s7, s2  }
0x1e: {  	s7 =	smul.u32 @!p0 $0xF7A, s2;
	p2 =	seq.s32 @!p0 s5, $0x0  }
0x1f: {  	s9 =	smul.u32 $0xF7A, s1;
	s8 =	simm.s32 @!p0 $0x1BF5;
	p2 =	por !p2, p0  }
0x20: {  	[sflag:s8] =	ssyncset.s32 @!p0 $0xFFFFF086;
	s6 =	sadd.s32 @!p0 s3, s7;
	s7 =	simm.s32 @!p0 $0x108  }
0x21: {  	s3 =	sadd.s32 s3, s9;
	s6 =	sadd.s32 @!p0 $0x88, s6;
	s7 =	simm.s32 @p2 $0x1082  }
0x22: {  	[simem:s7], [sflag:s8] =	dma.local @!p0 [hbm:s6], $0xF7A  }
0x23: {  	s9 =	sor.u32 $0xD0000000, s2;
	s6 =	simm.s32 $0x108;
	_ =	swait.ge @!p0 [sflag:s8], $0x0  }
0x24: {  	s3 =	sadd.s32 $0x88, s3;
	s6 =	simm.s32 @!p1 $0x1082;
	[sflag:s4] =	ssyncset.s32 $0xFFFFF086  }
0x25: {  	[simem:s6], [sflag:s4] =	dma.local [hbm:s3], $0xF7A  }
0x26: {  	[smem:$0x3F97] =	sst s1;
	(tag) =	ssettag s2;
	_ =	strace s9  }
0x27: {  	s1 =	sld [smem:$0x3FA7]  }
0x28: {  	s2 =	sld [smem:$0x3FA8]  }
0x29: {  	s4 =	sld [smem:$0x3FAA]  }
0x2a: {  	p0 =	seq.s32 s5, $0x0;
	s5 =	sld [smem:$0x3FAB]  }
0x2b: {  	s6 =	sld [smem:$0x3FAC]  }
0x2c: {  	s7 =	sld [smem:$0x3FAD]  }
0x2d: {  	s3 =	simm.s32 $0x108;
	s8 =	sld [smem:$0x3FAE]  }
0x2e: {  	s3 =	simm.s32 @!p0 $0x1082;
	s9 =	sld [smem:$0x3FAF]  }
0x2f: {  	lr =	sadd.s32 s0, s3;
	s0 =	sld [smem:$0x3FA6]  }
0x30: {  	s3 =	sld [smem:$0x3FA9]  }
0x31: {  	[smem:$0x3FB2] =	sst s10  }
0x32: {  	s10 =	sld [smem:$0x3FB0];
	_ =	sdelay $0x3  }
0x33: {  	p0 =	seq.s32 s10, $0x1;
	s10 =	sld [smem:$0x3FB2];
	_ =	sdelay $0x3  }
0x34: {  	[smem:$0x3FB2] =	sst s10  }
0x35: {  	s10 =	sld [smem:$0x3FB1];
	_ =	sdelay $0x3  }
0x36: {  	p1 =	seq.s32 s10, $0x1;
	s10 =	sld [smem:$0x3FB2];
	_ =	sdelay $0x3  }
0x37: {  	[smem:$0x3FB2] =	sst s10  }
0x38: {  	s10 =	sld [smem:$0x3FB3]  }
0x39: {  	_ = 	snop;
	(pc) =	sbr.ind lr, $3  }
0x3a: {  	_ = 	snop  }
0x3b: {  	_ = 	snop  }
0x3c: {  	p2 =	seq.s32 s10, $0x1;
	s10 =	sld [smem:$0x3FB2]  }
0x3d: {  	_ =	shalt  }
0x3e: {  	_ =	shalt  }
0x3f: {  	_ =	shalt  }
0x40: {  	_ =	shalt  }
0x41: {  	_ =	shalt  }
0x42: {  	_ =	shalt  }
0x43: {  	_ =	shalt  }
0x44: {  	_ =	shalt  }
0x45: {  	_ =	shalt  }
0x46: {  	_ =	shalt  }
0x47: {  	_ =	shalt  }
0x48: {  	_ =	shalt  }
0x49: {  	_ =	shalt  }
0x4a: {  	_ =	shalt  }
0x4b: {  	_ =	shalt  }
0x4c: {  	_ =	shalt  }
0x4d: {  	_ =	shalt  }
0x4e: {  	_ =	shalt  }
0x4f: {  	_ =	shalt  }
0x50: {  	_ =	shalt  }
0x51: {  	_ =	shalt  }
0x52: {  	_ =	shalt  }
0x53: {  	_ =	shalt  }
0x54: {  	_ =	shalt  }
0x55: {  	_ =	shalt  }
0x56: {  	_ =	shalt  }
0x57: {  	_ =	shalt  }
0x58: {  	_ =	shalt  }
0x59: {  	_ =	shalt  }
0x5a: {  	_ =	shalt  }
0x5b: {  	_ =	shalt  }
0x5c: {  	_ =	shalt  }
0x5d: {  	_ =	shalt  }
0x5e: {  	_ =	shalt  }
0x5f: {  	_ =	shalt  }
0x60: {  	_ =	shalt  }
0x61: {  	_ =	shalt  }
0x62: {  	_ =	shalt  }
0x63: {  	_ =	shalt  }
0x64: {  	_ =	shalt  }
0x65: {  	_ =	shalt  }
0x66: {  	_ =	shalt  }
0x67: {  	_ =	shalt  }
0x68: {  	_ =	shalt  }
0x69: {  	_ =	shalt  }
0x6a: {  	_ =	shalt  }
0x6b: {  	_ =	shalt  }
0x6c: {  	_ =	shalt  }
0x6d: {  	_ =	shalt  }
0x6e: {  	_ =	shalt  }
0x6f: {  	_ =	shalt  }
0x70: {  	_ =	shalt  }
0x71: {  	_ =	shalt  }
0x72: {  	_ =	shalt  }
0x73: {  	_ =	shalt  }
0x74: {  	_ =	shalt  }
0x75: {  	_ =	shalt  }
0x76: {  	_ =	shalt  }
0x77: {  	_ =	shalt  }
0x78: {  	_ =	shalt  }
0x79: {  	_ =	shalt  }
0x7a: {  	_ =	shalt  }
0x7b: {  	_ =	shalt  }
0x7c: {  	_ =	shalt  }
0x7d: {  	_ =	shalt  }
0x7e: {  	_ =	shalt  }
0x7f: {  	_ =	shalt  }
0x80: {  	_ =	shalt  }
0x81: {  	_ =	shalt  }
0x82: {  	_ =	shalt  }
0x83: {  	_ =	shalt  }
0x84: {  	_ =	shalt  }
0x85: {  	_ =	shalt  }
0x86: {  	_ =	shalt  }
0x87: {  	_ =	shalt  }
.Lfunc_end0:
.L_simem_size_0:
called_computation_lowered:
.L_overlay_start_0:
0x88: {  	s2 =	sld [smem:$0x3FD9]  }
0x89: {  	s3 =	sld [smem:$0x3FFE];
	_ =	sdelay $0x1  }
0x8a: {  	s1 =	srdreg.scid  }
0x8b: {  	s0 =	sand.u32 $0x1, s1  }
0x8c: {  	s14 =	sshll.u32 s0, $0xA;
	s2 =	sadd.s32 s3, s2  }
0x8d: {  	s2 =	sadd.s32 s2, s14  }
0x8e: {  	[smem:$0x3FBE] =	sst s2  }
0x8f: {  	_ = 	snop  }
0x90: {  	s2 =	sld [smem:$0x3FD0];
	_ =	sdelay $0x2  }
0x91: {  	s15 =	simm.s32 $0xA;
	s4 =	simm.s32 $0x10  }
0x92: {  	[smem:s4], [sflag:s15] =	dma.local [hbm:s2], $0x1  }
0x93: {  	_ =	swait.eq [sflag:s15], $0x1  }
0x94: {  	[sflag:s15] =	ssyncset.done $0x0  }
0x95: {  	[sflag:s15] =	ssyncadd.s32 $0xFFFFFFFF  }
0x96: {  	s16 =	sld [smem:$0x10];
	(tm) =	ssettm $0x1  }
0x97: {  	s17 =	sld [smem:$0x3FFB];
	_ =	sdelay $0x3  }
0x98: {  	_ =	strace s17  }
0x99: {  	s3 =	sld [smem:$0x3FFC];
	_ =	sdelay $0x3  }
0x9a: {  	_ =	strace s3  }
0x9b: {  	s3 =	sld [smem:$0x3FFD];
	_ =	sdelay $0x3  }
0x9c: {  	_ =	strace s3  }
0x9d: {  	_ =	strace $0x8FFFFFFF  }
0x9e: {  	s18 =	sld [smem:$0x3FDB];
	_ =	sdelay $0x1  }
0x9f: {  	s19 =	simm.s32 $_scs_section_size  }
0xa0: {  	s5 =	simm.s32 $_size__tile_overlayer_lowered;
	s6 =	simm.s32 $_tile_overlayer_lowered  }
0xa1: {  	s22 =	simm.s32 $0x1BFF;
	s21 =	sshll.u32 s6, $0x1;
	s3 =	sadd.s32 s19, s18  }
0xa2: {  	s7 =	simm.s32 $0x0;
	s20 =	sshll.u32 s5, $0x1;
	s5 =	sadd.s32 s21, s3  }
0xa3: {  	[timem:s7], [sflag:s22] =	dma.local [hbm:s5], s20  }
0xa4: {  	_ =	swait.ge [sflag:s22], s20  }
0xa5: {  	s4 =	ssub.s32 $0x0, s20;
	[sflag:s22] =	ssyncset.done $0x0  }
0xa6: {  	[sflag:s22] =	ssyncadd.s32 s4;
	_ =	sdelay $0x1  }
0xa7: {  	s23 =	simm.s32 $0x1B8B  }
0xa8: {  	_ =	swait.ge [sflag:s23], $0x1  }
0xa9: {  	[sflag:s23] =	ssyncset.done $0x0  }
0xaa: {  	s25 =	simm.s32 $0x1B8E;
	s24 =	sld [smem:$0x3FFE];
	[sflag:s23] =	ssyncadd.s32 $0xFFFFFFFF  }
0xab: {  	s26 =	simm.s32 $execute0_lowered;
	[smem:$0x3FD2] =	sst s25  }
0xac: {  	s5 =	sshll.u32 s26, $0x1;
	_ =	strace $0x80000046;
	[dreg:$0x1] =	wrdreg $0xFFFFFFFF  }
0xad: {  	s28 =	simm.s32 $_size_execute0_lowered;
	s3 =	sadd.s32 s3, s5;
	[dreg:$0x0] =	wrdreg $0x0  }
0xae: {  	s5 =	sshll.u32 s28, $0x1;
	[dreg:$0x2] =	wrdreg s3  }
0xaf: {  	[dreg:$0x3] =	wrdreg s5  }
0xb0: {  	[dreg:$0x4] =	wrdreg $0xC0  }
0xb1: {  	_ =	task [dreg:s7], $0x5FFFF  }
0xb2: {  	[dreg:$0x1] =	wrdreg $0xFFFFFFFF  }
0xb3: {  	[dreg:$0x0] =	wrdreg $0x60  }
0xb4: {  	[dreg:$0x2] =	wrdreg s24  }
0xb5: {  	[dreg:$0x3] =	wrdreg s16  }
0xb6: {  	[dreg:$0x4] =	wrdreg $0x108000  }
0xb7: {  	[dreg:$0x5] =	wrdreg $0x9  }
0xb8: {  	_ =	task.clear_ibuf [dreg:s7], $0x6FFFF;
	_ =	strace $0x90000046  }
0xb9: {  	s29 =	simm.s32 $0x9;
	_ =	strace $0x80000048  }
0xba: {  	_ =	swait.ge [sflag:s29], $0x1  }
0xbb: {  	[sflag:s29] =	ssyncadd.s32 $0xFFFFFFFF  }
0xbc: {  	_ =	strace $0x90000048  }
0xbd: {  	_ =	sfence  }
0xbe: {  	s30 =	sld [smem:$0x0];
	_ =	sdelay $0x2  }
0xbf: {  	s31 =	sshll.u32 s1, $0xD;
	s1 =	sshrl.u32 s1, $0x2  }
0xc0: {  	s3 =	sand.u32 $0x4000, s31;
	s1 =	sadd.s32 s1, s30  }
0xc1: {  	s0 =	sor.u32 s3, s0;
	s1 =	sshll.u32 s1, $0x11  }
0xc2: {  	s0 =	sor.u32 s1, s0  }
0xc3: {  	s0 =	sadd.s32 $0x8F2B, s0  }
0xc4: {  	[sflag:s0] =	ssyncadd.remote.s32 $0x1  }
0xc5: {  	_ =	sfence.sel $0xFFFF  }
0xc6: {  	[dreg:$0x0] =	wrdreg $0xFFFFFFFF;
	(pc) =	sbr.abs _section_cstart, $3  }
0xc7: {  	[dreg:$0x1] =	wrdreg $0xFFFFFFFF  }
0xc8: {  	_ =	task.clear_ibuf [dreg:s7], $0x2FFFF;
	_ =	strace $0x9FFFFFFF  }
0xc9: {  	(tm) =	ssettm $0x7FFFFFFF  }
tec
execute0_lowered:
.L_overlay_start_1:
0x0: {  	(tag) =	ssettag $0x1  }
0x1: {  	s1 =	rddreg [dreg:$0x0]  }
0x2: {  	s0 =	rddreg [dreg:$0x1]  }
0x3: {  	s2 =	rddreg [dreg:$0x2];
	s3 =	simm.s32 $0x0;
	s4 =	srdreg.scid  }
0x4: {  	s12 =	stileid.u32;
	p0 =	por $0x0, $0x0;
	[smem:$0x7FF] =	sst s3  }
0x5: {  	s5 =	sand.u32 $0x1, s4;
	s14 =	sshll.u32 s12, $0x1;
	s6 =	sadd.s32 $0x8800, s1  }
0x6: {  	s15 =	sadd.s32 $0x90800, s1;
	s8 =	sadd.s32 $0x800, s1;
	s4 =	sadd.s32 $0x10800, s1  }
0x7: {  	_ =	strace $0x80000047;
	s9 =	sor.u32 s5, s14;
	s5 =	ssub.s32 $0x2, s5  }
0x8: {  	[dreg:$0x4] =	wrdreg s15;
	s7 =	sshll.u32 s9, $0xA;
	s25 =	sshrl.u32 s5, $0x1  }
0x9: {  	s9 =	sshll.u32 s9, $0xD;
	s1 =	rddreg [dreg:$0x4];
	s16 =	sadd.s32 s6, s7  }
0xa: {  	s17 =	sadd.s32 s8, s7;
	s10 =	sor.u32 $0x40, s7;
	[dreg:$0x5] =	wrdreg s16  }
0xb: {  	s11 =	sor.u32 $0x80, s7;
	[dreg:$0x6] =	wrdreg s17;
	s18 =	sadd.s32 s6, s10  }
0xc: {  	s21 =	sor.u32 $0xC0, s7;
	s10 =	sadd.s32 s8, s10;
	[dreg:$0x7] =	wrdreg s18  }
0xd: {  	s24 =	sor.u32 $0x100, s7;
	s19 =	sadd.s32 s6, s11;
	[dreg:$0x8] =	wrdreg s10  }
0xe: {  	s13 =	sor.u32 $0x140, s7;
	s20 =	sadd.s32 s8, s11;
	[dreg:$0x9] =	wrdreg s19  }
0xf: {  	s9 =	sadd.s32 s9, s2;
	s22 =	sadd.s32 s6, s21;
	[dreg:$0xa] =	wrdreg s20  }
0x10: {  	s23 =	sadd.s32 s8, s21;
	s26 =	sadd.s32 s6, s24;
	[dreg:$0xb] =	wrdreg s22  }
0x11: {  	s11 =	ssub.s32 s5, s25;
	s14 =	sadd.s32 s6, s13;
	[dreg:$0xc] =	wrdreg s23  }
0x12: {  	s15 =	sadd.s32 s8, s13;
	s16 =	sor.u32 $0x180, s7;
	[dreg:$0xd] =	wrdreg s26  }
0x13: {  	s25 =	sor.u32 $0x240, s7;
	s13 =	sor.u32 $0x300, s7;
	[dreg:$0xf] =	wrdreg s14  }
0x14: {  	s10 =	sadd.s32 s8, s24;
	[dreg:$0x10] =	wrdreg s15;
	s17 =	sadd.s32 s6, s16  }
0x15: {  	s18 =	sadd.s32 s8, s16;
	s19 =	sor.u32 $0x1C0, s7;
	s22 =	sor.u32 $0x200, s7  }
0x16: {  	s23 =	sshll.u32 s12, $0x6;
	s30 =	sadd.s32 s6, s25;
	s26 =	sor.u32 $0x280, s7  }
0x17: {  	s29 =	sadd.s32 s8, s25;
	s12 =	sor.u32 $0x2C0, s7;
	[dreg:$0xe] =	wrdreg s10  }
0x18: {  	s14 =	sor.u32 $0x340, s7;
	s15 =	sor.u32 $0x380, s7;
	[dreg:$0x11] =	wrdreg s17  }
0x19: {  	s16 =	sor.u32 $0x3C0, s7;
	[dreg:$0x12] =	wrdreg s18;
	s20 =	sadd.s32 s6, s19  }
0x1a: {  	s21 =	sadd.s32 s8, s19;
	s24 =	sadd.s32 s6, s22;
	s5 =	sor.u32 $0x1C03, s23  }
0x1b: {  	s31 =	sadd.s32 s8, s22;
	s28 =	sadd.s32 s6, s26;
	s26 =	sadd.s32 s8, s26  }
0x1c: {  	s25 =	sadd.s32 s6, s12;
	s23 =	sadd.s32 s6, s13;
	s22 =	sadd.s32 s8, s13  }
0x1d: {  	s18 =	sadd.s32 s6, s15;
	s17 =	sadd.s32 s8, s15;
	s10 =	sadd.s32 s8, s16  }
0x1e: {  	s19 =	smax.u32 s11, $0x1;
	s11 =	simm.s32 $0x400;
	[dreg:$0x13] =	wrdreg s20  }
0x1f: {  	s13 =	simm.s32 $0x8800;
	[dreg:$0x14] =	wrdreg s21;
	p1 =	sne.s32 s19, $0x1  }
.Ltmp0:
0x20: {  	s15 =	simm.s32 $0x2;
	[dreg:$0x15] =	wrdreg s24;
	(pc) =	sbr.rel @!p1 .LBB2_3-.Ltmp0, $4  }
0x21: {  	s24 =	sadd.s32 s8, s12;
	s21 =	sadd.s32 s6, s14;
	s20 =	sadd.s32 s8, s14  }
0x22: {  	s14 =	sadd.s32 s6, s16;
	s6 =	sadd.s32 s0, s7;
	s8 =	sshrl.u32 s9, $0x3  }
0x23: {  	s7 =	simm.s32 $0x3;
	s0 =	sadd.s32 $0xFFFFFFFF, s19;
	s9 =	simm.s32 $0x200  }
0x24: {  	s16 =	simm.s32 $0x800;
	s19 =	simm.s32 $0x1;
	s12 =	simm.s32 $0x600  }
0x25: {  	[spmem:s8], [sflag:s5] =	dma.local [hbm:s1], $0x400  }
0x26: {  	_ =	swait.ge [sflag:s7], $0x400  }
0x27: {  	[sflag:s7] =	ssyncset.done $0x0  }
0x28: {  	s1 =	rddreg [dreg:$0x5];
	[sflag:s7] =	ssyncadd.s32 $0xFFFFFC00  }
0x29: {  	[tilespmem:s3], [sflag:$0x3] =	stream.linear.gather [hbm4b:s1+s3], $0x200, $0x38;
	[tilespmem:$0x14800] =	vst v63  }
0x2a: {  	_ =	swait.ge [sflag:s7], $0x200  }
0x2b: {  	[sflag:s7] =	ssyncset.done $0x0  }
0x2c: {  	s1 =	rddreg [dreg:$0x6];
	[sflag:s7] =	ssyncadd.s32 $0xFFFFFE00  }
0x2d: {  	[tilespmem:s11], [sflag:$0x3] =	stream.linear.gather [hbm4b:s1+s3], $0x200, $0x38;
	[tilespmem:$0x14800] =	vst v63  }
0x2e: {  	_ =	swait.ge [sflag:s7], $0x200  }
0x2f: {  	[sflag:s7] =	ssyncset.done $0x0  }
0x30: {  	[sflag:s7] =	ssyncadd.s32 $0xFFFFFE00  }
0x31: {  	[tilespmem:s16], [sflag:$0x1] =	stream.indirect.gather [hbm4b:s4+s9], $0x40, s3, s9, $0xb8;
	[tilespmem:$0x14800] =	vst v63  }
0x32: {  	_ =	swait.ge [sflag:s19], $0x8000  }
0x33: {  	[sflag:s19] =	ssyncset.done $0x0  }
0x34: {  	s1 =	rddreg [dreg:$0x7];
	[sflag:s19] =	ssyncadd.s32 $0xFFFF8000  }
0x35: {  	[tilespmem:s9], [sflag:$0x3] =	stream.linear.gather [hbm4b:s1+s3], $0x200, $0x38;
	[tilespmem:$0x14800] =	vst v63  }
0x36: {  	_ =	swait.ge [sflag:s7], $0x200  }
0x37: {  	[sflag:s7] =	ssyncset.done $0x0  }
0x38: {  	s1 =	rddreg [dreg:$0x8];
	[sflag:s7] =	ssyncadd.s32 $0xFFFFFE00  }
0x39: {  	[tilespmem:s12], [sflag:$0x3] =	stream.linear.gather [hbm4b:s1+s3], $0x200, $0x38;
	[tilespmem:$0x14800] =	vst v63  }
0x3a: {  	_ =	swait.ge [sflag:s7], $0x200  }
0x3b: {  	[sflag:s7] =	ssyncset.done $0x0  }
0x3c: {  	[sflag:s7] =	ssyncadd.s32 $0xFFFFFE00  }
0x3d: {  	[tilespmem:s13], [sflag:$0x2] =	stream.indirect.gather [hbm4b:s4+s9], $0x40, s9, s9, $0xb8;
	[tilespmem:$0x14800] =	vst v63  }
0x3e: {  	_ = 	snop  }
0x3f: {  	[spmem:s2] =	stream.indirect.scatter.add.f32 [tilespmem:s16], [sflag:$0x3], $0x40, s11, s9, $0xb8;
	[tilespmem:$0x14800] =	vst v63  }
0x40: {  	_ =	swait.ge [sflag:s7], $0x8000  }
0x41: {  	[sflag:s7] =	ssyncset.done $0x0  }
0x42: {  	[sflag:s7] =	ssyncadd.s32 $0xFFFF8000  }
0x43: {  	_ =	swait.ge [sflag:s15], $0x8000  }
0x44: {  	[sflag:s15] =	ssyncset.done $0x0  }
0x45: {  	s1 =	rddreg [dreg:$0x9];
	[sflag:s15] =	ssyncadd.s32 $0xFFFF8000  }
0x46: {  	[tilespmem:s3], [sflag:$0x3] =	stream.linear.gather [hbm4b:s1+s3], $0x200, $0x38;
	[tilespmem:$0x14800] =	vst v63  }
0x47: {  	_ =	swait.ge [sflag:s7], $0x200  }
0x48: {  	[sflag:s7] =	ssyncset.done $0x0  }
0x49: {  	s1 =	rddreg [dreg:$0xa];
	[sflag:s7] =	ssyncadd.s32 $0xFFFFFE00  }
0x4a: {  	[tilespmem:s11], [sflag:$0x3] =	stream.linear.gather [hbm4b:s1+s3], $0x200, $0x38;
	[tilespmem:$0x14800] =	vst v63  }
0x4b: {  	_ =	swait.ge [sflag:s7], $0x200  }
0x4c: {  	[sflag:s7] =	ssyncset.done $0x0  }
0x4d: {  	[sflag:s7] =	ssyncadd.s32 $0xFFFFFE00  }
0x4e: {  	[tilespmem:s16], [sflag:$0x1] =	stream.indirect.gather [hbm4b:s4+s9], $0x40, s3, s9, $0xb8;
	[tilespmem:$0x14800] =	vst v63  }
0x4f: {  	_ = 	snop  }
0x50: {  	[spmem:s2] =	stream.indirect.scatter.add.f32 [tilespmem:s13], [sflag:$0x3], $0x40, s12, s9, $0xb8;
	[tilespmem:$0x14800] =	vst v63  }
0x51: {  	_ =	swait.ge [sflag:s7], $0x8000  }
0x52: {  	[sflag:s7] =	ssyncset.done $0x0  }
0x53: {  	[sflag:s7] =	ssyncadd.s32 $0xFFFF8000  }
0x54: {  	_ =	swait.ge [sflag:s19], $0x8000  }
0x55: {  	[sflag:s19] =	ssyncset.done $0x0  }
0x56: {  	s1 =	rddreg [dreg:$0xb];
	[sflag:s19] =	ssyncadd.s32 $0xFFFF8000  }
0x57: {  	[tilespmem:s9], [sflag:$0x3] =	stream.linear.gather [hbm4b:s1+s3], $0x200, $0x38;
	[tilespmem:$0x14800] =	vst v63  }
0x58: {  	_ =	swait.ge [sflag:s7], $0x200  }
0x59: {  	[sflag:s7] =	ssyncset.done $0x0  }
0x5a: {  	s1 =	rddreg [dreg:$0xc];
	[sflag:s7] =	ssyncadd.s32 $0xFFFFFE00  }
0x5b: {  	[tilespmem:s12], [sflag:$0x3] =	stream.linear.gather [hbm4b:s1+s3], $0x200, $0x38;
	[tilespmem:$0x14800] =	vst v63  }
0x5c: {  	_ =	swait.ge [sflag:s7], $0x200  }
0x5d: {  	[sflag:s7] =	ssyncset.done $0x0  }
0x5e: {  	[sflag:s7] =	ssyncadd.s32 $0xFFFFFE00  }
0x5f: {  	[tilespmem:s13], [sflag:$0x2] =	stream.indirect.gather [hbm4b:s4+s9], $0x40, s9, s9, $0xb8;
	[tilespmem:$0x14800] =	vst v63  }
0x60: {  	_ = 	snop  }
0x61: {  	[spmem:s2] =	stream.indirect.scatter.add.f32 [tilespmem:s16], [sflag:$0x3], $0x40, s11, s9, $0xb8;
	[tilespmem:$0x14800] =	vst v63  }
0x62: {  	_ =	swait.ge [sflag:s7], $0x8000  }
0x63: {  	[sflag:s7] =	ssyncset.done $0x0  }
0x64: {  	[sflag:s7] =	ssyncadd.s32 $0xFFFF8000  }
0x65: {  	_ =	swait.ge [sflag:s15], $0x8000  }
0x66: {  	[sflag:s15] =	ssyncset.done $0x0  }
0x67: {  	s1 =	rddreg [dreg:$0xd];
	[sflag:s15] =	ssyncadd.s32 $0xFFFF8000  }
0x68: {  	[tilespmem:s3], [sflag:$0x3] =	stream.linear.gather [hbm4b:s1+s3], $0x200, $0x38;
	[tilespmem:$0x14800] =	vst v63  }
0x69: {  	_ =	swait.ge [sflag:s7], $0x200  }
0x6a: {  	[sflag:s7] =	ssyncset.done $0x0  }
0x6b: {  	s1 =	rddreg [dreg:$0xe];
	[sflag:s7] =	ssyncadd.s32 $0xFFFFFE00  }
0x6c: {  	[tilespmem:s11], [sflag:$0x3] =	stream.linear.gather [hbm4b:s1+s3], $0x200, $0x38;
	[tilespmem:$0x14800] =	vst v63  }
0x6d: {  	_ =	swait.ge [sflag:s7], $0x200  }
0x6e: {  	[sflag:s7] =	ssyncset.done $0x0  }
0x6f: {  	[sflag:s7] =	ssyncadd.s32 $0xFFFFFE00  }
0x70: {  	[tilespmem:s16], [sflag:$0x1] =	stream.indirect.gather [hbm4b:s4+s9], $0x40, s3, s9, $0xb8;
	[tilespmem:$0x14800] =	vst v63  }
0x71: {  	_ = 	snop  }
0x72: {  	[spmem:s2] =	stream.indirect.scatter.add.f32 [tilespmem:s13], [sflag:$0x3], $0x40, s12, s9, $0xb8;
	[tilespmem:$0x14800] =	vst v63  }
0x73: {  	_ =	swait.ge [sflag:s7], $0x8000  }
0x74: {  	[sflag:s7] =	ssyncset.done $0x0  }
0x75: {  	[sflag:s7] =	ssyncadd.s32 $0xFFFF8000  }
0x76: {  	_ =	swait.ge [sflag:s19], $0x8000  }
0x77: {  	[sflag:s19] =	ssyncset.done $0x0  }
0x78: {  	s1 =	rddreg [dreg:$0xf];
	[sflag:s19] =	ssyncadd.s32 $0xFFFF8000  }
0x79: {  	[tilespmem:s9], [sflag:$0x3] =	stream.linear.gather [hbm4b:s1+s3], $0x200, $0x38;
	[tilespmem:$0x14800] =	vst v63  }
0x7a: {  	_ =	swait.ge [sflag:s7], $0x200  }
0x7b: {  	[sflag:s7] =	ssyncset.done $0x0  }
0x7c: {  	s1 =	rddreg [dreg:$0x10];
	[sflag:s7] =	ssyncadd.s32 $0xFFFFFE00  }
0x7d: {  	[tilespmem:s12], [sflag:$0x3] =	stream.linear.gather [hbm4b:s1+s3], $0x200, $0x38;
	[tilespmem:$0x14800] =	vst v63  }
0x7e: {  	_ =	swait.ge [sflag:s7], $0x200  }
0x7f: {  	[sflag:s7] =	ssyncset.done $0x0  }
0x80: {  	[sflag:s7] =	ssyncadd.s32 $0xFFFFFE00  }
0x81: {  	[tilespmem:s13], [sflag:$0x2] =	stream.indirect.gather [hbm4b:s4+s9], $0x40, s9, s9, $0xb8;
	[tilespmem:$0x14800] =	vst v63  }
0x82: {  	_ = 	snop  }
0x83: {  	[spmem:s2] =	stream.indirect.scatter.add.f32 [tilespmem:s16], [sflag:$0x3], $0x40, s11, s9, $0xb8;
	[tilespmem:$0x14800] =	vst v63  }
0x84: {  	_ =	swait.ge [sflag:s7], $0x8000  }
0x85: {  	[sflag:s7] =	ssyncset.done $0x0  }
0x86: {  	[sflag:s7] =	ssyncadd.s32 $0xFFFF8000  }
0x87: {  	_ =	swait.ge [sflag:s15], $0x8000  }
0x88: {  	[sflag:s15] =	ssyncset.done $0x0  }
0x89: {  	s1 =	rddreg [dreg:$0x11];
	[sflag:s15] =	ssyncadd.s32 $0xFFFF8000  }
0x8a: {  	[tilespmem:s3], [sflag:$0x3] =	stream.linear.gather [hbm4b:s1+s3], $0x200, $0x38;
	[tilespmem:$0x14800] =	vst v63  }
0x8b: {  	_ =	swait.ge [sflag:s7], $0x200  }
0x8c: {  	[sflag:s7] =	ssyncset.done $0x0  }
0x8d: {  	s1 =	rddreg [dreg:$0x12];
	[sflag:s7] =	ssyncadd.s32 $0xFFFFFE00  }
0x8e: {  	[tilespmem:s11], [sflag:$0x3] =	stream.linear.gather [hbm4b:s1+s3], $0x200, $0x38;
	[tilespmem:$0x14800] =	vst v63  }
0x8f: {  	_ =	swait.ge [sflag:s7], $0x200  }
0x90: {  	[sflag:s7] =	ssyncset.done $0x0  }
0x91: {  	[sflag:s7] =	ssyncadd.s32 $0xFFFFFE00  }
0x92: {  	[tilespmem:s16], [sflag:$0x1] =	stream.indirect.gather [hbm4b:s4+s9], $0x40, s3, s9, $0xb8;
	[tilespmem:$0x14800] =	vst v63  }
0x93: {  	_ = 	snop  }
0x94: {  	[spmem:s2] =	stream.indirect.scatter.add.f32 [tilespmem:s13], [sflag:$0x3], $0x40, s12, s9, $0xb8;
	[tilespmem:$0x14800] =	vst v63  }
0x95: {  	_ =	swait.ge [sflag:s7], $0x8000  }
0x96: {  	[sflag:s7] =	ssyncset.done $0x0  }
0x97: {  	[sflag:s7] =	ssyncadd.s32 $0xFFFF8000  }
0x98: {  	_ =	swait.ge [sflag:s19], $0x8000  }
0x99: {  	[sflag:s19] =	ssyncset.done $0x0  }
0x9a: {  	s1 =	rddreg [dreg:$0x13];
	[sflag:s19] =	ssyncadd.s32 $0xFFFF8000  }
0x9b: {  	[tilespmem:s9], [sflag:$0x3] =	stream.linear.gather [hbm4b:s1+s3], $0x200, $0x38;
	[tilespmem:$0x14800] =	vst v63  }
0x9c: {  	_ =	swait.ge [sflag:s7], $0x200  }
0x9d: {  	[sflag:s7] =	ssyncset.done $0x0  }
0x9e: {  	s1 =	rddreg [dreg:$0x14];
	[sflag:s7] =	ssyncadd.s32 $0xFFFFFE00  }
0x9f: {  	[tilespmem:s12], [sflag:$0x3] =	stream.linear.gather [hbm4b:s1+s3], $0x200, $0x38;
	[tilespmem:$0x14800] =	vst v63  }
0xa0: {  	_ =	swait.ge [sflag:s7], $0x200  }
0xa1: {  	[sflag:s7] =	ssyncset.done $0x0  }
0xa2: {  	[sflag:s7] =	ssyncadd.s32 $0xFFFFFE00  }
0xa3: {  	[tilespmem:s13], [sflag:$0x2] =	stream.indirect.gather [hbm4b:s4+s9], $0x40, s9, s9, $0xb8;
	[tilespmem:$0x14800] =	vst v63  }
0xa4: {  	_ = 	snop  }
0xa5: {  	[spmem:s2] =	stream.indirect.scatter.add.f32 [tilespmem:s16], [sflag:$0x3], $0x40, s11, s9, $0xb8;
	[tilespmem:$0x14800] =	vst v63  }
0xa6: {  	_ =	swait.ge [sflag:s7], $0x8000  }
0xa7: {  	[sflag:s7] =	ssyncset.done $0x0  }
0xa8: {  	[sflag:s7] =	ssyncadd.s32 $0xFFFF8000  }
0xa9: {  	_ =	swait.ge [sflag:s15], $0x8000  }
0xaa: {  	[sflag:s15] =	ssyncset.done $0x0  }
0xab: {  	s1 =	rddreg [dreg:$0x15];
	[sflag:s15] =	ssyncadd.s32 $0xFFFF8000  }
0xac: {  	[tilespmem:s3], [sflag:$0x3] =	stream.linear.gather [hbm4b:s1+s3], $0x200, $0x38;
	[tilespmem:$0x14800] =	vst v63  }
0xad: {  	_ =	swait.ge [sflag:s7], $0x200  }
0xae: {  	[sflag:s7] =	ssyncset.done $0x0  }
0xaf: {  	[sflag:s7] =	ssyncadd.s32 $0xFFFFFE00  }
0xb0: {  	[tilespmem:s11], [sflag:$0x3] =	stream.linear.gather [hbm4b:s31+s3], $0x200, $0x38;
	[tilespmem:$0x14800] =	vst v63  }
0xb1: {  	_ =	swait.ge [sflag:s7], $0x200  }
0xb2: {  	[sflag:s7] =	ssyncset.done $0x0  }
0xb3: {  	[sflag:s7] =	ssyncadd.s32 $0xFFFFFE00  }
0xb4: {  	[tilespmem:s16], [sflag:$0x1] =	stream.indirect.gather [hbm4b:s4+s9], $0x40, s3, s9, $0xb8;
	[tilespmem:$0x14800] =	vst v63  }
0xb5: {  	_ = 	snop  }
0xb6: {  	[spmem:s2] =	stream.indirect.scatter.add.f32 [tilespmem:s13], [sflag:$0x3], $0x40, s12, s9, $0xb8;
	[tilespmem:$0x14800] =	vst v63  }
0xb7: {  	_ =	swait.ge [sflag:s7], $0x8000  }
0xb8: {  	[sflag:s7] =	ssyncset.done $0x0  }
0xb9: {  	[sflag:s7] =	ssyncadd.s32 $0xFFFF8000  }
0xba: {  	_ =	swait.ge [sflag:s19], $0x8000  }
0xbb: {  	[sflag:s19] =	ssyncset.done $0x0  }
0xbc: {  	[sflag:s19] =	ssyncadd.s32 $0xFFFF8000  }
0xbd: {  	[tilespmem:s9], [sflag:$0x3] =	stream.linear.gather [hbm4b:s30+s3], $0x200, $0x38;
	[tilespmem:$0x14800] =	vst v63  }
0xbe: {  	_ =	swait.ge [sflag:s7], $0x200  }
0xbf: {  	[sflag:s7] =	ssyncset.done $0x0  }
0xc0: {  	[sflag:s7] =	ssyncadd.s32 $0xFFFFFE00  }
0xc1: {  	[tilespmem:s12], [sflag:$0x3] =	stream.linear.gather [hbm4b:s29+s3], $0x200, $0x38;
	[tilespmem:$0x14800] =	vst v63  }
0xc2: {  	_ =	swait.ge [sflag:s7], $0x200  }
0xc3: {  	[sflag:s7] =	ssyncset.done $0x0  }
0xc4: {  	[sflag:s7] =	ssyncadd.s32 $0xFFFFFE00  }
0xc5: {  	[tilespmem:s13], [sflag:$0x2] =	stream.indirect.gather [hbm4b:s4+s9], $0x40, s9, s9, $0xb8;
	[tilespmem:$0x14800] =	vst v63  }
0xc6: {  	_ = 	snop  }
0xc7: {  	[spmem:s2] =	stream.indirect.scatter.add.f32 [tilespmem:s16], [sflag:$0x3], $0x40, s11, s9, $0xb8;
	[tilespmem:$0x14800] =	vst v63  }
0xc8: {  	_ =	swait.ge [sflag:s7], $0x8000  }
0xc9: {  	[sflag:s7] =	ssyncset.done $0x0  }
0xca: {  	[sflag:s7] =	ssyncadd.s32 $0xFFFF8000  }
0xcb: {  	_ =	swait.ge [sflag:s15], $0x8000  }
0xcc: {  	[sflag:s15] =	ssyncset.done $0x0  }
0xcd: {  	[sflag:s15] =	ssyncadd.s32 $0xFFFF8000  }
0xce: {  	[tilespmem:s3], [sflag:$0x3] =	stream.linear.gather [hbm4b:s28+s3], $0x200, $0x38;
	[tilespmem:$0x14800] =	vst v63  }
0xcf: {  	_ =	swait.ge [sflag:s7], $0x200  }
0xd0: {  	[sflag:s7] =	ssyncset.done $0x0  }
0xd1: {  	[sflag:s7] =	ssyncadd.s32 $0xFFFFFE00  }
0xd2: {  	[tilespmem:s11], [sflag:$0x3] =	stream.linear.gather [hbm4b:s26+s3], $0x200, $0x38;
	[tilespmem:$0x14800] =	vst v63  }
0xd3: {  	_ =	swait.ge [sflag:s7], $0x200  }
0xd4: {  	[sflag:s7] =	ssyncset.done $0x0  }
0xd5: {  	[sflag:s7] =	ssyncadd.s32 $0xFFFFFE00  }
0xd6: {  	[tilespmem:s16], [sflag:$0x1] =	stream.indirect.gather [hbm4b:s4+s9], $0x40, s3, s9, $0xb8;
	[tilespmem:$0x14800] =	vst v63  }
0xd7: {  	_ = 	snop  }
0xd8: {  	[spmem:s2] =	stream.indirect.scatter.add.f32 [tilespmem:s13], [sflag:$0x3], $0x40, s12, s9, $0xb8;
	[tilespmem:$0x14800] =	vst v63  }
0xd9: {  	_ =	swait.ge [sflag:s7], $0x8000  }
0xda: {  	[sflag:s7] =	ssyncset.done $0x0  }
0xdb: {  	[sflag:s7] =	ssyncadd.s32 $0xFFFF8000  }
0xdc: {  	_ =	swait.ge [sflag:s19], $0x8000  }
0xdd: {  	[sflag:s19] =	ssyncset.done $0x0  }
0xde: {  	[sflag:s19] =	ssyncadd.s32 $0xFFFF8000  }
0xdf: {  	[tilespmem:s9], [sflag:$0x3] =	stream.linear.gather [hbm4b:s25+s3], $0x200, $0x38;
	[tilespmem:$0x14800] =	vst v63  }
0xe0: {  	_ =	swait.ge [sflag:s7], $0x200  }
0xe1: {  	[sflag:s7] =	ssyncset.done $0x0  }
0xe2: {  	[sflag:s7] =	ssyncadd.s32 $0xFFFFFE00  }
0xe3: {  	[tilespmem:s12], [sflag:$0x3] =	stream.linear.gather [hbm4b:s24+s3], $0x200, $0x38;
	[tilespmem:$0x14800] =	vst v63  }
0xe4: {  	_ =	swait.ge [sflag:s7], $0x200  }
0xe5: {  	[sflag:s7] =	ssyncset.done $0x0  }
0xe6: {  	[sflag:s7] =	ssyncadd.s32 $0xFFFFFE00  }
0xe7: {  	[tilespmem:s13], [sflag:$0x2] =	stream.indirect.gather [hbm4b:s4+s9], $0x40, s9, s9, $0xb8;
	[tilespmem:$0x14800] =	vst v63  }
0xe8: {  	_ = 	snop  }
0xe9: {  	[spmem:s2] =	stream.indirect.scatter.add.f32 [tilespmem:s16], [sflag:$0x3], $0x40, s11, s9, $0xb8;
	[tilespmem:$0x14800] =	vst v63  }
0xea: {  	_ =	swait.ge [sflag:s7], $0x8000  }
0xeb: {  	[sflag:s7] =	ssyncset.done $0x0  }
0xec: {  	[sflag:s7] =	ssyncadd.s32 $0xFFFF8000  }
0xed: {  	_ =	swait.ge [sflag:s15], $0x8000  }
0xee: {  	[sflag:s15] =	ssyncset.done $0x0  }
0xef: {  	[sflag:s15] =	ssyncadd.s32 $0xFFFF8000  }
0xf0: {  	[tilespmem:s3], [sflag:$0x3] =	stream.linear.gather [hbm4b:s23+s3], $0x200, $0x38;
	[tilespmem:$0x14800] =	vst v63  }
0xf1: {  	_ =	swait.ge [sflag:s7], $0x200  }
0xf2: {  	[sflag:s7] =	ssyncset.done $0x0  }
0xf3: {  	[sflag:s7] =	ssyncadd.s32 $0xFFFFFE00  }
0xf4: {  	[tilespmem:s11], [sflag:$0x3] =	stream.linear.gather [hbm4b:s22+s3], $0x200, $0x38;
	[tilespmem:$0x14800] =	vst v63  }
0xf5: {  	_ =	swait.ge [sflag:s7], $0x200  }
0xf6: {  	[sflag:s7] =	ssyncset.done $0x0  }
0xf7: {  	[sflag:s7] =	ssyncadd.s32 $0xFFFFFE00  }
0xf8: {  	[tilespmem:s16], [sflag:$0x1] =	stream.indirect.gather [hbm4b:s4+s9], $0x40, s3, s9, $0xb8;
	[tilespmem:$0x14800] =	vst v63  }
0xf9: {  	_ = 	snop  }
0xfa: {  	[spmem:s2] =	stream.indirect.scatter.add.f32 [tilespmem:s13], [sflag:$0x3], $0x40, s12, s9, $0xb8;
	[tilespmem:$0x14800] =	vst v63  }
0xfb: {  	_ =	swait.ge [sflag:s7], $0x8000  }
0xfc: {  	[sflag:s7] =	ssyncset.done $0x0  }
0xfd: {  	[sflag:s7] =	ssyncadd.s32 $0xFFFF8000  }
0xfe: {  	_ =	swait.ge [sflag:s19], $0x8000  }
0xff: {  	[sflag:s19] =	ssyncset.done $0x0  }
0x100: {  	[sflag:s19] =	ssyncadd.s32 $0xFFFF8000  }
0x101: {  	[tilespmem:s9], [sflag:$0x3] =	stream.linear.gather [hbm4b:s21+s3], $0x200, $0x38;
	[tilespmem:$0x14800] =	vst v63  }
0x102: {  	_ =	swait.ge [sflag:s7], $0x200  }
0x103: {  	[sflag:s7] =	ssyncset.done $0x0  }
0x104: {  	[sflag:s7] =	ssyncadd.s32 $0xFFFFFE00  }
0x105: {  	[tilespmem:s12], [sflag:$0x3] =	stream.linear.gather [hbm4b:s20+s3], $0x200, $0x38;
	[tilespmem:$0x14800] =	vst v63  }
0x106: {  	_ =	swait.ge [sflag:s7], $0x200  }
0x107: {  	[sflag:s7] =	ssyncset.done $0x0  }
0x108: {  	[sflag:s7] =	ssyncadd.s32 $0xFFFFFE00  }
0x109: {  	[tilespmem:s13], [sflag:$0x2] =	stream.indirect.gather [hbm4b:s4+s9], $0x40, s9, s9, $0xb8;
	[tilespmem:$0x14800] =	vst v63  }
0x10a: {  	_ = 	snop  }
0x10b: {  	[spmem:s2] =	stream.indirect.scatter.add.f32 [tilespmem:s16], [sflag:$0x3], $0x40, s11, s9, $0xb8;
	[tilespmem:$0x14800] =	vst v63  }
0x10c: {  	_ =	swait.ge [sflag:s7], $0x8000  }
0x10d: {  	[sflag:s7] =	ssyncset.done $0x0  }
0x10e: {  	[sflag:s7] =	ssyncadd.s32 $0xFFFF8000  }
0x10f: {  	_ =	swait.ge [sflag:s15], $0x8000  }
0x110: {  	[sflag:s15] =	ssyncset.done $0x0  }
0x111: {  	[sflag:s15] =	ssyncadd.s32 $0xFFFF8000  }
0x112: {  	[tilespmem:s3], [sflag:$0x3] =	stream.linear.gather [hbm4b:s18+s3], $0x200, $0x38;
	[tilespmem:$0x14800] =	vst v63  }
0x113: {  	_ =	swait.ge [sflag:s7], $0x200  }
0x114: {  	[sflag:s7] =	ssyncset.done $0x0  }
0x115: {  	[sflag:s7] =	ssyncadd.s32 $0xFFFFFE00  }
0x116: {  	[tilespmem:s11], [sflag:$0x3] =	stream.linear.gather [hbm4b:s17+s3], $0x200, $0x38;
	[tilespmem:$0x14800] =	vst v63  }
0x117: {  	_ =	swait.ge [sflag:s7], $0x200  }
0x118: {  	[sflag:s7] =	ssyncset.done $0x0  }
0x119: {  	[sflag:s7] =	ssyncadd.s32 $0xFFFFFE00  }
0x11a: {  	[tilespmem:s16], [sflag:$0x1] =	stream.indirect.gather [hbm4b:s4+s9], $0x40, s3, s9, $0xb8;
	[tilespmem:$0x14800] =	vst v63  }
0x11b: {  	_ = 	snop  }
0x11c: {  	[spmem:s2] =	stream.indirect.scatter.add.f32 [tilespmem:s13], [sflag:$0x3], $0x40, s12, s9, $0xb8;
	[tilespmem:$0x14800] =	vst v63  }
0x11d: {  	_ =	swait.ge [sflag:s7], $0x8000  }
0x11e: {  	[sflag:s7] =	ssyncset.done $0x0  }
0x11f: {  	[sflag:s7] =	ssyncadd.s32 $0xFFFF8000  }
0x120: {  	_ =	swait.ge [sflag:s19], $0x8000  }
0x121: {  	[sflag:s19] =	ssyncset.done $0x0  }
0x122: {  	[sflag:s19] =	ssyncadd.s32 $0xFFFF8000  }
0x123: {  	[tilespmem:s9], [sflag:$0x3] =	stream.linear.gather [hbm4b:s14+s3], $0x200, $0x38;
	[tilespmem:$0x14800] =	vst v63  }
0x124: {  	_ =	swait.ge [sflag:s7], $0x200  }
0x125: {  	[sflag:s7] =	ssyncset.done $0x0  }
0x126: {  	[sflag:s7] =	ssyncadd.s32 $0xFFFFFE00  }
0x127: {  	[tilespmem:s12], [sflag:$0x3] =	stream.linear.gather [hbm4b:s10+s3], $0x200, $0x38;
	[tilespmem:$0x14800] =	vst v63  }
0x128: {  	_ =	swait.ge [sflag:s7], $0x200  }
0x129: {  	[sflag:s7] =	ssyncset.done $0x0  }
0x12a: {  	[sflag:s7] =	ssyncadd.s32 $0xFFFFFE00  }
0x12b: {  	[tilespmem:s13], [sflag:$0x2] =	stream.indirect.gather [hbm4b:s4+s9], $0x40, s9, s9, $0xb8;
	[tilespmem:$0x14800] =	vst v63  }
0x12c: {  	_ = 	snop  }
0x12d: {  	[spmem:s2] =	stream.indirect.scatter.add.f32 [tilespmem:s16], [sflag:$0x3], $0x40, s11, s9, $0xb8;
	[tilespmem:$0x14800] =	vst v63  }
0x12e: {  	_ =	swait.ge [sflag:s7], $0x8000  }
0x12f: {  	[sflag:s7] =	ssyncset.done $0x0  }
0x130: {  	[sflag:s7] =	ssyncadd.s32 $0xFFFF8000  }
0x131: {  	_ =	swait.ge [sflag:s15], $0x8000  }
0x132: {  	[sflag:s15] =	ssyncset.done $0x0  }
0x133: {  	[sflag:s15] =	ssyncadd.s32 $0xFFFF8000  }
0x134: {  	[spmem:s2] =	stream.indirect.scatter.add.f32 [tilespmem:s13], [sflag:$0x3], $0x40, s12, s9, $0xb8;
	[tilespmem:$0x14800] =	vst v63  }
0x135: {  	p1 =	sne.s32 s0, $0x1;
	_ =	swait.ge [sflag:s7], $0x8000  }
.Ltmp1:
0x136: {  	[sflag:s7] =	ssyncset.done $0x0;
	(pc) =	sbr.rel @!p1 .LBB2_3-.Ltmp1, $4  }
0x137: {  	[sflag:s7] =	ssyncadd.s32 $0xFFFF8000  }
0x138: {  	[hbm:s6], [sflag:s5] =	dma.local [spmem:s8], $0x400  }
0x139: {  	s0 =	sadd.s32 $0xFFFFFFFF, s0;
	_ =	swait.ge [sflag:s7], $0x400  }
0x13a: {  	p0 =	por $0x1, $0x1;
	s1 =	rddreg [dreg:$0x4];
	[sflag:s7] =	ssyncset.done $0x0  }
.LBB2_2:
0x13b: {  	[sflag:s7] =	ssyncadd.s32 $0xFFFFFC00  }
0x13c: {  	[spmem:s8], [sflag:s5] =	dma.local [hbm:s1], $0x400  }
0x13d: {  	_ =	swait.ge [sflag:s7], $0x400  }
0x13e: {  	[sflag:s7] =	ssyncset.done $0x0  }
0x13f: {  	s1 =	rddreg [dreg:$0x5];
	[sflag:s7] =	ssyncadd.s32 $0xFFFFFC00  }
0x140: {  	[tilespmem:s3], [sflag:$0x3] =	stream.linear.gather [hbm4b:s1+s3], $0x200, $0x38;
	[tilespmem:$0x14800] =	vst v63  }
0x141: {  	_ =	swait.ge [sflag:s7], $0x200  }
0x142: {  	[sflag:s7] =	ssyncset.done $0x0  }
0x143: {  	s1 =	rddreg [dreg:$0x6];
	[sflag:s7] =	ssyncadd.s32 $0xFFFFFE00  }
0x144: {  	[tilespmem:s11], [sflag:$0x3] =	stream.linear.gather [hbm4b:s1+s3], $0x200, $0x38;
	[tilespmem:$0x14800] =	vst v63  }
0x145: {  	_ =	swait.ge [sflag:s7], $0x200  }
0x146: {  	[sflag:s7] =	ssyncset.done $0x0  }
0x147: {  	[sflag:s7] =	ssyncadd.s32 $0xFFFFFE00  }
0x148: {  	[tilespmem:s16], [sflag:$0x1] =	stream.indirect.gather [hbm4b:s4+s9], $0x40, s3, s9, $0xb8;
	[tilespmem:$0x14800] =	vst v63  }
0x149: {  	_ =	swait.ge [sflag:s19], $0x8000  }
0x14a: {  	[sflag:s19] =	ssyncset.done $0x0  }
0x14b: {  	s1 =	rddreg [dreg:$0x7];
	[sflag:s19] =	ssyncadd.s32 $0xFFFF8000  }
0x14c: {  	[tilespmem:s9], [sflag:$0x3] =	stream.linear.gather [hbm4b:s1+s3], $0x200, $0x38;
	[tilespmem:$0x14800] =	vst v63  }
0x14d: {  	_ =	swait.ge [sflag:s7], $0x200  }
0x14e: {  	[sflag:s7] =	ssyncset.done $0x0  }
0x14f: {  	s1 =	rddreg [dreg:$0x8];
	[sflag:s7] =	ssyncadd.s32 $0xFFFFFE00  }
0x150: {  	[tilespmem:s12], [sflag:$0x3] =	stream.linear.gather [hbm4b:s1+s3], $0x200, $0x38;
	[tilespmem:$0x14800] =	vst v63  }
0x151: {  	_ =	swait.ge [sflag:s7], $0x200  }
0x152: {  	[sflag:s7] =	ssyncset.done $0x0  }
0x153: {  	[sflag:s7] =	ssyncadd.s32 $0xFFFFFE00  }
0x154: {  	[tilespmem:s13], [sflag:$0x2] =	stream.indirect.gather [hbm4b:s4+s9], $0x40, s9, s9, $0xb8;
	[tilespmem:$0x14800] =	vst v63  }
0x155: {  	_ = 	snop  }
0x156: {  	[spmem:s2] =	stream.indirect.scatter.add.f32 [tilespmem:s16], [sflag:$0x3], $0x40, s11, s9, $0xb8;
	[tilespmem:$0x14800] =	vst v63  }
0x157: {  	_ =	swait.ge [sflag:s7], $0x8000  }
0x158: {  	[sflag:s7] =	ssyncset.done $0x0  }
0x159: {  	[sflag:s7] =	ssyncadd.s32 $0xFFFF8000  }
0x15a: {  	_ =	swait.ge [sflag:s15], $0x8000  }
0x15b: {  	[sflag:s15] =	ssyncset.done $0x0  }
0x15c: {  	s1 =	rddreg [dreg:$0x9];
	[sflag:s15] =	ssyncadd.s32 $0xFFFF8000  }
0x15d: {  	[tilespmem:s3], [sflag:$0x3] =	stream.linear.gather [hbm4b:s1+s3], $0x200, $0x38;
	[tilespmem:$0x14800] =	vst v63  }
0x15e: {  	_ =	swait.ge [sflag:s7], $0x200  }
0x15f: {  	[sflag:s7] =	ssyncset.done $0x0  }
0x160: {  	s1 =	rddreg [dreg:$0xa];
	[sflag:s7] =	ssyncadd.s32 $0xFFFFFE00  }
0x161: {  	[tilespmem:s11], [sflag:$0x3] =	stream.linear.gather [hbm4b:s1+s3], $0x200, $0x38;
	[tilespmem:$0x14800] =	vst v63  }
0x162: {  	_ =	swait.ge [sflag:s7], $0x200  }
0x163: {  	[sflag:s7] =	ssyncset.done $0x0  }
0x164: {  	[sflag:s7] =	ssyncadd.s32 $0xFFFFFE00  }
0x165: {  	[tilespmem:s16], [sflag:$0x1] =	stream.indirect.gather [hbm4b:s4+s9], $0x40, s3, s9, $0xb8;
	[tilespmem:$0x14800] =	vst v63  }
0x166: {  	_ = 	snop  }
0x167: {  	[spmem:s2] =	stream.indirect.scatter.add.f32 [tilespmem:s13], [sflag:$0x3], $0x40, s12, s9, $0xb8;
	[tilespmem:$0x14800] =	vst v63  }
0x168: {  	_ =	swait.ge [sflag:s7], $0x8000  }
0x169: {  	[sflag:s7] =	ssyncset.done $0x0  }
0x16a: {  	[sflag:s7] =	ssyncadd.s32 $0xFFFF8000  }
0x16b: {  	_ =	swait.ge [sflag:s19], $0x8000  }
0x16c: {  	[sflag:s19] =	ssyncset.done $0x0  }
0x16d: {  	s1 =	rddreg [dreg:$0xb];
	[sflag:s19] =	ssyncadd.s32 $0xFFFF8000  }
0x16e: {  	[tilespmem:s9], [sflag:$0x3] =	stream.linear.gather [hbm4b:s1+s3], $0x200, $0x38;
	[tilespmem:$0x14800] =	vst v63  }
0x16f: {  	_ =	swait.ge [sflag:s7], $0x200  }
0x170: {  	[sflag:s7] =	ssyncset.done $0x0  }
0x171: {  	s1 =	rddreg [dreg:$0xc];
	[sflag:s7] =	ssyncadd.s32 $0xFFFFFE00  }
0x172: {  	[tilespmem:s12], [sflag:$0x3] =	stream.linear.gather [hbm4b:s1+s3], $0x200, $0x38;
	[tilespmem:$0x14800] =	vst v63  }
0x173: {  	_ =	swait.ge [sflag:s7], $0x200  }
0x174: {  	[sflag:s7] =	ssyncset.done $0x0  }
0x175: {  	[sflag:s7] =	ssyncadd.s32 $0xFFFFFE00  }
0x176: {  	[tilespmem:s13], [sflag:$0x2] =	stream.indirect.gather [hbm4b:s4+s9], $0x40, s9, s9, $0xb8;
	[tilespmem:$0x14800] =	vst v63  }
0x177: {  	_ = 	snop  }
0x178: {  	[spmem:s2] =	stream.indirect.scatter.add.f32 [tilespmem:s16], [sflag:$0x3], $0x40, s11, s9, $0xb8;
	[tilespmem:$0x14800] =	vst v63  }
0x179: {  	_ =	swait.ge [sflag:s7], $0x8000  }
0x17a: {  	[sflag:s7] =	ssyncset.done $0x0  }
0x17b: {  	[sflag:s7] =	ssyncadd.s32 $0xFFFF8000  }
0x17c: {  	_ =	swait.ge [sflag:s15], $0x8000  }
0x17d: {  	[sflag:s15] =	ssyncset.done $0x0  }
0x17e: {  	s1 =	rddreg [dreg:$0xd];
	[sflag:s15] =	ssyncadd.s32 $0xFFFF8000  }
0x17f: {  	[tilespmem:s3], [sflag:$0x3] =	stream.linear.gather [hbm4b:s1+s3], $0x200, $0x38;
	[tilespmem:$0x14800] =	vst v63  }
0x180: {  	_ =	swait.ge [sflag:s7], $0x200  }
0x181: {  	[sflag:s7] =	ssyncset.done $0x0  }
0x182: {  	s1 =	rddreg [dreg:$0xe];
	[sflag:s7] =	ssyncadd.s32 $0xFFFFFE00  }
0x183: {  	[tilespmem:s11], [sflag:$0x3] =	stream.linear.gather [hbm4b:s1+s3], $0x200, $0x38;
	[tilespmem:$0x14800] =	vst v63  }
0x184: {  	_ =	swait.ge [sflag:s7], $0x200  }
0x185: {  	[sflag:s7] =	ssyncset.done $0x0  }
0x186: {  	[sflag:s7] =	ssyncadd.s32 $0xFFFFFE00  }
0x187: {  	[tilespmem:s16], [sflag:$0x1] =	stream.indirect.gather [hbm4b:s4+s9], $0x40, s3, s9, $0xb8;
	[tilespmem:$0x14800] =	vst v63  }
0x188: {  	_ = 	snop  }
0x189: {  	[spmem:s2] =	stream.indirect.scatter.add.f32 [tilespmem:s13], [sflag:$0x3], $0x40, s12, s9, $0xb8;
	[tilespmem:$0x14800] =	vst v63  }
0x18a: {  	_ =	swait.ge [sflag:s7], $0x8000  }
0x18b: {  	[sflag:s7] =	ssyncset.done $0x0  }
0x18c: {  	[sflag:s7] =	ssyncadd.s32 $0xFFFF8000  }
0x18d: {  	_ =	swait.ge [sflag:s19], $0x8000  }
0x18e: {  	[sflag:s19] =	ssyncset.done $0x0  }
0x18f: {  	s1 =	rddreg [dreg:$0xf];
	[sflag:s19] =	ssyncadd.s32 $0xFFFF8000  }
0x190: {  	[tilespmem:s9], [sflag:$0x3] =	stream.linear.gather [hbm4b:s1+s3], $0x200, $0x38;
	[tilespmem:$0x14800] =	vst v63  }
0x191: {  	_ =	swait.ge [sflag:s7], $0x200  }
0x192: {  	[sflag:s7] =	ssyncset.done $0x0  }
0x193: {  	s1 =	rddreg [dreg:$0x10];
	[sflag:s7] =	ssyncadd.s32 $0xFFFFFE00  }
0x194: {  	[tilespmem:s12], [sflag:$0x3] =	stream.linear.gather [hbm4b:s1+s3], $0x200, $0x38;
	[tilespmem:$0x14800] =	vst v63  }
0x195: {  	_ =	swait.ge [sflag:s7], $0x200  }
0x196: {  	[sflag:s7] =	ssyncset.done $0x0  }
0x197: {  	[sflag:s7] =	ssyncadd.s32 $0xFFFFFE00  }
0x198: {  	[tilespmem:s13], [sflag:$0x2] =	stream.indirect.gather [hbm4b:s4+s9], $0x40, s9, s9, $0xb8;
	[tilespmem:$0x14800] =	vst v63  }
0x199: {  	_ = 	snop  }
0x19a: {  	[spmem:s2] =	stream.indirect.scatter.add.f32 [tilespmem:s16], [sflag:$0x3], $0x40, s11, s9, $0xb8;
	[tilespmem:$0x14800] =	vst v63  }
0x19b: {  	_ =	swait.ge [sflag:s7], $0x8000  }
0x19c: {  	[sflag:s7] =	ssyncset.done $0x0  }
0x19d: {  	[sflag:s7] =	ssyncadd.s32 $0xFFFF8000  }
0x19e: {  	_ =	swait.ge [sflag:s15], $0x8000  }
0x19f: {  	[sflag:s15] =	ssyncset.done $0x0  }
0x1a0: {  	s1 =	rddreg [dreg:$0x11];
	[sflag:s15] =	ssyncadd.s32 $0xFFFF8000  }
0x1a1: {  	[tilespmem:s3], [sflag:$0x3] =	stream.linear.gather [hbm4b:s1+s3], $0x200, $0x38;
	[tilespmem:$0x14800] =	vst v63  }
0x1a2: {  	_ =	swait.ge [sflag:s7], $0x200  }
0x1a3: {  	[sflag:s7] =	ssyncset.done $0x0  }
0x1a4: {  	s1 =	rddreg [dreg:$0x12];
	[sflag:s7] =	ssyncadd.s32 $0xFFFFFE00  }
0x1a5: {  	[tilespmem:s11], [sflag:$0x3] =	stream.linear.gather [hbm4b:s1+s3], $0x200, $0x38;
	[tilespmem:$0x14800] =	vst v63  }
0x1a6: {  	_ =	swait.ge [sflag:s7], $0x200  }
0x1a7: {  	[sflag:s7] =	ssyncset.done $0x0  }
0x1a8: {  	[sflag:s7] =	ssyncadd.s32 $0xFFFFFE00  }
0x1a9: {  	[tilespmem:s16], [sflag:$0x1] =	stream.indirect.gather [hbm4b:s4+s9], $0x40, s3, s9, $0xb8;
	[tilespmem:$0x14800] =	vst v63  }
0x1aa: {  	_ = 	snop  }
0x1ab: {  	[spmem:s2] =	stream.indirect.scatter.add.f32 [tilespmem:s13], [sflag:$0x3], $0x40, s12, s9, $0xb8;
	[tilespmem:$0x14800] =	vst v63  }
0x1ac: {  	_ =	swait.ge [sflag:s7], $0x8000  }
0x1ad: {  	[sflag:s7] =	ssyncset.done $0x0  }
0x1ae: {  	[sflag:s7] =	ssyncadd.s32 $0xFFFF8000  }
0x1af: {  	_ =	swait.ge [sflag:s19], $0x8000  }
0x1b0: {  	[sflag:s19] =	ssyncset.done $0x0  }
0x1b1: {  	s1 =	rddreg [dreg:$0x13];
	[sflag:s19] =	ssyncadd.s32 $0xFFFF8000  }
0x1b2: {  	[tilespmem:s9], [sflag:$0x3] =	stream.linear.gather [hbm4b:s1+s3], $0x200, $0x38;
	[tilespmem:$0x14800] =	vst v63  }
0x1b3: {  	_ =	swait.ge [sflag:s7], $0x200  }
0x1b4: {  	[sflag:s7] =	ssyncset.done $0x0  }
0x1b5: {  	s1 =	rddreg [dreg:$0x14];
	[sflag:s7] =	ssyncadd.s32 $0xFFFFFE00  }
0x1b6: {  	[tilespmem:s12], [sflag:$0x3] =	stream.linear.gather [hbm4b:s1+s3], $0x200, $0x38;
	[tilespmem:$0x14800] =	vst v63  }
0x1b7: {  	_ =	swait.ge [sflag:s7], $0x200  }
0x1b8: {  	[sflag:s7] =	ssyncset.done $0x0  }
0x1b9: {  	[sflag:s7] =	ssyncadd.s32 $0xFFFFFE00  }
0x1ba: {  	[tilespmem:s13], [sflag:$0x2] =	stream.indirect.gather [hbm4b:s4+s9], $0x40, s9, s9, $0xb8;
	[tilespmem:$0x14800] =	vst v63  }
0x1bb: {  	_ = 	snop  }
0x1bc: {  	[spmem:s2] =	stream.indirect.scatter.add.f32 [tilespmem:s16], [sflag:$0x3], $0x40, s11, s9, $0xb8;
	[tilespmem:$0x14800] =	vst v63  }
0x1bd: {  	_ =	swait.ge [sflag:s7], $0x8000  }
0x1be: {  	[sflag:s7] =	ssyncset.done $0x0  }
0x1bf: {  	[sflag:s7] =	ssyncadd.s32 $0xFFFF8000  }
0x1c0: {  	_ =	swait.ge [sflag:s15], $0x8000  }
0x1c1: {  	[sflag:s15] =	ssyncset.done $0x0  }
0x1c2: {  	s1 =	rddreg [dreg:$0x15];
	[sflag:s15] =	ssyncadd.s32 $0xFFFF8000  }
0x1c3: {  	[tilespmem:s3], [sflag:$0x3] =	stream.linear.gather [hbm4b:s1+s3], $0x200, $0x38;
	[tilespmem:$0x14800] =	vst v63  }
0x1c4: {  	_ =	swait.ge [sflag:s7], $0x200  }
0x1c5: {  	[sflag:s7] =	ssyncset.done $0x0  }
0x1c6: {  	[sflag:s7] =	ssyncadd.s32 $0xFFFFFE00  }
0x1c7: {  	[tilespmem:s11], [sflag:$0x3] =	stream.linear.gather [hbm4b:s31+s3], $0x200, $0x38;
	[tilespmem:$0x14800] =	vst v63  }
0x1c8: {  	_ =	swait.ge [sflag:s7], $0x200  }
0x1c9: {  	[sflag:s7] =	ssyncset.done $0x0  }
0x1ca: {  	[sflag:s7] =	ssyncadd.s32 $0xFFFFFE00  }
0x1cb: {  	[tilespmem:s16], [sflag:$0x1] =	stream.indirect.gather [hbm4b:s4+s9], $0x40, s3, s9, $0xb8;
	[tilespmem:$0x14800] =	vst v63  }
0x1cc: {  	_ = 	snop  }
0x1cd: {  	[spmem:s2] =	stream.indirect.scatter.add.f32 [tilespmem:s13], [sflag:$0x3], $0x40, s12, s9, $0xb8;
	[tilespmem:$0x14800] =	vst v63  }
0x1ce: {  	_ =	swait.ge [sflag:s7], $0x8000  }
0x1cf: {  	[sflag:s7] =	ssyncset.done $0x0  }
0x1d0: {  	[sflag:s7] =	ssyncadd.s32 $0xFFFF8000  }
0x1d1: {  	_ =	swait.ge [sflag:s19], $0x8000  }
0x1d2: {  	[sflag:s19] =	ssyncset.done $0x0  }
0x1d3: {  	[sflag:s19] =	ssyncadd.s32 $0xFFFF8000  }
0x1d4: {  	[tilespmem:s9], [sflag:$0x3] =	stream.linear.gather [hbm4b:s30+s3], $0x200, $0x38;
	[tilespmem:$0x14800] =	vst v63  }
0x1d5: {  	_ =	swait.ge [sflag:s7], $0x200  }
0x1d6: {  	[sflag:s7] =	ssyncset.done $0x0  }
0x1d7: {  	[sflag:s7] =	ssyncadd.s32 $0xFFFFFE00  }
0x1d8: {  	[tilespmem:s12], [sflag:$0x3] =	stream.linear.gather [hbm4b:s29+s3], $0x200, $0x38;
	[tilespmem:$0x14800] =	vst v63  }
0x1d9: {  	_ =	swait.ge [sflag:s7], $0x200  }
0x1da: {  	[sflag:s7] =	ssyncset.done $0x0  }
0x1db: {  	[sflag:s7] =	ssyncadd.s32 $0xFFFFFE00  }
0x1dc: {  	[tilespmem:s13], [sflag:$0x2] =	stream.indirect.gather [hbm4b:s4+s9], $0x40, s9, s9, $0xb8;
	[tilespmem:$0x14800] =	vst v63  }
0x1dd: {  	_ = 	snop  }
0x1de: {  	[spmem:s2] =	stream.indirect.scatter.add.f32 [tilespmem:s16], [sflag:$0x3], $0x40, s11, s9, $0xb8;
	[tilespmem:$0x14800] =	vst v63  }
0x1df: {  	_ =	swait.ge [sflag:s7], $0x8000  }
0x1e0: {  	[sflag:s7] =	ssyncset.done $0x0  }
0x1e1: {  	[sflag:s7] =	ssyncadd.s32 $0xFFFF8000  }
0x1e2: {  	_ =	swait.ge [sflag:s15], $0x8000  }
0x1e3: {  	[sflag:s15] =	ssyncset.done $0x0  }
0x1e4: {  	[sflag:s15] =	ssyncadd.s32 $0xFFFF8000  }
0x1e5: {  	[tilespmem:s3], [sflag:$0x3] =	stream.linear.gather [hbm4b:s28+s3], $0x200, $0x38;
	[tilespmem:$0x14800] =	vst v63  }
0x1e6: {  	_ =	swait.ge [sflag:s7], $0x200  }
0x1e7: {  	[sflag:s7] =	ssyncset.done $0x0  }
0x1e8: {  	[sflag:s7] =	ssyncadd.s32 $0xFFFFFE00  }
0x1e9: {  	[tilespmem:s11], [sflag:$0x3] =	stream.linear.gather [hbm4b:s26+s3], $0x200, $0x38;
	[tilespmem:$0x14800] =	vst v63  }
0x1ea: {  	_ =	swait.ge [sflag:s7], $0x200  }
0x1eb: {  	[sflag:s7] =	ssyncset.done $0x0  }
0x1ec: {  	[sflag:s7] =	ssyncadd.s32 $0xFFFFFE00  }
0x1ed: {  	[tilespmem:s16], [sflag:$0x1] =	stream.indirect.gather [hbm4b:s4+s9], $0x40, s3, s9, $0xb8;
	[tilespmem:$0x14800] =	vst v63  }
0x1ee: {  	_ = 	snop  }
0x1ef: {  	[spmem:s2] =	stream.indirect.scatter.add.f32 [tilespmem:s13], [sflag:$0x3], $0x40, s12, s9, $0xb8;
	[tilespmem:$0x14800] =	vst v63  }
0x1f0: {  	_ =	swait.ge [sflag:s7], $0x8000  }
0x1f1: {  	[sflag:s7] =	ssyncset.done $0x0  }
0x1f2: {  	[sflag:s7] =	ssyncadd.s32 $0xFFFF8000  }
0x1f3: {  	_ =	swait.ge [sflag:s19], $0x8000  }
0x1f4: {  	[sflag:s19] =	ssyncset.done $0x0  }
0x1f5: {  	[sflag:s19] =	ssyncadd.s32 $0xFFFF8000  }
0x1f6: {  	[tilespmem:s9], [sflag:$0x3] =	stream.linear.gather [hbm4b:s25+s3], $0x200, $0x38;
	[tilespmem:$0x14800] =	vst v63  }
0x1f7: {  	_ =	swait.ge [sflag:s7], $0x200  }
0x1f8: {  	[sflag:s7] =	ssyncset.done $0x0  }
0x1f9: {  	[sflag:s7] =	ssyncadd.s32 $0xFFFFFE00  }
0x1fa: {  	[tilespmem:s12], [sflag:$0x3] =	stream.linear.gather [hbm4b:s24+s3], $0x200, $0x38;
	[tilespmem:$0x14800] =	vst v63  }
0x1fb: {  	_ =	swait.ge [sflag:s7], $0x200  }
0x1fc: {  	[sflag:s7] =	ssyncset.done $0x0  }
0x1fd: {  	[sflag:s7] =	ssyncadd.s32 $0xFFFFFE00  }
0x1fe: {  	[tilespmem:s13], [sflag:$0x2] =	stream.indirect.gather [hbm4b:s4+s9], $0x40, s9, s9, $0xb8;
	[tilespmem:$0x14800] =	vst v63  }
0x1ff: {  	_ = 	snop  }
0x200: {  	[spmem:s2] =	stream.indirect.scatter.add.f32 [tilespmem:s16], [sflag:$0x3], $0x40, s11, s9, $0xb8;
	[tilespmem:$0x14800] =	vst v63  }
0x201: {  	_ =	swait.ge [sflag:s7], $0x8000  }
0x202: {  	[sflag:s7] =	ssyncset.done $0x0  }
0x203: {  	[sflag:s7] =	ssyncadd.s32 $0xFFFF8000  }
0x204: {  	_ =	swait.ge [sflag:s15], $0x8000  }
0x205: {  	[sflag:s15] =	ssyncset.done $0x0  }
0x206: {  	[sflag:s15] =	ssyncadd.s32 $0xFFFF8000  }
0x207: {  	[tilespmem:s3], [sflag:$0x3] =	stream.linear.gather [hbm4b:s23+s3], $0x200, $0x38;
	[tilespmem:$0x14800] =	vst v63  }
0x208: {  	_ =	swait.ge [sflag:s7], $0x200  }
0x209: {  	[sflag:s7] =	ssyncset.done $0x0  }
0x20a: {  	[sflag:s7] =	ssyncadd.s32 $0xFFFFFE00  }
0x20b: {  	[tilespmem:s11], [sflag:$0x3] =	stream.linear.gather [hbm4b:s22+s3], $0x200, $0x38;
	[tilespmem:$0x14800] =	vst v63  }
0x20c: {  	_ =	swait.ge [sflag:s7], $0x200  }
0x20d: {  	[sflag:s7] =	ssyncset.done $0x0  }
0x20e: {  	[sflag:s7] =	ssyncadd.s32 $0xFFFFFE00  }
0x20f: {  	[tilespmem:s16], [sflag:$0x1] =	stream.indirect.gather [hbm4b:s4+s9], $0x40, s3, s9, $0xb8;
	[tilespmem:$0x14800] =	vst v63  }
0x210: {  	_ = 	snop  }
0x211: {  	[spmem:s2] =	stream.indirect.scatter.add.f32 [tilespmem:s13], [sflag:$0x3], $0x40, s12, s9, $0xb8;
	[tilespmem:$0x14800] =	vst v63  }
0x212: {  	_ =	swait.ge [sflag:s7], $0x8000  }
0x213: {  	[sflag:s7] =	ssyncset.done $0x0  }
0x214: {  	[sflag:s7] =	ssyncadd.s32 $0xFFFF8000  }
0x215: {  	_ =	swait.ge [sflag:s19], $0x8000  }
0x216: {  	[sflag:s19] =	ssyncset.done $0x0  }
0x217: {  	[sflag:s19] =	ssyncadd.s32 $0xFFFF8000  }
0x218: {  	[tilespmem:s9], [sflag:$0x3] =	stream.linear.gather [hbm4b:s21+s3], $0x200, $0x38;
	[tilespmem:$0x14800] =	vst v63  }
0x219: {  	_ =	swait.ge [sflag:s7], $0x200  }
0x21a: {  	[sflag:s7] =	ssyncset.done $0x0  }
0x21b: {  	[sflag:s7] =	ssyncadd.s32 $0xFFFFFE00  }
0x21c: {  	[tilespmem:s12], [sflag:$0x3] =	stream.linear.gather [hbm4b:s20+s3], $0x200, $0x38;
	[tilespmem:$0x14800] =	vst v63  }
0x21d: {  	_ =	swait.ge [sflag:s7], $0x200  }
0x21e: {  	[sflag:s7] =	ssyncset.done $0x0  }
0x21f: {  	[sflag:s7] =	ssyncadd.s32 $0xFFFFFE00  }
0x220: {  	[tilespmem:s13], [sflag:$0x2] =	stream.indirect.gather [hbm4b:s4+s9], $0x40, s9, s9, $0xb8;
	[tilespmem:$0x14800] =	vst v63  }
0x221: {  	_ = 	snop  }
0x222: {  	[spmem:s2] =	stream.indirect.scatter.add.f32 [tilespmem:s16], [sflag:$0x3], $0x40, s11, s9, $0xb8;
	[tilespmem:$0x14800] =	vst v63  }
0x223: {  	_ =	swait.ge [sflag:s7], $0x8000  }
0x224: {  	[sflag:s7] =	ssyncset.done $0x0  }
0x225: {  	[sflag:s7] =	ssyncadd.s32 $0xFFFF8000  }
0x226: {  	_ =	swait.ge [sflag:s15], $0x8000  }
0x227: {  	[sflag:s15] =	ssyncset.done $0x0  }
0x228: {  	[sflag:s15] =	ssyncadd.s32 $0xFFFF8000  }
0x229: {  	[tilespmem:s3], [sflag:$0x3] =	stream.linear.gather [hbm4b:s18+s3], $0x200, $0x38;
	[tilespmem:$0x14800] =	vst v63  }
0x22a: {  	_ =	swait.ge [sflag:s7], $0x200  }
0x22b: {  	[sflag:s7] =	ssyncset.done $0x0  }
0x22c: {  	[sflag:s7] =	ssyncadd.s32 $0xFFFFFE00  }
0x22d: {  	[tilespmem:s11], [sflag:$0x3] =	stream.linear.gather [hbm4b:s17+s3], $0x200, $0x38;
	[tilespmem:$0x14800] =	vst v63  }
0x22e: {  	_ =	swait.ge [sflag:s7], $0x200  }
0x22f: {  	[sflag:s7] =	ssyncset.done $0x0  }
0x230: {  	[sflag:s7] =	ssyncadd.s32 $0xFFFFFE00  }
0x231: {  	[tilespmem:s16], [sflag:$0x1] =	stream.indirect.gather [hbm4b:s4+s9], $0x40, s3, s9, $0xb8;
	[tilespmem:$0x14800] =	vst v63  }
0x232: {  	_ = 	snop  }
0x233: {  	[spmem:s2] =	stream.indirect.scatter.add.f32 [tilespmem:s13], [sflag:$0x3], $0x40, s12, s9, $0xb8;
	[tilespmem:$0x14800] =	vst v63  }
0x234: {  	_ =	swait.ge [sflag:s7], $0x8000  }
0x235: {  	[sflag:s7] =	ssyncset.done $0x0  }
0x236: {  	[sflag:s7] =	ssyncadd.s32 $0xFFFF8000  }
0x237: {  	_ =	swait.ge [sflag:s19], $0x8000  }
0x238: {  	[sflag:s19] =	ssyncset.done $0x0  }
0x239: {  	[sflag:s19] =	ssyncadd.s32 $0xFFFF8000  }
0x23a: {  	[tilespmem:s9], [sflag:$0x3] =	stream.linear.gather [hbm4b:s14+s3], $0x200, $0x38;
	[tilespmem:$0x14800] =	vst v63  }
0x23b: {  	_ =	swait.ge [sflag:s7], $0x200  }
0x23c: {  	[sflag:s7] =	ssyncset.done $0x0  }
0x23d: {  	[sflag:s7] =	ssyncadd.s32 $0xFFFFFE00  }
0x23e: {  	[tilespmem:s12], [sflag:$0x3] =	stream.linear.gather [hbm4b:s10+s3], $0x200, $0x38;
	[tilespmem:$0x14800] =	vst v63  }
0x23f: {  	_ =	swait.ge [sflag:s7], $0x200  }
0x240: {  	[sflag:s7] =	ssyncset.done $0x0  }
0x241: {  	[sflag:s7] =	ssyncadd.s32 $0xFFFFFE00  }
0x242: {  	[tilespmem:s13], [sflag:$0x2] =	stream.indirect.gather [hbm4b:s4+s9], $0x40, s9, s9, $0xb8;
	[tilespmem:$0x14800] =	vst v63  }
0x243: {  	_ = 	snop  }
0x244: {  	[spmem:s2] =	stream.indirect.scatter.add.f32 [tilespmem:s16], [sflag:$0x3], $0x40, s11, s9, $0xb8;
	[tilespmem:$0x14800] =	vst v63  }
0x245: {  	_ =	swait.ge [sflag:s7], $0x8000  }
0x246: {  	[sflag:s7] =	ssyncset.done $0x0  }
0x247: {  	[sflag:s7] =	ssyncadd.s32 $0xFFFF8000  }
0x248: {  	_ =	swait.ge [sflag:s15], $0x8000  }
0x249: {  	[sflag:s15] =	ssyncset.done $0x0  }
0x24a: {  	[sflag:s15] =	ssyncadd.s32 $0xFFFF8000  }
0x24b: {  	[spmem:s2] =	stream.indirect.scatter.add.f32 [tilespmem:s13], [sflag:$0x3], $0x40, s12, s9, $0xb8;
	[tilespmem:$0x14800] =	vst v63  }
0x24c: {  	p1 =	sne.s32 s0, $0x1;
	_ =	swait.ge [sflag:s7], $0x8000  }
.Ltmp2:
0x24d: {  	[sflag:s7] =	ssyncset.done $0x0;
	(pc) =	sbr.rel @p1 .LBB2_2-.Ltmp2, $4  }
0x24e: {  	[sflag:s7] =	ssyncadd.s32 $0xFFFF8000  }
0x24f: {  	[hbm:s6], [sflag:s5] =	dma.local [spmem:s8], $0x400  }
0x250: {  	_ =	swait.ge [sflag:s7], $0x400  }
0x251: {  	s0 =	sadd.s32 $0xFFFFFFFF, s0;
	s1 =	rddreg [dreg:$0x4];
	[sflag:s7] =	ssyncset.done $0x0  }
.LBB2_3:
0x252: {  	[sflag:s7] =	ssyncadd.s32 @p0 $0xFFFFFC00  }
0x253: {  	[spmem:s8], [sflag:s5] =	dma.local [hbm:s1], $0x400  }
0x254: {  	_ =	swait.ge [sflag:s7], $0x400  }
0x255: {  	[sflag:s7] =	ssyncset.done $0x0  }
0x256: {  	s0 =	rddreg [dreg:$0x5];
	[sflag:s7] =	ssyncadd.s32 $0xFFFFFC00  }
0x257: {  	[tilespmem:s3], [sflag:$0x3] =	stream.linear.gather [hbm4b:s0+s3], $0x200, $0x38;
	[tilespmem:$0x14800] =	vst v63  }
0x258: {  	_ =	swait.ge [sflag:s7], $0x200  }
0x259: {  	[sflag:s7] =	ssyncset.done $0x0  }
0x25a: {  	s1 =	rddreg [dreg:$0x6];
	[sflag:s7] =	ssyncadd.s32 $0xFFFFFE00  }
0x25b: {  	[tilespmem:s11], [sflag:$0x3] =	stream.linear.gather [hbm4b:s1+s3], $0x200, $0x38;
	[tilespmem:$0x14800] =	vst v63  }
0x25c: {  	_ =	swait.ge [sflag:s7], $0x200  }
0x25d: {  	[sflag:s7] =	ssyncset.done $0x0  }
0x25e: {  	[sflag:s7] =	ssyncadd.s32 $0xFFFFFE00  }
0x25f: {  	[tilespmem:s16], [sflag:$0x1] =	stream.indirect.gather [hbm4b:s4+s9], $0x40, s3, s9, $0xb8;
	[tilespmem:$0x14800] =	vst v63  }
0x260: {  	_ =	swait.ge [sflag:s19], $0x8000  }
0x261: {  	[sflag:s19] =	ssyncset.done $0x0  }
0x262: {  	s1 =	rddreg [dreg:$0x7];
	[sflag:s19] =	ssyncadd.s32 $0xFFFF8000  }
0x263: {  	[tilespmem:s9], [sflag:$0x3] =	stream.linear.gather [hbm4b:s1+s3], $0x200, $0x38;
	[tilespmem:$0x14800] =	vst v63  }
0x264: {  	_ =	swait.ge [sflag:s7], $0x200  }
0x265: {  	[sflag:s7] =	ssyncset.done $0x0  }
0x266: {  	s1 =	rddreg [dreg:$0x8];
	[sflag:s7] =	ssyncadd.s32 $0xFFFFFE00  }
0x267: {  	[tilespmem:s12], [sflag:$0x3] =	stream.linear.gather [hbm4b:s1+s3], $0x200, $0x38;
	[tilespmem:$0x14800] =	vst v63  }
0x268: {  	_ =	swait.ge [sflag:s7], $0x200  }
0x269: {  	[sflag:s7] =	ssyncset.done $0x0  }
0x26a: {  	[sflag:s7] =	ssyncadd.s32 $0xFFFFFE00  }
0x26b: {  	[tilespmem:s13], [sflag:$0x2] =	stream.indirect.gather [hbm4b:s4+s9], $0x40, s9, s9, $0xb8;
	[tilespmem:$0x14800] =	vst v63  }
0x26c: {  	_ = 	snop  }
0x26d: {  	[spmem:s2] =	stream.indirect.scatter.add.f32 [tilespmem:s16], [sflag:$0x3], $0x40, s11, s9, $0xb8;
	[tilespmem:$0x14800] =	vst v63  }
0x26e: {  	_ =	swait.ge [sflag:s7], $0x8000  }
0x26f: {  	[sflag:s7] =	ssyncset.done $0x0  }
0x270: {  	[sflag:s7] =	ssyncadd.s32 $0xFFFF8000  }
0x271: {  	_ =	swait.ge [sflag:s15], $0x8000  }
0x272: {  	[sflag:s15] =	ssyncset.done $0x0  }
0x273: {  	s1 =	rddreg [dreg:$0x9];
	[sflag:s15] =	ssyncadd.s32 $0xFFFF8000  }
0x274: {  	[tilespmem:s3], [sflag:$0x3] =	stream.linear.gather [hbm4b:s1+s3], $0x200, $0x38;
	[tilespmem:$0x14800] =	vst v63  }
0x275: {  	_ =	swait.ge [sflag:s7], $0x200  }
0x276: {  	[sflag:s7] =	ssyncset.done $0x0  }
0x277: {  	s1 =	rddreg [dreg:$0xa];
	[sflag:s7] =	ssyncadd.s32 $0xFFFFFE00  }
0x278: {  	[tilespmem:s11], [sflag:$0x3] =	stream.linear.gather [hbm4b:s1+s3], $0x200, $0x38;
	[tilespmem:$0x14800] =	vst v63  }
0x279: {  	_ =	swait.ge [sflag:s7], $0x200  }
0x27a: {  	[sflag:s7] =	ssyncset.done $0x0  }
0x27b: {  	[sflag:s7] =	ssyncadd.s32 $0xFFFFFE00  }
0x27c: {  	[tilespmem:s16], [sflag:$0x1] =	stream.indirect.gather [hbm4b:s4+s9], $0x40, s3, s9, $0xb8;
	[tilespmem:$0x14800] =	vst v63  }
0x27d: {  	_ = 	snop  }
0x27e: {  	[spmem:s2] =	stream.indirect.scatter.add.f32 [tilespmem:s13], [sflag:$0x3], $0x40, s12, s9, $0xb8;
	[tilespmem:$0x14800] =	vst v63  }
0x27f: {  	_ =	swait.ge [sflag:s7], $0x8000  }
0x280: {  	[sflag:s7] =	ssyncset.done $0x0  }
0x281: {  	[sflag:s7] =	ssyncadd.s32 $0xFFFF8000  }
0x282: {  	_ =	swait.ge [sflag:s19], $0x8000  }
0x283: {  	[sflag:s19] =	ssyncset.done $0x0  }
0x284: {  	s1 =	rddreg [dreg:$0xb];
	[sflag:s19] =	ssyncadd.s32 $0xFFFF8000  }
0x285: {  	[tilespmem:s9], [sflag:$0x3] =	stream.linear.gather [hbm4b:s1+s3], $0x200, $0x38;
	[tilespmem:$0x14800] =	vst v63  }
0x286: {  	_ =	swait.ge [sflag:s7], $0x200  }
0x287: {  	[sflag:s7] =	ssyncset.done $0x0  }
0x288: {  	s1 =	rddreg [dreg:$0xc];
	[sflag:s7] =	ssyncadd.s32 $0xFFFFFE00  }
0x289: {  	[tilespmem:s12], [sflag:$0x3] =	stream.linear.gather [hbm4b:s1+s3], $0x200, $0x38;
	[tilespmem:$0x14800] =	vst v63  }
0x28a: {  	_ =	swait.ge [sflag:s7], $0x200  }
0x28b: {  	[sflag:s7] =	ssyncset.done $0x0  }
0x28c: {  	[sflag:s7] =	ssyncadd.s32 $0xFFFFFE00  }
0x28d: {  	[tilespmem:s13], [sflag:$0x2] =	stream.indirect.gather [hbm4b:s4+s9], $0x40, s9, s9, $0xb8;
	[tilespmem:$0x14800] =	vst v63  }
0x28e: {  	_ = 	snop  }
0x28f: {  	[spmem:s2] =	stream.indirect.scatter.add.f32 [tilespmem:s16], [sflag:$0x3], $0x40, s11, s9, $0xb8;
	[tilespmem:$0x14800] =	vst v63  }
0x290: {  	_ =	swait.ge [sflag:s7], $0x8000  }
0x291: {  	[sflag:s7] =	ssyncset.done $0x0  }
0x292: {  	[sflag:s7] =	ssyncadd.s32 $0xFFFF8000  }
0x293: {  	_ =	swait.ge [sflag:s15], $0x8000  }
0x294: {  	[sflag:s15] =	ssyncset.done $0x0  }
0x295: {  	s1 =	rddreg [dreg:$0xd];
	[sflag:s15] =	ssyncadd.s32 $0xFFFF8000  }
0x296: {  	[tilespmem:s3], [sflag:$0x3] =	stream.linear.gather [hbm4b:s1+s3], $0x200, $0x38;
	[tilespmem:$0x14800] =	vst v63  }
0x297: {  	_ =	swait.ge [sflag:s7], $0x200  }
0x298: {  	[sflag:s7] =	ssyncset.done $0x0  }
0x299: {  	s1 =	rddreg [dreg:$0xe];
	[sflag:s7] =	ssyncadd.s32 $0xFFFFFE00  }
0x29a: {  	[tilespmem:s11], [sflag:$0x3] =	stream.linear.gather [hbm4b:s1+s3], $0x200, $0x38;
	[tilespmem:$0x14800] =	vst v63  }
0x29b: {  	_ =	swait.ge [sflag:s7], $0x200  }
0x29c: {  	[sflag:s7] =	ssyncset.done $0x0  }
0x29d: {  	[sflag:s7] =	ssyncadd.s32 $0xFFFFFE00  }
0x29e: {  	[tilespmem:s16], [sflag:$0x1] =	stream.indirect.gather [hbm4b:s4+s9], $0x40, s3, s9, $0xb8;
	[tilespmem:$0x14800] =	vst v63  }
0x29f: {  	_ = 	snop  }
0x2a0: {  	[spmem:s2] =	stream.indirect.scatter.add.f32 [tilespmem:s13], [sflag:$0x3], $0x40, s12, s9, $0xb8;
	[tilespmem:$0x14800] =	vst v63  }
0x2a1: {  	_ =	swait.ge [sflag:s7], $0x8000  }
0x2a2: {  	[sflag:s7] =	ssyncset.done $0x0  }
0x2a3: {  	[sflag:s7] =	ssyncadd.s32 $0xFFFF8000  }
0x2a4: {  	_ =	swait.ge [sflag:s19], $0x8000  }
0x2a5: {  	[sflag:s19] =	ssyncset.done $0x0  }
0x2a6: {  	s1 =	rddreg [dreg:$0xf];
	[sflag:s19] =	ssyncadd.s32 $0xFFFF8000  }
0x2a7: {  	[tilespmem:s9], [sflag:$0x3] =	stream.linear.gather [hbm4b:s1+s3], $0x200, $0x38;
	[tilespmem:$0x14800] =	vst v63  }
0x2a8: {  	_ =	swait.ge [sflag:s7], $0x200  }
0x2a9: {  	[sflag:s7] =	ssyncset.done $0x0  }
0x2aa: {  	s1 =	rddreg [dreg:$0x10];
	[sflag:s7] =	ssyncadd.s32 $0xFFFFFE00  }
0x2ab: {  	[tilespmem:s12], [sflag:$0x3] =	stream.linear.gather [hbm4b:s1+s3], $0x200, $0x38;
	[tilespmem:$0x14800] =	vst v63  }
0x2ac: {  	_ =	swait.ge [sflag:s7], $0x200  }
0x2ad: {  	[sflag:s7] =	ssyncset.done $0x0  }
0x2ae: {  	[sflag:s7] =	ssyncadd.s32 $0xFFFFFE00  }
0x2af: {  	[tilespmem:s13], [sflag:$0x2] =	stream.indirect.gather [hbm4b:s4+s9], $0x40, s9, s9, $0xb8;
	[tilespmem:$0x14800] =	vst v63  }
0x2b0: {  	_ = 	snop  }
0x2b1: {  	[spmem:s2] =	stream.indirect.scatter.add.f32 [tilespmem:s16], [sflag:$0x3], $0x40, s11, s9, $0xb8;
	[tilespmem:$0x14800] =	vst v63  }
0x2b2: {  	_ =	swait.ge [sflag:s7], $0x8000  }
0x2b3: {  	[sflag:s7] =	ssyncset.done $0x0  }
0x2b4: {  	[sflag:s7] =	ssyncadd.s32 $0xFFFF8000  }
0x2b5: {  	_ =	swait.ge [sflag:s15], $0x8000  }
0x2b6: {  	[sflag:s15] =	ssyncset.done $0x0  }
0x2b7: {  	s1 =	rddreg [dreg:$0x11];
	[sflag:s15] =	ssyncadd.s32 $0xFFFF8000  }
0x2b8: {  	[tilespmem:s3], [sflag:$0x3] =	stream.linear.gather [hbm4b:s1+s3], $0x200, $0x38;
	[tilespmem:$0x14800] =	vst v63  }
0x2b9: {  	_ =	swait.ge [sflag:s7], $0x200  }
0x2ba: {  	[sflag:s7] =	ssyncset.done $0x0  }
0x2bb: {  	s1 =	rddreg [dreg:$0x12];
	[sflag:s7] =	ssyncadd.s32 $0xFFFFFE00  }
0x2bc: {  	[tilespmem:s11], [sflag:$0x3] =	stream.linear.gather [hbm4b:s1+s3], $0x200, $0x38;
	[tilespmem:$0x14800] =	vst v63  }
0x2bd: {  	_ =	swait.ge [sflag:s7], $0x200  }
0x2be: {  	[sflag:s7] =	ssyncset.done $0x0  }
0x2bf: {  	[sflag:s7] =	ssyncadd.s32 $0xFFFFFE00  }
0x2c0: {  	[tilespmem:s16], [sflag:$0x1] =	stream.indirect.gather [hbm4b:s4+s9], $0x40, s3, s9, $0xb8;
	[tilespmem:$0x14800] =	vst v63  }
0x2c1: {  	_ = 	snop  }
0x2c2: {  	[spmem:s2] =	stream.indirect.scatter.add.f32 [tilespmem:s13], [sflag:$0x3], $0x40, s12, s9, $0xb8;
	[tilespmem:$0x14800] =	vst v63  }
0x2c3: {  	_ =	swait.ge [sflag:s7], $0x8000  }
0x2c4: {  	[sflag:s7] =	ssyncset.done $0x0  }
0x2c5: {  	[sflag:s7] =	ssyncadd.s32 $0xFFFF8000  }
0x2c6: {  	_ =	swait.ge [sflag:s19], $0x8000  }
0x2c7: {  	[sflag:s19] =	ssyncset.done $0x0  }
0x2c8: {  	s1 =	rddreg [dreg:$0x13];
	[sflag:s19] =	ssyncadd.s32 $0xFFFF8000  }
0x2c9: {  	[tilespmem:s9], [sflag:$0x3] =	stream.linear.gather [hbm4b:s1+s3], $0x200, $0x38;
	[tilespmem:$0x14800] =	vst v63  }
0x2ca: {  	_ =	swait.ge [sflag:s7], $0x200  }
0x2cb: {  	[sflag:s7] =	ssyncset.done $0x0  }
0x2cc: {  	s1 =	rddreg [dreg:$0x14];
	[sflag:s7] =	ssyncadd.s32 $0xFFFFFE00  }
0x2cd: {  	[tilespmem:s12], [sflag:$0x3] =	stream.linear.gather [hbm4b:s1+s3], $0x200, $0x38;
	[tilespmem:$0x14800] =	vst v63  }
0x2ce: {  	_ =	swait.ge [sflag:s7], $0x200  }
0x2cf: {  	[sflag:s7] =	ssyncset.done $0x0  }
0x2d0: {  	[sflag:s7] =	ssyncadd.s32 $0xFFFFFE00  }
0x2d1: {  	[tilespmem:s13], [sflag:$0x2] =	stream.indirect.gather [hbm4b:s4+s9], $0x40, s9, s9, $0xb8;
	[tilespmem:$0x14800] =	vst v63  }
0x2d2: {  	_ = 	snop  }
0x2d3: {  	[spmem:s2] =	stream.indirect.scatter.add.f32 [tilespmem:s16], [sflag:$0x3], $0x40, s11, s9, $0xb8;
	[tilespmem:$0x14800] =	vst v63  }
0x2d4: {  	_ =	swait.ge [sflag:s7], $0x8000  }
0x2d5: {  	[sflag:s7] =	ssyncset.done $0x0  }
0x2d6: {  	[sflag:s7] =	ssyncadd.s32 $0xFFFF8000  }
0x2d7: {  	_ =	swait.ge [sflag:s15], $0x8000  }
0x2d8: {  	[sflag:s15] =	ssyncset.done $0x0  }
0x2d9: {  	s1 =	rddreg [dreg:$0x15];
	[sflag:s15] =	ssyncadd.s32 $0xFFFF8000  }
0x2da: {  	[tilespmem:s3], [sflag:$0x3] =	stream.linear.gather [hbm4b:s1+s3], $0x200, $0x38;
	[tilespmem:$0x14800] =	vst v63  }
0x2db: {  	_ =	swait.ge [sflag:s7], $0x200  }
0x2dc: {  	[sflag:s7] =	ssyncset.done $0x0  }
0x2dd: {  	[sflag:s7] =	ssyncadd.s32 $0xFFFFFE00  }
0x2de: {  	[tilespmem:s11], [sflag:$0x3] =	stream.linear.gather [hbm4b:s31+s3], $0x200, $0x38;
	[tilespmem:$0x14800] =	vst v63  }
0x2df: {  	_ =	swait.ge [sflag:s7], $0x200  }
0x2e0: {  	[sflag:s7] =	ssyncset.done $0x0  }
0x2e1: {  	[sflag:s7] =	ssyncadd.s32 $0xFFFFFE00  }
0x2e2: {  	[tilespmem:s16], [sflag:$0x1] =	stream.indirect.gather [hbm4b:s4+s9], $0x40, s3, s9, $0xb8;
	[tilespmem:$0x14800] =	vst v63  }
0x2e3: {  	_ = 	snop  }
0x2e4: {  	[spmem:s2] =	stream.indirect.scatter.add.f32 [tilespmem:s13], [sflag:$0x3], $0x40, s12, s9, $0xb8;
	[tilespmem:$0x14800] =	vst v63  }
0x2e5: {  	_ =	swait.ge [sflag:s7], $0x8000  }
0x2e6: {  	[sflag:s7] =	ssyncset.done $0x0  }
0x2e7: {  	[sflag:s7] =	ssyncadd.s32 $0xFFFF8000  }
0x2e8: {  	_ =	swait.ge [sflag:s19], $0x8000  }
0x2e9: {  	[sflag:s19] =	ssyncset.done $0x0  }
0x2ea: {  	[sflag:s19] =	ssyncadd.s32 $0xFFFF8000  }
0x2eb: {  	[tilespmem:s9], [sflag:$0x3] =	stream.linear.gather [hbm4b:s30+s3], $0x200, $0x38;
	[tilespmem:$0x14800] =	vst v63  }
0x2ec: {  	_ =	swait.ge [sflag:s7], $0x200  }
0x2ed: {  	[sflag:s7] =	ssyncset.done $0x0  }
0x2ee: {  	[sflag:s7] =	ssyncadd.s32 $0xFFFFFE00  }
0x2ef: {  	[tilespmem:s12], [sflag:$0x3] =	stream.linear.gather [hbm4b:s29+s3], $0x200, $0x38;
	[tilespmem:$0x14800] =	vst v63  }
0x2f0: {  	_ =	swait.ge [sflag:s7], $0x200  }
0x2f1: {  	[sflag:s7] =	ssyncset.done $0x0  }
0x2f2: {  	[sflag:s7] =	ssyncadd.s32 $0xFFFFFE00  }
0x2f3: {  	[tilespmem:s13], [sflag:$0x2] =	stream.indirect.gather [hbm4b:s4+s9], $0x40, s9, s9, $0xb8;
	[tilespmem:$0x14800] =	vst v63  }
0x2f4: {  	_ = 	snop  }
0x2f5: {  	[spmem:s2] =	stream.indirect.scatter.add.f32 [tilespmem:s16], [sflag:$0x3], $0x40, s11, s9, $0xb8;
	[tilespmem:$0x14800] =	vst v63  }
0x2f6: {  	_ =	swait.ge [sflag:s7], $0x8000  }
0x2f7: {  	[sflag:s7] =	ssyncset.done $0x0  }
0x2f8: {  	[sflag:s7] =	ssyncadd.s32 $0xFFFF8000  }
0x2f9: {  	_ =	swait.ge [sflag:s15], $0x8000  }
0x2fa: {  	[sflag:s15] =	ssyncset.done $0x0  }
0x2fb: {  	[sflag:s15] =	ssyncadd.s32 $0xFFFF8000  }
0x2fc: {  	[tilespmem:s3], [sflag:$0x3] =	stream.linear.gather [hbm4b:s28+s3], $0x200, $0x38;
	[tilespmem:$0x14800] =	vst v63  }
0x2fd: {  	_ =	swait.ge [sflag:s7], $0x200  }
0x2fe: {  	[sflag:s7] =	ssyncset.done $0x0  }
0x2ff: {  	[sflag:s7] =	ssyncadd.s32 $0xFFFFFE00  }
0x300: {  	[tilespmem:s11], [sflag:$0x3] =	stream.linear.gather [hbm4b:s26+s3], $0x200, $0x38;
	[tilespmem:$0x14800] =	vst v63  }
0x301: {  	_ =	swait.ge [sflag:s7], $0x200  }
0x302: {  	[sflag:s7] =	ssyncset.done $0x0  }
0x303: {  	[sflag:s7] =	ssyncadd.s32 $0xFFFFFE00  }
0x304: {  	[tilespmem:s16], [sflag:$0x1] =	stream.indirect.gather [hbm4b:s4+s9], $0x40, s3, s9, $0xb8;
	[tilespmem:$0x14800] =	vst v63  }
0x305: {  	_ = 	snop  }
0x306: {  	[spmem:s2] =	stream.indirect.scatter.add.f32 [tilespmem:s13], [sflag:$0x3], $0x40, s12, s9, $0xb8;
	[tilespmem:$0x14800] =	vst v63  }
0x307: {  	_ =	swait.ge [sflag:s7], $0x8000  }
0x308: {  	[sflag:s7] =	ssyncset.done $0x0  }
0x309: {  	[sflag:s7] =	ssyncadd.s32 $0xFFFF8000  }
0x30a: {  	_ =	swait.ge [sflag:s19], $0x8000  }
0x30b: {  	[sflag:s19] =	ssyncset.done $0x0  }
0x30c: {  	[sflag:s19] =	ssyncadd.s32 $0xFFFF8000  }
0x30d: {  	[tilespmem:s9], [sflag:$0x3] =	stream.linear.gather [hbm4b:s25+s3], $0x200, $0x38;
	[tilespmem:$0x14800] =	vst v63  }
0x30e: {  	_ =	swait.ge [sflag:s7], $0x200  }
0x30f: {  	[sflag:s7] =	ssyncset.done $0x0  }
0x310: {  	[sflag:s7] =	ssyncadd.s32 $0xFFFFFE00  }
0x311: {  	[tilespmem:s12], [sflag:$0x3] =	stream.linear.gather [hbm4b:s24+s3], $0x200, $0x38;
	[tilespmem:$0x14800] =	vst v63  }
0x312: {  	_ =	swait.ge [sflag:s7], $0x200  }
0x313: {  	[sflag:s7] =	ssyncset.done $0x0  }
0x314: {  	[sflag:s7] =	ssyncadd.s32 $0xFFFFFE00  }
0x315: {  	[tilespmem:s13], [sflag:$0x2] =	stream.indirect.gather [hbm4b:s4+s9], $0x40, s9, s9, $0xb8;
	[tilespmem:$0x14800] =	vst v63  }
0x316: {  	_ = 	snop  }
0x317: {  	[spmem:s2] =	stream.indirect.scatter.add.f32 [tilespmem:s16], [sflag:$0x3], $0x40, s11, s9, $0xb8;
	[tilespmem:$0x14800] =	vst v63  }
0x318: {  	_ =	swait.ge [sflag:s7], $0x8000  }
0x319: {  	[sflag:s7] =	ssyncset.done $0x0  }
0x31a: {  	[sflag:s7] =	ssyncadd.s32 $0xFFFF8000  }
0x31b: {  	_ =	swait.ge [sflag:s15], $0x8000  }
0x31c: {  	[sflag:s15] =	ssyncset.done $0x0  }
0x31d: {  	[sflag:s15] =	ssyncadd.s32 $0xFFFF8000  }
0x31e: {  	[tilespmem:s3], [sflag:$0x3] =	stream.linear.gather [hbm4b:s23+s3], $0x200, $0x38;
	[tilespmem:$0x14800] =	vst v63  }
0x31f: {  	_ =	swait.ge [sflag:s7], $0x200  }
0x320: {  	[sflag:s7] =	ssyncset.done $0x0  }
0x321: {  	[sflag:s7] =	ssyncadd.s32 $0xFFFFFE00  }
0x322: {  	[tilespmem:s11], [sflag:$0x3] =	stream.linear.gather [hbm4b:s22+s3], $0x200, $0x38;
	[tilespmem:$0x14800] =	vst v63  }
0x323: {  	_ =	swait.ge [sflag:s7], $0x200  }
0x324: {  	[sflag:s7] =	ssyncset.done $0x0  }
0x325: {  	[sflag:s7] =	ssyncadd.s32 $0xFFFFFE00  }
0x326: {  	[tilespmem:s16], [sflag:$0x1] =	stream.indirect.gather [hbm4b:s4+s9], $0x40, s3, s9, $0xb8;
	[tilespmem:$0x14800] =	vst v63  }
0x327: {  	_ = 	snop  }
0x328: {  	[spmem:s2] =	stream.indirect.scatter.add.f32 [tilespmem:s13], [sflag:$0x3], $0x40, s12, s9, $0xb8;
	[tilespmem:$0x14800] =	vst v63  }
0x329: {  	_ =	swait.ge [sflag:s7], $0x8000  }
0x32a: {  	[sflag:s7] =	ssyncset.done $0x0  }
0x32b: {  	[sflag:s7] =	ssyncadd.s32 $0xFFFF8000  }
0x32c: {  	_ =	swait.ge [sflag:s19], $0x8000  }
0x32d: {  	[sflag:s19] =	ssyncset.done $0x0  }
0x32e: {  	[sflag:s19] =	ssyncadd.s32 $0xFFFF8000  }
0x32f: {  	[tilespmem:s9], [sflag:$0x3] =	stream.linear.gather [hbm4b:s21+s3], $0x200, $0x38;
	[tilespmem:$0x14800] =	vst v63  }
0x330: {  	_ =	swait.ge [sflag:s7], $0x200  }
0x331: {  	[sflag:s7] =	ssyncset.done $0x0  }
0x332: {  	[sflag:s7] =	ssyncadd.s32 $0xFFFFFE00  }
0x333: {  	[tilespmem:s12], [sflag:$0x3] =	stream.linear.gather [hbm4b:s20+s3], $0x200, $0x38;
	[tilespmem:$0x14800] =	vst v63  }
0x334: {  	_ =	swait.ge [sflag:s7], $0x200  }
0x335: {  	[sflag:s7] =	ssyncset.done $0x0  }
0x336: {  	[sflag:s7] =	ssyncadd.s32 $0xFFFFFE00  }
0x337: {  	[tilespmem:s13], [sflag:$0x2] =	stream.indirect.gather [hbm4b:s4+s9], $0x40, s9, s9, $0xb8;
	[tilespmem:$0x14800] =	vst v63  }
0x338: {  	_ = 	snop  }
0x339: {  	[spmem:s2] =	stream.indirect.scatter.add.f32 [tilespmem:s16], [sflag:$0x3], $0x40, s11, s9, $0xb8;
	[tilespmem:$0x14800] =	vst v63  }
0x33a: {  	_ =	swait.ge [sflag:s7], $0x8000  }
0x33b: {  	[sflag:s7] =	ssyncset.done $0x0  }
0x33c: {  	[sflag:s7] =	ssyncadd.s32 $0xFFFF8000  }
0x33d: {  	_ =	swait.ge [sflag:s15], $0x8000  }
0x33e: {  	[sflag:s15] =	ssyncset.done $0x0  }
0x33f: {  	[sflag:s15] =	ssyncadd.s32 $0xFFFF8000  }
0x340: {  	[tilespmem:s3], [sflag:$0x3] =	stream.linear.gather [hbm4b:s18+s3], $0x200, $0x38;
	[tilespmem:$0x14800] =	vst v63  }
0x341: {  	_ =	swait.ge [sflag:s7], $0x200  }
0x342: {  	[sflag:s7] =	ssyncset.done $0x0  }
0x343: {  	[sflag:s7] =	ssyncadd.s32 $0xFFFFFE00  }
0x344: {  	[tilespmem:s11], [sflag:$0x3] =	stream.linear.gather [hbm4b:s17+s3], $0x200, $0x38;
	[tilespmem:$0x14800] =	vst v63  }
0x345: {  	_ =	swait.ge [sflag:s7], $0x200  }
0x346: {  	[sflag:s7] =	ssyncset.done $0x0  }
0x347: {  	[sflag:s7] =	ssyncadd.s32 $0xFFFFFE00  }
0x348: {  	[tilespmem:s16], [sflag:$0x1] =	stream.indirect.gather [hbm4b:s4+s9], $0x40, s3, s9, $0xb8;
	[tilespmem:$0x14800] =	vst v63  }
0x349: {  	_ = 	snop  }
0x34a: {  	[spmem:s2] =	stream.indirect.scatter.add.f32 [tilespmem:s13], [sflag:$0x3], $0x40, s12, s9, $0xb8;
	[tilespmem:$0x14800] =	vst v63  }
0x34b: {  	_ =	swait.ge [sflag:s7], $0x8000  }
0x34c: {  	[sflag:s7] =	ssyncset.done $0x0  }
0x34d: {  	[sflag:s7] =	ssyncadd.s32 $0xFFFF8000  }
0x34e: {  	_ =	swait.ge [sflag:s19], $0x8000  }
0x34f: {  	[sflag:s19] =	ssyncset.done $0x0  }
0x350: {  	[sflag:s19] =	ssyncadd.s32 $0xFFFF8000  }
0x351: {  	[tilespmem:s9], [sflag:$0x3] =	stream.linear.gather [hbm4b:s14+s3], $0x200, $0x38;
	[tilespmem:$0x14800] =	vst v63  }
0x352: {  	_ =	swait.ge [sflag:s7], $0x200  }
0x353: {  	[sflag:s7] =	ssyncset.done $0x0  }
0x354: {  	[sflag:s7] =	ssyncadd.s32 $0xFFFFFE00  }
0x355: {  	[tilespmem:s12], [sflag:$0x3] =	stream.linear.gather [hbm4b:s10+s3], $0x200, $0x38;
	[tilespmem:$0x14800] =	vst v63  }
0x356: {  	_ =	swait.ge [sflag:s7], $0x200  }
0x357: {  	[sflag:s7] =	ssyncset.done $0x0  }
0x358: {  	[sflag:s7] =	ssyncadd.s32 $0xFFFFFE00  }
0x359: {  	[tilespmem:s13], [sflag:$0x2] =	stream.indirect.gather [hbm4b:s4+s9], $0x40, s9, s9, $0xb8;
	[tilespmem:$0x14800] =	vst v63  }
0x35a: {  	_ = 	snop  }
0x35b: {  	[spmem:s2] =	stream.indirect.scatter.add.f32 [tilespmem:s16], [sflag:$0x3], $0x40, s11, s9, $0xb8;
	[tilespmem:$0x14800] =	vst v63  }
0x35c: {  	_ =	swait.ge [sflag:s7], $0x8000  }
0x35d: {  	[sflag:s7] =	ssyncset.done $0x0  }
0x35e: {  	[sflag:s7] =	ssyncadd.s32 $0xFFFF8000  }
0x35f: {  	_ =	swait.ge [sflag:s15], $0x8000  }
0x360: {  	[sflag:s15] =	ssyncset.done $0x0  }
0x361: {  	[sflag:s15] =	ssyncadd.s32 $0xFFFF8000  }
0x362: {  	[spmem:s2] =	stream.indirect.scatter.add.f32 [tilespmem:s13], [sflag:$0x3], $0x40, s12, s9, $0xb8;
	[tilespmem:$0x14800] =	vst v63  }
0x363: {  	_ =	swait.ge [sflag:s7], $0x8000  }
0x364: {  	[sflag:s7] =	ssyncset.done $0x0  }
0x365: {  	[sflag:s7] =	ssyncadd.s32 $0xFFFF8000  }
0x366: {  	[hbm:s6], [sflag:s5] =	dma.local [spmem:s8], $0x400  }
0x367: {  	_ =	swait.ge [sflag:s7], $0x400  }
0x368: {  	[sflag:s7] =	ssyncset.done $0x0  }
0x369: {  	[sflag:s7] =	ssyncadd.s32 $0xFFFFFC00  }
0x36a: {  	_ =	sfence.sel $0x180000  }
0x36b: {  	[bflag:$0x0] =	sbarrier.arrive $0xFFFF  }
0x36c: {  	_ =	strace $0x90000047  }
0x36d: {  	s31 =	stileid.u32;
	[bflag:$0x2] =	sbarrier.arrive $0xFFFF  }
0x36e: {  	p0 =	sne.s32 s31, $0x0;
	s0 =	rddreg [dreg:$0x3]  }
0x36f: {  	s0 =	sadd.s32 @!p0 $0x100000, s0  }
0x370: {  	[sflag:s0] =	ssyncadd.tile.s32 @!p0 $0x1;
	_ =	shalt  }
.Lfunc_end2:
_tile_overlayer_lowered:
.L_overlay_start_2:
0x371: {  	(tag) =	ssettag $0x2  }
0x372: {  	s0 =	rddreg [dreg:$0x0];
	s2 =	stileid.u32  }
0x373: {  	s1 =	rddreg [dreg:$0x1];
	p0 =	sne.s32 s2, $0x0  }
0x374: {  	s3 =	rddreg [dreg:$0x2];
	[bflag:$0x3] =	sbarrier.arrive $0xFFFF;
	s2 =	simm.s32 @!p0 $0x1C03  }
0x375: {  	[timem:s3], [sflag:s2] =	dma.local @!p0 [hbm:s0], s1  }
0x376: {  	s0 =	simm.s32 @!p0 $0x3  }
0x377: {  	_ =	swait.ge @!p0 [sflag:s0], s1  }
0x378: {  	s1 =	ssub.s32 @!p0 $0x0, s1;
	[sflag:s0] =	ssyncset.done @!p0 $0x0  }
0x379: {  	[sflag:s0] =	ssyncadd.s32 @!p0 s1  }
0x37a: {  	[bflag:$0x3] =	sbarrier.arrive $0xFFFF  }
0x37b: {  	_ =	shalt  }

</sc_bundles>
